<compile_context>
chip_gen: v7x
topology: tpu7x:2x2x1
jax: 0.10.2.dev20260603
libtpu: 0.0.44.dev20260713+nightly
codegen_flags: <defaults>
</compile_context>

<pallas_src>
import functools

import jax
import jax.numpy as jnp
import numpy as np
from jax import lax
from jax.experimental import pallas as pl
from jax.experimental.pallas import tpu as pltpu
from jax.experimental.pallas import tpu_sc as plsc

N = 10000
E = 160000
D = 16
PACK = 8
ROWS = E // PACK
NUM_MP = 3

NC = 2
NS = 16
NW = NC * NS
CHUNK = E // NW
PRC = CHUNK // PACK
BAT = 40
NBAT = CHUNK // BAT
STRIPE = N // NS

RB = 2000
GRID = ROWS // RB
MBP = 2000
MGRID = ROWS // MBP

F32 = jnp.float32

_m = np.arange(128)
P128 = ((_m[:, None] % D) == (_m[None, :] % D)).astype(np.float32) / float(E)
_I8 = np.eye(PACK, dtype=np.float32)
BIS = np.zeros((16, 128, 128), np.float32)
for _i in range(16):
    _O = np.zeros((16, 16), np.float32)
    _O[_i, :] = 1.0
    BIS[_i] = np.kron(_I8, _O)


def _elu(x):
    return jnp.where(x > 0, x, jnp.exp(x) - 1.0)


def _dot(a, b):
    return jnp.dot(a, b, preferred_element_type=F32)


def _dot_hi(a, b):
    return jnp.dot(a, b, preferred_element_type=F32,
                   precision=lax.Precision.HIGHEST)


def _fold(st, P):
    mu = _dot_hi(st[0:1, :], P)
    ex2 = _dot_hi(st[1:2, :], P)
    rs = lax.rsqrt(jnp.maximum(ex2 - mu * mu, 0.0) + 1e-5)
    return mu, rs


def _bn_pk(x, st, P, g, b):
    mu, rs = _fold(st, P)
    return (x - mu) * rs * g + b


def _acc_stats(st_o, y):
    @pl.when(pl.program_id(0) == 0)
    def _():
        st_o[...] = jnp.zeros_like(st_o)

    st_o[0:1, :] += jnp.sum(y, axis=0, keepdims=True)
    st_o[1:2, :] += jnp.sum(y * y, axis=0, keepdims=True)



def _stats1_body(x, st_o):
    _acc_stats(st_o, x[...])


def _stats2_body(a, b, sa_o, sb_o):
    _acc_stats(sa_o, a[...])
    _acc_stats(sb_o, b[...])


def _stage_lin_body(x, st, P, g, b, W, bias, out, st_o):
    y = _elu(_dot(_bn_pk(x[...], st[...], P[...], g[...], b[...]), W[...])
             + bias[...])
    out[...] = y
    _acc_stats(st_o, y)


def _stage_el1_body(xs, xd, e, sxs, sxd, se, P, ga, ba, gb, bb, gc, bc,
                    Wa, Wb, Wc, bias, out, st_o):
    Pv = P[...]
    acc = _dot(_bn_pk(xs[...], sxs[...], Pv, ga[...], ba[...]), Wa[...])
    acc += _dot(_bn_pk(xd[...], sxd[...], Pv, gb[...], bb[...]), Wb[...])
    acc += _dot(_bn_pk(e[...], se[...], Pv, gc[...], bc[...]), Wc[...])
    y = _elu(acc + bias[...])
    out[...] = y
    _acc_stats(st_o, y)


def _stage_el3_body(x, st, P, g, b, W, bias, out, st_o):
    y = _dot(_bn_pk(x[...], st[...], P[...], g[...], b[...]), W[...]) + bias[...]
    out[...] = y
    _acc_stats(st_o, y)


def _stage_el3_last_body(x, st, P, g, b, W, bias, PWp, pb, out, pred_o):
    y = _dot(_bn_pk(x[...], st[...], P[...], g[...], b[...]), W[...]) + bias[...]
    out[...] = y
    pred_o[...] = _dot(y, PWp[...]) + pb[...]


def _msg_body(xj, h2, st, P, g, b, W2s, b2s, Bis, out):
    h2b = _bn_pk(h2[...], st[...], P[...], g[...], b[...])
    xjv = xj[...]
    acc = None
    for i in range(D):
        wf = _dot(h2b, W2s[i]) + b2s[i:i + 1, :]
        wfb = wf.astype(jnp.bfloat16).astype(F32)
        xb_i = _dot(xjv, Bis[i])
        term = xb_i * wfb
        acc = term if acc is None else acc + term
    out[...] = acc


def _node_prep_body(x, g, b, root, cb, xb_o, xr_o):
    xv = x[...]
    mu = jnp.mean(xv, axis=0, keepdims=True)
    c = xv - mu
    var = jnp.mean(c * c, axis=0, keepdims=True)
    xb = c * lax.rsqrt(var + 1e-5) * g[...] + b[...]
    xb_o[...] = xb
    xr_o[...] = _dot(xb, root[...]) + cb[...]


def _node_update_mid_body(agg2, xr, g, b, root, cb, xn_o, xb_o, xr_o):
    xn = _elu(agg2[0] + agg2[1] + xr[...])
    xn_o[...] = xn
    mu = jnp.mean(xn, axis=0, keepdims=True)
    c = xn - mu
    var = jnp.mean(c * c, axis=0, keepdims=True)
    xb = c * lax.rsqrt(var + 1e-5) * g[...] + b[...]
    xb_o[...] = xb
    xr_o[...] = _dot(xb, root[...]) + cb[...]


def _node_update_last_body(agg2, xr, npw, npb, xn_o, xp_o):
    xn = _elu(agg2[0] + agg2[1] + xr[...])
    xn_o[...] = xn
    xp_o[...] = _dot(xn, npw[...]) + npb[...]


def _bsp(g):
    return (g, 0)


def _csp(g):
    return (0, 0)


def _csp3(g):
    return (0, 0, 0)


_PK = pl.BlockSpec((RB, 128), _bsp)
_ST = pl.BlockSpec((2, 128), _csp)


def _c2(shape):
    return pl.BlockSpec(shape, _csp)


_PKSHAPE = jax.ShapeDtypeStruct((ROWS, 128), F32)
_STSHAPE = jax.ShapeDtypeStruct((2, 128), F32)


def _stats1(x):
    return pl.pallas_call(
        _stats1_body, grid=(GRID,), in_specs=[_PK], out_specs=_ST,
        out_shape=_STSHAPE)(x)


def _stats2(a, b):
    return pl.pallas_call(
        _stats2_body, grid=(GRID,), in_specs=[_PK, _PK],
        out_specs=[_ST, _ST], out_shape=[_STSHAPE, _STSHAPE])(a, b)


def _stage_lin(x, st, P, g, b, W, bias, elu3=False):
    body = _stage_el3_body if elu3 else _stage_lin_body
    return pl.pallas_call(
        body, grid=(GRID,),
        in_specs=[_PK, _ST, _c2((128, 128)), _c2((1, 128)), _c2((1, 128)),
                  _c2((128, 128)), _c2((1, 128))],
        out_specs=[_PK, _ST],
        out_shape=[_PKSHAPE, _STSHAPE])(x, st, P, g, b, W, bias)


def _stage_el1(xs, xd, e, sxs, sxd, se, P, args):
    return pl.pallas_call(
        _stage_el1_body, grid=(GRID,),
        in_specs=[_PK, _PK, _PK, _ST, _ST, _ST, _c2((128, 128))]
        + [_c2((1, 128))] * 6 + [_c2((128, 128))] * 3 + [_c2((1, 128))],
        out_specs=[_PK, _ST],
        out_shape=[_PKSHAPE, _STSHAPE])(xs, xd, e, sxs, sxd, se, P, *args)


def _stage_el3_last(x, st, P, g, b, W, bias, PWp, pb):
    return pl.pallas_call(
        _stage_el3_last_body, grid=(GRID,),
        in_specs=[_PK, _ST, _c2((128, 128)), _c2((1, 128)), _c2((1, 128)),
                  _c2((128, 128)), _c2((1, 128)), _c2((128, 16)),
                  _c2((1, 16))],
        out_specs=[_PK, pl.BlockSpec((RB, 16), _bsp)],
        out_shape=[_PKSHAPE, jax.ShapeDtypeStruct((ROWS, 16), F32)])(
            x, st, P, g, b, W, bias, PWp, pb)


_MPK = pl.BlockSpec((MBP, 128), _bsp)


def _msg(xj, h2, st, P, g, b, W2s, b2s, Bis):
    return pl.pallas_call(
        _msg_body, grid=(MGRID,),
        in_specs=[_MPK, _MPK, pl.BlockSpec((2, 128), _csp),
                  _c2((128, 128)), _c2((1, 128)), _c2((1, 128)),
                  pl.BlockSpec((16, 128, 128), _csp3), _c2((16, 128)),
                  pl.BlockSpec((16, 128, 128), _csp3)],
        out_specs=_MPK,
        out_shape=_PKSHAPE)(xj, h2, st, P, g, b, W2s, b2s, Bis)



@functools.lru_cache(maxsize=1)
def _sc_kernels():
    mesh = plsc.VectorSubcoreMesh(core_axis_name="c", subcore_axis_name="s",
                                  num_cores=NC, num_subcores=NS)
    cparams = pltpu.CompilerParams(use_tc_tiling_on_sc=False)

    def gather_one(table, idx_hbm, out_hbm, wid, idx_v, rows_v, sem):
        pltpu.sync_copy(idx_hbm.at[wid], idx_v)

        def fire(j, _):
            pltpu.async_copy(table.at[idx_v.at[j]],
                             rows_v.at[pl.ds(j * BAT, BAT)], sem)
            return 0

        lax.fori_loop(0, NBAT, fire, 0)
        pltpu.make_async_copy(table.at[pl.ds(0, CHUNK)], rows_v, sem).wait()
        pltpu.sync_copy(rows_v, out_hbm.at[pl.ds(wid * CHUNK, CHUNK)])

    scratch = [pltpu.VMEM((NBAT, BAT), jnp.int32),
               pltpu.VMEM((CHUNK, D), F32),
               pltpu.SemaphoreType.DMA]

    @functools.partial(
        pl.kernel,
        out_type=jax.ShapeDtypeStruct((E, D), F32),
        mesh=mesh, scratch_types=scratch, compiler_params=cparams)
    def gather1(table, rowi, out_r, idx_v, rows_v, sem):
        wid = lax.axis_index("c") * NS + lax.axis_index("s")
        gather_one(table, rowi, out_r, wid, idx_v, rows_v, sem)

    @functools.partial(
        pl.kernel,
        out_type=[jax.ShapeDtypeStruct((E, D), F32),
                  jax.ShapeDtypeStruct((E, D), F32)],
        mesh=mesh, scratch_types=scratch, compiler_params=cparams)
    def gather2(table, rowi, coli, out_r, out_c, idx_v, rows_v, sem):
        wid = lax.axis_index("c") * NS + lax.axis_index("s")
        gather_one(table, rowi, out_r, wid, idx_v, rows_v, sem)
        gather_one(table, coli, out_c, wid, idx_v, rows_v, sem)

    @functools.partial(
        pl.kernel,
        out_type=jax.ShapeDtypeStruct((NC, N, D), F32),
        mesh=mesh,
        scratch_types=[pltpu.VMEM((NBAT, BAT), jnp.int32),
                       pltpu.VMEM((CHUNK, D), F32),
                       pltpu.VMEM_SHARED((N, D), F32),
                       pltpu.SemaphoreType.DMA],
        compiler_params=cparams)
    def scatter(msg16, coli, zeros, out, idx_v, msg_v, shared, sem):
        cid = lax.axis_index("c")
        sid = lax.axis_index("s")
        wid = cid * NS + sid

        pltpu.sync_copy(zeros.at[pl.ds(sid * STRIPE, STRIPE)],
                        shared.at[pl.ds(sid * STRIPE, STRIPE)])
        plsc.subcore_barrier()

        pltpu.sync_copy(coli.at[wid], idx_v)
        pltpu.sync_copy(msg16.at[pl.ds(wid * CHUNK, CHUNK)], msg_v)

        def fire(j, _):
            pltpu.async_copy(msg_v.at[pl.ds(j * BAT, BAT)],
                             shared.at[idx_v.at[j]], sem, add=True)
            return 0

        lax.fori_loop(0, NBAT, fire, 0)
        pltpu.make_async_copy(msg16.at[pl.ds(wid * CHUNK, CHUNK)], msg_v,
                              sem).wait()
        plsc.subcore_barrier()
        pltpu.sync_copy(shared.at[pl.ds(sid * STRIPE, STRIPE)],
                        out.at[cid, pl.ds(sid * STRIPE, STRIPE)])

    return gather1, gather2, scatter


def _sc_gather1(table, rowi):
    return _sc_kernels()[0](table, rowi)


def _sc_gather2(table, rowi, coli):
    return _sc_kernels()[1](table, rowi, coli)


def _sc_scatter(msg_p, coli, zeros):
    return _sc_kernels()[2](msg_p, coli, zeros)



def _prep_layer(p):
    q = {}
    t8 = lambda v: jnp.tile(v, PACK).reshape(1, 128)
    eye8 = jnp.asarray(_I8)
    k8 = lambda W: jnp.kron(eye8, W)
    r2 = lambda v: v.reshape(1, -1)
    q['bn_g'], q['bn_b'] = r2(p['bn_node_g']), r2(p['bn_node_b'])
    q['root'], q['cb'] = p['root'], r2(p['conv_bias'])
    q['em0'] = (t8(p['em_bn0_g']), t8(p['em_bn0_b']), k8(p['em_w0']),
                t8(p['em_b0']))
    q['em1'] = (t8(p['em_bn1_g']), t8(p['em_bn1_b']), k8(p['em_w1']),
                t8(p['em_b1']))
    q['m_g'], q['m_b'] = t8(p['em_bn2_g']), t8(p['em_bn2_b'])
    q['W2s'] = jnp.stack([k8(p['em_w2'][:, i * 16:(i + 1) * 16])
                          for i in range(16)])
    q['b2s'] = jnp.stack([jnp.tile(p['em_b2'][i * 16:(i + 1) * 16], PACK)
                          for i in range(16)])
    g0, b0, w0 = p['el_bn0_g'], p['el_bn0_b'], p['el_w0']
    q['el1'] = (t8(g0[:16]), t8(b0[:16]), t8(g0[16:32]), t8(b0[16:32]),
                t8(g0[32:]), t8(b0[32:]), k8(w0[:16]), k8(w0[16:32]),
                k8(w0[32:]), t8(p['el_b0']))
    q['el2'] = (t8(p['el_bn1_g']), t8(p['el_bn1_b']), k8(p['el_w1']),
                t8(p['el_b1']))
    q['el3'] = (t8(p['el_bn2_g']), t8(p['el_bn2_b']), k8(p['el_w2']),
                t8(p['el_b2']))
    return q



def kernel(node_features, edge_indices, edge_features, xbatch, params):
    x = node_features.reshape(N, D)
    e_p = edge_features.reshape(ROWS, 128)
    rowi = edge_indices[0].reshape(NW, NBAT, BAT)
    coli = edge_indices[1].reshape(NW, NBAT, BAT)
    zeros = jnp.zeros((N, D), F32)
    qs = [_prep_layer(p) for p in params['mp']]
    P = jnp.asarray(P128)
    eye8 = jnp.asarray(_I8)

    st_e = _stats1(e_p)
    Bis = jnp.asarray(BIS)
    q = qs[0]
    xb, xr = pl.pallas_call(
        _node_prep_body,
        out_shape=[jax.ShapeDtypeStruct((N, D), F32)] * 2)(
            x, q['bn_g'], q['bn_b'], q['root'], q['cb'])

    for i in range(NUM_MP):
        q = qs[i]
        last = i == NUM_MP - 1

        h1_p, st_h1 = _stage_lin(e_p, st_e, P, *q['em0'])
        h2_p, st_h2 = _stage_lin(h1_p, st_h1, P, *q['em1'])

        xj_p = _sc_gather1(xb, rowi).reshape(ROWS, 128)
        msg_p = _msg(xj_p, h2_p, st_h2, P, q['m_g'], q['m_b'], q['W2s'],
                     q['b2s'], Bis)
        agg2 = _sc_scatter(msg_p.reshape(E, D), coli, zeros)

        if not last:
            qn = qs[i + 1]
            xn, xb, xr = pl.pallas_call(
                _node_update_mid_body,
                out_shape=[jax.ShapeDtypeStruct((N, D), F32)] * 3)(
                    agg2, xr, qn['bn_g'], qn['bn_b'], qn['root'], qn['cb'])
        else:
            xn, x_pred = pl.pallas_call(
                _node_update_last_body,
                out_shape=[jax.ShapeDtypeStruct((N, D), F32),
                           jax.ShapeDtypeStruct((N, 2), F32)])(
                    agg2, xr, params['node_pred_w'],
                    params['node_pred_b'].reshape(1, 2))

        xs16, xd16 = _sc_gather2(xn, rowi, coli)
        xs_p = xs16.reshape(ROWS, 128)
        xd_p = xd16.reshape(ROWS, 128)
        st_xs, st_xd = _stats2(xs_p, xd_p)
        g1_p, st_g1 = _stage_el1(xs_p, xd_p, e_p, st_xs, st_xd, st_e, P,
                                 q['el1'])
        g2_p, st_g2 = _stage_lin(g1_p, st_g1, P, *q['el2'])
        if not last:
            e_p, st_e = _stage_lin(g2_p, st_g2, P, *q['el3'], elu3=True)
        else:
            PWp = jnp.kron(eye8, params['edge_pred_w'])
            pb = jnp.tile(params['edge_pred_b'], PACK).reshape(1, 16)
            e_p, ep16 = _stage_el3_last(g2_p, st_g2, P, *q['el3'], PWp, pb)

    e_pred = ep16.reshape(E, 2)
    e3 = e_p.reshape(E, D)
    return (x_pred, e_pred, xn, e3)

# --- scband reference (transcript-rebuilt; emitter-appended) ---
"""Pipeline reference for scband-nnconv-model-2645699854466 (READ-ONLY COPY).

The authoritative reference and input builder live on the scoring server;
editing this copy changes nothing except your own understanding.
"""

import jax, jax.numpy as jnp
import numpy as np

N_NODES = 10000
N_EDGES = 160000
NODE_IN = 16
NODE_OUT = 16
EDGE_IN = 16
EDGE_OUT = 16
NUM_MP = 3


def _lin(rng, fan_in, fan_out):
    bound = 1.0 / np.sqrt(fan_in)
    W = jnp.asarray(rng.uniform(-bound, bound, (fan_in, fan_out)).astype(np.float32))
    b = jnp.asarray(rng.uniform(-bound, bound, (fan_out,)).astype(np.float32))
    return W, b


def make_params():
    rng = np.random.default_rng(42)
    n_in, e_in = NODE_IN, EDGE_IN
    mp = []
    for _ in range(NUM_MP):
        p = {}
        p['bn_node_g'] = jnp.ones((n_in,), jnp.float32)
        p['bn_node_b'] = jnp.zeros((n_in,), jnp.float32)
        p['em_bn0_g'] = jnp.ones((e_in,), jnp.float32)
        p['em_bn0_b'] = jnp.zeros((e_in,), jnp.float32)
        p['em_w0'], p['em_b0'] = _lin(rng, e_in, n_in)
        p['em_bn1_g'] = jnp.ones((n_in,), jnp.float32)
        p['em_bn1_b'] = jnp.zeros((n_in,), jnp.float32)
        p['em_w1'], p['em_b1'] = _lin(rng, n_in, n_in)
        p['em_bn2_g'] = jnp.ones((n_in,), jnp.float32)
        p['em_bn2_b'] = jnp.zeros((n_in,), jnp.float32)
        p['em_w2'], p['em_b2'] = _lin(rng, n_in, n_in * NODE_OUT)
        p['root'], p['conv_bias'] = _lin(rng, n_in, NODE_OUT)
        cin = 2 * NODE_OUT + e_in
        p['el_bn0_g'] = jnp.ones((cin,), jnp.float32)
        p['el_bn0_b'] = jnp.zeros((cin,), jnp.float32)
        p['el_w0'], p['el_b0'] = _lin(rng, cin, EDGE_OUT)
        p['el_bn1_g'] = jnp.ones((EDGE_OUT,), jnp.float32)
        p['el_bn1_b'] = jnp.zeros((EDGE_OUT,), jnp.float32)
        p['el_w1'], p['el_b1'] = _lin(rng, EDGE_OUT, EDGE_OUT)
        p['el_bn2_g'] = jnp.ones((EDGE_OUT,), jnp.float32)
        p['el_bn2_b'] = jnp.zeros((EDGE_OUT,), jnp.float32)
        p['el_w2'], p['el_b2'] = _lin(rng, EDGE_OUT, EDGE_OUT)
        mp.append(p)
        n_in = NODE_OUT
        e_in = EDGE_OUT
    npw, npb = _lin(rng, NODE_OUT, 2)
    epw, epb = _lin(rng, EDGE_OUT, 2)
    return {'mp': mp, 'node_pred_w': npw, 'node_pred_b': npb,
            'edge_pred_w': epw, 'edge_pred_b': epb}


def _bn(x, g, b, eps=1e-5):
    # BatchNorm1d in training mode: batch statistics, biased variance
    mu = jnp.mean(x, axis=0, keepdims=True)
    var = jnp.var(x, axis=0, keepdims=True)
    return (x - mu) / jnp.sqrt(var + eps) * g + b


def _forward(node_features, edge_features, params, edge_indices):
    x = node_features.reshape(-1, NODE_IN)
    e = edge_features.reshape(-1, EDGE_IN)
    row = edge_indices[0]
    col = edge_indices[1]
    n_in = NODE_IN
    for i in range(NUM_MP):
        p = params['mp'][i]
        # bn_node
        x = _bn(x, p['bn_node_g'], p['bn_node_b'])
        # NNConv: edge-conditioned per-edge weight matrix from edge_mlp
        h = _bn(e, p['em_bn0_g'], p['em_bn0_b'])
        h = jax.nn.elu(h @ p['em_w0'] + p['em_b0'])
        h = _bn(h, p['em_bn1_g'], p['em_bn1_b'])
        h = jax.nn.elu(h @ p['em_w1'] + p['em_b1'])
        h = _bn(h, p['em_bn2_g'], p['em_bn2_b'])
        h = h @ p['em_w2'] + p['em_b2']
        w_edge = h.reshape(-1, n_in, NODE_OUT)
        x_j = x[row]                          # gather source node feats
        msg = jnp.einsum('ei,eio->eo', x_j, w_edge)
        agg = jnp.zeros((x.shape[0], NODE_OUT), x.dtype).at[col].add(msg)  # scatter-add aggr
        x = agg + x @ p['root'] + p['conv_bias']
        x = jax.nn.elu(x)
        # MetaLayer edge update: EdgeLayer(src, dest, edge_attr)
        cat = jnp.concatenate([x[row], x[col], e], axis=1)
        g = _bn(cat, p['el_bn0_g'], p['el_bn0_b'])
        g = jax.nn.elu(g @ p['el_w0'] + p['el_b0'])
        g = _bn(g, p['el_bn1_g'], p['el_bn1_b'])
        g = jax.nn.elu(g @ p['el_w1'] + p['el_b1'])
        g = _bn(g, p['el_bn2_g'], p['el_bn2_b'])
        e = g @ p['el_w2'] + p['el_b2']
        n_in = NODE_OUT
    x_pred = x @ params['node_pred_w'] + params['node_pred_b']
    e_pred = e @ params['edge_pred_w'] + params['edge_pred_b']
    return (x_pred, e_pred, x, e)


def setup_inputs(seed: int = 0) -> dict:
    key = jax.random.key(seed)
    k1, k2, k3 = jax.random.split(key, 3)
    node_features = jax.random.normal(k1, (N_NODES, NODE_IN), jnp.float32)
    edge_features = jax.random.normal(k2, (N_EDGES, EDGE_IN), jnp.float32)
    edge_indices = jax.random.randint(k3, (2, N_EDGES), 0, N_NODES, dtype=jnp.int32)
    xbatch = jnp.zeros((N_NODES,), jnp.int32)
    return {'node_features': node_features, 'edge_indices': edge_indices,
            'edge_features': edge_features, 'xbatch': xbatch, 'params': make_params()}


def reference(node_features, edge_indices, edge_features, xbatch, params):
    # returns (node_pred, edge_pred, node_features_out, edge_features_out)
    return _forward(node_features, edge_features, params, edge_indices)

if __name__ == "__main__":
    import jax
    _d = setup_inputs()
    print(jax.jit(kernel)(*tuple(_d.values())))

</pallas_src>

<mosaic_0001>
#map = affine_map<(d0, d1) -> (0, 0)>
#map1 = affine_map<(d0, d1) -> (0, 0, 0)>
module attributes {stable_mosaic.version = 14 : i64} {
  func.func @gather1(%arg0: i32, %arg1: i32, %arg2: memref<10000x16xf32, #tpu.memory_space<hbm>>, %arg3: memref<32x125x40xi32, #tpu.memory_space<hbm>>, %arg4: memref<160000x16xf32, #tpu.memory_space<hbm>>, %arg5: memref<125x40xi32, #tpu.memory_space<vmem>>, %arg6: memref<5000x16xf32, #tpu.memory_space<vmem>>, %arg7: memref<!tpu.dma_semaphore, #tpu.memory_space<semaphore_mem>>) attributes {dimension_semantics = [#tpu.dimension_semantics<core_parallel>, #tpu.dimension_semantics<subcore_parallel>], iteration_bounds = array<i64: 2, 16>, scalar_prefetch = 0 : i64, scratch_operands = 3 : i64, tpu.core_type = #tpu.core_type<sc_vector_subcore>, window_params = [{transform_indices = #map}, {transform_indices = #map1}, {transform_indices = #map}]} {
    %mul3A = arith.constant 16 : i32
    %mul3A_0 = arith.muli %arg0, %mul3A : i32
    %add3A = arith.addi %mul3A_0, %arg1 : i32
    "tpu.region"() ({
      %run_scoped3A = tpu.sem_alloc : memref<!tpu.dma_semaphore, #tpu.memory_space<semaphore_mem>>
      %dma_start3A = arith.constant 0 : i32
      %dma_start3A_14 = arith.constant 0 : i32
      %dma_start3A_15 = tpu.memref_slice %arg3[%add3A, %dma_start3A, %dma_start3A_14] : memref<32x125x40xi32, #tpu.memory_space<hbm>> -> memref<1x125x40xi32, #tpu.memory_space<hbm>>
      %dma_start3A_16 = tpu.memref_squeeze %dma_start3A_15 : memref<1x125x40xi32, #tpu.memory_space<hbm>> -> memref<125x40xi32, #tpu.memory_space<hbm>>
      %dma_start3A_17 = arith.constant 0 : i32
      %dma_start3A_18 = arith.constant 0 : i32
      %dma_start3A_19 = tpu.memref_slice %arg3[%add3A, %dma_start3A_17, %dma_start3A_18] : memref<32x125x40xi32, #tpu.memory_space<hbm>> -> memref<1x125x40xi32, #tpu.memory_space<hbm>>
      %dma_start3A_20 = tpu.memref_squeeze %dma_start3A_19 : memref<1x125x40xi32, #tpu.memory_space<hbm>> -> memref<125x40xi32, #tpu.memory_space<hbm>>
      tpu.enqueue_dma source(%dma_start3A_20 : memref<125x40xi32, #tpu.memory_space<hbm>>) target(%arg5 : memref<125x40xi32, #tpu.memory_space<vmem>>) target_semaphore(%run_scoped3A : memref<!tpu.dma_semaphore, #tpu.memory_space<semaphore_mem>>)
      %dma_wait3A_21 = arith.constant 0 : i32
      %dma_wait3A_22 = arith.constant 0 : i32
      %dma_wait3A_23 = tpu.memref_slice %arg3[%add3A, %dma_wait3A_21, %dma_wait3A_22] : memref<32x125x40xi32, #tpu.memory_space<hbm>> -> memref<1x125x40xi32, #tpu.memory_space<hbm>>
      %dma_wait3A_24 = tpu.memref_squeeze %dma_wait3A_23 : memref<1x125x40xi32, #tpu.memory_space<hbm>> -> memref<125x40xi32, #tpu.memory_space<hbm>>
      %dma_wait3A_25 = arith.constant 0 : i32
      %dma_wait3A_26 = arith.constant 0 : i32
      %dma_wait3A_27 = tpu.memref_slice %arg3[%add3A, %dma_wait3A_25, %dma_wait3A_26] : memref<32x125x40xi32, #tpu.memory_space<hbm>> -> memref<1x125x40xi32, #tpu.memory_space<hbm>>
      %dma_wait3A_28 = tpu.memref_squeeze %dma_wait3A_27 : memref<1x125x40xi32, #tpu.memory_space<hbm>> -> memref<125x40xi32, #tpu.memory_space<hbm>>
      tpu.wait_dma2 semaphore(%run_scoped3A : memref<!tpu.dma_semaphore, #tpu.memory_space<semaphore_mem>>) src(%dma_wait3A_28 : memref<125x40xi32, #tpu.memory_space<hbm>>) dst(%arg5 : memref<125x40xi32, #tpu.memory_space<vmem>>)
      tpu.yield
    }) : () -> ()
    %scan3A = arith.constant 0 : i32
    %scan3A_1 = arith.constant 0 : i32
    %scan3A_2 = arith.constant 125 : i32
    %scan3A_3 = arith.addi %scan3A_1, %scan3A_2 : i32
    %scan3A_4 = arith.constant 1 : i32
    %scan3A_5 = scf.for %scan3A_14 = %scan3A_1 to %scan3A_3 step %scan3A_4 iter_args(%scan3A_15 = %scan3A) -> (i32)  : i32 {
      %mul3A_16 = arith.constant 40 : i32
      %mul3A_17 = arith.muli %scan3A_14, %mul3A_16 : i32
      %dma_start3A = arith.constant 0 : i32
      %dma_start3A_18 = tpu.memref_slice %arg6[%mul3A_17, %dma_start3A] : memref<5000x16xf32, #tpu.memory_space<vmem>> -> memref<40x16xf32, #tpu.memory_space<vmem>>
      %dma_start3A_19 = arith.constant 0 : i32
      %dma_start3A_20 = tpu.memref_slice %arg5[%scan3A_14, %dma_start3A_19] : memref<125x40xi32, #tpu.memory_space<vmem>> -> memref<1x40xi32, #tpu.memory_space<vmem>>
      %dma_start3A_21 = tpu.memref_squeeze %dma_start3A_20 : memref<1x40xi32, #tpu.memory_space<vmem>> -> memref<40xi32, #tpu.memory_space<vmem>>
      %dma_start3A_22 = arith.constant 0 : i32
      %dma_start3A_23 = arith.constant 0 : i32
      %dma_start3A_24 = tpu.memref_slice %arg2[%dma_start3A_22, %dma_start3A_23] : memref<10000x16xf32, #tpu.memory_space<hbm>> -> memref<10000x16xf32, #tpu.memory_space<hbm>>
      tpu.enqueue_indirect_dma source(%dma_start3A_24 : memref<10000x16xf32, #tpu.memory_space<hbm>>) target(%dma_start3A_18 : memref<40x16xf32, #tpu.memory_space<vmem>>) offsets(%dma_start3A_21 : memref<40xi32, #tpu.memory_space<vmem>>) semaphore(%arg7 : memref<!tpu.dma_semaphore, #tpu.memory_space<semaphore_mem>>)
      %scan3A_25 = arith.constant 0 : i32
      scf.yield %scan3A_25 : i32
    }
    %scan3A_6 = arith.constant 125 : i32
    %dma_wait3A = arith.constant 0 : i32
    %dma_wait3A_7 = arith.constant 0 : i32
    %dma_wait3A_8 = tpu.memref_slice %arg2[%dma_wait3A, %dma_wait3A_7] : memref<10000x16xf32, #tpu.memory_space<hbm>> -> memref<5000x16xf32, #tpu.memory_space<hbm>>
    %dma_wait3A_9 = arith.constant 0 : i32
    %dma_wait3A_10 = arith.constant 0 : i32
    %dma_wait3A_11 = tpu.memref_slice %arg2[%dma_wait3A_9, %dma_wait3A_10] : memref<10000x16xf32, #tpu.memory_space<hbm>> -> memref<5000x16xf32, #tpu.memory_space<hbm>>
    tpu.wait_dma2 semaphore(%arg7 : memref<!tpu.dma_semaphore, #tpu.memory_space<semaphore_mem>>) src(%dma_wait3A_11 : memref<5000x16xf32, #tpu.memory_space<hbm>>) dst(%arg6 : memref<5000x16xf32, #tpu.memory_space<vmem>>)
    %mul3A_12 = arith.constant 5000 : i32
    %mul3A_13 = arith.muli %add3A, %mul3A_12 : i32
    "tpu.region"() ({
      %run_scoped3A = tpu.sem_alloc : memref<!tpu.dma_semaphore, #tpu.memory_space<semaphore_mem>>
      %dma_start3A = arith.constant 0 : i32
      %dma_start3A_14 = tpu.memref_slice %arg4[%mul3A_13, %dma_start3A] : memref<160000x16xf32, #tpu.memory_space<hbm>> -> memref<5000x16xf32, #tpu.memory_space<hbm>>
      %dma_start3A_15 = arith.constant 0 : i32
      %dma_start3A_16 = tpu.memref_slice %arg4[%mul3A_13, %dma_start3A_15] : memref<160000x16xf32, #tpu.memory_space<hbm>> -> memref<5000x16xf32, #tpu.memory_space<hbm>>
      tpu.enqueue_dma source(%arg6 : memref<5000x16xf32, #tpu.memory_space<vmem>>) target(%dma_start3A_16 : memref<5000x16xf32, #tpu.memory_space<hbm>>) target_semaphore(%run_scoped3A : memref<!tpu.dma_semaphore, #tpu.memory_space<semaphore_mem>>)
      %dma_wait3A_17 = arith.constant 0 : i32
      %dma_wait3A_18 = tpu.memref_slice %arg4[%mul3A_13, %dma_wait3A_17] : memref<160000x16xf32, #tpu.memory_space<hbm>> -> memref<5000x16xf32, #tpu.memory_space<hbm>>
      %dma_wait3A_19 = arith.constant 0 : i32
      %dma_wait3A_20 = tpu.memref_slice %arg4[%mul3A_13, %dma_wait3A_19] : memref<160000x16xf32, #tpu.memory_space<hbm>> -> memref<5000x16xf32, #tpu.memory_space<hbm>>
      tpu.wait_dma2 semaphore(%run_scoped3A : memref<!tpu.dma_semaphore, #tpu.memory_space<semaphore_mem>>) src(%arg6 : memref<5000x16xf32, #tpu.memory_space<vmem>>) dst(%dma_wait3A_20 : memref<5000x16xf32, #tpu.memory_space<hbm>>)
      tpu.yield
    }) : () -> ()
    return
  }
}

#map = affine_map<(d0, d1) -> (0, 0)>
#map1 = affine_map<(d0, d1) -> (0, 0, 0)>
module attributes {stable_mosaic.version = 14 : i64} {
  func.func @gather2(%arg0: i32, %arg1: i32, %arg2: memref<10000x16xf32, #tpu.memory_space<hbm>>, %arg3: memref<32x125x40xi32, #tpu.memory_space<hbm>>, %arg4: memref<32x125x40xi32, #tpu.memory_space<hbm>>, %arg5: memref<160000x16xf32, #tpu.memory_space<hbm>>, %arg6: memref<160000x16xf32, #tpu.memory_space<hbm>>, %arg7: memref<125x40xi32, #tpu.memory_space<vmem>>, %arg8: memref<5000x16xf32, #tpu.memory_space<vmem>>, %arg9: memref<!tpu.dma_semaphore, #tpu.memory_space<semaphore_mem>>) attributes {dimension_semantics = [#tpu.dimension_semantics<core_parallel>, #tpu.dimension_semantics<subcore_parallel>], iteration_bounds = array<i64: 2, 16>, scalar_prefetch = 0 : i64, scratch_operands = 3 : i64, tpu.core_type = #tpu.core_type<sc_vector_subcore>, window_params = [{transform_indices = #map}, {transform_indices = #map1}, {transform_indices = #map1}, {transform_indices = #map}, {transform_indices = #map}]} {
    %mul3A = arith.constant 16 : i32
    %mul3A_0 = arith.muli %arg0, %mul3A : i32
    %add3A = arith.addi %mul3A_0, %arg1 : i32
    "tpu.region"() ({
      %run_scoped3A = tpu.sem_alloc : memref<!tpu.dma_semaphore, #tpu.memory_space<semaphore_mem>>
      %dma_start3A = arith.constant 0 : i32
      %dma_start3A_29 = arith.constant 0 : i32
      %dma_start3A_30 = tpu.memref_slice %arg3[%add3A, %dma_start3A, %dma_start3A_29] : memref<32x125x40xi32, #tpu.memory_space<hbm>> -> memref<1x125x40xi32, #tpu.memory_space<hbm>>
      %dma_start3A_31 = tpu.memref_squeeze %dma_start3A_30 : memref<1x125x40xi32, #tpu.memory_space<hbm>> -> memref<125x40xi32, #tpu.memory_space<hbm>>
      %dma_start3A_32 = arith.constant 0 : i32
      %dma_start3A_33 = arith.constant 0 : i32
      %dma_start3A_34 = tpu.memref_slice %arg3[%add3A, %dma_start3A_32, %dma_start3A_33] : memref<32x125x40xi32, #tpu.memory_space<hbm>> -> memref<1x125x40xi32, #tpu.memory_space<hbm>>
      %dma_start3A_35 = tpu.memref_squeeze %dma_start3A_34 : memref<1x125x40xi32, #tpu.memory_space<hbm>> -> memref<125x40xi32, #tpu.memory_space<hbm>>
      tpu.enqueue_dma source(%dma_start3A_35 : memref<125x40xi32, #tpu.memory_space<hbm>>) target(%arg7 : memref<125x40xi32, #tpu.memory_space<vmem>>) target_semaphore(%run_scoped3A : memref<!tpu.dma_semaphore, #tpu.memory_space<semaphore_mem>>)
      %dma_wait3A_36 = arith.constant 0 : i32
      %dma_wait3A_37 = arith.constant 0 : i32
      %dma_wait3A_38 = tpu.memref_slice %arg3[%add3A, %dma_wait3A_36, %dma_wait3A_37] : memref<32x125x40xi32, #tpu.memory_space<hbm>> -> memref<1x125x40xi32, #tpu.memory_space<hbm>>
      %dma_wait3A_39 = tpu.memref_squeeze %dma_wait3A_38 : memref<1x125x40xi32, #tpu.memory_space<hbm>> -> memref<125x40xi32, #tpu.memory_space<hbm>>
      %dma_wait3A_40 = arith.constant 0 : i32
      %dma_wait3A_41 = arith.constant 0 : i32
      %dma_wait3A_42 = tpu.memref_slice %arg3[%add3A, %dma_wait3A_40, %dma_wait3A_41] : memref<32x125x40xi32, #tpu.memory_space<hbm>> -> memref<1x125x40xi32, #tpu.memory_space<hbm>>
      %dma_wait3A_43 = tpu.memref_squeeze %dma_wait3A_42 : memref<1x125x40xi32, #tpu.memory_space<hbm>> -> memref<125x40xi32, #tpu.memory_space<hbm>>
      tpu.wait_dma2 semaphore(%run_scoped3A : memref<!tpu.dma_semaphore, #tpu.memory_space<semaphore_mem>>) src(%dma_wait3A_43 : memref<125x40xi32, #tpu.memory_space<hbm>>) dst(%arg7 : memref<125x40xi32, #tpu.memory_space<vmem>>)
      tpu.yield
    }) : () -> ()
    %scan3A = arith.constant 0 : i32
    %scan3A_1 = arith.constant 0 : i32
    %scan3A_2 = arith.constant 125 : i32
    %scan3A_3 = arith.addi %scan3A_1, %scan3A_2 : i32
    %scan3A_4 = arith.constant 1 : i32
    %scan3A_5 = scf.for %scan3A_29 = %scan3A_1 to %scan3A_3 step %scan3A_4 iter_args(%scan3A_30 = %scan3A) -> (i32)  : i32 {
      %mul3A_31 = arith.constant 40 : i32
      %mul3A_32 = arith.muli %scan3A_29, %mul3A_31 : i32
      %dma_start3A = arith.constant 0 : i32
      %dma_start3A_33 = tpu.memref_slice %arg8[%mul3A_32, %dma_start3A] : memref<5000x16xf32, #tpu.memory_space<vmem>> -> memref<40x16xf32, #tpu.memory_space<vmem>>
      %dma_start3A_34 = arith.constant 0 : i32
      %dma_start3A_35 = tpu.memref_slice %arg7[%scan3A_29, %dma_start3A_34] : memref<125x40xi32, #tpu.memory_space<vmem>> -> memref<1x40xi32, #tpu.memory_space<vmem>>
      %dma_start3A_36 = tpu.memref_squeeze %dma_start3A_35 : memref<1x40xi32, #tpu.memory_space<vmem>> -> memref<40xi32, #tpu.memory_space<vmem>>
      %dma_start3A_37 = arith.constant 0 : i32
      %dma_start3A_38 = arith.constant 0 : i32
      %dma_start3A_39 = tpu.memref_slice %arg2[%dma_start3A_37, %dma_start3A_38] : memref<10000x16xf32, #tpu.memory_space<hbm>> -> memref<10000x16xf32, #tpu.memory_space<hbm>>
      tpu.enqueue_indirect_dma source(%dma_start3A_39 : memref<10000x16xf32, #tpu.memory_space<hbm>>) target(%dma_start3A_33 : memref<40x16xf32, #tpu.memory_space<vmem>>) offsets(%dma_start3A_36 : memref<40xi32, #tpu.memory_space<vmem>>) semaphore(%arg9 : memref<!tpu.dma_semaphore, #tpu.memory_space<semaphore_mem>>)
      %scan3A_40 = arith.constant 0 : i32
      scf.yield %scan3A_40 : i32
    }
    %scan3A_6 = arith.constant 125 : i32
    %dma_wait3A = arith.constant 0 : i32
    %dma_wait3A_7 = arith.constant 0 : i32
    %dma_wait3A_8 = tpu.memref_slice %arg2[%dma_wait3A, %dma_wait3A_7] : memref<10000x16xf32, #tpu.memory_space<hbm>> -> memref<5000x16xf32, #tpu.memory_space<hbm>>
    %dma_wait3A_9 = arith.constant 0 : i32
    %dma_wait3A_10 = arith.constant 0 : i32
    %dma_wait3A_11 = tpu.memref_slice %arg2[%dma_wait3A_9, %dma_wait3A_10] : memref<10000x16xf32, #tpu.memory_space<hbm>> -> memref<5000x16xf32, #tpu.memory_space<hbm>>
    tpu.wait_dma2 semaphore(%arg9 : memref<!tpu.dma_semaphore, #tpu.memory_space<semaphore_mem>>) src(%dma_wait3A_11 : memref<5000x16xf32, #tpu.memory_space<hbm>>) dst(%arg8 : memref<5000x16xf32, #tpu.memory_space<vmem>>)
    %mul3A_12 = arith.constant 5000 : i32
    %mul3A_13 = arith.muli %add3A, %mul3A_12 : i32
    "tpu.region"() ({
      %run_scoped3A = tpu.sem_alloc : memref<!tpu.dma_semaphore, #tpu.memory_space<semaphore_mem>>
      %dma_start3A = arith.constant 0 : i32
      %dma_start3A_29 = tpu.memref_slice %arg5[%mul3A_13, %dma_start3A] : memref<160000x16xf32, #tpu.memory_space<hbm>> -> memref<5000x16xf32, #tpu.memory_space<hbm>>
      %dma_start3A_30 = arith.constant 0 : i32
      %dma_start3A_31 = tpu.memref_slice %arg5[%mul3A_13, %dma_start3A_30] : memref<160000x16xf32, #tpu.memory_space<hbm>> -> memref<5000x16xf32, #tpu.memory_space<hbm>>
      tpu.enqueue_dma source(%arg8 : memref<5000x16xf32, #tpu.memory_space<vmem>>) target(%dma_start3A_31 : memref<5000x16xf32, #tpu.memory_space<hbm>>) target_semaphore(%run_scoped3A : memref<!tpu.dma_semaphore, #tpu.memory_space<semaphore_mem>>)
      %dma_wait3A_32 = arith.constant 0 : i32
      %dma_wait3A_33 = tpu.memref_slice %arg5[%mul3A_13, %dma_wait3A_32] : memref<160000x16xf32, #tpu.memory_space<hbm>> -> memref<5000x16xf32, #tpu.memory_space<hbm>>
      %dma_wait3A_34 = arith.constant 0 : i32
      %dma_wait3A_35 = tpu.memref_slice %arg5[%mul3A_13, %dma_wait3A_34] : memref<160000x16xf32, #tpu.memory_space<hbm>> -> memref<5000x16xf32, #tpu.memory_space<hbm>>
      tpu.wait_dma2 semaphore(%run_scoped3A : memref<!tpu.dma_semaphore, #tpu.memory_space<semaphore_mem>>) src(%arg8 : memref<5000x16xf32, #tpu.memory_space<vmem>>) dst(%dma_wait3A_35 : memref<5000x16xf32, #tpu.memory_space<hbm>>)
      tpu.yield
    }) : () -> ()
    "tpu.region"() ({
      %run_scoped3A = tpu.sem_alloc : memref<!tpu.dma_semaphore, #tpu.memory_space<semaphore_mem>>
      %dma_start3A = arith.constant 0 : i32
      %dma_start3A_29 = arith.constant 0 : i32
      %dma_start3A_30 = tpu.memref_slice %arg4[%add3A, %dma_start3A, %dma_start3A_29] : memref<32x125x40xi32, #tpu.memory_space<hbm>> -> memref<1x125x40xi32, #tpu.memory_space<hbm>>
      %dma_start3A_31 = tpu.memref_squeeze %dma_start3A_30 : memref<1x125x40xi32, #tpu.memory_space<hbm>> -> memref<125x40xi32, #tpu.memory_space<hbm>>
      %dma_start3A_32 = arith.constant 0 : i32
      %dma_start3A_33 = arith.constant 0 : i32
      %dma_start3A_34 = tpu.memref_slice %arg4[%add3A, %dma_start3A_32, %dma_start3A_33] : memref<32x125x40xi32, #tpu.memory_space<hbm>> -> memref<1x125x40xi32, #tpu.memory_space<hbm>>
      %dma_start3A_35 = tpu.memref_squeeze %dma_start3A_34 : memref<1x125x40xi32, #tpu.memory_space<hbm>> -> memref<125x40xi32, #tpu.memory_space<hbm>>
      tpu.enqueue_dma source(%dma_start3A_35 : memref<125x40xi32, #tpu.memory_space<hbm>>) target(%arg7 : memref<125x40xi32, #tpu.memory_space<vmem>>) target_semaphore(%run_scoped3A : memref<!tpu.dma_semaphore, #tpu.memory_space<semaphore_mem>>)
      %dma_wait3A_36 = arith.constant 0 : i32
      %dma_wait3A_37 = arith.constant 0 : i32
      %dma_wait3A_38 = tpu.memref_slice %arg4[%add3A, %dma_wait3A_36, %dma_wait3A_37] : memref<32x125x40xi32, #tpu.memory_space<hbm>> -> memref<1x125x40xi32, #tpu.memory_space<hbm>>
      %dma_wait3A_39 = tpu.memref_squeeze %dma_wait3A_38 : memref<1x125x40xi32, #tpu.memory_space<hbm>> -> memref<125x40xi32, #tpu.memory_space<hbm>>
      %dma_wait3A_40 = arith.constant 0 : i32
      %dma_wait3A_41 = arith.constant 0 : i32
      %dma_wait3A_42 = tpu.memref_slice %arg4[%add3A, %dma_wait3A_40, %dma_wait3A_41] : memref<32x125x40xi32, #tpu.memory_space<hbm>> -> memref<1x125x40xi32, #tpu.memory_space<hbm>>
      %dma_wait3A_43 = tpu.memref_squeeze %dma_wait3A_42 : memref<1x125x40xi32, #tpu.memory_space<hbm>> -> memref<125x40xi32, #tpu.memory_space<hbm>>
      tpu.wait_dma2 semaphore(%run_scoped3A : memref<!tpu.dma_semaphore, #tpu.memory_space<semaphore_mem>>) src(%dma_wait3A_43 : memref<125x40xi32, #tpu.memory_space<hbm>>) dst(%arg7 : memref<125x40xi32, #tpu.memory_space<vmem>>)
      tpu.yield
    }) : () -> ()
    %scan3A_14 = arith.constant 0 : i32
    %scan3A_15 = arith.constant 0 : i32
    %scan3A_16 = arith.constant 125 : i32
    %scan3A_17 = arith.addi %scan3A_15, %scan3A_16 : i32
    %scan3A_18 = arith.constant 1 : i32
    %scan3A_19 = scf.for %scan3A_29 = %scan3A_15 to %scan3A_17 step %scan3A_18 iter_args(%scan3A_30 = %scan3A_14) -> (i32)  : i32 {
      %mul3A_31 = arith.constant 40 : i32
      %mul3A_32 = arith.muli %scan3A_29, %mul3A_31 : i32
      %dma_start3A = arith.constant 0 : i32
      %dma_start3A_33 = tpu.memref_slice %arg8[%mul3A_32, %dma_start3A] : memref<5000x16xf32, #tpu.memory_space<vmem>> -> memref<40x16xf32, #tpu.memory_space<vmem>>
      %dma_start3A_34 = arith.constant 0 : i32
      %dma_start3A_35 = tpu.memref_slice %arg7[%scan3A_29, %dma_start3A_34] : memref<125x40xi32, #tpu.memory_space<vmem>> -> memref<1x40xi32, #tpu.memory_space<vmem>>
      %dma_start3A_36 = tpu.memref_squeeze %dma_start3A_35 : memref<1x40xi32, #tpu.memory_space<vmem>> -> memref<40xi32, #tpu.memory_space<vmem>>
      %dma_start3A_37 = arith.constant 0 : i32
      %dma_start3A_38 = arith.constant 0 : i32
      %dma_start3A_39 = tpu.memref_slice %arg2[%dma_start3A_37, %dma_start3A_38] : memref<10000x16xf32, #tpu.memory_space<hbm>> -> memref<10000x16xf32, #tpu.memory_space<hbm>>
      tpu.enqueue_indirect_dma source(%dma_start3A_39 : memref<10000x16xf32, #tpu.memory_space<hbm>>) target(%dma_start3A_33 : memref<40x16xf32, #tpu.memory_space<vmem>>) offsets(%dma_start3A_36 : memref<40xi32, #tpu.memory_space<vmem>>) semaphore(%arg9 : memref<!tpu.dma_semaphore, #tpu.memory_space<semaphore_mem>>)
      %scan3A_40 = arith.constant 0 : i32
      scf.yield %scan3A_40 : i32
    }
    %scan3A_20 = arith.constant 125 : i32
    %dma_wait3A_21 = arith.constant 0 : i32
    %dma_wait3A_22 = arith.constant 0 : i32
    %dma_wait3A_23 = tpu.memref_slice %arg2[%dma_wait3A_21, %dma_wait3A_22] : memref<10000x16xf32, #tpu.memory_space<hbm>> -> memref<5000x16xf32, #tpu.memory_space<hbm>>
    %dma_wait3A_24 = arith.constant 0 : i32
    %dma_wait3A_25 = arith.constant 0 : i32
    %dma_wait3A_26 = tpu.memref_slice %arg2[%dma_wait3A_24, %dma_wait3A_25] : memref<10000x16xf32, #tpu.memory_space<hbm>> -> memref<5000x16xf32, #tpu.memory_space<hbm>>
    tpu.wait_dma2 semaphore(%arg9 : memref<!tpu.dma_semaphore, #tpu.memory_space<semaphore_mem>>) src(%dma_wait3A_26 : memref<5000x16xf32, #tpu.memory_space<hbm>>) dst(%arg8 : memref<5000x16xf32, #tpu.memory_space<vmem>>)
    %mul3A_27 = arith.constant 5000 : i32
    %mul3A_28 = arith.muli %add3A, %mul3A_27 : i32
    "tpu.region"() ({
      %run_scoped3A = tpu.sem_alloc : memref<!tpu.dma_semaphore, #tpu.memory_space<semaphore_mem>>
      %dma_start3A = arith.constant 0 : i32
      %dma_start3A_29 = tpu.memref_slice %arg6[%mul3A_28, %dma_start3A] : memref<160000x16xf32, #tpu.memory_space<hbm>> -> memref<5000x16xf32, #tpu.memory_space<hbm>>
      %dma_start3A_30 = arith.constant 0 : i32
      %dma_start3A_31 = tpu.memref_slice %arg6[%mul3A_28, %dma_start3A_30] : memref<160000x16xf32, #tpu.memory_space<hbm>> -> memref<5000x16xf32, #tpu.memory_space<hbm>>
      tpu.enqueue_dma source(%arg8 : memref<5000x16xf32, #tpu.memory_space<vmem>>) target(%dma_start3A_31 : memref<5000x16xf32, #tpu.memory_space<hbm>>) target_semaphore(%run_scoped3A : memref<!tpu.dma_semaphore, #tpu.memory_space<semaphore_mem>>)
      %dma_wait3A_32 = arith.constant 0 : i32
      %dma_wait3A_33 = tpu.memref_slice %arg6[%mul3A_28, %dma_wait3A_32] : memref<160000x16xf32, #tpu.memory_space<hbm>> -> memref<5000x16xf32, #tpu.memory_space<hbm>>
      %dma_wait3A_34 = arith.constant 0 : i32
      %dma_wait3A_35 = tpu.memref_slice %arg6[%mul3A_28, %dma_wait3A_34] : memref<160000x16xf32, #tpu.memory_space<hbm>> -> memref<5000x16xf32, #tpu.memory_space<hbm>>
      tpu.wait_dma2 semaphore(%run_scoped3A : memref<!tpu.dma_semaphore, #tpu.memory_space<semaphore_mem>>) src(%arg8 : memref<5000x16xf32, #tpu.memory_space<vmem>>) dst(%dma_wait3A_35 : memref<5000x16xf32, #tpu.memory_space<hbm>>)
      tpu.yield
    }) : () -> ()
    return
  }
}

#map = affine_map<(d0, d1) -> (0, 0)>
#map1 = affine_map<(d0, d1) -> (0, 0, 0)>
module attributes {stable_mosaic.version = 14 : i64} {
  func.func @scatter(%arg0: i32, %arg1: i32, %arg2: memref<160000x16xf32, #tpu.memory_space<hbm>>, %arg3: memref<32x125x40xi32, #tpu.memory_space<hbm>>, %arg4: memref<10000x16xf32, #tpu.memory_space<hbm>>, %arg5: memref<2x10000x16xf32, #tpu.memory_space<hbm>>, %arg6: memref<125x40xi32, #tpu.memory_space<vmem>>, %arg7: memref<5000x16xf32, #tpu.memory_space<vmem>>, %arg8: memref<10000x16xf32, #tpu.memory_space<vmem_shared>>, %arg9: memref<!tpu.dma_semaphore, #tpu.memory_space<semaphore_mem>>) attributes {dimension_semantics = [#tpu.dimension_semantics<core_parallel>, #tpu.dimension_semantics<subcore_parallel>], iteration_bounds = array<i64: 2, 16>, scalar_prefetch = 0 : i64, scratch_operands = 4 : i64, tpu.core_type = #tpu.core_type<sc_vector_subcore>, window_params = [{transform_indices = #map}, {transform_indices = #map1}, {transform_indices = #map}, {transform_indices = #map1}]} {
    %mul3A = arith.constant 16 : i32
    %mul3A_0 = arith.muli %arg0, %mul3A : i32
    %add3A = arith.addi %mul3A_0, %arg1 : i32
    %mul3A_1 = arith.constant 625 : i32
    %mul3A_2 = arith.muli %arg1, %mul3A_1 : i32
    %mul3A_3 = arith.constant 625 : i32
    %mul3A_4 = arith.muli %arg1, %mul3A_3 : i32
    "tpu.region"() ({
      %run_scoped3A = tpu.sem_alloc : memref<!tpu.dma_semaphore, #tpu.memory_space<semaphore_mem>>
      %dma_start3A = arith.constant 0 : i32
      %dma_start3A_23 = tpu.memref_slice %arg8[%mul3A_4, %dma_start3A] : memref<10000x16xf32, #tpu.memory_space<vmem_shared>> -> memref<625x16xf32, #tpu.memory_space<vmem_shared>>
      %dma_start3A_24 = arith.constant 0 : i32
      %dma_start3A_25 = tpu.memref_slice %arg4[%mul3A_2, %dma_start3A_24] : memref<10000x16xf32, #tpu.memory_space<hbm>> -> memref<625x16xf32, #tpu.memory_space<hbm>>
      tpu.enqueue_dma source(%dma_start3A_25 : memref<625x16xf32, #tpu.memory_space<hbm>>) target(%dma_start3A_23 : memref<625x16xf32, #tpu.memory_space<vmem_shared>>) target_semaphore(%run_scoped3A : memref<!tpu.dma_semaphore, #tpu.memory_space<semaphore_mem>>)
      %dma_wait3A_26 = arith.constant 0 : i32
      %dma_wait3A_27 = tpu.memref_slice %arg8[%mul3A_4, %dma_wait3A_26] : memref<10000x16xf32, #tpu.memory_space<vmem_shared>> -> memref<625x16xf32, #tpu.memory_space<vmem_shared>>
      %dma_wait3A_28 = arith.constant 0 : i32
      %dma_wait3A_29 = tpu.memref_slice %arg4[%mul3A_2, %dma_wait3A_28] : memref<10000x16xf32, #tpu.memory_space<hbm>> -> memref<625x16xf32, #tpu.memory_space<hbm>>
      tpu.wait_dma2 semaphore(%run_scoped3A : memref<!tpu.dma_semaphore, #tpu.memory_space<semaphore_mem>>) src(%dma_wait3A_29 : memref<625x16xf32, #tpu.memory_space<hbm>>) dst(%dma_wait3A_27 : memref<625x16xf32, #tpu.memory_space<vmem_shared>>)
      tpu.yield
    }) : () -> ()
    %barrier3A = arith.constant 0 : index
    tpu.barrier barrier_id(%barrier3A)
    "tpu.region"() ({
      %run_scoped3A = tpu.sem_alloc : memref<!tpu.dma_semaphore, #tpu.memory_space<semaphore_mem>>
      %dma_start3A = arith.constant 0 : i32
      %dma_start3A_23 = arith.constant 0 : i32
      %dma_start3A_24 = tpu.memref_slice %arg3[%add3A, %dma_start3A, %dma_start3A_23] : memref<32x125x40xi32, #tpu.memory_space<hbm>> -> memref<1x125x40xi32, #tpu.memory_space<hbm>>
      %dma_start3A_25 = tpu.memref_squeeze %dma_start3A_24 : memref<1x125x40xi32, #tpu.memory_space<hbm>> -> memref<125x40xi32, #tpu.memory_space<hbm>>
      %dma_start3A_26 = arith.constant 0 : i32
      %dma_start3A_27 = arith.constant 0 : i32
      %dma_start3A_28 = tpu.memref_slice %arg3[%add3A, %dma_start3A_26, %dma_start3A_27] : memref<32x125x40xi32, #tpu.memory_space<hbm>> -> memref<1x125x40xi32, #tpu.memory_space<hbm>>
      %dma_start3A_29 = tpu.memref_squeeze %dma_start3A_28 : memref<1x125x40xi32, #tpu.memory_space<hbm>> -> memref<125x40xi32, #tpu.memory_space<hbm>>
      tpu.enqueue_dma source(%dma_start3A_29 : memref<125x40xi32, #tpu.memory_space<hbm>>) target(%arg6 : memref<125x40xi32, #tpu.memory_space<vmem>>) target_semaphore(%run_scoped3A : memref<!tpu.dma_semaphore, #tpu.memory_space<semaphore_mem>>)
      %dma_wait3A_30 = arith.constant 0 : i32
      %dma_wait3A_31 = arith.constant 0 : i32
      %dma_wait3A_32 = tpu.memref_slice %arg3[%add3A, %dma_wait3A_30, %dma_wait3A_31] : memref<32x125x40xi32, #tpu.memory_space<hbm>> -> memref<1x125x40xi32, #tpu.memory_space<hbm>>
      %dma_wait3A_33 = tpu.memref_squeeze %dma_wait3A_32 : memref<1x125x40xi32, #tpu.memory_space<hbm>> -> memref<125x40xi32, #tpu.memory_space<hbm>>
      %dma_wait3A_34 = arith.constant 0 : i32
      %dma_wait3A_35 = arith.constant 0 : i32
      %dma_wait3A_36 = tpu.memref_slice %arg3[%add3A, %dma_wait3A_34, %dma_wait3A_35] : memref<32x125x40xi32, #tpu.memory_space<hbm>> -> memref<1x125x40xi32, #tpu.memory_space<hbm>>
      %dma_wait3A_37 = tpu.memref_squeeze %dma_wait3A_36 : memref<1x125x40xi32, #tpu.memory_space<hbm>> -> memref<125x40xi32, #tpu.memory_space<hbm>>
      tpu.wait_dma2 semaphore(%run_scoped3A : memref<!tpu.dma_semaphore, #tpu.memory_space<semaphore_mem>>) src(%dma_wait3A_37 : memref<125x40xi32, #tpu.memory_space<hbm>>) dst(%arg6 : memref<125x40xi32, #tpu.memory_space<vmem>>)
      tpu.yield
    }) : () -> ()
    %mul3A_5 = arith.constant 5000 : i32
    %mul3A_6 = arith.muli %add3A, %mul3A_5 : i32
    "tpu.region"() ({
      %run_scoped3A = tpu.sem_alloc : memref<!tpu.dma_semaphore, #tpu.memory_space<semaphore_mem>>
      %dma_start3A = arith.constant 0 : i32
      %dma_start3A_23 = tpu.memref_slice %arg2[%mul3A_6, %dma_start3A] : memref<160000x16xf32, #tpu.memory_space<hbm>> -> memref<5000x16xf32, #tpu.memory_space<hbm>>
      %dma_start3A_24 = arith.constant 0 : i32
      %dma_start3A_25 = tpu.memref_slice %arg2[%mul3A_6, %dma_start3A_24] : memref<160000x16xf32, #tpu.memory_space<hbm>> -> memref<5000x16xf32, #tpu.memory_space<hbm>>
      tpu.enqueue_dma source(%dma_start3A_25 : memref<5000x16xf32, #tpu.memory_space<hbm>>) target(%arg7 : memref<5000x16xf32, #tpu.memory_space<vmem>>) target_semaphore(%run_scoped3A : memref<!tpu.dma_semaphore, #tpu.memory_space<semaphore_mem>>)
      %dma_wait3A_26 = arith.constant 0 : i32
      %dma_wait3A_27 = tpu.memref_slice %arg2[%mul3A_6, %dma_wait3A_26] : memref<160000x16xf32, #tpu.memory_space<hbm>> -> memref<5000x16xf32, #tpu.memory_space<hbm>>
      %dma_wait3A_28 = arith.constant 0 : i32
      %dma_wait3A_29 = tpu.memref_slice %arg2[%mul3A_6, %dma_wait3A_28] : memref<160000x16xf32, #tpu.memory_space<hbm>> -> memref<5000x16xf32, #tpu.memory_space<hbm>>
      tpu.wait_dma2 semaphore(%run_scoped3A : memref<!tpu.dma_semaphore, #tpu.memory_space<semaphore_mem>>) src(%dma_wait3A_29 : memref<5000x16xf32, #tpu.memory_space<hbm>>) dst(%arg7 : memref<5000x16xf32, #tpu.memory_space<vmem>>)
      tpu.yield
    }) : () -> ()
    %scan3A = arith.constant 0 : i32
    %scan3A_7 = arith.constant 0 : i32
    %scan3A_8 = arith.constant 125 : i32
    %scan3A_9 = arith.addi %scan3A_7, %scan3A_8 : i32
    %scan3A_10 = arith.constant 1 : i32
    %scan3A_11 = scf.for %scan3A_23 = %scan3A_7 to %scan3A_9 step %scan3A_10 iter_args(%scan3A_24 = %scan3A) -> (i32)  : i32 {
      %mul3A_25 = arith.constant 40 : i32
      %mul3A_26 = arith.muli %scan3A_23, %mul3A_25 : i32
      %dma_start3A = arith.constant 0 : i32
      %dma_start3A_27 = tpu.memref_slice %arg7[%mul3A_26, %dma_start3A] : memref<5000x16xf32, #tpu.memory_space<vmem>> -> memref<40x16xf32, #tpu.memory_space<vmem>>
      %dma_start3A_28 = arith.constant 0 : i32
      %dma_start3A_29 = tpu.memref_slice %arg6[%scan3A_23, %dma_start3A_28] : memref<125x40xi32, #tpu.memory_space<vmem>> -> memref<1x40xi32, #tpu.memory_space<vmem>>
      %dma_start3A_30 = tpu.memref_squeeze %dma_start3A_29 : memref<1x40xi32, #tpu.memory_space<vmem>> -> memref<40xi32, #tpu.memory_space<vmem>>
      %dma_start3A_31 = arith.constant 0 : i32
      %dma_start3A_32 = arith.constant 0 : i32
      %dma_start3A_33 = tpu.memref_slice %arg8[%dma_start3A_31, %dma_start3A_32] : memref<10000x16xf32, #tpu.memory_space<vmem_shared>> -> memref<10000x16xf32, #tpu.memory_space<vmem_shared>>
      tpu.enqueue_indirect_dma source(%dma_start3A_27 : memref<40x16xf32, #tpu.memory_space<vmem>>) target(%dma_start3A_33 : memref<10000x16xf32, #tpu.memory_space<vmem_shared>>) offsets(%dma_start3A_30 : memref<40xi32, #tpu.memory_space<vmem>>) semaphore(%arg9 : memref<!tpu.dma_semaphore, #tpu.memory_space<semaphore_mem>>) {add = true}
      %scan3A_34 = arith.constant 0 : i32
      scf.yield %scan3A_34 : i32
    }
    %scan3A_12 = arith.constant 125 : i32
    %mul3A_13 = arith.constant 5000 : i32
    %mul3A_14 = arith.muli %add3A, %mul3A_13 : i32
    %dma_wait3A = arith.constant 0 : i32
    %dma_wait3A_15 = tpu.memref_slice %arg2[%mul3A_14, %dma_wait3A] : memref<160000x16xf32, #tpu.memory_space<hbm>> -> memref<5000x16xf32, #tpu.memory_space<hbm>>
    %dma_wait3A_16 = arith.constant 0 : i32
    %dma_wait3A_17 = tpu.memref_slice %arg2[%mul3A_14, %dma_wait3A_16] : memref<160000x16xf32, #tpu.memory_space<hbm>> -> memref<5000x16xf32, #tpu.memory_space<hbm>>
    tpu.wait_dma2 semaphore(%arg9 : memref<!tpu.dma_semaphore, #tpu.memory_space<semaphore_mem>>) src(%dma_wait3A_17 : memref<5000x16xf32, #tpu.memory_space<hbm>>) dst(%arg7 : memref<5000x16xf32, #tpu.memory_space<vmem>>)
    %barrier3A_18 = arith.constant 0 : index
    tpu.barrier barrier_id(%barrier3A_18)
    %mul3A_19 = arith.constant 625 : i32
    %mul3A_20 = arith.muli %arg1, %mul3A_19 : i32
    %mul3A_21 = arith.constant 625 : i32
    %mul3A_22 = arith.muli %arg1, %mul3A_21 : i32
    "tpu.region"() ({
      %run_scoped3A = tpu.sem_alloc : memref<!tpu.dma_semaphore, #tpu.memory_space<semaphore_mem>>
      %dma_start3A = arith.constant 0 : i32
      %dma_start3A_23 = tpu.memref_slice %arg5[%arg0, %mul3A_22, %dma_start3A] : memref<2x10000x16xf32, #tpu.memory_space<hbm>> -> memref<1x625x16xf32, #tpu.memory_space<hbm>>
      %dma_start3A_24 = tpu.memref_squeeze %dma_start3A_23 : memref<1x625x16xf32, #tpu.memory_space<hbm>> -> memref<625x16xf32, #tpu.memory_space<hbm>>
      %dma_start3A_25 = arith.constant 0 : i32
      %dma_start3A_26 = tpu.memref_slice %arg8[%mul3A_20, %dma_start3A_25] : memref<10000x16xf32, #tpu.memory_space<vmem_shared>> -> memref<625x16xf32, #tpu.memory_space<vmem_shared>>
      tpu.enqueue_dma source(%dma_start3A_26 : memref<625x16xf32, #tpu.memory_space<vmem_shared>>) target(%dma_start3A_24 : memref<625x16xf32, #tpu.memory_space<hbm>>) target_semaphore(%run_scoped3A : memref<!tpu.dma_semaphore, #tpu.memory_space<semaphore_mem>>)
      %dma_wait3A_27 = arith.constant 0 : i32
      %dma_wait3A_28 = tpu.memref_slice %arg5[%arg0, %mul3A_22, %dma_wait3A_27] : memref<2x10000x16xf32, #tpu.memory_space<hbm>> -> memref<1x625x16xf32, #tpu.memory_space<hbm>>
      %dma_wait3A_29 = tpu.memref_squeeze %dma_wait3A_28 : memref<1x625x16xf32, #tpu.memory_space<hbm>> -> memref<625x16xf32, #tpu.memory_space<hbm>>
      %dma_wait3A_30 = arith.constant 0 : i32
      %dma_wait3A_31 = tpu.memref_slice %arg8[%mul3A_20, %dma_wait3A_30] : memref<10000x16xf32, #tpu.memory_space<vmem_shared>> -> memref<625x16xf32, #tpu.memory_space<vmem_shared>>
      tpu.wait_dma2 semaphore(%run_scoped3A : memref<!tpu.dma_semaphore, #tpu.memory_space<semaphore_mem>>) src(%dma_wait3A_31 : memref<625x16xf32, #tpu.memory_space<vmem_shared>>) dst(%dma_wait3A_29 : memref<625x16xf32, #tpu.memory_space<hbm>>)
      tpu.yield
    }) : () -> ()
    return
  }
}

#map = affine_map<(d0, d1) -> (0, 0)>
#map1 = affine_map<(d0, d1) -> (0, 0, 0)>
module attributes {stable_mosaic.version = 14 : i64} {
  func.func @gather1(%arg0: i32, %arg1: i32, %arg2: memref<10000x16xf32, #tpu.memory_space<hbm>>, %arg3: memref<32x125x40xi32, #tpu.memory_space<hbm>>, %arg4: memref<160000x16xf32, #tpu.memory_space<hbm>>, %arg5: memref<125x40xi32, #tpu.memory_space<vmem>>, %arg6: memref<5000x16xf32, #tpu.memory_space<vmem>>, %arg7: memref<!tpu.dma_semaphore, #tpu.memory_space<semaphore_mem>>) attributes {dimension_semantics = [#tpu.dimension_semantics<core_parallel>, #tpu.dimension_semantics<subcore_parallel>], iteration_bounds = array<i64: 2, 16>, scalar_prefetch = 0 : i64, scratch_operands = 3 : i64, tpu.core_type = #tpu.core_type<sc_vector_subcore>, window_params = [{transform_indices = #map}, {transform_indices = #map1}, {transform_indices = #map}]} {
    %mul3A = arith.constant 16 : i32
    %mul3A_0 = arith.muli %arg0, %mul3A : i32
    %add3A = arith.addi %mul3A_0, %arg1 : i32
    "tpu.region"() ({
      %run_scoped3A = tpu.sem_alloc : memref<!tpu.dma_semaphore, #tpu.memory_space<semaphore_mem>>
      %dma_start3A = arith.constant 0 : i32
      %dma_start3A_14 = arith.constant 0 : i32
      %dma_start3A_15 = tpu.memref_slice %arg3[%add3A, %dma_start3A, %dma_start3A_14] : memref<32x125x40xi32, #tpu.memory_space<hbm>> -> memref<1x125x40xi32, #tpu.memory_space<hbm>>
      %dma_start3A_16 = tpu.memref_squeeze %dma_start3A_15 : memref<1x125x40xi32, #tpu.memory_space<hbm>> -> memref<125x40xi32, #tpu.memory_space<hbm>>
      %dma_start3A_17 = arith.constant 0 : i32
      %dma_start3A_18 = arith.constant 0 : i32
      %dma_start3A_19 = tpu.memref_slice %arg3[%add3A, %dma_start3A_17, %dma_start3A_18] : memref<32x125x40xi32, #tpu.memory_space<hbm>> -> memref<1x125x40xi32, #tpu.memory_space<hbm>>
      %dma_start3A_20 = tpu.memref_squeeze %dma_start3A_19 : memref<1x125x40xi32, #tpu.memory_space<hbm>> -> memref<125x40xi32, #tpu.memory_space<hbm>>
      tpu.enqueue_dma source(%dma_start3A_20 : memref<125x40xi32, #tpu.memory_space<hbm>>) target(%arg5 : memref<125x40xi32, #tpu.memory_space<vmem>>) target_semaphore(%run_scoped3A : memref<!tpu.dma_semaphore, #tpu.memory_space<semaphore_mem>>)
      %dma_wait3A_21 = arith.constant 0 : i32
      %dma_wait3A_22 = arith.constant 0 : i32
      %dma_wait3A_23 = tpu.memref_slice %arg3[%add3A, %dma_wait3A_21, %dma_wait3A_22] : memref<32x125x40xi32, #tpu.memory_space<hbm>> -> memref<1x125x40xi32, #tpu.memory_space<hbm>>
      %dma_wait3A_24 = tpu.memref_squeeze %dma_wait3A_23 : memref<1x125x40xi32, #tpu.memory_space<hbm>> -> memref<125x40xi32, #tpu.memory_space<hbm>>
      %dma_wait3A_25 = arith.constant 0 : i32
      %dma_wait3A_26 = arith.constant 0 : i32
      %dma_wait3A_27 = tpu.memref_slice %arg3[%add3A, %dma_wait3A_25, %dma_wait3A_26] : memref<32x125x40xi32, #tpu.memory_space<hbm>> -> memref<1x125x40xi32, #tpu.memory_space<hbm>>
      %dma_wait3A_28 = tpu.memref_squeeze %dma_wait3A_27 : memref<1x125x40xi32, #tpu.memory_space<hbm>> -> memref<125x40xi32, #tpu.memory_space<hbm>>
      tpu.wait_dma2 semaphore(%run_scoped3A : memref<!tpu.dma_semaphore, #tpu.memory_space<semaphore_mem>>) src(%dma_wait3A_28 : memref<125x40xi32, #tpu.memory_space<hbm>>) dst(%arg5 : memref<125x40xi32, #tpu.memory_space<vmem>>)
      tpu.yield
    }) : () -> ()
    %scan3A = arith.constant 0 : i32
    %scan3A_1 = arith.constant 0 : i32
    %scan3A_2 = arith.constant 125 : i32
    %scan3A_3 = arith.addi %scan3A_1, %scan3A_2 : i32
    %scan3A_4 = arith.constant 1 : i32
    %scan3A_5 = scf.for %scan3A_14 = %scan3A_1 to %scan3A_3 step %scan3A_4 iter_args(%scan3A_15 = %scan3A) -> (i32)  : i32 {
      %mul3A_16 = arith.constant 40 : i32
      %mul3A_17 = arith.muli %scan3A_14, %mul3A_16 : i32
      %dma_start3A = arith.constant 0 : i32
      %dma_start3A_18 = tpu.memref_slice %arg6[%mul3A_17, %dma_start3A] : memref<5000x16xf32, #tpu.memory_space<vmem>> -> memref<40x16xf32, #tpu.memory_space<vmem>>
      %dma_start3A_19 = arith.constant 0 : i32
      %dma_start3A_20 = tpu.memref_slice %arg5[%scan3A_14, %dma_start3A_19] : memref<125x40xi32, #tpu.memory_space<vmem>> -> memref<1x40xi32, #tpu.memory_space<vmem>>
      %dma_start3A_21 = tpu.memref_squeeze %dma_start3A_20 : memref<1x40xi32, #tpu.memory_space<vmem>> -> memref<40xi32, #tpu.memory_space<vmem>>
      %dma_start3A_22 = arith.constant 0 : i32
      %dma_start3A_23 = arith.constant 0 : i32
      %dma_start3A_24 = tpu.memref_slice %arg2[%dma_start3A_22, %dma_start3A_23] : memref<10000x16xf32, #tpu.memory_space<hbm>> -> memref<10000x16xf32, #tpu.memory_space<hbm>>
      tpu.enqueue_indirect_dma source(%dma_start3A_24 : memref<10000x16xf32, #tpu.memory_space<hbm>>) target(%dma_start3A_18 : memref<40x16xf32, #tpu.memory_space<vmem>>) offsets(%dma_start3A_21 : memref<40xi32, #tpu.memory_space<vmem>>) semaphore(%arg7 : memref<!tpu.dma_semaphore, #tpu.memory_space<semaphore_mem>>)
      %scan3A_25 = arith.constant 0 : i32
      scf.yield %scan3A_25 : i32
    }
    %scan3A_6 = arith.constant 125 : i32
    %dma_wait3A = arith.constant 0 : i32
    %dma_wait3A_7 = arith.constant 0 : i32
    %dma_wait3A_8 = tpu.memref_slice %arg2[%dma_wait3A, %dma_wait3A_7] : memref<10000x16xf32, #tpu.memory_space<hbm>> -> memref<5000x16xf32, #tpu.memory_space<hbm>>
    %dma_wait3A_9 = arith.constant 0 : i32
    %dma_wait3A_10 = arith.constant 0 : i32
    %dma_wait3A_11 = tpu.memref_slice %arg2[%dma_wait3A_9, %dma_wait3A_10] : memref<10000x16xf32, #tpu.memory_space<hbm>> -> memref<5000x16xf32, #tpu.memory_space<hbm>>
    tpu.wait_dma2 semaphore(%arg7 : memref<!tpu.dma_semaphore, #tpu.memory_space<semaphore_mem>>) src(%dma_wait3A_11 : memref<5000x16xf32, #tpu.memory_space<hbm>>) dst(%arg6 : memref<5000x16xf32, #tpu.memory_space<vmem>>)
    %mul3A_12 = arith.constant 5000 : i32
    %mul3A_13 = arith.muli %add3A, %mul3A_12 : i32
    "tpu.region"() ({
      %run_scoped3A = tpu.sem_alloc : memref<!tpu.dma_semaphore, #tpu.memory_space<semaphore_mem>>
      %dma_start3A = arith.constant 0 : i32
      %dma_start3A_14 = tpu.memref_slice %arg4[%mul3A_13, %dma_start3A] : memref<160000x16xf32, #tpu.memory_space<hbm>> -> memref<5000x16xf32, #tpu.memory_space<hbm>>
      %dma_start3A_15 = arith.constant 0 : i32
      %dma_start3A_16 = tpu.memref_slice %arg4[%mul3A_13, %dma_start3A_15] : memref<160000x16xf32, #tpu.memory_space<hbm>> -> memref<5000x16xf32, #tpu.memory_space<hbm>>
      tpu.enqueue_dma source(%arg6 : memref<5000x16xf32, #tpu.memory_space<vmem>>) target(%dma_start3A_16 : memref<5000x16xf32, #tpu.memory_space<hbm>>) target_semaphore(%run_scoped3A : memref<!tpu.dma_semaphore, #tpu.memory_space<semaphore_mem>>)
      %dma_wait3A_17 = arith.constant 0 : i32
      %dma_wait3A_18 = tpu.memref_slice %arg4[%mul3A_13, %dma_wait3A_17] : memref<160000x16xf32, #tpu.memory_space<hbm>> -> memref<5000x16xf32, #tpu.memory_space<hbm>>
      %dma_wait3A_19 = arith.constant 0 : i32
      %dma_wait3A_20 = tpu.memref_slice %arg4[%mul3A_13, %dma_wait3A_19] : memref<160000x16xf32, #tpu.memory_space<hbm>> -> memref<5000x16xf32, #tpu.memory_space<hbm>>
      tpu.wait_dma2 semaphore(%run_scoped3A : memref<!tpu.dma_semaphore, #tpu.memory_space<semaphore_mem>>) src(%arg6 : memref<5000x16xf32, #tpu.memory_space<vmem>>) dst(%dma_wait3A_20 : memref<5000x16xf32, #tpu.memory_space<hbm>>)
      tpu.yield
    }) : () -> ()
    return
  }
}

#map = affine_map<(d0, d1) -> (0, 0)>
#map1 = affine_map<(d0, d1) -> (0, 0, 0)>
module attributes {stable_mosaic.version = 14 : i64} {
  func.func @scatter(%arg0: i32, %arg1: i32, %arg2: memref<160000x16xf32, #tpu.memory_space<hbm>>, %arg3: memref<32x125x40xi32, #tpu.memory_space<hbm>>, %arg4: memref<10000x16xf32, #tpu.memory_space<hbm>>, %arg5: memref<2x10000x16xf32, #tpu.memory_space<hbm>>, %arg6: memref<125x40xi32, #tpu.memory_space<vmem>>, %arg7: memref<5000x16xf32, #tpu.memory_space<vmem>>, %arg8: memref<10000x16xf32, #tpu.memory_space<vmem_shared>>, %arg9: memref<!tpu.dma_semaphore, #tpu.memory_space<semaphore_mem>>) attributes {dimension_semantics = [#tpu.dimension_semantics<core_parallel>, #tpu.dimension_semantics<subcore_parallel>], iteration_bounds = array<i64: 2, 16>, scalar_prefetch = 0 : i64, scratch_operands = 4 : i64, tpu.core_type = #tpu.core_type<sc_vector_subcore>, window_params = [{transform_indices = #map}, {transform_indices = #map1}, {transform_indices = #map}, {transform_indices = #map1}]} {
    %mul3A = arith.constant 16 : i32
    %mul3A_0 = arith.muli %arg0, %mul3A : i32
    %add3A = arith.addi %mul3A_0, %arg1 : i32
    %mul3A_1 = arith.constant 625 : i32
    %mul3A_2 = arith.muli %arg1, %mul3A_1 : i32
    %mul3A_3 = arith.constant 625 : i32
    %mul3A_4 = arith.muli %arg1, %mul3A_3 : i32
    "tpu.region"() ({
      %run_scoped3A = tpu.sem_alloc : memref<!tpu.dma_semaphore, #tpu.memory_space<semaphore_mem>>
      %dma_start3A = arith.constant 0 : i32
      %dma_start3A_23 = tpu.memref_slice %arg8[%mul3A_4, %dma_start3A] : memref<10000x16xf32, #tpu.memory_space<vmem_shared>> -> memref<625x16xf32, #tpu.memory_space<vmem_shared>>
      %dma_start3A_24 = arith.constant 0 : i32
      %dma_start3A_25 = tpu.memref_slice %arg4[%mul3A_2, %dma_start3A_24] : memref<10000x16xf32, #tpu.memory_space<hbm>> -> memref<625x16xf32, #tpu.memory_space<hbm>>
      tpu.enqueue_dma source(%dma_start3A_25 : memref<625x16xf32, #tpu.memory_space<hbm>>) target(%dma_start3A_23 : memref<625x16xf32, #tpu.memory_space<vmem_shared>>) target_semaphore(%run_scoped3A : memref<!tpu.dma_semaphore, #tpu.memory_space<semaphore_mem>>)
      %dma_wait3A_26 = arith.constant 0 : i32
      %dma_wait3A_27 = tpu.memref_slice %arg8[%mul3A_4, %dma_wait3A_26] : memref<10000x16xf32, #tpu.memory_space<vmem_shared>> -> memref<625x16xf32, #tpu.memory_space<vmem_shared>>
      %dma_wait3A_28 = arith.constant 0 : i32
      %dma_wait3A_29 = tpu.memref_slice %arg4[%mul3A_2, %dma_wait3A_28] : memref<10000x16xf32, #tpu.memory_space<hbm>> -> memref<625x16xf32, #tpu.memory_space<hbm>>
      tpu.wait_dma2 semaphore(%run_scoped3A : memref<!tpu.dma_semaphore, #tpu.memory_space<semaphore_mem>>) src(%dma_wait3A_29 : memref<625x16xf32, #tpu.memory_space<hbm>>) dst(%dma_wait3A_27 : memref<625x16xf32, #tpu.memory_space<vmem_shared>>)
      tpu.yield
    }) : () -> ()
    %barrier3A = arith.constant 0 : index
    tpu.barrier barrier_id(%barrier3A)
    "tpu.region"() ({
      %run_scoped3A = tpu.sem_alloc : memref<!tpu.dma_semaphore, #tpu.memory_space<semaphore_mem>>
      %dma_start3A = arith.constant 0 : i32
      %dma_start3A_23 = arith.constant 0 : i32
      %dma_start3A_24 = tpu.memref_slice %arg3[%add3A, %dma_start3A, %dma_start3A_23] : memref<32x125x40xi32, #tpu.memory_space<hbm>> -> memref<1x125x40xi32, #tpu.memory_space<hbm>>
      %dma_start3A_25 = tpu.memref_squeeze %dma_start3A_24 : memref<1x125x40xi32, #tpu.memory_space<hbm>> -> memref<125x40xi32, #tpu.memory_space<hbm>>
      %dma_start3A_26 = arith.constant 0 : i32
      %dma_start3A_27 = arith.constant 0 : i32
      %dma_start3A_28 = tpu.memref_slice %arg3[%add3A, %dma_start3A_26, %dma_start3A_27] : memref<32x125x40xi32, #tpu.memory_space<hbm>> -> memref<1x125x40xi32, #tpu.memory_space<hbm>>
      %dma_start3A_29 = tpu.memref_squeeze %dma_start3A_28 : memref<1x125x40xi32, #tpu.memory_space<hbm>> -> memref<125x40xi32, #tpu.memory_space<hbm>>
      tpu.enqueue_dma source(%dma_start3A_29 : memref<125x40xi32, #tpu.memory_space<hbm>>) target(%arg6 : memref<125x40xi32, #tpu.memory_space<vmem>>) target_semaphore(%run_scoped3A : memref<!tpu.dma_semaphore, #tpu.memory_space<semaphore_mem>>)
      %dma_wait3A_30 = arith.constant 0 : i32
      %dma_wait3A_31 = arith.constant 0 : i32
      %dma_wait3A_32 = tpu.memref_slice %arg3[%add3A, %dma_wait3A_30, %dma_wait3A_31] : memref<32x125x40xi32, #tpu.memory_space<hbm>> -> memref<1x125x40xi32, #tpu.memory_space<hbm>>
      %dma_wait3A_33 = tpu.memref_squeeze %dma_wait3A_32 : memref<1x125x40xi32, #tpu.memory_space<hbm>> -> memref<125x40xi32, #tpu.memory_space<hbm>>
      %dma_wait3A_34 = arith.constant 0 : i32
      %dma_wait3A_35 = arith.constant 0 : i32
      %dma_wait3A_36 = tpu.memref_slice %arg3[%add3A, %dma_wait3A_34, %dma_wait3A_35] : memref<32x125x40xi32, #tpu.memory_space<hbm>> -> memref<1x125x40xi32, #tpu.memory_space<hbm>>
      %dma_wait3A_37 = tpu.memref_squeeze %dma_wait3A_36 : memref<1x125x40xi32, #tpu.memory_space<hbm>> -> memref<125x40xi32, #tpu.memory_space<hbm>>
      tpu.wait_dma2 semaphore(%run_scoped3A : memref<!tpu.dma_semaphore, #tpu.memory_space<semaphore_mem>>) src(%dma_wait3A_37 : memref<125x40xi32, #tpu.memory_space<hbm>>) dst(%arg6 : memref<125x40xi32, #tpu.memory_space<vmem>>)
      tpu.yield
    }) : () -> ()
    %mul3A_5 = arith.constant 5000 : i32
    %mul3A_6 = arith.muli %add3A, %mul3A_5 : i32
    "tpu.region"() ({
      %run_scoped3A = tpu.sem_alloc : memref<!tpu.dma_semaphore, #tpu.memory_space<semaphore_mem>>
      %dma_start3A = arith.constant 0 : i32
      %dma_start3A_23 = tpu.memref_slice %arg2[%mul3A_6, %dma_start3A] : memref<160000x16xf32, #tpu.memory_space<hbm>> -> memref<5000x16xf32, #tpu.memory_space<hbm>>
      %dma_start3A_24 = arith.constant 0 : i32
      %dma_start3A_25 = tpu.memref_slice %arg2[%mul3A_6, %dma_start3A_24] : memref<160000x16xf32, #tpu.memory_space<hbm>> -> memref<5000x16xf32, #tpu.memory_space<hbm>>
      tpu.enqueue_dma source(%dma_start3A_25 : memref<5000x16xf32, #tpu.memory_space<hbm>>) target(%arg7 : memref<5000x16xf32, #tpu.memory_space<vmem>>) target_semaphore(%run_scoped3A : memref<!tpu.dma_semaphore, #tpu.memory_space<semaphore_mem>>)
      %dma_wait3A_26 = arith.constant 0 : i32
      %dma_wait3A_27 = tpu.memref_slice %arg2[%mul3A_6, %dma_wait3A_26] : memref<160000x16xf32, #tpu.memory_space<hbm>> -> memref<5000x16xf32, #tpu.memory_space<hbm>>
      %dma_wait3A_28 = arith.constant 0 : i32
      %dma_wait3A_29 = tpu.memref_slice %arg2[%mul3A_6, %dma_wait3A_28] : memref<160000x16xf32, #tpu.memory_space<hbm>> -> memref<5000x16xf32, #tpu.memory_space<hbm>>
      tpu.wait_dma2 semaphore(%run_scoped3A : memref<!tpu.dma_semaphore, #tpu.memory_space<semaphore_mem>>) src(%dma_wait3A_29 : memref<5000x16xf32, #tpu.memory_space<hbm>>) dst(%arg7 : memref<5000x16xf32, #tpu.memory_space<vmem>>)
      tpu.yield
    }) : () -> ()
    %scan3A = arith.constant 0 : i32
    %scan3A_7 = arith.constant 0 : i32
    %scan3A_8 = arith.constant 125 : i32
    %scan3A_9 = arith.addi %scan3A_7, %scan3A_8 : i32
    %scan3A_10 = arith.constant 1 : i32
    %scan3A_11 = scf.for %scan3A_23 = %scan3A_7 to %scan3A_9 step %scan3A_10 iter_args(%scan3A_24 = %scan3A) -> (i32)  : i32 {
      %mul3A_25 = arith.constant 40 : i32
      %mul3A_26 = arith.muli %scan3A_23, %mul3A_25 : i32
      %dma_start3A = arith.constant 0 : i32
      %dma_start3A_27 = tpu.memref_slice %arg7[%mul3A_26, %dma_start3A] : memref<5000x16xf32, #tpu.memory_space<vmem>> -> memref<40x16xf32, #tpu.memory_space<vmem>>
      %dma_start3A_28 = arith.constant 0 : i32
      %dma_start3A_29 = tpu.memref_slice %arg6[%scan3A_23, %dma_start3A_28] : memref<125x40xi32, #tpu.memory_space<vmem>> -> memref<1x40xi32, #tpu.memory_space<vmem>>
      %dma_start3A_30 = tpu.memref_squeeze %dma_start3A_29 : memref<1x40xi32, #tpu.memory_space<vmem>> -> memref<40xi32, #tpu.memory_space<vmem>>
      %dma_start3A_31 = arith.constant 0 : i32
      %dma_start3A_32 = arith.constant 0 : i32
      %dma_start3A_33 = tpu.memref_slice %arg8[%dma_start3A_31, %dma_start3A_32] : memref<10000x16xf32, #tpu.memory_space<vmem_shared>> -> memref<10000x16xf32, #tpu.memory_space<vmem_shared>>
      tpu.enqueue_indirect_dma source(%dma_start3A_27 : memref<40x16xf32, #tpu.memory_space<vmem>>) target(%dma_start3A_33 : memref<10000x16xf32, #tpu.memory_space<vmem_shared>>) offsets(%dma_start3A_30 : memref<40xi32, #tpu.memory_space<vmem>>) semaphore(%arg9 : memref<!tpu.dma_semaphore, #tpu.memory_space<semaphore_mem>>) {add = true}
      %scan3A_34 = arith.constant 0 : i32
      scf.yield %scan3A_34 : i32
    }
    %scan3A_12 = arith.constant 125 : i32
    %mul3A_13 = arith.constant 5000 : i32
    %mul3A_14 = arith.muli %add3A, %mul3A_13 : i32
    %dma_wait3A = arith.constant 0 : i32
    %dma_wait3A_15 = tpu.memref_slice %arg2[%mul3A_14, %dma_wait3A] : memref<160000x16xf32, #tpu.memory_space<hbm>> -> memref<5000x16xf32, #tpu.memory_space<hbm>>
    %dma_wait3A_16 = arith.constant 0 : i32
    %dma_wait3A_17 = tpu.memref_slice %arg2[%mul3A_14, %dma_wait3A_16] : memref<160000x16xf32, #tpu.memory_space<hbm>> -> memref<5000x16xf32, #tpu.memory_space<hbm>>
    tpu.wait_dma2 semaphore(%arg9 : memref<!tpu.dma_semaphore, #tpu.memory_space<semaphore_mem>>) src(%dma_wait3A_17 : memref<5000x16xf32, #tpu.memory_space<hbm>>) dst(%arg7 : memref<5000x16xf32, #tpu.memory_space<vmem>>)
    %barrier3A_18 = arith.constant 0 : index
    tpu.barrier barrier_id(%barrier3A_18)
    %mul3A_19 = arith.constant 625 : i32
    %mul3A_20 = arith.muli %arg1, %mul3A_19 : i32
    %mul3A_21 = arith.constant 625 : i32
    %mul3A_22 = arith.muli %arg1, %mul3A_21 : i32
    "tpu.region"() ({
      %run_scoped3A = tpu.sem_alloc : memref<!tpu.dma_semaphore, #tpu.memory_space<semaphore_mem>>
      %dma_start3A = arith.constant 0 : i32
      %dma_start3A_23 = tpu.memref_slice %arg5[%arg0, %mul3A_22, %dma_start3A] : memref<2x10000x16xf32, #tpu.memory_space<hbm>> -> memref<1x625x16xf32, #tpu.memory_space<hbm>>
      %dma_start3A_24 = tpu.memref_squeeze %dma_start3A_23 : memref<1x625x16xf32, #tpu.memory_space<hbm>> -> memref<625x16xf32, #tpu.memory_space<hbm>>
      %dma_start3A_25 = arith.constant 0 : i32
      %dma_start3A_26 = tpu.memref_slice %arg8[%mul3A_20, %dma_start3A_25] : memref<10000x16xf32, #tpu.memory_space<vmem_shared>> -> memref<625x16xf32, #tpu.memory_space<vmem_shared>>
      tpu.enqueue_dma source(%dma_start3A_26 : memref<625x16xf32, #tpu.memory_space<vmem_shared>>) target(%dma_start3A_24 : memref<625x16xf32, #tpu.memory_space<hbm>>) target_semaphore(%run_scoped3A : memref<!tpu.dma_semaphore, #tpu.memory_space<semaphore_mem>>)
      %dma_wait3A_27 = arith.constant 0 : i32
      %dma_wait3A_28 = tpu.memref_slice %arg5[%arg0, %mul3A_22, %dma_wait3A_27] : memref<2x10000x16xf32, #tpu.memory_space<hbm>> -> memref<1x625x16xf32, #tpu.memory_space<hbm>>
      %dma_wait3A_29 = tpu.memref_squeeze %dma_wait3A_28 : memref<1x625x16xf32, #tpu.memory_space<hbm>> -> memref<625x16xf32, #tpu.memory_space<hbm>>
      %dma_wait3A_30 = arith.constant 0 : i32
      %dma_wait3A_31 = tpu.memref_slice %arg8[%mul3A_20, %dma_wait3A_30] : memref<10000x16xf32, #tpu.memory_space<vmem_shared>> -> memref<625x16xf32, #tpu.memory_space<vmem_shared>>
      tpu.wait_dma2 semaphore(%run_scoped3A : memref<!tpu.dma_semaphore, #tpu.memory_space<semaphore_mem>>) src(%dma_wait3A_31 : memref<625x16xf32, #tpu.memory_space<vmem_shared>>) dst(%dma_wait3A_29 : memref<625x16xf32, #tpu.memory_space<hbm>>)
      tpu.yield
    }) : () -> ()
    return
  }
}

#map = affine_map<(d0, d1) -> (0, 0)>
#map1 = affine_map<(d0, d1) -> (0, 0, 0)>
module attributes {stable_mosaic.version = 14 : i64} {
  func.func @gather2(%arg0: i32, %arg1: i32, %arg2: memref<10000x16xf32, #tpu.memory_space<hbm>>, %arg3: memref<32x125x40xi32, #tpu.memory_space<hbm>>, %arg4: memref<32x125x40xi32, #tpu.memory_space<hbm>>, %arg5: memref<160000x16xf32, #tpu.memory_space<hbm>>, %arg6: memref<160000x16xf32, #tpu.memory_space<hbm>>, %arg7: memref<125x40xi32, #tpu.memory_space<vmem>>, %arg8: memref<5000x16xf32, #tpu.memory_space<vmem>>, %arg9: memref<!tpu.dma_semaphore, #tpu.memory_space<semaphore_mem>>) attributes {dimension_semantics = [#tpu.dimension_semantics<core_parallel>, #tpu.dimension_semantics<subcore_parallel>], iteration_bounds = array<i64: 2, 16>, scalar_prefetch = 0 : i64, scratch_operands = 3 : i64, tpu.core_type = #tpu.core_type<sc_vector_subcore>, window_params = [{transform_indices = #map}, {transform_indices = #map1}, {transform_indices = #map1}, {transform_indices = #map}, {transform_indices = #map}]} {
    %mul3A = arith.constant 16 : i32
    %mul3A_0 = arith.muli %arg0, %mul3A : i32
    %add3A = arith.addi %mul3A_0, %arg1 : i32
    "tpu.region"() ({
      %run_scoped3A = tpu.sem_alloc : memref<!tpu.dma_semaphore, #tpu.memory_space<semaphore_mem>>
      %dma_start3A = arith.constant 0 : i32
      %dma_start3A_29 = arith.constant 0 : i32
      %dma_start3A_30 = tpu.memref_slice %arg3[%add3A, %dma_start3A, %dma_start3A_29] : memref<32x125x40xi32, #tpu.memory_space<hbm>> -> memref<1x125x40xi32, #tpu.memory_space<hbm>>
      %dma_start3A_31 = tpu.memref_squeeze %dma_start3A_30 : memref<1x125x40xi32, #tpu.memory_space<hbm>> -> memref<125x40xi32, #tpu.memory_space<hbm>>
      %dma_start3A_32 = arith.constant 0 : i32
      %dma_start3A_33 = arith.constant 0 : i32
      %dma_start3A_34 = tpu.memref_slice %arg3[%add3A, %dma_start3A_32, %dma_start3A_33] : memref<32x125x40xi32, #tpu.memory_space<hbm>> -> memref<1x125x40xi32, #tpu.memory_space<hbm>>
      %dma_start3A_35 = tpu.memref_squeeze %dma_start3A_34 : memref<1x125x40xi32, #tpu.memory_space<hbm>> -> memref<125x40xi32, #tpu.memory_space<hbm>>
      tpu.enqueue_dma source(%dma_start3A_35 : memref<125x40xi32, #tpu.memory_space<hbm>>) target(%arg7 : memref<125x40xi32, #tpu.memory_space<vmem>>) target_semaphore(%run_scoped3A : memref<!tpu.dma_semaphore, #tpu.memory_space<semaphore_mem>>)
      %dma_wait3A_36 = arith.constant 0 : i32
      %dma_wait3A_37 = arith.constant 0 : i32
      %dma_wait3A_38 = tpu.memref_slice %arg3[%add3A, %dma_wait3A_36, %dma_wait3A_37] : memref<32x125x40xi32, #tpu.memory_space<hbm>> -> memref<1x125x40xi32, #tpu.memory_space<hbm>>
      %dma_wait3A_39 = tpu.memref_squeeze %dma_wait3A_38 : memref<1x125x40xi32, #tpu.memory_space<hbm>> -> memref<125x40xi32, #tpu.memory_space<hbm>>
      %dma_wait3A_40 = arith.constant 0 : i32
      %dma_wait3A_41 = arith.constant 0 : i32
      %dma_wait3A_42 = tpu.memref_slice %arg3[%add3A, %dma_wait3A_40, %dma_wait3A_41] : memref<32x125x40xi32, #tpu.memory_space<hbm>> -> memref<1x125x40xi32, #tpu.memory_space<hbm>>
      %dma_wait3A_43 = tpu.memref_squeeze %dma_wait3A_42 : memref<1x125x40xi32, #tpu.memory_space<hbm>> -> memref<125x40xi32, #tpu.memory_space<hbm>>
      tpu.wait_dma2 semaphore(%run_scoped3A : memref<!tpu.dma_semaphore, #tpu.memory_space<semaphore_mem>>) src(%dma_wait3A_43 : memref<125x40xi32, #tpu.memory_space<hbm>>) dst(%arg7 : memref<125x40xi32, #tpu.memory_space<vmem>>)
      tpu.yield
    }) : () -> ()
    %scan3A = arith.constant 0 : i32
    %scan3A_1 = arith.constant 0 : i32
    %scan3A_2 = arith.constant 125 : i32
    %scan3A_3 = arith.addi %scan3A_1, %scan3A_2 : i32
    %scan3A_4 = arith.constant 1 : i32
    %scan3A_5 = scf.for %scan3A_29 = %scan3A_1 to %scan3A_3 step %scan3A_4 iter_args(%scan3A_30 = %scan3A) -> (i32)  : i32 {
      %mul3A_31 = arith.constant 40 : i32
      %mul3A_32 = arith.muli %scan3A_29, %mul3A_31 : i32
      %dma_start3A = arith.constant 0 : i32
      %dma_start3A_33 = tpu.memref_slice %arg8[%mul3A_32, %dma_start3A] : memref<5000x16xf32, #tpu.memory_space<vmem>> -> memref<40x16xf32, #tpu.memory_space<vmem>>
      %dma_start3A_34 = arith.constant 0 : i32
      %dma_start3A_35 = tpu.memref_slice %arg7[%scan3A_29, %dma_start3A_34] : memref<125x40xi32, #tpu.memory_space<vmem>> -> memref<1x40xi32, #tpu.memory_space<vmem>>
      %dma_start3A_36 = tpu.memref_squeeze %dma_start3A_35 : memref<1x40xi32, #tpu.memory_space<vmem>> -> memref<40xi32, #tpu.memory_space<vmem>>
      %dma_start3A_37 = arith.constant 0 : i32
      %dma_start3A_38 = arith.constant 0 : i32
      %dma_start3A_39 = tpu.memref_slice %arg2[%dma_start3A_37, %dma_start3A_38] : memref<10000x16xf32, #tpu.memory_space<hbm>> -> memref<10000x16xf32, #tpu.memory_space<hbm>>
      tpu.enqueue_indirect_dma source(%dma_start3A_39 : memref<10000x16xf32, #tpu.memory_space<hbm>>) target(%dma_start3A_33 : memref<40x16xf32, #tpu.memory_space<vmem>>) offsets(%dma_start3A_36 : memref<40xi32, #tpu.memory_space<vmem>>) semaphore(%arg9 : memref<!tpu.dma_semaphore, #tpu.memory_space<semaphore_mem>>)
      %scan3A_40 = arith.constant 0 : i32
      scf.yield %scan3A_40 : i32
    }
    %scan3A_6 = arith.constant 125 : i32
    %dma_wait3A = arith.constant 0 : i32
    %dma_wait3A_7 = arith.constant 0 : i32
    %dma_wait3A_8 = tpu.memref_slice %arg2[%dma_wait3A, %dma_wait3A_7] : memref<10000x16xf32, #tpu.memory_space<hbm>> -> memref<5000x16xf32, #tpu.memory_space<hbm>>
    %dma_wait3A_9 = arith.constant 0 : i32
    %dma_wait3A_10 = arith.constant 0 : i32
    %dma_wait3A_11 = tpu.memref_slice %arg2[%dma_wait3A_9, %dma_wait3A_10] : memref<10000x16xf32, #tpu.memory_space<hbm>> -> memref<5000x16xf32, #tpu.memory_space<hbm>>
    tpu.wait_dma2 semaphore(%arg9 : memref<!tpu.dma_semaphore, #tpu.memory_space<semaphore_mem>>) src(%dma_wait3A_11 : memref<5000x16xf32, #tpu.memory_space<hbm>>) dst(%arg8 : memref<5000x16xf32, #tpu.memory_space<vmem>>)
    %mul3A_12 = arith.constant 5000 : i32
    %mul3A_13 = arith.muli %add3A, %mul3A_12 : i32
    "tpu.region"() ({
      %run_scoped3A = tpu.sem_alloc : memref<!tpu.dma_semaphore, #tpu.memory_space<semaphore_mem>>
      %dma_start3A = arith.constant 0 : i32
      %dma_start3A_29 = tpu.memref_slice %arg5[%mul3A_13, %dma_start3A] : memref<160000x16xf32, #tpu.memory_space<hbm>> -> memref<5000x16xf32, #tpu.memory_space<hbm>>
      %dma_start3A_30 = arith.constant 0 : i32
      %dma_start3A_31 = tpu.memref_slice %arg5[%mul3A_13, %dma_start3A_30] : memref<160000x16xf32, #tpu.memory_space<hbm>> -> memref<5000x16xf32, #tpu.memory_space<hbm>>
      tpu.enqueue_dma source(%arg8 : memref<5000x16xf32, #tpu.memory_space<vmem>>) target(%dma_start3A_31 : memref<5000x16xf32, #tpu.memory_space<hbm>>) target_semaphore(%run_scoped3A : memref<!tpu.dma_semaphore, #tpu.memory_space<semaphore_mem>>)
      %dma_wait3A_32 = arith.constant 0 : i32
      %dma_wait3A_33 = tpu.memref_slice %arg5[%mul3A_13, %dma_wait3A_32] : memref<160000x16xf32, #tpu.memory_space<hbm>> -> memref<5000x16xf32, #tpu.memory_space<hbm>>
      %dma_wait3A_34 = arith.constant 0 : i32
      %dma_wait3A_35 = tpu.memref_slice %arg5[%mul3A_13, %dma_wait3A_34] : memref<160000x16xf32, #tpu.memory_space<hbm>> -> memref<5000x16xf32, #tpu.memory_space<hbm>>
      tpu.wait_dma2 semaphore(%run_scoped3A : memref<!tpu.dma_semaphore, #tpu.memory_space<semaphore_mem>>) src(%arg8 : memref<5000x16xf32, #tpu.memory_space<vmem>>) dst(%dma_wait3A_35 : memref<5000x16xf32, #tpu.memory_space<hbm>>)
      tpu.yield
    }) : () -> ()
    "tpu.region"() ({
      %run_scoped3A = tpu.sem_alloc : memref<!tpu.dma_semaphore, #tpu.memory_space<semaphore_mem>>
      %dma_start3A = arith.constant 0 : i32
      %dma_start3A_29 = arith.constant 0 : i32
      %dma_start3A_30 = tpu.memref_slice %arg4[%add3A, %dma_start3A, %dma_start3A_29] : memref<32x125x40xi32, #tpu.memory_space<hbm>> -> memref<1x125x40xi32, #tpu.memory_space<hbm>>
      %dma_start3A_31 = tpu.memref_squeeze %dma_start3A_30 : memref<1x125x40xi32, #tpu.memory_space<hbm>> -> memref<125x40xi32, #tpu.memory_space<hbm>>
      %dma_start3A_32 = arith.constant 0 : i32
      %dma_start3A_33 = arith.constant 0 : i32
      %dma_start3A_34 = tpu.memref_slice %arg4[%add3A, %dma_start3A_32, %dma_start3A_33] : memref<32x125x40xi32, #tpu.memory_space<hbm>> -> memref<1x125x40xi32, #tpu.memory_space<hbm>>
      %dma_start3A_35 = tpu.memref_squeeze %dma_start3A_34 : memref<1x125x40xi32, #tpu.memory_space<hbm>> -> memref<125x40xi32, #tpu.memory_space<hbm>>
      tpu.enqueue_dma source(%dma_start3A_35 : memref<125x40xi32, #tpu.memory_space<hbm>>) target(%arg7 : memref<125x40xi32, #tpu.memory_space<vmem>>) target_semaphore(%run_scoped3A : memref<!tpu.dma_semaphore, #tpu.memory_space<semaphore_mem>>)
      %dma_wait3A_36 = arith.constant 0 : i32
      %dma_wait3A_37 = arith.constant 0 : i32
      %dma_wait3A_38 = tpu.memref_slice %arg4[%add3A, %dma_wait3A_36, %dma_wait3A_37] : memref<32x125x40xi32, #tpu.memory_space<hbm>> -> memref<1x125x40xi32, #tpu.memory_space<hbm>>
      %dma_wait3A_39 = tpu.memref_squeeze %dma_wait3A_38 : memref<1x125x40xi32, #tpu.memory_space<hbm>> -> memref<125x40xi32, #tpu.memory_space<hbm>>
      %dma_wait3A_40 = arith.constant 0 : i32
      %dma_wait3A_41 = arith.constant 0 : i32
      %dma_wait3A_42 = tpu.memref_slice %arg4[%add3A, %dma_wait3A_40, %dma_wait3A_41] : memref<32x125x40xi32, #tpu.memory_space<hbm>> -> memref<1x125x40xi32, #tpu.memory_space<hbm>>
      %dma_wait3A_43 = tpu.memref_squeeze %dma_wait3A_42 : memref<1x125x40xi32, #tpu.memory_space<hbm>> -> memref<125x40xi32, #tpu.memory_space<hbm>>
      tpu.wait_dma2 semaphore(%run_scoped3A : memref<!tpu.dma_semaphore, #tpu.memory_space<semaphore_mem>>) src(%dma_wait3A_43 : memref<125x40xi32, #tpu.memory_space<hbm>>) dst(%arg7 : memref<125x40xi32, #tpu.memory_space<vmem>>)
      tpu.yield
    }) : () -> ()
    %scan3A_14 = arith.constant 0 : i32
    %scan3A_15 = arith.constant 0 : i32
    %scan3A_16 = arith.constant 125 : i32
    %scan3A_17 = arith.addi %scan3A_15, %scan3A_16 : i32
    %scan3A_18 = arith.constant 1 : i32
    %scan3A_19 = scf.for %scan3A_29 = %scan3A_15 to %scan3A_17 step %scan3A_18 iter_args(%scan3A_30 = %scan3A_14) -> (i32)  : i32 {
      %mul3A_31 = arith.constant 40 : i32
      %mul3A_32 = arith.muli %scan3A_29, %mul3A_31 : i32
      %dma_start3A = arith.constant 0 : i32
      %dma_start3A_33 = tpu.memref_slice %arg8[%mul3A_32, %dma_start3A] : memref<5000x16xf32, #tpu.memory_space<vmem>> -> memref<40x16xf32, #tpu.memory_space<vmem>>
      %dma_start3A_34 = arith.constant 0 : i32
      %dma_start3A_35 = tpu.memref_slice %arg7[%scan3A_29, %dma_start3A_34] : memref<125x40xi32, #tpu.memory_space<vmem>> -> memref<1x40xi32, #tpu.memory_space<vmem>>
      %dma_start3A_36 = tpu.memref_squeeze %dma_start3A_35 : memref<1x40xi32, #tpu.memory_space<vmem>> -> memref<40xi32, #tpu.memory_space<vmem>>
      %dma_start3A_37 = arith.constant 0 : i32
      %dma_start3A_38 = arith.constant 0 : i32
      %dma_start3A_39 = tpu.memref_slice %arg2[%dma_start3A_37, %dma_start3A_38] : memref<10000x16xf32, #tpu.memory_space<hbm>> -> memref<10000x16xf32, #tpu.memory_space<hbm>>
      tpu.enqueue_indirect_dma source(%dma_start3A_39 : memref<10000x16xf32, #tpu.memory_space<hbm>>) target(%dma_start3A_33 : memref<40x16xf32, #tpu.memory_space<vmem>>) offsets(%dma_start3A_36 : memref<40xi32, #tpu.memory_space<vmem>>) semaphore(%arg9 : memref<!tpu.dma_semaphore, #tpu.memory_space<semaphore_mem>>)
      %scan3A_40 = arith.constant 0 : i32
      scf.yield %scan3A_40 : i32
    }
    %scan3A_20 = arith.constant 125 : i32
    %dma_wait3A_21 = arith.constant 0 : i32
    %dma_wait3A_22 = arith.constant 0 : i32
    %dma_wait3A_23 = tpu.memref_slice %arg2[%dma_wait3A_21, %dma_wait3A_22] : memref<10000x16xf32, #tpu.memory_space<hbm>> -> memref<5000x16xf32, #tpu.memory_space<hbm>>
    %dma_wait3A_24 = arith.constant 0 : i32
    %dma_wait3A_25 = arith.constant 0 : i32
    %dma_wait3A_26 = tpu.memref_slice %arg2[%dma_wait3A_24, %dma_wait3A_25] : memref<10000x16xf32, #tpu.memory_space<hbm>> -> memref<5000x16xf32, #tpu.memory_space<hbm>>
    tpu.wait_dma2 semaphore(%arg9 : memref<!tpu.dma_semaphore, #tpu.memory_space<semaphore_mem>>) src(%dma_wait3A_26 : memref<5000x16xf32, #tpu.memory_space<hbm>>) dst(%arg8 : memref<5000x16xf32, #tpu.memory_space<vmem>>)
    %mul3A_27 = arith.constant 5000 : i32
    %mul3A_28 = arith.muli %add3A, %mul3A_27 : i32
    "tpu.region"() ({
      %run_scoped3A = tpu.sem_alloc : memref<!tpu.dma_semaphore, #tpu.memory_space<semaphore_mem>>
      %dma_start3A = arith.constant 0 : i32
      %dma_start3A_29 = tpu.memref_slice %arg6[%mul3A_28, %dma_start3A] : memref<160000x16xf32, #tpu.memory_space<hbm>> -> memref<5000x16xf32, #tpu.memory_space<hbm>>
      %dma_start3A_30 = arith.constant 0 : i32
      %dma_start3A_31 = tpu.memref_slice %arg6[%mul3A_28, %dma_start3A_30] : memref<160000x16xf32, #tpu.memory_space<hbm>> -> memref<5000x16xf32, #tpu.memory_space<hbm>>
      tpu.enqueue_dma source(%arg8 : memref<5000x16xf32, #tpu.memory_space<vmem>>) target(%dma_start3A_31 : memref<5000x16xf32, #tpu.memory_space<hbm>>) target_semaphore(%run_scoped3A : memref<!tpu.dma_semaphore, #tpu.memory_space<semaphore_mem>>)
      %dma_wait3A_32 = arith.constant 0 : i32
      %dma_wait3A_33 = tpu.memref_slice %arg6[%mul3A_28, %dma_wait3A_32] : memref<160000x16xf32, #tpu.memory_space<hbm>> -> memref<5000x16xf32, #tpu.memory_space<hbm>>
      %dma_wait3A_34 = arith.constant 0 : i32
      %dma_wait3A_35 = tpu.memref_slice %arg6[%mul3A_28, %dma_wait3A_34] : memref<160000x16xf32, #tpu.memory_space<hbm>> -> memref<5000x16xf32, #tpu.memory_space<hbm>>
      tpu.wait_dma2 semaphore(%run_scoped3A : memref<!tpu.dma_semaphore, #tpu.memory_space<semaphore_mem>>) src(%arg8 : memref<5000x16xf32, #tpu.memory_space<vmem>>) dst(%dma_wait3A_35 : memref<5000x16xf32, #tpu.memory_space<hbm>>)
      tpu.yield
    }) : () -> ()
    return
  }
}

#map = affine_map<(d0, d1) -> (0, 0)>
#map1 = affine_map<(d0, d1) -> (0, 0, 0)>
module attributes {stable_mosaic.version = 14 : i64} {
  func.func @gather1(%arg0: i32, %arg1: i32, %arg2: memref<10000x16xf32, #tpu.memory_space<hbm>>, %arg3: memref<32x125x40xi32, #tpu.memory_space<hbm>>, %arg4: memref<160000x16xf32, #tpu.memory_space<hbm>>, %arg5: memref<125x40xi32, #tpu.memory_space<vmem>>, %arg6: memref<5000x16xf32, #tpu.memory_space<vmem>>, %arg7: memref<!tpu.dma_semaphore, #tpu.memory_space<semaphore_mem>>) attributes {dimension_semantics = [#tpu.dimension_semantics<core_parallel>, #tpu.dimension_semantics<subcore_parallel>], iteration_bounds = array<i64: 2, 16>, scalar_prefetch = 0 : i64, scratch_operands = 3 : i64, tpu.core_type = #tpu.core_type<sc_vector_subcore>, window_params = [{transform_indices = #map}, {transform_indices = #map1}, {transform_indices = #map}]} {
    %mul3A = arith.constant 16 : i32
    %mul3A_0 = arith.muli %arg0, %mul3A : i32
    %add3A = arith.addi %mul3A_0, %arg1 : i32
    "tpu.region"() ({
      %run_scoped3A = tpu.sem_alloc : memref<!tpu.dma_semaphore, #tpu.memory_space<semaphore_mem>>
      %dma_start3A = arith.constant 0 : i32
      %dma_start3A_14 = arith.constant 0 : i32
      %dma_start3A_15 = tpu.memref_slice %arg3[%add3A, %dma_start3A, %dma_start3A_14] : memref<32x125x40xi32, #tpu.memory_space<hbm>> -> memref<1x125x40xi32, #tpu.memory_space<hbm>>
      %dma_start3A_16 = tpu.memref_squeeze %dma_start3A_15 : memref<1x125x40xi32, #tpu.memory_space<hbm>> -> memref<125x40xi32, #tpu.memory_space<hbm>>
      %dma_start3A_17 = arith.constant 0 : i32
      %dma_start3A_18 = arith.constant 0 : i32
      %dma_start3A_19 = tpu.memref_slice %arg3[%add3A, %dma_start3A_17, %dma_start3A_18] : memref<32x125x40xi32, #tpu.memory_space<hbm>> -> memref<1x125x40xi32, #tpu.memory_space<hbm>>
      %dma_start3A_20 = tpu.memref_squeeze %dma_start3A_19 : memref<1x125x40xi32, #tpu.memory_space<hbm>> -> memref<125x40xi32, #tpu.memory_space<hbm>>
      tpu.enqueue_dma source(%dma_start3A_20 : memref<125x40xi32, #tpu.memory_space<hbm>>) target(%arg5 : memref<125x40xi32, #tpu.memory_space<vmem>>) target_semaphore(%run_scoped3A : memref<!tpu.dma_semaphore, #tpu.memory_space<semaphore_mem>>)
      %dma_wait3A_21 = arith.constant 0 : i32
      %dma_wait3A_22 = arith.constant 0 : i32
      %dma_wait3A_23 = tpu.memref_slice %arg3[%add3A, %dma_wait3A_21, %dma_wait3A_22] : memref<32x125x40xi32, #tpu.memory_space<hbm>> -> memref<1x125x40xi32, #tpu.memory_space<hbm>>
      %dma_wait3A_24 = tpu.memref_squeeze %dma_wait3A_23 : memref<1x125x40xi32, #tpu.memory_space<hbm>> -> memref<125x40xi32, #tpu.memory_space<hbm>>
      %dma_wait3A_25 = arith.constant 0 : i32
      %dma_wait3A_26 = arith.constant 0 : i32
      %dma_wait3A_27 = tpu.memref_slice %arg3[%add3A, %dma_wait3A_25, %dma_wait3A_26] : memref<32x125x40xi32, #tpu.memory_space<hbm>> -> memref<1x125x40xi32, #tpu.memory_space<hbm>>
      %dma_wait3A_28 = tpu.memref_squeeze %dma_wait3A_27 : memref<1x125x40xi32, #tpu.memory_space<hbm>> -> memref<125x40xi32, #tpu.memory_space<hbm>>
      tpu.wait_dma2 semaphore(%run_scoped3A : memref<!tpu.dma_semaphore, #tpu.memory_space<semaphore_mem>>) src(%dma_wait3A_28 : memref<125x40xi32, #tpu.memory_space<hbm>>) dst(%arg5 : memref<125x40xi32, #tpu.memory_space<vmem>>)
      tpu.yield
    }) : () -> ()
    %scan3A = arith.constant 0 : i32
    %scan3A_1 = arith.constant 0 : i32
    %scan3A_2 = arith.constant 125 : i32
    %scan3A_3 = arith.addi %scan3A_1, %scan3A_2 : i32
    %scan3A_4 = arith.constant 1 : i32
    %scan3A_5 = scf.for %scan3A_14 = %scan3A_1 to %scan3A_3 step %scan3A_4 iter_args(%scan3A_15 = %scan3A) -> (i32)  : i32 {
      %mul3A_16 = arith.constant 40 : i32
      %mul3A_17 = arith.muli %scan3A_14, %mul3A_16 : i32
      %dma_start3A = arith.constant 0 : i32
      %dma_start3A_18 = tpu.memref_slice %arg6[%mul3A_17, %dma_start3A] : memref<5000x16xf32, #tpu.memory_space<vmem>> -> memref<40x16xf32, #tpu.memory_space<vmem>>
      %dma_start3A_19 = arith.constant 0 : i32
      %dma_start3A_20 = tpu.memref_slice %arg5[%scan3A_14, %dma_start3A_19] : memref<125x40xi32, #tpu.memory_space<vmem>> -> memref<1x40xi32, #tpu.memory_space<vmem>>
      %dma_start3A_21 = tpu.memref_squeeze %dma_start3A_20 : memref<1x40xi32, #tpu.memory_space<vmem>> -> memref<40xi32, #tpu.memory_space<vmem>>
      %dma_start3A_22 = arith.constant 0 : i32
      %dma_start3A_23 = arith.constant 0 : i32
      %dma_start3A_24 = tpu.memref_slice %arg2[%dma_start3A_22, %dma_start3A_23] : memref<10000x16xf32, #tpu.memory_space<hbm>> -> memref<10000x16xf32, #tpu.memory_space<hbm>>
      tpu.enqueue_indirect_dma source(%dma_start3A_24 : memref<10000x16xf32, #tpu.memory_space<hbm>>) target(%dma_start3A_18 : memref<40x16xf32, #tpu.memory_space<vmem>>) offsets(%dma_start3A_21 : memref<40xi32, #tpu.memory_space<vmem>>) semaphore(%arg7 : memref<!tpu.dma_semaphore, #tpu.memory_space<semaphore_mem>>)
      %scan3A_25 = arith.constant 0 : i32
      scf.yield %scan3A_25 : i32
    }
    %scan3A_6 = arith.constant 125 : i32
    %dma_wait3A = arith.constant 0 : i32
    %dma_wait3A_7 = arith.constant 0 : i32
    %dma_wait3A_8 = tpu.memref_slice %arg2[%dma_wait3A, %dma_wait3A_7] : memref<10000x16xf32, #tpu.memory_space<hbm>> -> memref<5000x16xf32, #tpu.memory_space<hbm>>
    %dma_wait3A_9 = arith.constant 0 : i32
    %dma_wait3A_10 = arith.constant 0 : i32
    %dma_wait3A_11 = tpu.memref_slice %arg2[%dma_wait3A_9, %dma_wait3A_10] : memref<10000x16xf32, #tpu.memory_space<hbm>> -> memref<5000x16xf32, #tpu.memory_space<hbm>>
    tpu.wait_dma2 semaphore(%arg7 : memref<!tpu.dma_semaphore, #tpu.memory_space<semaphore_mem>>) src(%dma_wait3A_11 : memref<5000x16xf32, #tpu.memory_space<hbm>>) dst(%arg6 : memref<5000x16xf32, #tpu.memory_space<vmem>>)
    %mul3A_12 = arith.constant 5000 : i32
    %mul3A_13 = arith.muli %add3A, %mul3A_12 : i32
    "tpu.region"() ({
      %run_scoped3A = tpu.sem_alloc : memref<!tpu.dma_semaphore, #tpu.memory_space<semaphore_mem>>
      %dma_start3A = arith.constant 0 : i32
      %dma_start3A_14 = tpu.memref_slice %arg4[%mul3A_13, %dma_start3A] : memref<160000x16xf32, #tpu.memory_space<hbm>> -> memref<5000x16xf32, #tpu.memory_space<hbm>>
      %dma_start3A_15 = arith.constant 0 : i32
      %dma_start3A_16 = tpu.memref_slice %arg4[%mul3A_13, %dma_start3A_15] : memref<160000x16xf32, #tpu.memory_space<hbm>> -> memref<5000x16xf32, #tpu.memory_space<hbm>>
      tpu.enqueue_dma source(%arg6 : memref<5000x16xf32, #tpu.memory_space<vmem>>) target(%dma_start3A_16 : memref<5000x16xf32, #tpu.memory_space<hbm>>) target_semaphore(%run_scoped3A : memref<!tpu.dma_semaphore, #tpu.memory_space<semaphore_mem>>)
      %dma_wait3A_17 = arith.constant 0 : i32
      %dma_wait3A_18 = tpu.memref_slice %arg4[%mul3A_13, %dma_wait3A_17] : memref<160000x16xf32, #tpu.memory_space<hbm>> -> memref<5000x16xf32, #tpu.memory_space<hbm>>
      %dma_wait3A_19 = arith.constant 0 : i32
      %dma_wait3A_20 = tpu.memref_slice %arg4[%mul3A_13, %dma_wait3A_19] : memref<160000x16xf32, #tpu.memory_space<hbm>> -> memref<5000x16xf32, #tpu.memory_space<hbm>>
      tpu.wait_dma2 semaphore(%run_scoped3A : memref<!tpu.dma_semaphore, #tpu.memory_space<semaphore_mem>>) src(%arg6 : memref<5000x16xf32, #tpu.memory_space<vmem>>) dst(%dma_wait3A_20 : memref<5000x16xf32, #tpu.memory_space<hbm>>)
      tpu.yield
    }) : () -> ()
    return
  }
}

#map = affine_map<(d0, d1) -> (0, 0)>
#map1 = affine_map<(d0, d1) -> (0, 0, 0)>
module attributes {stable_mosaic.version = 14 : i64} {
  func.func @scatter(%arg0: i32, %arg1: i32, %arg2: memref<160000x16xf32, #tpu.memory_space<hbm>>, %arg3: memref<32x125x40xi32, #tpu.memory_space<hbm>>, %arg4: memref<10000x16xf32, #tpu.memory_space<hbm>>, %arg5: memref<2x10000x16xf32, #tpu.memory_space<hbm>>, %arg6: memref<125x40xi32, #tpu.memory_space<vmem>>, %arg7: memref<5000x16xf32, #tpu.memory_space<vmem>>, %arg8: memref<10000x16xf32, #tpu.memory_space<vmem_shared>>, %arg9: memref<!tpu.dma_semaphore, #tpu.memory_space<semaphore_mem>>) attributes {dimension_semantics = [#tpu.dimension_semantics<core_parallel>, #tpu.dimension_semantics<subcore_parallel>], iteration_bounds = array<i64: 2, 16>, scalar_prefetch = 0 : i64, scratch_operands = 4 : i64, tpu.core_type = #tpu.core_type<sc_vector_subcore>, window_params = [{transform_indices = #map}, {transform_indices = #map1}, {transform_indices = #map}, {transform_indices = #map1}]} {
    %mul3A = arith.constant 16 : i32
    %mul3A_0 = arith.muli %arg0, %mul3A : i32
    %add3A = arith.addi %mul3A_0, %arg1 : i32
    %mul3A_1 = arith.constant 625 : i32
    %mul3A_2 = arith.muli %arg1, %mul3A_1 : i32
    %mul3A_3 = arith.constant 625 : i32
    %mul3A_4 = arith.muli %arg1, %mul3A_3 : i32
    "tpu.region"() ({
      %run_scoped3A = tpu.sem_alloc : memref<!tpu.dma_semaphore, #tpu.memory_space<semaphore_mem>>
      %dma_start3A = arith.constant 0 : i32
      %dma_start3A_23 = tpu.memref_slice %arg8[%mul3A_4, %dma_start3A] : memref<10000x16xf32, #tpu.memory_space<vmem_shared>> -> memref<625x16xf32, #tpu.memory_space<vmem_shared>>
      %dma_start3A_24 = arith.constant 0 : i32
      %dma_start3A_25 = tpu.memref_slice %arg4[%mul3A_2, %dma_start3A_24] : memref<10000x16xf32, #tpu.memory_space<hbm>> -> memref<625x16xf32, #tpu.memory_space<hbm>>
      tpu.enqueue_dma source(%dma_start3A_25 : memref<625x16xf32, #tpu.memory_space<hbm>>) target(%dma_start3A_23 : memref<625x16xf32, #tpu.memory_space<vmem_shared>>) target_semaphore(%run_scoped3A : memref<!tpu.dma_semaphore, #tpu.memory_space<semaphore_mem>>)
      %dma_wait3A_26 = arith.constant 0 : i32
      %dma_wait3A_27 = tpu.memref_slice %arg8[%mul3A_4, %dma_wait3A_26] : memref<10000x16xf32, #tpu.memory_space<vmem_shared>> -> memref<625x16xf32, #tpu.memory_space<vmem_shared>>
      %dma_wait3A_28 = arith.constant 0 : i32
      %dma_wait3A_29 = tpu.memref_slice %arg4[%mul3A_2, %dma_wait3A_28] : memref<10000x16xf32, #tpu.memory_space<hbm>> -> memref<625x16xf32, #tpu.memory_space<hbm>>
      tpu.wait_dma2 semaphore(%run_scoped3A : memref<!tpu.dma_semaphore, #tpu.memory_space<semaphore_mem>>) src(%dma_wait3A_29 : memref<625x16xf32, #tpu.memory_space<hbm>>) dst(%dma_wait3A_27 : memref<625x16xf32, #tpu.memory_space<vmem_shared>>)
      tpu.yield
    }) : () -> ()
    %barrier3A = arith.constant 0 : index
    tpu.barrier barrier_id(%barrier3A)
    "tpu.region"() ({
      %run_scoped3A = tpu.sem_alloc : memref<!tpu.dma_semaphore, #tpu.memory_space<semaphore_mem>>
      %dma_start3A = arith.constant 0 : i32
      %dma_start3A_23 = arith.constant 0 : i32
      %dma_start3A_24 = tpu.memref_slice %arg3[%add3A, %dma_start3A, %dma_start3A_23] : memref<32x125x40xi32, #tpu.memory_space<hbm>> -> memref<1x125x40xi32, #tpu.memory_space<hbm>>
      %dma_start3A_25 = tpu.memref_squeeze %dma_start3A_24 : memref<1x125x40xi32, #tpu.memory_space<hbm>> -> memref<125x40xi32, #tpu.memory_space<hbm>>
      %dma_start3A_26 = arith.constant 0 : i32
      %dma_start3A_27 = arith.constant 0 : i32
      %dma_start3A_28 = tpu.memref_slice %arg3[%add3A, %dma_start3A_26, %dma_start3A_27] : memref<32x125x40xi32, #tpu.memory_space<hbm>> -> memref<1x125x40xi32, #tpu.memory_space<hbm>>
      %dma_start3A_29 = tpu.memref_squeeze %dma_start3A_28 : memref<1x125x40xi32, #tpu.memory_space<hbm>> -> memref<125x40xi32, #tpu.memory_space<hbm>>
      tpu.enqueue_dma source(%dma_start3A_29 : memref<125x40xi32, #tpu.memory_space<hbm>>) target(%arg6 : memref<125x40xi32, #tpu.memory_space<vmem>>) target_semaphore(%run_scoped3A : memref<!tpu.dma_semaphore, #tpu.memory_space<semaphore_mem>>)
      %dma_wait3A_30 = arith.constant 0 : i32
      %dma_wait3A_31 = arith.constant 0 : i32
      %dma_wait3A_32 = tpu.memref_slice %arg3[%add3A, %dma_wait3A_30, %dma_wait3A_31] : memref<32x125x40xi32, #tpu.memory_space<hbm>> -> memref<1x125x40xi32, #tpu.memory_space<hbm>>
      %dma_wait3A_33 = tpu.memref_squeeze %dma_wait3A_32 : memref<1x125x40xi32, #tpu.memory_space<hbm>> -> memref<125x40xi32, #tpu.memory_space<hbm>>
      %dma_wait3A_34 = arith.constant 0 : i32
      %dma_wait3A_35 = arith.constant 0 : i32
      %dma_wait3A_36 = tpu.memref_slice %arg3[%add3A, %dma_wait3A_34, %dma_wait3A_35] : memref<32x125x40xi32, #tpu.memory_space<hbm>> -> memref<1x125x40xi32, #tpu.memory_space<hbm>>
      %dma_wait3A_37 = tpu.memref_squeeze %dma_wait3A_36 : memref<1x125x40xi32, #tpu.memory_space<hbm>> -> memref<125x40xi32, #tpu.memory_space<hbm>>
      tpu.wait_dma2 semaphore(%run_scoped3A : memref<!tpu.dma_semaphore, #tpu.memory_space<semaphore_mem>>) src(%dma_wait3A_37 : memref<125x40xi32, #tpu.memory_space<hbm>>) dst(%arg6 : memref<125x40xi32, #tpu.memory_space<vmem>>)
      tpu.yield
    }) : () -> ()
    %mul3A_5 = arith.constant 5000 : i32
    %mul3A_6 = arith.muli %add3A, %mul3A_5 : i32
    "tpu.region"() ({
      %run_scoped3A = tpu.sem_alloc : memref<!tpu.dma_semaphore, #tpu.memory_space<semaphore_mem>>
      %dma_start3A = arith.constant 0 : i32
      %dma_start3A_23 = tpu.memref_slice %arg2[%mul3A_6, %dma_start3A] : memref<160000x16xf32, #tpu.memory_space<hbm>> -> memref<5000x16xf32, #tpu.memory_space<hbm>>
      %dma_start3A_24 = arith.constant 0 : i32
      %dma_start3A_25 = tpu.memref_slice %arg2[%mul3A_6, %dma_start3A_24] : memref<160000x16xf32, #tpu.memory_space<hbm>> -> memref<5000x16xf32, #tpu.memory_space<hbm>>
      tpu.enqueue_dma source(%dma_start3A_25 : memref<5000x16xf32, #tpu.memory_space<hbm>>) target(%arg7 : memref<5000x16xf32, #tpu.memory_space<vmem>>) target_semaphore(%run_scoped3A : memref<!tpu.dma_semaphore, #tpu.memory_space<semaphore_mem>>)
      %dma_wait3A_26 = arith.constant 0 : i32
      %dma_wait3A_27 = tpu.memref_slice %arg2[%mul3A_6, %dma_wait3A_26] : memref<160000x16xf32, #tpu.memory_space<hbm>> -> memref<5000x16xf32, #tpu.memory_space<hbm>>
      %dma_wait3A_28 = arith.constant 0 : i32
      %dma_wait3A_29 = tpu.memref_slice %arg2[%mul3A_6, %dma_wait3A_28] : memref<160000x16xf32, #tpu.memory_space<hbm>> -> memref<5000x16xf32, #tpu.memory_space<hbm>>
      tpu.wait_dma2 semaphore(%run_scoped3A : memref<!tpu.dma_semaphore, #tpu.memory_space<semaphore_mem>>) src(%dma_wait3A_29 : memref<5000x16xf32, #tpu.memory_space<hbm>>) dst(%arg7 : memref<5000x16xf32, #tpu.memory_space<vmem>>)
      tpu.yield
    }) : () -> ()
    %scan3A = arith.constant 0 : i32
    %scan3A_7 = arith.constant 0 : i32
    %scan3A_8 = arith.constant 125 : i32
    %scan3A_9 = arith.addi %scan3A_7, %scan3A_8 : i32
    %scan3A_10 = arith.constant 1 : i32
    %scan3A_11 = scf.for %scan3A_23 = %scan3A_7 to %scan3A_9 step %scan3A_10 iter_args(%scan3A_24 = %scan3A) -> (i32)  : i32 {
      %mul3A_25 = arith.constant 40 : i32
      %mul3A_26 = arith.muli %scan3A_23, %mul3A_25 : i32
      %dma_start3A = arith.constant 0 : i32
      %dma_start3A_27 = tpu.memref_slice %arg7[%mul3A_26, %dma_start3A] : memref<5000x16xf32, #tpu.memory_space<vmem>> -> memref<40x16xf32, #tpu.memory_space<vmem>>
      %dma_start3A_28 = arith.constant 0 : i32
      %dma_start3A_29 = tpu.memref_slice %arg6[%scan3A_23, %dma_start3A_28] : memref<125x40xi32, #tpu.memory_space<vmem>> -> memref<1x40xi32, #tpu.memory_space<vmem>>
      %dma_start3A_30 = tpu.memref_squeeze %dma_start3A_29 : memref<1x40xi32, #tpu.memory_space<vmem>> -> memref<40xi32, #tpu.memory_space<vmem>>
      %dma_start3A_31 = arith.constant 0 : i32
      %dma_start3A_32 = arith.constant 0 : i32
      %dma_start3A_33 = tpu.memref_slice %arg8[%dma_start3A_31, %dma_start3A_32] : memref<10000x16xf32, #tpu.memory_space<vmem_shared>> -> memref<10000x16xf32, #tpu.memory_space<vmem_shared>>
      tpu.enqueue_indirect_dma source(%dma_start3A_27 : memref<40x16xf32, #tpu.memory_space<vmem>>) target(%dma_start3A_33 : memref<10000x16xf32, #tpu.memory_space<vmem_shared>>) offsets(%dma_start3A_30 : memref<40xi32, #tpu.memory_space<vmem>>) semaphore(%arg9 : memref<!tpu.dma_semaphore, #tpu.memory_space<semaphore_mem>>) {add = true}
      %scan3A_34 = arith.constant 0 : i32
      scf.yield %scan3A_34 : i32
    }
    %scan3A_12 = arith.constant 125 : i32
    %mul3A_13 = arith.constant 5000 : i32
    %mul3A_14 = arith.muli %add3A, %mul3A_13 : i32
    %dma_wait3A = arith.constant 0 : i32
    %dma_wait3A_15 = tpu.memref_slice %arg2[%mul3A_14, %dma_wait3A] : memref<160000x16xf32, #tpu.memory_space<hbm>> -> memref<5000x16xf32, #tpu.memory_space<hbm>>
    %dma_wait3A_16 = arith.constant 0 : i32
    %dma_wait3A_17 = tpu.memref_slice %arg2[%mul3A_14, %dma_wait3A_16] : memref<160000x16xf32, #tpu.memory_space<hbm>> -> memref<5000x16xf32, #tpu.memory_space<hbm>>
    tpu.wait_dma2 semaphore(%arg9 : memref<!tpu.dma_semaphore, #tpu.memory_space<semaphore_mem>>) src(%dma_wait3A_17 : memref<5000x16xf32, #tpu.memory_space<hbm>>) dst(%arg7 : memref<5000x16xf32, #tpu.memory_space<vmem>>)
    %barrier3A_18 = arith.constant 0 : index
    tpu.barrier barrier_id(%barrier3A_18)
    %mul3A_19 = arith.constant 625 : i32
    %mul3A_20 = arith.muli %arg1, %mul3A_19 : i32
    %mul3A_21 = arith.constant 625 : i32
    %mul3A_22 = arith.muli %arg1, %mul3A_21 : i32
    "tpu.region"() ({
      %run_scoped3A = tpu.sem_alloc : memref<!tpu.dma_semaphore, #tpu.memory_space<semaphore_mem>>
      %dma_start3A = arith.constant 0 : i32
      %dma_start3A_23 = tpu.memref_slice %arg5[%arg0, %mul3A_22, %dma_start3A] : memref<2x10000x16xf32, #tpu.memory_space<hbm>> -> memref<1x625x16xf32, #tpu.memory_space<hbm>>
      %dma_start3A_24 = tpu.memref_squeeze %dma_start3A_23 : memref<1x625x16xf32, #tpu.memory_space<hbm>> -> memref<625x16xf32, #tpu.memory_space<hbm>>
      %dma_start3A_25 = arith.constant 0 : i32
      %dma_start3A_26 = tpu.memref_slice %arg8[%mul3A_20, %dma_start3A_25] : memref<10000x16xf32, #tpu.memory_space<vmem_shared>> -> memref<625x16xf32, #tpu.memory_space<vmem_shared>>
      tpu.enqueue_dma source(%dma_start3A_26 : memref<625x16xf32, #tpu.memory_space<vmem_shared>>) target(%dma_start3A_24 : memref<625x16xf32, #tpu.memory_space<hbm>>) target_semaphore(%run_scoped3A : memref<!tpu.dma_semaphore, #tpu.memory_space<semaphore_mem>>)
      %dma_wait3A_27 = arith.constant 0 : i32
      %dma_wait3A_28 = tpu.memref_slice %arg5[%arg0, %mul3A_22, %dma_wait3A_27] : memref<2x10000x16xf32, #tpu.memory_space<hbm>> -> memref<1x625x16xf32, #tpu.memory_space<hbm>>
      %dma_wait3A_29 = tpu.memref_squeeze %dma_wait3A_28 : memref<1x625x16xf32, #tpu.memory_space<hbm>> -> memref<625x16xf32, #tpu.memory_space<hbm>>
      %dma_wait3A_30 = arith.constant 0 : i32
      %dma_wait3A_31 = tpu.memref_slice %arg8[%mul3A_20, %dma_wait3A_30] : memref<10000x16xf32, #tpu.memory_space<vmem_shared>> -> memref<625x16xf32, #tpu.memory_space<vmem_shared>>
      tpu.wait_dma2 semaphore(%run_scoped3A : memref<!tpu.dma_semaphore, #tpu.memory_space<semaphore_mem>>) src(%dma_wait3A_31 : memref<625x16xf32, #tpu.memory_space<vmem_shared>>) dst(%dma_wait3A_29 : memref<625x16xf32, #tpu.memory_space<hbm>>)
      tpu.yield
    }) : () -> ()
    return
  }
}

#map = affine_map<(d0, d1) -> (0, 0)>
#map1 = affine_map<(d0, d1) -> (0, 0, 0)>
module attributes {stable_mosaic.version = 14 : i64} {
  func.func @gather2(%arg0: i32, %arg1: i32, %arg2: memref<10000x16xf32, #tpu.memory_space<hbm>>, %arg3: memref<32x125x40xi32, #tpu.memory_space<hbm>>, %arg4: memref<32x125x40xi32, #tpu.memory_space<hbm>>, %arg5: memref<160000x16xf32, #tpu.memory_space<hbm>>, %arg6: memref<160000x16xf32, #tpu.memory_space<hbm>>, %arg7: memref<125x40xi32, #tpu.memory_space<vmem>>, %arg8: memref<5000x16xf32, #tpu.memory_space<vmem>>, %arg9: memref<!tpu.dma_semaphore, #tpu.memory_space<semaphore_mem>>) attributes {dimension_semantics = [#tpu.dimension_semantics<core_parallel>, #tpu.dimension_semantics<subcore_parallel>], iteration_bounds = array<i64: 2, 16>, scalar_prefetch = 0 : i64, scratch_operands = 3 : i64, tpu.core_type = #tpu.core_type<sc_vector_subcore>, window_params = [{transform_indices = #map}, {transform_indices = #map1}, {transform_indices = #map1}, {transform_indices = #map}, {transform_indices = #map}]} {
    %mul3A = arith.constant 16 : i32
    %mul3A_0 = arith.muli %arg0, %mul3A : i32
    %add3A = arith.addi %mul3A_0, %arg1 : i32
    "tpu.region"() ({
      %run_scoped3A = tpu.sem_alloc : memref<!tpu.dma_semaphore, #tpu.memory_space<semaphore_mem>>
      %dma_start3A = arith.constant 0 : i32
      %dma_start3A_29 = arith.constant 0 : i32
      %dma_start3A_30 = tpu.memref_slice %arg3[%add3A, %dma_start3A, %dma_start3A_29] : memref<32x125x40xi32, #tpu.memory_space<hbm>> -> memref<1x125x40xi32, #tpu.memory_space<hbm>>
      %dma_start3A_31 = tpu.memref_squeeze %dma_start3A_30 : memref<1x125x40xi32, #tpu.memory_space<hbm>> -> memref<125x40xi32, #tpu.memory_space<hbm>>
      %dma_start3A_32 = arith.constant 0 : i32
      %dma_start3A_33 = arith.constant 0 : i32
      %dma_start3A_34 = tpu.memref_slice %arg3[%add3A, %dma_start3A_32, %dma_start3A_33] : memref<32x125x40xi32, #tpu.memory_space<hbm>> -> memref<1x125x40xi32, #tpu.memory_space<hbm>>
      %dma_start3A_35 = tpu.memref_squeeze %dma_start3A_34 : memref<1x125x40xi32, #tpu.memory_space<hbm>> -> memref<125x40xi32, #tpu.memory_space<hbm>>
      tpu.enqueue_dma source(%dma_start3A_35 : memref<125x40xi32, #tpu.memory_space<hbm>>) target(%arg7 : memref<125x40xi32, #tpu.memory_space<vmem>>) target_semaphore(%run_scoped3A : memref<!tpu.dma_semaphore, #tpu.memory_space<semaphore_mem>>)
      %dma_wait3A_36 = arith.constant 0 : i32
      %dma_wait3A_37 = arith.constant 0 : i32
      %dma_wait3A_38 = tpu.memref_slice %arg3[%add3A, %dma_wait3A_36, %dma_wait3A_37] : memref<32x125x40xi32, #tpu.memory_space<hbm>> -> memref<1x125x40xi32, #tpu.memory_space<hbm>>
      %dma_wait3A_39 = tpu.memref_squeeze %dma_wait3A_38 : memref<1x125x40xi32, #tpu.memory_space<hbm>> -> memref<125x40xi32, #tpu.memory_space<hbm>>
      %dma_wait3A_40 = arith.constant 0 : i32
      %dma_wait3A_41 = arith.constant 0 : i32
      %dma_wait3A_42 = tpu.memref_slice %arg3[%add3A, %dma_wait3A_40, %dma_wait3A_41] : memref<32x125x40xi32, #tpu.memory_space<hbm>> -> memref<1x125x40xi32, #tpu.memory_space<hbm>>
      %dma_wait3A_43 = tpu.memref_squeeze %dma_wait3A_42 : memref<1x125x40xi32, #tpu.memory_space<hbm>> -> memref<125x40xi32, #tpu.memory_space<hbm>>
      tpu.wait_dma2 semaphore(%run_scoped3A : memref<!tpu.dma_semaphore, #tpu.memory_space<semaphore_mem>>) src(%dma_wait3A_43 : memref<125x40xi32, #tpu.memory_space<hbm>>) dst(%arg7 : memref<125x40xi32, #tpu.memory_space<vmem>>)
      tpu.yield
    }) : () -> ()
    %scan3A = arith.constant 0 : i32
    %scan3A_1 = arith.constant 0 : i32
    %scan3A_2 = arith.constant 125 : i32
    %scan3A_3 = arith.addi %scan3A_1, %scan3A_2 : i32
    %scan3A_4 = arith.constant 1 : i32
    %scan3A_5 = scf.for %scan3A_29 = %scan3A_1 to %scan3A_3 step %scan3A_4 iter_args(%scan3A_30 = %scan3A) -> (i32)  : i32 {
      %mul3A_31 = arith.constant 40 : i32
      %mul3A_32 = arith.muli %scan3A_29, %mul3A_31 : i32
      %dma_start3A = arith.constant 0 : i32
      %dma_start3A_33 = tpu.memref_slice %arg8[%mul3A_32, %dma_start3A] : memref<5000x16xf32, #tpu.memory_space<vmem>> -> memref<40x16xf32, #tpu.memory_space<vmem>>
      %dma_start3A_34 = arith.constant 0 : i32
      %dma_start3A_35 = tpu.memref_slice %arg7[%scan3A_29, %dma_start3A_34] : memref<125x40xi32, #tpu.memory_space<vmem>> -> memref<1x40xi32, #tpu.memory_space<vmem>>
      %dma_start3A_36 = tpu.memref_squeeze %dma_start3A_35 : memref<1x40xi32, #tpu.memory_space<vmem>> -> memref<40xi32, #tpu.memory_space<vmem>>
      %dma_start3A_37 = arith.constant 0 : i32
      %dma_start3A_38 = arith.constant 0 : i32
      %dma_start3A_39 = tpu.memref_slice %arg2[%dma_start3A_37, %dma_start3A_38] : memref<10000x16xf32, #tpu.memory_space<hbm>> -> memref<10000x16xf32, #tpu.memory_space<hbm>>
      tpu.enqueue_indirect_dma source(%dma_start3A_39 : memref<10000x16xf32, #tpu.memory_space<hbm>>) target(%dma_start3A_33 : memref<40x16xf32, #tpu.memory_space<vmem>>) offsets(%dma_start3A_36 : memref<40xi32, #tpu.memory_space<vmem>>) semaphore(%arg9 : memref<!tpu.dma_semaphore, #tpu.memory_space<semaphore_mem>>)
      %scan3A_40 = arith.constant 0 : i32
      scf.yield %scan3A_40 : i32
    }
    %scan3A_6 = arith.constant 125 : i32
    %dma_wait3A = arith.constant 0 : i32
    %dma_wait3A_7 = arith.constant 0 : i32
    %dma_wait3A_8 = tpu.memref_slice %arg2[%dma_wait3A, %dma_wait3A_7] : memref<10000x16xf32, #tpu.memory_space<hbm>> -> memref<5000x16xf32, #tpu.memory_space<hbm>>
    %dma_wait3A_9 = arith.constant 0 : i32
    %dma_wait3A_10 = arith.constant 0 : i32
    %dma_wait3A_11 = tpu.memref_slice %arg2[%dma_wait3A_9, %dma_wait3A_10] : memref<10000x16xf32, #tpu.memory_space<hbm>> -> memref<5000x16xf32, #tpu.memory_space<hbm>>
    tpu.wait_dma2 semaphore(%arg9 : memref<!tpu.dma_semaphore, #tpu.memory_space<semaphore_mem>>) src(%dma_wait3A_11 : memref<5000x16xf32, #tpu.memory_space<hbm>>) dst(%arg8 : memref<5000x16xf32, #tpu.memory_space<vmem>>)
    %mul3A_12 = arith.constant 5000 : i32
    %mul3A_13 = arith.muli %add3A, %mul3A_12 : i32
    "tpu.region"() ({
      %run_scoped3A = tpu.sem_alloc : memref<!tpu.dma_semaphore, #tpu.memory_space<semaphore_mem>>
      %dma_start3A = arith.constant 0 : i32
      %dma_start3A_29 = tpu.memref_slice %arg5[%mul3A_13, %dma_start3A] : memref<160000x16xf32, #tpu.memory_space<hbm>> -> memref<5000x16xf32, #tpu.memory_space<hbm>>
      %dma_start3A_30 = arith.constant 0 : i32
      %dma_start3A_31 = tpu.memref_slice %arg5[%mul3A_13, %dma_start3A_30] : memref<160000x16xf32, #tpu.memory_space<hbm>> -> memref<5000x16xf32, #tpu.memory_space<hbm>>
      tpu.enqueue_dma source(%arg8 : memref<5000x16xf32, #tpu.memory_space<vmem>>) target(%dma_start3A_31 : memref<5000x16xf32, #tpu.memory_space<hbm>>) target_semaphore(%run_scoped3A : memref<!tpu.dma_semaphore, #tpu.memory_space<semaphore_mem>>)
      %dma_wait3A_32 = arith.constant 0 : i32
      %dma_wait3A_33 = tpu.memref_slice %arg5[%mul3A_13, %dma_wait3A_32] : memref<160000x16xf32, #tpu.memory_space<hbm>> -> memref<5000x16xf32, #tpu.memory_space<hbm>>
      %dma_wait3A_34 = arith.constant 0 : i32
      %dma_wait3A_35 = tpu.memref_slice %arg5[%mul3A_13, %dma_wait3A_34] : memref<160000x16xf32, #tpu.memory_space<hbm>> -> memref<5000x16xf32, #tpu.memory_space<hbm>>
      tpu.wait_dma2 semaphore(%run_scoped3A : memref<!tpu.dma_semaphore, #tpu.memory_space<semaphore_mem>>) src(%arg8 : memref<5000x16xf32, #tpu.memory_space<vmem>>) dst(%dma_wait3A_35 : memref<5000x16xf32, #tpu.memory_space<hbm>>)
      tpu.yield
    }) : () -> ()
    "tpu.region"() ({
      %run_scoped3A = tpu.sem_alloc : memref<!tpu.dma_semaphore, #tpu.memory_space<semaphore_mem>>
      %dma_start3A = arith.constant 0 : i32
      %dma_start3A_29 = arith.constant 0 : i32
      %dma_start3A_30 = tpu.memref_slice %arg4[%add3A, %dma_start3A, %dma_start3A_29] : memref<32x125x40xi32, #tpu.memory_space<hbm>> -> memref<1x125x40xi32, #tpu.memory_space<hbm>>
      %dma_start3A_31 = tpu.memref_squeeze %dma_start3A_30 : memref<1x125x40xi32, #tpu.memory_space<hbm>> -> memref<125x40xi32, #tpu.memory_space<hbm>>
      %dma_start3A_32 = arith.constant 0 : i32
      %dma_start3A_33 = arith.constant 0 : i32
      %dma_start3A_34 = tpu.memref_slice %arg4[%add3A, %dma_start3A_32, %dma_start3A_33] : memref<32x125x40xi32, #tpu.memory_space<hbm>> -> memref<1x125x40xi32, #tpu.memory_space<hbm>>
      %dma_start3A_35 = tpu.memref_squeeze %dma_start3A_34 : memref<1x125x40xi32, #tpu.memory_space<hbm>> -> memref<125x40xi32, #tpu.memory_space<hbm>>
      tpu.enqueue_dma source(%dma_start3A_35 : memref<125x40xi32, #tpu.memory_space<hbm>>) target(%arg7 : memref<125x40xi32, #tpu.memory_space<vmem>>) target_semaphore(%run_scoped3A : memref<!tpu.dma_semaphore, #tpu.memory_space<semaphore_mem>>)
      %dma_wait3A_36 = arith.constant 0 : i32
      %dma_wait3A_37 = arith.constant 0 : i32
      %dma_wait3A_38 = tpu.memref_slice %arg4[%add3A, %dma_wait3A_36, %dma_wait3A_37] : memref<32x125x40xi32, #tpu.memory_space<hbm>> -> memref<1x125x40xi32, #tpu.memory_space<hbm>>
      %dma_wait3A_39 = tpu.memref_squeeze %dma_wait3A_38 : memref<1x125x40xi32, #tpu.memory_space<hbm>> -> memref<125x40xi32, #tpu.memory_space<hbm>>
      %dma_wait3A_40 = arith.constant 0 : i32
      %dma_wait3A_41 = arith.constant 0 : i32
      %dma_wait3A_42 = tpu.memref_slice %arg4[%add3A, %dma_wait3A_40, %dma_wait3A_41] : memref<32x125x40xi32, #tpu.memory_space<hbm>> -> memref<1x125x40xi32, #tpu.memory_space<hbm>>
      %dma_wait3A_43 = tpu.memref_squeeze %dma_wait3A_42 : memref<1x125x40xi32, #tpu.memory_space<hbm>> -> memref<125x40xi32, #tpu.memory_space<hbm>>
      tpu.wait_dma2 semaphore(%run_scoped3A : memref<!tpu.dma_semaphore, #tpu.memory_space<semaphore_mem>>) src(%dma_wait3A_43 : memref<125x40xi32, #tpu.memory_space<hbm>>) dst(%arg7 : memref<125x40xi32, #tpu.memory_space<vmem>>)
      tpu.yield
    }) : () -> ()
    %scan3A_14 = arith.constant 0 : i32
    %scan3A_15 = arith.constant 0 : i32
    %scan3A_16 = arith.constant 125 : i32
    %scan3A_17 = arith.addi %scan3A_15, %scan3A_16 : i32
    %scan3A_18 = arith.constant 1 : i32
    %scan3A_19 = scf.for %scan3A_29 = %scan3A_15 to %scan3A_17 step %scan3A_18 iter_args(%scan3A_30 = %scan3A_14) -> (i32)  : i32 {
      %mul3A_31 = arith.constant 40 : i32
      %mul3A_32 = arith.muli %scan3A_29, %mul3A_31 : i32
      %dma_start3A = arith.constant 0 : i32
      %dma_start3A_33 = tpu.memref_slice %arg8[%mul3A_32, %dma_start3A] : memref<5000x16xf32, #tpu.memory_space<vmem>> -> memref<40x16xf32, #tpu.memory_space<vmem>>
      %dma_start3A_34 = arith.constant 0 : i32
      %dma_start3A_35 = tpu.memref_slice %arg7[%scan3A_29, %dma_start3A_34] : memref<125x40xi32, #tpu.memory_space<vmem>> -> memref<1x40xi32, #tpu.memory_space<vmem>>
      %dma_start3A_36 = tpu.memref_squeeze %dma_start3A_35 : memref<1x40xi32, #tpu.memory_space<vmem>> -> memref<40xi32, #tpu.memory_space<vmem>>
      %dma_start3A_37 = arith.constant 0 : i32
      %dma_start3A_38 = arith.constant 0 : i32
      %dma_start3A_39 = tpu.memref_slice %arg2[%dma_start3A_37, %dma_start3A_38] : memref<10000x16xf32, #tpu.memory_space<hbm>> -> memref<10000x16xf32, #tpu.memory_space<hbm>>
      tpu.enqueue_indirect_dma source(%dma_start3A_39 : memref<10000x16xf32, #tpu.memory_space<hbm>>) target(%dma_start3A_33 : memref<40x16xf32, #tpu.memory_space<vmem>>) offsets(%dma_start3A_36 : memref<40xi32, #tpu.memory_space<vmem>>) semaphore(%arg9 : memref<!tpu.dma_semaphore, #tpu.memory_space<semaphore_mem>>)
      %scan3A_40 = arith.constant 0 : i32
      scf.yield %scan3A_40 : i32
    }
    %scan3A_20 = arith.constant 125 : i32
    %dma_wait3A_21 = arith.constant 0 : i32
    %dma_wait3A_22 = arith.constant 0 : i32
    %dma_wait3A_23 = tpu.memref_slice %arg2[%dma_wait3A_21, %dma_wait3A_22] : memref<10000x16xf32, #tpu.memory_space<hbm>> -> memref<5000x16xf32, #tpu.memory_space<hbm>>
    %dma_wait3A_24 = arith.constant 0 : i32
    %dma_wait3A_25 = arith.constant 0 : i32
    %dma_wait3A_26 = tpu.memref_slice %arg2[%dma_wait3A_24, %dma_wait3A_25] : memref<10000x16xf32, #tpu.memory_space<hbm>> -> memref<5000x16xf32, #tpu.memory_space<hbm>>
    tpu.wait_dma2 semaphore(%arg9 : memref<!tpu.dma_semaphore, #tpu.memory_space<semaphore_mem>>) src(%dma_wait3A_26 : memref<5000x16xf32, #tpu.memory_space<hbm>>) dst(%arg8 : memref<5000x16xf32, #tpu.memory_space<vmem>>)
    %mul3A_27 = arith.constant 5000 : i32
    %mul3A_28 = arith.muli %add3A, %mul3A_27 : i32
    "tpu.region"() ({
      %run_scoped3A = tpu.sem_alloc : memref<!tpu.dma_semaphore, #tpu.memory_space<semaphore_mem>>
      %dma_start3A = arith.constant 0 : i32
      %dma_start3A_29 = tpu.memref_slice %arg6[%mul3A_28, %dma_start3A] : memref<160000x16xf32, #tpu.memory_space<hbm>> -> memref<5000x16xf32, #tpu.memory_space<hbm>>
      %dma_start3A_30 = arith.constant 0 : i32
      %dma_start3A_31 = tpu.memref_slice %arg6[%mul3A_28, %dma_start3A_30] : memref<160000x16xf32, #tpu.memory_space<hbm>> -> memref<5000x16xf32, #tpu.memory_space<hbm>>
      tpu.enqueue_dma source(%arg8 : memref<5000x16xf32, #tpu.memory_space<vmem>>) target(%dma_start3A_31 : memref<5000x16xf32, #tpu.memory_space<hbm>>) target_semaphore(%run_scoped3A : memref<!tpu.dma_semaphore, #tpu.memory_space<semaphore_mem>>)
      %dma_wait3A_32 = arith.constant 0 : i32
      %dma_wait3A_33 = tpu.memref_slice %arg6[%mul3A_28, %dma_wait3A_32] : memref<160000x16xf32, #tpu.memory_space<hbm>> -> memref<5000x16xf32, #tpu.memory_space<hbm>>
      %dma_wait3A_34 = arith.constant 0 : i32
      %dma_wait3A_35 = tpu.memref_slice %arg6[%mul3A_28, %dma_wait3A_34] : memref<160000x16xf32, #tpu.memory_space<hbm>> -> memref<5000x16xf32, #tpu.memory_space<hbm>>
      tpu.wait_dma2 semaphore(%run_scoped3A : memref<!tpu.dma_semaphore, #tpu.memory_space<semaphore_mem>>) src(%arg8 : memref<5000x16xf32, #tpu.memory_space<vmem>>) dst(%dma_wait3A_35 : memref<5000x16xf32, #tpu.memory_space<hbm>>)
      tpu.yield
    }) : () -> ()
    return
  }
}

module attributes {stable_mosaic.version = 14 : i64} {
  func.func @_node_prep_body(%arg0: memref<10000x16xf32, #tpu.memory_space<vmem>>, %arg1: memref<1x16xf32, #tpu.memory_space<vmem>>, %arg2: memref<1x16xf32, #tpu.memory_space<vmem>>, %arg3: memref<16x16xf32, #tpu.memory_space<vmem>>, %arg4: memref<1x16xf32, #tpu.memory_space<vmem>>, %arg5: memref<10000x16xf32, #tpu.memory_space<vmem>>, %arg6: memref<10000x16xf32, #tpu.memory_space<vmem>>) attributes {dimension_semantics = [], scalar_prefetch = 0 : i64, scratch_operands = 0 : i64, tpu.core_type = #tpu.core_type<tc>} {
    %get3A = arith.constant 0 : index
    %get3A_0 = arith.constant 0 : index
    %get3A_1 = vector.load %arg0[%get3A, %get3A_0] : memref<10000x16xf32, #tpu.memory_space<vmem>>, vector<10000x16xf32>
    %reduce_sum3A = arith.constant dense<0.000000e+00> : vector<16xf32>
    %reduce_sum3A_2 = vector.multi_reduction <add>, %get3A_1, %reduce_sum3A [0] : vector<10000x16xf32> to vector<16xf32>
    %broadcast_in_dim3A = vector.shape_cast %reduce_sum3A_2 : vector<16xf32> to vector<1x16xf32>
    %div3A = arith.constant 1.000000e+04 : f32
    %div3A_3 = vector.broadcast %div3A : f32 to vector<1x16xf32>
    %div3A_4 = arith.divf %broadcast_in_dim3A, %div3A_3 : vector<1x16xf32>
    %sub3A = vector.broadcast %div3A_4 : vector<1x16xf32> to vector<10000x16xf32>
    %sub3A_5 = arith.subf %get3A_1, %sub3A : vector<10000x16xf32>
    %mul3A = arith.mulf %sub3A_5, %sub3A_5 : vector<10000x16xf32>
    %reduce_sum3A_6 = arith.constant dense<0.000000e+00> : vector<16xf32>
    %reduce_sum3A_7 = vector.multi_reduction <add>, %mul3A, %reduce_sum3A_6 [0] : vector<10000x16xf32> to vector<16xf32>
    %broadcast_in_dim3A_8 = vector.shape_cast %reduce_sum3A_7 : vector<16xf32> to vector<1x16xf32>
    %div3A_9 = arith.constant 1.000000e+04 : f32
    %div3A_10 = vector.broadcast %div3A_9 : f32 to vector<1x16xf32>
    %div3A_11 = arith.divf %broadcast_in_dim3A_8, %div3A_10 : vector<1x16xf32>
    %add3A = arith.constant 9.99999974E-6 : f32
    %add3A_12 = vector.broadcast %add3A : f32 to vector<1x16xf32>
    %add3A_13 = arith.addf %div3A_11, %add3A_12 : vector<1x16xf32>
    %rsqrt3A = math.rsqrt %add3A_13 : vector<1x16xf32>
    %mul3A_14 = vector.broadcast %rsqrt3A : vector<1x16xf32> to vector<10000x16xf32>
    %mul3A_15 = arith.mulf %sub3A_5, %mul3A_14 : vector<10000x16xf32>
    %get3A_16 = arith.constant 0 : index
    %get3A_17 = arith.constant 0 : index
    %get3A_18 = vector.load %arg1[%get3A_16, %get3A_17] : memref<1x16xf32, #tpu.memory_space<vmem>>, vector<1x16xf32>
    %mul3A_19 = vector.broadcast %get3A_18 : vector<1x16xf32> to vector<10000x16xf32>
    %mul3A_20 = arith.mulf %mul3A_15, %mul3A_19 : vector<10000x16xf32>
    %get3A_21 = arith.constant 0 : index
    %get3A_22 = arith.constant 0 : index
    %get3A_23 = vector.load %arg2[%get3A_21, %get3A_22] : memref<1x16xf32, #tpu.memory_space<vmem>>, vector<1x16xf32>
    %add3A_24 = vector.broadcast %get3A_23 : vector<1x16xf32> to vector<10000x16xf32>
    %add3A_25 = arith.addf %mul3A_20, %add3A_24 : vector<10000x16xf32>
    %swap3A = arith.constant 0 : index
    %swap3A_26 = arith.constant 0 : index
    %swap3A_27 = vector.load %arg5[%swap3A, %swap3A_26] : memref<10000x16xf32, #tpu.memory_space<vmem>>, vector<10000x16xf32>
    tpu.vector_store %arg5[%swap3A, %swap3A_26], %add3A_25 {strides = array<i32>} : memref<10000x16xf32, #tpu.memory_space<vmem>>, vector<10000x16xf32>,
    %get3A_28 = arith.constant 0 : index
    %get3A_29 = arith.constant 0 : index
    %get3A_30 = vector.load %arg3[%get3A_28, %get3A_29] : memref<16x16xf32, #tpu.memory_space<vmem>>, vector<16x16xf32>
    %dot_general3A = arith.constant dense<0.000000e+00> : vector<10000x16xf32>
    %dot_general3A_31 = tpu.matmul %add3A_25, %get3A_30, %dot_general3A {dimension_numbers = #tpu.dot_dimension_numbers<[1], [0], [0], [1], [0, 0, 1, 1], [], []>, transpose_lhs_hint = false} : vector<10000x16xf32>, vector<16x16xf32>, vector<10000x16xf32> -> vector<10000x16xf32>
    %get3A_32 = arith.constant 0 : index
    %get3A_33 = arith.constant 0 : index
    %get3A_34 = vector.load %arg4[%get3A_32, %get3A_33] : memref<1x16xf32, #tpu.memory_space<vmem>>, vector<1x16xf32>
    %add3A_35 = vector.broadcast %get3A_34 : vector<1x16xf32> to vector<10000x16xf32>
    %add3A_36 = arith.addf %dot_general3A_31, %add3A_35 : vector<10000x16xf32>
    %swap3A_37 = arith.constant 0 : index
    %swap3A_38 = arith.constant 0 : index
    %swap3A_39 = vector.load %arg6[%swap3A_37, %swap3A_38] : memref<10000x16xf32, #tpu.memory_space<vmem>>, vector<10000x16xf32>
    tpu.vector_store %arg6[%swap3A_37, %swap3A_38], %add3A_36 {strides = array<i32>} : memref<10000x16xf32, #tpu.memory_space<vmem>>, vector<10000x16xf32>,
    return
  }
}

module attributes {stable_mosaic.version = 14 : i64} {
  func.func @_stats1_body(%arg0: i32, %arg1: memref<2000x128xf32, #tpu.memory_space<vmem>>, %arg2: memref<2x128xf32, #tpu.memory_space<vmem>>) attributes {dimension_semantics = [#tpu.dimension_semantics<arbitrary>], iteration_bounds = array<i64: 10>, scalar_prefetch = 0 : i64, scratch_operands = 0 : i64, tpu.core_type = #tpu.core_type<tc>, window_params = [{transform_indices = @transform_0, window_bounds = array<i64: 2000, 128>}, {pipeline_mode = #tpu.pipeline_mode<synchronous>, transform_indices = @transform_1, window_bounds = array<i64: 2, 128>}]} {
    %get3A = arith.constant 0 : index
    %get3A_0 = arith.constant 0 : index
    %get3A_1 = vector.load %arg1[%get3A, %get3A_0] : memref<2000x128xf32, #tpu.memory_space<vmem>>, vector<2000x128xf32>
    %eq3A = arith.constant 0 : i32
    %eq3A_2 = arith.cmpi eq, %arg0, %eq3A : i32
    %convert_element_type3A = arith.extui %eq3A_2 : i1 to i32
    %cond3A = arith.constant 0 : i32
    %cond3A_3 = arith.cmpi ne, %convert_element_type3A, %cond3A : i32
    scf.if %cond3A_3 {
      %broadcast_in_dim3A_20 = arith.constant 0.000000e+00 : f32
      %broadcast_in_dim3A_21 = vector.broadcast %broadcast_in_dim3A_20 : f32 to vector<2x128xf32>
      %swap3A_22 = arith.constant 0 : index
      %swap3A_23 = arith.constant 0 : index
      %swap3A_24 = vector.load %arg2[%swap3A_22, %swap3A_23] : memref<2x128xf32, #tpu.memory_space<vmem>>, vector<2x128xf32>
      tpu.vector_store %arg2[%swap3A_22, %swap3A_23], %broadcast_in_dim3A_21 {strides = array<i32>} : memref<2x128xf32, #tpu.memory_space<vmem>>, vector<2x128xf32>,
    } else {
    }
    %get3A_4 = arith.constant 0 : index
    %get3A_5 = arith.constant 0 : index
    %get3A_6 = vector.load %arg2[%get3A_4, %get3A_5] : memref<2x128xf32, #tpu.memory_space<vmem>>, vector<1x128xf32>
    %reduce_sum3A = arith.constant dense<0.000000e+00> : vector<128xf32>
    %reduce_sum3A_7 = vector.multi_reduction <add>, %get3A_1, %reduce_sum3A [0] : vector<2000x128xf32> to vector<128xf32>
    %broadcast_in_dim3A = vector.shape_cast %reduce_sum3A_7 : vector<128xf32> to vector<1x128xf32>
    %add3A = arith.addf %get3A_6, %broadcast_in_dim3A : vector<1x128xf32>
    %swap3A = arith.constant 0 : index
    %swap3A_8 = arith.constant 0 : index
    %swap3A_9 = vector.load %arg2[%swap3A, %swap3A_8] : memref<2x128xf32, #tpu.memory_space<vmem>>, vector<1x128xf32>
    tpu.vector_store %arg2[%swap3A, %swap3A_8], %add3A {strides = array<i32>} : memref<2x128xf32, #tpu.memory_space<vmem>>, vector<1x128xf32>,
    %get3A_10 = arith.constant 1 : index
    %get3A_11 = arith.constant 0 : index
    %get3A_12 = vector.load %arg2[%get3A_10, %get3A_11] : memref<2x128xf32, #tpu.memory_space<vmem>>, vector<1x128xf32>
    %mul3A = arith.mulf %get3A_1, %get3A_1 : vector<2000x128xf32>
    %reduce_sum3A_13 = arith.constant dense<0.000000e+00> : vector<128xf32>
    %reduce_sum3A_14 = vector.multi_reduction <add>, %mul3A, %reduce_sum3A_13 [0] : vector<2000x128xf32> to vector<128xf32>
    %broadcast_in_dim3A_15 = vector.shape_cast %reduce_sum3A_14 : vector<128xf32> to vector<1x128xf32>
    %add3A_16 = arith.addf %get3A_12, %broadcast_in_dim3A_15 : vector<1x128xf32>
    %swap3A_17 = arith.constant 1 : index
    %swap3A_18 = arith.constant 0 : index
    %swap3A_19 = vector.load %arg2[%swap3A_17, %swap3A_18] : memref<2x128xf32, #tpu.memory_space<vmem>>, vector<1x128xf32>
    tpu.vector_store %arg2[%swap3A_17, %swap3A_18], %add3A_16 {strides = array<i32>} : memref<2x128xf32, #tpu.memory_space<vmem>>, vector<1x128xf32>,
    return
  }
  func.func @transform_0(%arg0: i32) -> (i32, i32) {
    %c0_i32 = arith.constant 0 : i32
    %c0_i32_0 = arith.constant 0 : i32
    return %arg0, %c0_i32 : i32, i32
  }
  func.func @transform_1(%arg0: i32) -> (i32, i32) {
    %c0_i32 = arith.constant 0 : i32
    %c0_i32_0 = arith.constant 0 : i32
    %c0_i32_1 = arith.constant 0 : i32
    return %c0_i32, %c0_i32_0 : i32, i32
  }
}

module attributes {stable_mosaic.version = 14 : i64} {
  func.func @_stage_lin_body(%arg0: i32, %arg1: memref<2000x128xf32, #tpu.memory_space<vmem>>, %arg2: memref<2x128xf32, #tpu.memory_space<vmem>>, %arg3: memref<128x128xf32, #tpu.memory_space<vmem>>, %arg4: memref<1x128xf32, #tpu.memory_space<vmem>>, %arg5: memref<1x128xf32, #tpu.memory_space<vmem>>, %arg6: memref<128x128xf32, #tpu.memory_space<vmem>>, %arg7: memref<1x128xf32, #tpu.memory_space<vmem>>, %arg8: memref<2000x128xf32, #tpu.memory_space<vmem>>, %arg9: memref<2x128xf32, #tpu.memory_space<vmem>>) attributes {dimension_semantics = [#tpu.dimension_semantics<arbitrary>], iteration_bounds = array<i64: 10>, scalar_prefetch = 0 : i64, scratch_operands = 0 : i64, tpu.core_type = #tpu.core_type<tc>, window_params = [{transform_indices = @transform_0, window_bounds = array<i64: 2000, 128>}, {pipeline_mode = #tpu.pipeline_mode<synchronous>, transform_indices = @transform_1, window_bounds = array<i64: 2, 128>}, {pipeline_mode = #tpu.pipeline_mode<synchronous>, transform_indices = @transform_2, window_bounds = array<i64: 128, 128>}, {pipeline_mode = #tpu.pipeline_mode<synchronous>, transform_indices = @transform_3, window_bounds = array<i64: 1, 128>}, {pipeline_mode = #tpu.pipeline_mode<synchronous>, transform_indices = @transform_4, window_bounds = array<i64: 1, 128>}, {pipeline_mode = #tpu.pipeline_mode<synchronous>, transform_indices = @transform_5, window_bounds = array<i64: 128, 128>}, {pipeline_mode = #tpu.pipeline_mode<synchronous>, transform_indices = @transform_6, window_bounds = array<i64: 1, 128>}, {transform_indices = @transform_7, window_bounds = array<i64: 2000, 128>}, {pipeline_mode = #tpu.pipeline_mode<synchronous>, transform_indices = @transform_8, window_bounds = array<i64: 2, 128>}]} {
    %get3A = arith.constant 0 : index
    %get3A_0 = arith.constant 0 : index
    %get3A_1 = vector.load %arg1[%get3A, %get3A_0] : memref<2000x128xf32, #tpu.memory_space<vmem>>, vector<2000x128xf32>
    %get3A_2 = arith.constant 0 : index
    %get3A_3 = arith.constant 0 : index
    %get3A_4 = vector.load %arg2[%get3A_2, %get3A_3] : memref<2x128xf32, #tpu.memory_space<vmem>>, vector<2x128xf32>
    %get3A_5 = arith.constant 0 : index
    %get3A_6 = arith.constant 0 : index
    %get3A_7 = vector.load %arg3[%get3A_5, %get3A_6] : memref<128x128xf32, #tpu.memory_space<vmem>>, vector<128x128xf32>
    %get3A_8 = arith.constant 0 : index
    %get3A_9 = arith.constant 0 : index
    %get3A_10 = vector.load %arg4[%get3A_8, %get3A_9] : memref<1x128xf32, #tpu.memory_space<vmem>>, vector<1x128xf32>
    %get3A_11 = arith.constant 0 : index
    %get3A_12 = arith.constant 0 : index
    %get3A_13 = vector.load %arg5[%get3A_11, %get3A_12] : memref<1x128xf32, #tpu.memory_space<vmem>>, vector<1x128xf32>
    %slice3A = vector.extract_strided_slice %get3A_4 {offsets = [0, 0], sizes = [1, 128], strides = [1, 1]} : vector<2x128xf32> to vector<1x128xf32>
    %dot_general3A = arith.constant dense<0.000000e+00> : vector<1x128xf32>
    %dot_general3A_14 = tpu.matmul %slice3A, %get3A_7, %dot_general3A {dimension_numbers = #tpu.dot_dimension_numbers<[1], [0], [0], [1], [0, 0, 1, 1], [], []>, precision = #tpu.contract_precision<fp32>, transpose_lhs_hint = false} : vector<1x128xf32>, vector<128x128xf32>, vector<1x128xf32> -> vector<1x128xf32>
    %slice3A_15 = vector.extract_strided_slice %get3A_4 {offsets = [1, 0], sizes = [1, 128], strides = [1, 1]} : vector<2x128xf32> to vector<1x128xf32>
    %dot_general3A_16 = arith.constant dense<0.000000e+00> : vector<1x128xf32>
    %dot_general3A_17 = tpu.matmul %slice3A_15, %get3A_7, %dot_general3A_16 {dimension_numbers = #tpu.dot_dimension_numbers<[1], [0], [0], [1], [0, 0, 1, 1], [], []>, precision = #tpu.contract_precision<fp32>, transpose_lhs_hint = false} : vector<1x128xf32>, vector<128x128xf32>, vector<1x128xf32> -> vector<1x128xf32>
    %mul3A = arith.mulf %dot_general3A_14, %dot_general3A_14 : vector<1x128xf32>
    %sub3A = arith.subf %dot_general3A_17, %mul3A : vector<1x128xf32>
    %max3A = arith.constant 0.000000e+00 : f32
    %max3A_18 = vector.broadcast %max3A : f32 to vector<1x128xf32>
    %max3A_19 = arith.maximumf %sub3A, %max3A_18 : vector<1x128xf32>
    %add3A = arith.constant 9.99999974E-6 : f32
    %add3A_20 = vector.broadcast %add3A : f32 to vector<1x128xf32>
    %add3A_21 = arith.addf %max3A_19, %add3A_20 : vector<1x128xf32>
    %rsqrt3A = math.rsqrt %add3A_21 : vector<1x128xf32>
    %sub3A_22 = vector.broadcast %dot_general3A_14 : vector<1x128xf32> to vector<2000x128xf32>
    %sub3A_23 = arith.subf %get3A_1, %sub3A_22 : vector<2000x128xf32>
    %mul3A_24 = vector.broadcast %rsqrt3A : vector<1x128xf32> to vector<2000x128xf32>
    %mul3A_25 = arith.mulf %sub3A_23, %mul3A_24 : vector<2000x128xf32>
    %mul3A_26 = vector.broadcast %get3A_10 : vector<1x128xf32> to vector<2000x128xf32>
    %mul3A_27 = arith.mulf %mul3A_25, %mul3A_26 : vector<2000x128xf32>
    %add3A_28 = vector.broadcast %get3A_13 : vector<1x128xf32> to vector<2000x128xf32>
    %add3A_29 = arith.addf %mul3A_27, %add3A_28 : vector<2000x128xf32>
    %get3A_30 = arith.constant 0 : index
    %get3A_31 = arith.constant 0 : index
    %get3A_32 = vector.load %arg6[%get3A_30, %get3A_31] : memref<128x128xf32, #tpu.memory_space<vmem>>, vector<128x128xf32>
    %dot_general3A_33 = arith.constant dense<0.000000e+00> : vector<2000x128xf32>
    %dot_general3A_34 = tpu.matmul %add3A_29, %get3A_32, %dot_general3A_33 {dimension_numbers = #tpu.dot_dimension_numbers<[1], [0], [0], [1], [0, 0, 1, 1], [], []>, transpose_lhs_hint = false} : vector<2000x128xf32>, vector<128x128xf32>, vector<2000x128xf32> -> vector<2000x128xf32>
    %get3A_35 = arith.constant 0 : index
    %get3A_36 = arith.constant 0 : index
    %get3A_37 = vector.load %arg7[%get3A_35, %get3A_36] : memref<1x128xf32, #tpu.memory_space<vmem>>, vector<1x128xf32>
    %add3A_38 = vector.broadcast %get3A_37 : vector<1x128xf32> to vector<2000x128xf32>
    %add3A_39 = arith.addf %dot_general3A_34, %add3A_38 : vector<2000x128xf32>
    %gt3A = arith.constant 0.000000e+00 : f32
    %gt3A_40 = vector.broadcast %gt3A : f32 to vector<2000x128xf32>
    %gt3A_41 = arith.cmpf ogt, %add3A_39, %gt3A_40 : vector<2000x128xf32>
    %exp3A = math.exp %add3A_39 : vector<2000x128xf32>
    %sub3A_42 = arith.constant 1.000000e+00 : f32
    %sub3A_43 = vector.broadcast %sub3A_42 : f32 to vector<2000x128xf32>
    %sub3A_44 = arith.subf %exp3A, %sub3A_43 : vector<2000x128xf32>
    %select_n3A = arith.select %gt3A_41, %add3A_39, %sub3A_44 : vector<2000x128xi1>, vector<2000x128xf32>
    %swap3A = arith.constant 0 : index
    %swap3A_45 = arith.constant 0 : index
    %swap3A_46 = vector.load %arg8[%swap3A, %swap3A_45] : memref<2000x128xf32, #tpu.memory_space<vmem>>, vector<2000x128xf32>
    tpu.vector_store %arg8[%swap3A, %swap3A_45], %select_n3A {strides = array<i32>} : memref<2000x128xf32, #tpu.memory_space<vmem>>, vector<2000x128xf32>,
    %eq3A = arith.constant 0 : i32
    %eq3A_47 = arith.cmpi eq, %arg0, %eq3A : i32
    %convert_element_type3A = arith.extui %eq3A_47 : i1 to i32
    %cond3A = arith.constant 0 : i32
    %cond3A_48 = arith.cmpi ne, %convert_element_type3A, %cond3A : i32
    scf.if %cond3A_48 {
      %broadcast_in_dim3A_68 = arith.constant 0.000000e+00 : f32
      %broadcast_in_dim3A_69 = vector.broadcast %broadcast_in_dim3A_68 : f32 to vector<2x128xf32>
      %swap3A_70 = arith.constant 0 : index
      %swap3A_71 = arith.constant 0 : index
      %swap3A_72 = vector.load %arg9[%swap3A_70, %swap3A_71] : memref<2x128xf32, #tpu.memory_space<vmem>>, vector<2x128xf32>
      tpu.vector_store %arg9[%swap3A_70, %swap3A_71], %broadcast_in_dim3A_69 {strides = array<i32>} : memref<2x128xf32, #tpu.memory_space<vmem>>, vector<2x128xf32>,
    } else {
    }
    %get3A_49 = arith.constant 0 : index
    %get3A_50 = arith.constant 0 : index
    %get3A_51 = vector.load %arg9[%get3A_49, %get3A_50] : memref<2x128xf32, #tpu.memory_space<vmem>>, vector<1x128xf32>
    %reduce_sum3A = arith.constant dense<0.000000e+00> : vector<128xf32>
    %reduce_sum3A_52 = vector.multi_reduction <add>, %select_n3A, %reduce_sum3A [0] : vector<2000x128xf32> to vector<128xf32>
    %broadcast_in_dim3A = vector.shape_cast %reduce_sum3A_52 : vector<128xf32> to vector<1x128xf32>
    %add3A_53 = arith.addf %get3A_51, %broadcast_in_dim3A : vector<1x128xf32>
    %swap3A_54 = arith.constant 0 : index
    %swap3A_55 = arith.constant 0 : index
    %swap3A_56 = vector.load %arg9[%swap3A_54, %swap3A_55] : memref<2x128xf32, #tpu.memory_space<vmem>>, vector<1x128xf32>
    tpu.vector_store %arg9[%swap3A_54, %swap3A_55], %add3A_53 {strides = array<i32>} : memref<2x128xf32, #tpu.memory_space<vmem>>, vector<1x128xf32>,
    %get3A_57 = arith.constant 1 : index
    %get3A_58 = arith.constant 0 : index
    %get3A_59 = vector.load %arg9[%get3A_57, %get3A_58] : memref<2x128xf32, #tpu.memory_space<vmem>>, vector<1x128xf32>
    %mul3A_60 = arith.mulf %select_n3A, %select_n3A : vector<2000x128xf32>
    %reduce_sum3A_61 = arith.constant dense<0.000000e+00> : vector<128xf32>
    %reduce_sum3A_62 = vector.multi_reduction <add>, %mul3A_60, %reduce_sum3A_61 [0] : vector<2000x128xf32> to vector<128xf32>
    %broadcast_in_dim3A_63 = vector.shape_cast %reduce_sum3A_62 : vector<128xf32> to vector<1x128xf32>
    %add3A_64 = arith.addf %get3A_59, %broadcast_in_dim3A_63 : vector<1x128xf32>
    %swap3A_65 = arith.constant 1 : index
    %swap3A_66 = arith.constant 0 : index
    %swap3A_67 = vector.load %arg9[%swap3A_65, %swap3A_66] : memref<2x128xf32, #tpu.memory_space<vmem>>, vector<1x128xf32>
    tpu.vector_store %arg9[%swap3A_65, %swap3A_66], %add3A_64 {strides = array<i32>} : memref<2x128xf32, #tpu.memory_space<vmem>>, vector<1x128xf32>,
    return
  }
  func.func @transform_0(%arg0: i32) -> (i32, i32) {
    %c0_i32 = arith.constant 0 : i32
    %c0_i32_0 = arith.constant 0 : i32
    return %arg0, %c0_i32 : i32, i32
  }
  func.func @transform_1(%arg0: i32) -> (i32, i32) {
    %c0_i32 = arith.constant 0 : i32
    %c0_i32_0 = arith.constant 0 : i32
    %c0_i32_1 = arith.constant 0 : i32
    return %c0_i32, %c0_i32_0 : i32, i32
  }
  func.func @transform_2(%arg0: i32) -> (i32, i32) {
    %c0_i32 = arith.constant 0 : i32
    %c0_i32_0 = arith.constant 0 : i32
    %c0_i32_1 = arith.constant 0 : i32
    return %c0_i32, %c0_i32_0 : i32, i32
  }
  func.func @transform_3(%arg0: i32) -> (i32, i32) {
    %c0_i32 = arith.constant 0 : i32
    %c0_i32_0 = arith.constant 0 : i32
    %c0_i32_1 = arith.constant 0 : i32
    return %c0_i32, %c0_i32_0 : i32, i32
  }
  func.func @transform_4(%arg0: i32) -> (i32, i32) {
    %c0_i32 = arith.constant 0 : i32
    %c0_i32_0 = arith.constant 0 : i32
    %c0_i32_1 = arith.constant 0 : i32
    return %c0_i32, %c0_i32_0 : i32, i32
  }
  func.func @transform_5(%arg0: i32) -> (i32, i32) {
    %c0_i32 = arith.constant 0 : i32
    %c0_i32_0 = arith.constant 0 : i32
    %c0_i32_1 = arith.constant 0 : i32
    return %c0_i32, %c0_i32_0 : i32, i32
  }
  func.func @transform_6(%arg0: i32) -> (i32, i32) {
    %c0_i32 = arith.constant 0 : i32
    %c0_i32_0 = arith.constant 0 : i32
    %c0_i32_1 = arith.constant 0 : i32
    return %c0_i32, %c0_i32_0 : i32, i32
  }
  func.func @transform_7(%arg0: i32) -> (i32, i32) {
    %c0_i32 = arith.constant 0 : i32
    %c0_i32_0 = arith.constant 0 : i32
    return %arg0, %c0_i32 : i32, i32
  }
  func.func @transform_8(%arg0: i32) -> (i32, i32) {
    %c0_i32 = arith.constant 0 : i32
    %c0_i32_0 = arith.constant 0 : i32
    %c0_i32_1 = arith.constant 0 : i32
    return %c0_i32, %c0_i32_0 : i32, i32
  }
}

module attributes {stable_mosaic.version = 14 : i64} {
  func.func @_msg_body(%arg0: i32, %arg1: memref<2000x128xf32, #tpu.memory_space<vmem>>, %arg2: memref<2000x128xf32, #tpu.memory_space<vmem>>, %arg3: memref<2x128xf32, #tpu.memory_space<vmem>>, %arg4: memref<128x128xf32, #tpu.memory_space<vmem>>, %arg5: memref<1x128xf32, #tpu.memory_space<vmem>>, %arg6: memref<1x128xf32, #tpu.memory_space<vmem>>, %arg7: memref<16x128x128xf32, #tpu.memory_space<vmem>>, %arg8: memref<16x128xf32, #tpu.memory_space<vmem>>, %arg9: memref<16x128x128xf32, #tpu.memory_space<vmem>>, %arg10: memref<2000x128xf32, #tpu.memory_space<vmem>>) attributes {dimension_semantics = [#tpu.dimension_semantics<arbitrary>], iteration_bounds = array<i64: 10>, scalar_prefetch = 0 : i64, scratch_operands = 0 : i64, tpu.core_type = #tpu.core_type<tc>, window_params = [{transform_indices = @transform_0, window_bounds = array<i64: 2000, 128>}, {transform_indices = @transform_1, window_bounds = array<i64: 2000, 128>}, {pipeline_mode = #tpu.pipeline_mode<synchronous>, transform_indices = @transform_2, window_bounds = array<i64: 2, 128>}, {pipeline_mode = #tpu.pipeline_mode<synchronous>, transform_indices = @transform_3, window_bounds = array<i64: 128, 128>}, {pipeline_mode = #tpu.pipeline_mode<synchronous>, transform_indices = @transform_4, window_bounds = array<i64: 1, 128>}, {pipeline_mode = #tpu.pipeline_mode<synchronous>, transform_indices = @transform_5, window_bounds = array<i64: 1, 128>}, {pipeline_mode = #tpu.pipeline_mode<synchronous>, transform_indices = @transform_6, window_bounds = array<i64: 16, 128, 128>}, {pipeline_mode = #tpu.pipeline_mode<synchronous>, transform_indices = @transform_7, window_bounds = array<i64: 16, 128>}, {pipeline_mode = #tpu.pipeline_mode<synchronous>, transform_indices = @transform_8, window_bounds = array<i64: 16, 128, 128>}, {transform_indices = @transform_9, window_bounds = array<i64: 2000, 128>}]} {
    %get3A = arith.constant 0 : index
    %get3A_0 = arith.constant 0 : index
    %get3A_1 = vector.load %arg2[%get3A, %get3A_0] : memref<2000x128xf32, #tpu.memory_space<vmem>>, vector<2000x128xf32>
    %get3A_2 = arith.constant 0 : index
    %get3A_3 = arith.constant 0 : index
    %get3A_4 = vector.load %arg3[%get3A_2, %get3A_3] : memref<2x128xf32, #tpu.memory_space<vmem>>, vector<2x128xf32>
    %get3A_5 = arith.constant 0 : index
    %get3A_6 = arith.constant 0 : index
    %get3A_7 = vector.load %arg4[%get3A_5, %get3A_6] : memref<128x128xf32, #tpu.memory_space<vmem>>, vector<128x128xf32>
    %get3A_8 = arith.constant 0 : index
    %get3A_9 = arith.constant 0 : index
    %get3A_10 = vector.load %arg5[%get3A_8, %get3A_9] : memref<1x128xf32, #tpu.memory_space<vmem>>, vector<1x128xf32>
    %get3A_11 = arith.constant 0 : index
    %get3A_12 = arith.constant 0 : index
    %get3A_13 = vector.load %arg6[%get3A_11, %get3A_12] : memref<1x128xf32, #tpu.memory_space<vmem>>, vector<1x128xf32>
    %slice3A = vector.extract_strided_slice %get3A_4 {offsets = [0, 0], sizes = [1, 128], strides = [1, 1]} : vector<2x128xf32> to vector<1x128xf32>
    %dot_general3A = arith.constant dense<0.000000e+00> : vector<1x128xf32>
    %dot_general3A_14 = tpu.matmul %slice3A, %get3A_7, %dot_general3A {dimension_numbers = #tpu.dot_dimension_numbers<[1], [0], [0], [1], [0, 0, 1, 1], [], []>, precision = #tpu.contract_precision<fp32>, transpose_lhs_hint = false} : vector<1x128xf32>, vector<128x128xf32>, vector<1x128xf32> -> vector<1x128xf32>
    %slice3A_15 = vector.extract_strided_slice %get3A_4 {offsets = [1, 0], sizes = [1, 128], strides = [1, 1]} : vector<2x128xf32> to vector<1x128xf32>
    %dot_general3A_16 = arith.constant dense<0.000000e+00> : vector<1x128xf32>
    %dot_general3A_17 = tpu.matmul %slice3A_15, %get3A_7, %dot_general3A_16 {dimension_numbers = #tpu.dot_dimension_numbers<[1], [0], [0], [1], [0, 0, 1, 1], [], []>, precision = #tpu.contract_precision<fp32>, transpose_lhs_hint = false} : vector<1x128xf32>, vector<128x128xf32>, vector<1x128xf32> -> vector<1x128xf32>
    %mul3A = arith.mulf %dot_general3A_14, %dot_general3A_14 : vector<1x128xf32>
    %sub3A = arith.subf %dot_general3A_17, %mul3A : vector<1x128xf32>
    %max3A = arith.constant 0.000000e+00 : f32
    %max3A_18 = vector.broadcast %max3A : f32 to vector<1x128xf32>
    %max3A_19 = arith.maximumf %sub3A, %max3A_18 : vector<1x128xf32>
    %add3A = arith.constant 9.99999974E-6 : f32
    %add3A_20 = vector.broadcast %add3A : f32 to vector<1x128xf32>
    %add3A_21 = arith.addf %max3A_19, %add3A_20 : vector<1x128xf32>
    %rsqrt3A = math.rsqrt %add3A_21 : vector<1x128xf32>
    %sub3A_22 = vector.broadcast %dot_general3A_14 : vector<1x128xf32> to vector<2000x128xf32>
    %sub3A_23 = arith.subf %get3A_1, %sub3A_22 : vector<2000x128xf32>
    %mul3A_24 = vector.broadcast %rsqrt3A : vector<1x128xf32> to vector<2000x128xf32>
    %mul3A_25 = arith.mulf %sub3A_23, %mul3A_24 : vector<2000x128xf32>
    %mul3A_26 = vector.broadcast %get3A_10 : vector<1x128xf32> to vector<2000x128xf32>
    %mul3A_27 = arith.mulf %mul3A_25, %mul3A_26 : vector<2000x128xf32>
    %add3A_28 = vector.broadcast %get3A_13 : vector<1x128xf32> to vector<2000x128xf32>
    %add3A_29 = arith.addf %mul3A_27, %add3A_28 : vector<2000x128xf32>
    %get3A_30 = arith.constant 0 : index
    %get3A_31 = arith.constant 0 : index
    %get3A_32 = vector.load %arg1[%get3A_30, %get3A_31] : memref<2000x128xf32, #tpu.memory_space<vmem>>, vector<2000x128xf32>
    %get3A_33 = arith.constant 0 : index
    %get3A_34 = arith.constant 0 : index
    %get3A_35 = arith.constant 0 : index
    %get3A_36 = vector.load %arg7[%get3A_33, %get3A_34, %get3A_35] : memref<16x128x128xf32, #tpu.memory_space<vmem>>, vector<1x128x128xf32>
    %get3A_37 = vector.shape_cast %get3A_36 : vector<1x128x128xf32> to vector<128x128xf32>
    %dot_general3A_38 = arith.constant dense<0.000000e+00> : vector<2000x128xf32>
    %dot_general3A_39 = tpu.matmul %add3A_29, %get3A_37, %dot_general3A_38 {dimension_numbers = #tpu.dot_dimension_numbers<[1], [0], [0], [1], [0, 0, 1, 1], [], []>, transpose_lhs_hint = false} : vector<2000x128xf32>, vector<128x128xf32>, vector<2000x128xf32> -> vector<2000x128xf32>
    %get3A_40 = arith.constant 0 : index
    %get3A_41 = arith.constant 0 : index
    %get3A_42 = vector.load %arg8[%get3A_40, %get3A_41] : memref<16x128xf32, #tpu.memory_space<vmem>>, vector<1x128xf32>
    %add3A_43 = vector.broadcast %get3A_42 : vector<1x128xf32> to vector<2000x128xf32>
    %add3A_44 = arith.addf %dot_general3A_39, %add3A_43 : vector<2000x128xf32>
    %convert_element_type3A = arith.truncf %add3A_44 : vector<2000x128xf32> to vector<2000x128xbf16>
    %convert_element_type3A_45 = arith.extf %convert_element_type3A : vector<2000x128xbf16> to vector<2000x128xf32>
    %get3A_46 = arith.constant 0 : index
    %get3A_47 = arith.constant 0 : index
    %get3A_48 = arith.constant 0 : index
    %get3A_49 = vector.load %arg9[%get3A_46, %get3A_47, %get3A_48] : memref<16x128x128xf32, #tpu.memory_space<vmem>>, vector<1x128x128xf32>
    %get3A_50 = vector.shape_cast %get3A_49 : vector<1x128x128xf32> to vector<128x128xf32>
    %dot_general3A_51 = arith.constant dense<0.000000e+00> : vector<2000x128xf32>
    %dot_general3A_52 = tpu.matmul %get3A_32, %get3A_50, %dot_general3A_51 {dimension_numbers = #tpu.dot_dimension_numbers<[1], [0], [0], [1], [0, 0, 1, 1], [], []>, transpose_lhs_hint = false} : vector<2000x128xf32>, vector<128x128xf32>, vector<2000x128xf32> -> vector<2000x128xf32>
    %mul3A_53 = arith.mulf %dot_general3A_52, %convert_element_type3A_45 : vector<2000x128xf32>
    %get3A_54 = arith.constant 1 : index
    %get3A_55 = arith.constant 0 : index
    %get3A_56 = arith.constant 0 : index
    %get3A_57 = vector.load %arg7[%get3A_54, %get3A_55, %get3A_56] : memref<16x128x128xf32, #tpu.memory_space<vmem>>, vector<1x128x128xf32>
    %get3A_58 = vector.shape_cast %get3A_57 : vector<1x128x128xf32> to vector<128x128xf32>
    %dot_general3A_59 = arith.constant dense<0.000000e+00> : vector<2000x128xf32>
    %dot_general3A_60 = tpu.matmul %add3A_29, %get3A_58, %dot_general3A_59 {dimension_numbers = #tpu.dot_dimension_numbers<[1], [0], [0], [1], [0, 0, 1, 1], [], []>, transpose_lhs_hint = false} : vector<2000x128xf32>, vector<128x128xf32>, vector<2000x128xf32> -> vector<2000x128xf32>
    %get3A_61 = arith.constant 1 : index
    %get3A_62 = arith.constant 0 : index
    %get3A_63 = vector.load %arg8[%get3A_61, %get3A_62] : memref<16x128xf32, #tpu.memory_space<vmem>>, vector<1x128xf32>
    %add3A_64 = vector.broadcast %get3A_63 : vector<1x128xf32> to vector<2000x128xf32>
    %add3A_65 = arith.addf %dot_general3A_60, %add3A_64 : vector<2000x128xf32>
    %convert_element_type3A_66 = arith.truncf %add3A_65 : vector<2000x128xf32> to vector<2000x128xbf16>
    %convert_element_type3A_67 = arith.extf %convert_element_type3A_66 : vector<2000x128xbf16> to vector<2000x128xf32>
    %get3A_68 = arith.constant 1 : index
    %get3A_69 = arith.constant 0 : index
    %get3A_70 = arith.constant 0 : index
    %get3A_71 = vector.load %arg9[%get3A_68, %get3A_69, %get3A_70] : memref<16x128x128xf32, #tpu.memory_space<vmem>>, vector<1x128x128xf32>
    %get3A_72 = vector.shape_cast %get3A_71 : vector<1x128x128xf32> to vector<128x128xf32>
    %dot_general3A_73 = arith.constant dense<0.000000e+00> : vector<2000x128xf32>
    %dot_general3A_74 = tpu.matmul %get3A_32, %get3A_72, %dot_general3A_73 {dimension_numbers = #tpu.dot_dimension_numbers<[1], [0], [0], [1], [0, 0, 1, 1], [], []>, transpose_lhs_hint = false} : vector<2000x128xf32>, vector<128x128xf32>, vector<2000x128xf32> -> vector<2000x128xf32>
    %mul3A_75 = arith.mulf %dot_general3A_74, %convert_element_type3A_67 : vector<2000x128xf32>
    %add3A_76 = arith.addf %mul3A_53, %mul3A_75 : vector<2000x128xf32>
    %get3A_77 = arith.constant 2 : index
    %get3A_78 = arith.constant 0 : index
    %get3A_79 = arith.constant 0 : index
    %get3A_80 = vector.load %arg7[%get3A_77, %get3A_78, %get3A_79] : memref<16x128x128xf32, #tpu.memory_space<vmem>>, vector<1x128x128xf32>
    %get3A_81 = vector.shape_cast %get3A_80 : vector<1x128x128xf32> to vector<128x128xf32>
    %dot_general3A_82 = arith.constant dense<0.000000e+00> : vector<2000x128xf32>
    %dot_general3A_83 = tpu.matmul %add3A_29, %get3A_81, %dot_general3A_82 {dimension_numbers = #tpu.dot_dimension_numbers<[1], [0], [0], [1], [0, 0, 1, 1], [], []>, transpose_lhs_hint = false} : vector<2000x128xf32>, vector<128x128xf32>, vector<2000x128xf32> -> vector<2000x128xf32>
    %get3A_84 = arith.constant 2 : index
    %get3A_85 = arith.constant 0 : index
    %get3A_86 = vector.load %arg8[%get3A_84, %get3A_85] : memref<16x128xf32, #tpu.memory_space<vmem>>, vector<1x128xf32>
    %add3A_87 = vector.broadcast %get3A_86 : vector<1x128xf32> to vector<2000x128xf32>
    %add3A_88 = arith.addf %dot_general3A_83, %add3A_87 : vector<2000x128xf32>
    %convert_element_type3A_89 = arith.truncf %add3A_88 : vector<2000x128xf32> to vector<2000x128xbf16>
    %convert_element_type3A_90 = arith.extf %convert_element_type3A_89 : vector<2000x128xbf16> to vector<2000x128xf32>
    %get3A_91 = arith.constant 2 : index
    %get3A_92 = arith.constant 0 : index
    %get3A_93 = arith.constant 0 : index
    %get3A_94 = vector.load %arg9[%get3A_91, %get3A_92, %get3A_93] : memref<16x128x128xf32, #tpu.memory_space<vmem>>, vector<1x128x128xf32>
    %get3A_95 = vector.shape_cast %get3A_94 : vector<1x128x128xf32> to vector<128x128xf32>
    %dot_general3A_96 = arith.constant dense<0.000000e+00> : vector<2000x128xf32>
    %dot_general3A_97 = tpu.matmul %get3A_32, %get3A_95, %dot_general3A_96 {dimension_numbers = #tpu.dot_dimension_numbers<[1], [0], [0], [1], [0, 0, 1, 1], [], []>, transpose_lhs_hint = false} : vector<2000x128xf32>, vector<128x128xf32>, vector<2000x128xf32> -> vector<2000x128xf32>
    %mul3A_98 = arith.mulf %dot_general3A_97, %convert_element_type3A_90 : vector<2000x128xf32>
    %add3A_99 = arith.addf %add3A_76, %mul3A_98 : vector<2000x128xf32>
    %get3A_100 = arith.constant 3 : index
    %get3A_101 = arith.constant 0 : index
    %get3A_102 = arith.constant 0 : index
    %get3A_103 = vector.load %arg7[%get3A_100, %get3A_101, %get3A_102] : memref<16x128x128xf32, #tpu.memory_space<vmem>>, vector<1x128x128xf32>
    %get3A_104 = vector.shape_cast %get3A_103 : vector<1x128x128xf32> to vector<128x128xf32>
    %dot_general3A_105 = arith.constant dense<0.000000e+00> : vector<2000x128xf32>
    %dot_general3A_106 = tpu.matmul %add3A_29, %get3A_104, %dot_general3A_105 {dimension_numbers = #tpu.dot_dimension_numbers<[1], [0], [0], [1], [0, 0, 1, 1], [], []>, transpose_lhs_hint = false} : vector<2000x128xf32>, vector<128x128xf32>, vector<2000x128xf32> -> vector<2000x128xf32>
    %get3A_107 = arith.constant 3 : index
    %get3A_108 = arith.constant 0 : index
    %get3A_109 = vector.load %arg8[%get3A_107, %get3A_108] : memref<16x128xf32, #tpu.memory_space<vmem>>, vector<1x128xf32>
    %add3A_110 = vector.broadcast %get3A_109 : vector<1x128xf32> to vector<2000x128xf32>
    %add3A_111 = arith.addf %dot_general3A_106, %add3A_110 : vector<2000x128xf32>
    %convert_element_type3A_112 = arith.truncf %add3A_111 : vector<2000x128xf32> to vector<2000x128xbf16>
    %convert_element_type3A_113 = arith.extf %convert_element_type3A_112 : vector<2000x128xbf16> to vector<2000x128xf32>
    %get3A_114 = arith.constant 3 : index
    %get3A_115 = arith.constant 0 : index
    %get3A_116 = arith.constant 0 : index
    %get3A_117 = vector.load %arg9[%get3A_114, %get3A_115, %get3A_116] : memref<16x128x128xf32, #tpu.memory_space<vmem>>, vector<1x128x128xf32>
    %get3A_118 = vector.shape_cast %get3A_117 : vector<1x128x128xf32> to vector<128x128xf32>
    %dot_general3A_119 = arith.constant dense<0.000000e+00> : vector<2000x128xf32>
    %dot_general3A_120 = tpu.matmul %get3A_32, %get3A_118, %dot_general3A_119 {dimension_numbers = #tpu.dot_dimension_numbers<[1], [0], [0], [1], [0, 0, 1, 1], [], []>, transpose_lhs_hint = false} : vector<2000x128xf32>, vector<128x128xf32>, vector<2000x128xf32> -> vector<2000x128xf32>
    %mul3A_121 = arith.mulf %dot_general3A_120, %convert_element_type3A_113 : vector<2000x128xf32>
    %add3A_122 = arith.addf %add3A_99, %mul3A_121 : vector<2000x128xf32>
    %get3A_123 = arith.constant 4 : index
    %get3A_124 = arith.constant 0 : index
    %get3A_125 = arith.constant 0 : index
    %get3A_126 = vector.load %arg7[%get3A_123, %get3A_124, %get3A_125] : memref<16x128x128xf32, #tpu.memory_space<vmem>>, vector<1x128x128xf32>
    %get3A_127 = vector.shape_cast %get3A_126 : vector<1x128x128xf32> to vector<128x128xf32>
    %dot_general3A_128 = arith.constant dense<0.000000e+00> : vector<2000x128xf32>
    %dot_general3A_129 = tpu.matmul %add3A_29, %get3A_127, %dot_general3A_128 {dimension_numbers = #tpu.dot_dimension_numbers<[1], [0], [0], [1], [0, 0, 1, 1], [], []>, transpose_lhs_hint = false} : vector<2000x128xf32>, vector<128x128xf32>, vector<2000x128xf32> -> vector<2000x128xf32>
    %get3A_130 = arith.constant 4 : index
    %get3A_131 = arith.constant 0 : index
    %get3A_132 = vector.load %arg8[%get3A_130, %get3A_131] : memref<16x128xf32, #tpu.memory_space<vmem>>, vector<1x128xf32>
    %add3A_133 = vector.broadcast %get3A_132 : vector<1x128xf32> to vector<2000x128xf32>
    %add3A_134 = arith.addf %dot_general3A_129, %add3A_133 : vector<2000x128xf32>
    %convert_element_type3A_135 = arith.truncf %add3A_134 : vector<2000x128xf32> to vector<2000x128xbf16>
    %convert_element_type3A_136 = arith.extf %convert_element_type3A_135 : vector<2000x128xbf16> to vector<2000x128xf32>
    %get3A_137 = arith.constant 4 : index
    %get3A_138 = arith.constant 0 : index
    %get3A_139 = arith.constant 0 : index
    %get3A_140 = vector.load %arg9[%get3A_137, %get3A_138, %get3A_139] : memref<16x128x128xf32, #tpu.memory_space<vmem>>, vector<1x128x128xf32>
    %get3A_141 = vector.shape_cast %get3A_140 : vector<1x128x128xf32> to vector<128x128xf32>
    %dot_general3A_142 = arith.constant dense<0.000000e+00> : vector<2000x128xf32>
    %dot_general3A_143 = tpu.matmul %get3A_32, %get3A_141, %dot_general3A_142 {dimension_numbers = #tpu.dot_dimension_numbers<[1], [0], [0], [1], [0, 0, 1, 1], [], []>, transpose_lhs_hint = false} : vector<2000x128xf32>, vector<128x128xf32>, vector<2000x128xf32> -> vector<2000x128xf32>
    %mul3A_144 = arith.mulf %dot_general3A_143, %convert_element_type3A_136 : vector<2000x128xf32>
    %add3A_145 = arith.addf %add3A_122, %mul3A_144 : vector<2000x128xf32>
    %get3A_146 = arith.constant 5 : index
    %get3A_147 = arith.constant 0 : index
    %get3A_148 = arith.constant 0 : index
    %get3A_149 = vector.load %arg7[%get3A_146, %get3A_147, %get3A_148] : memref<16x128x128xf32, #tpu.memory_space<vmem>>, vector<1x128x128xf32>
    %get3A_150 = vector.shape_cast %get3A_149 : vector<1x128x128xf32> to vector<128x128xf32>
    %dot_general3A_151 = arith.constant dense<0.000000e+00> : vector<2000x128xf32>
    %dot_general3A_152 = tpu.matmul %add3A_29, %get3A_150, %dot_general3A_151 {dimension_numbers = #tpu.dot_dimension_numbers<[1], [0], [0], [1], [0, 0, 1, 1], [], []>, transpose_lhs_hint = false} : vector<2000x128xf32>, vector<128x128xf32>, vector<2000x128xf32> -> vector<2000x128xf32>
    %get3A_153 = arith.constant 5 : index
    %get3A_154 = arith.constant 0 : index
    %get3A_155 = vector.load %arg8[%get3A_153, %get3A_154] : memref<16x128xf32, #tpu.memory_space<vmem>>, vector<1x128xf32>
    %add3A_156 = vector.broadcast %get3A_155 : vector<1x128xf32> to vector<2000x128xf32>
    %add3A_157 = arith.addf %dot_general3A_152, %add3A_156 : vector<2000x128xf32>
    %convert_element_type3A_158 = arith.truncf %add3A_157 : vector<2000x128xf32> to vector<2000x128xbf16>
    %convert_element_type3A_159 = arith.extf %convert_element_type3A_158 : vector<2000x128xbf16> to vector<2000x128xf32>
    %get3A_160 = arith.constant 5 : index
    %get3A_161 = arith.constant 0 : index
    %get3A_162 = arith.constant 0 : index
    %get3A_163 = vector.load %arg9[%get3A_160, %get3A_161, %get3A_162] : memref<16x128x128xf32, #tpu.memory_space<vmem>>, vector<1x128x128xf32>
    %get3A_164 = vector.shape_cast %get3A_163 : vector<1x128x128xf32> to vector<128x128xf32>
    %dot_general3A_165 = arith.constant dense<0.000000e+00> : vector<2000x128xf32>
    %dot_general3A_166 = tpu.matmul %get3A_32, %get3A_164, %dot_general3A_165 {dimension_numbers = #tpu.dot_dimension_numbers<[1], [0], [0], [1], [0, 0, 1, 1], [], []>, transpose_lhs_hint = false} : vector<2000x128xf32>, vector<128x128xf32>, vector<2000x128xf32> -> vector<2000x128xf32>
    %mul3A_167 = arith.mulf %dot_general3A_166, %convert_element_type3A_159 : vector<2000x128xf32>
    %add3A_168 = arith.addf %add3A_145, %mul3A_167 : vector<2000x128xf32>
    %get3A_169 = arith.constant 6 : index
    %get3A_170 = arith.constant 0 : index
    %get3A_171 = arith.constant 0 : index
    %get3A_172 = vector.load %arg7[%get3A_169, %get3A_170, %get3A_171] : memref<16x128x128xf32, #tpu.memory_space<vmem>>, vector<1x128x128xf32>
    %get3A_173 = vector.shape_cast %get3A_172 : vector<1x128x128xf32> to vector<128x128xf32>
    %dot_general3A_174 = arith.constant dense<0.000000e+00> : vector<2000x128xf32>
    %dot_general3A_175 = tpu.matmul %add3A_29, %get3A_173, %dot_general3A_174 {dimension_numbers = #tpu.dot_dimension_numbers<[1], [0], [0], [1], [0, 0, 1, 1], [], []>, transpose_lhs_hint = false} : vector<2000x128xf32>, vector<128x128xf32>, vector<2000x128xf32> -> vector<2000x128xf32>
    %get3A_176 = arith.constant 6 : index
    %get3A_177 = arith.constant 0 : index
    %get3A_178 = vector.load %arg8[%get3A_176, %get3A_177] : memref<16x128xf32, #tpu.memory_space<vmem>>, vector<1x128xf32>
    %add3A_179 = vector.broadcast %get3A_178 : vector<1x128xf32> to vector<2000x128xf32>
    %add3A_180 = arith.addf %dot_general3A_175, %add3A_179 : vector<2000x128xf32>
    %convert_element_type3A_181 = arith.truncf %add3A_180 : vector<2000x128xf32> to vector<2000x128xbf16>
    %convert_element_type3A_182 = arith.extf %convert_element_type3A_181 : vector<2000x128xbf16> to vector<2000x128xf32>
    %get3A_183 = arith.constant 6 : index
    %get3A_184 = arith.constant 0 : index
    %get3A_185 = arith.constant 0 : index
    %get3A_186 = vector.load %arg9[%get3A_183, %get3A_184, %get3A_185] : memref<16x128x128xf32, #tpu.memory_space<vmem>>, vector<1x128x128xf32>
    %get3A_187 = vector.shape_cast %get3A_186 : vector<1x128x128xf32> to vector<128x128xf32>
    %dot_general3A_188 = arith.constant dense<0.000000e+00> : vector<2000x128xf32>
    %dot_general3A_189 = tpu.matmul %get3A_32, %get3A_187, %dot_general3A_188 {dimension_numbers = #tpu.dot_dimension_numbers<[1], [0], [0], [1], [0, 0, 1, 1], [], []>, transpose_lhs_hint = false} : vector<2000x128xf32>, vector<128x128xf32>, vector<2000x128xf32> -> vector<2000x128xf32>
    %mul3A_190 = arith.mulf %dot_general3A_189, %convert_element_type3A_182 : vector<2000x128xf32>
    %add3A_191 = arith.addf %add3A_168, %mul3A_190 : vector<2000x128xf32>
    %get3A_192 = arith.constant 7 : index
    %get3A_193 = arith.constant 0 : index
    %get3A_194 = arith.constant 0 : index
    %get3A_195 = vector.load %arg7[%get3A_192, %get3A_193, %get3A_194] : memref<16x128x128xf32, #tpu.memory_space<vmem>>, vector<1x128x128xf32>
    %get3A_196 = vector.shape_cast %get3A_195 : vector<1x128x128xf32> to vector<128x128xf32>
    %dot_general3A_197 = arith.constant dense<0.000000e+00> : vector<2000x128xf32>
    %dot_general3A_198 = tpu.matmul %add3A_29, %get3A_196, %dot_general3A_197 {dimension_numbers = #tpu.dot_dimension_numbers<[1], [0], [0], [1], [0, 0, 1, 1], [], []>, transpose_lhs_hint = false} : vector<2000x128xf32>, vector<128x128xf32>, vector<2000x128xf32> -> vector<2000x128xf32>
    %get3A_199 = arith.constant 7 : index
    %get3A_200 = arith.constant 0 : index
    %get3A_201 = vector.load %arg8[%get3A_199, %get3A_200] : memref<16x128xf32, #tpu.memory_space<vmem>>, vector<1x128xf32>
    %add3A_202 = vector.broadcast %get3A_201 : vector<1x128xf32> to vector<2000x128xf32>
    %add3A_203 = arith.addf %dot_general3A_198, %add3A_202 : vector<2000x128xf32>
    %convert_element_type3A_204 = arith.truncf %add3A_203 : vector<2000x128xf32> to vector<2000x128xbf16>
    %convert_element_type3A_205 = arith.extf %convert_element_type3A_204 : vector<2000x128xbf16> to vector<2000x128xf32>
    %get3A_206 = arith.constant 7 : index
    %get3A_207 = arith.constant 0 : index
    %get3A_208 = arith.constant 0 : index
    %get3A_209 = vector.load %arg9[%get3A_206, %get3A_207, %get3A_208] : memref<16x128x128xf32, #tpu.memory_space<vmem>>, vector<1x128x128xf32>
    %get3A_210 = vector.shape_cast %get3A_209 : vector<1x128x128xf32> to vector<128x128xf32>
    %dot_general3A_211 = arith.constant dense<0.000000e+00> : vector<2000x128xf32>
    %dot_general3A_212 = tpu.matmul %get3A_32, %get3A_210, %dot_general3A_211 {dimension_numbers = #tpu.dot_dimension_numbers<[1], [0], [0], [1], [0, 0, 1, 1], [], []>, transpose_lhs_hint = false} : vector<2000x128xf32>, vector<128x128xf32>, vector<2000x128xf32> -> vector<2000x128xf32>
    %mul3A_213 = arith.mulf %dot_general3A_212, %convert_element_type3A_205 : vector<2000x128xf32>
    %add3A_214 = arith.addf %add3A_191, %mul3A_213 : vector<2000x128xf32>
    %get3A_215 = arith.constant 8 : index
    %get3A_216 = arith.constant 0 : index
    %get3A_217 = arith.constant 0 : index
    %get3A_218 = vector.load %arg7[%get3A_215, %get3A_216, %get3A_217] : memref<16x128x128xf32, #tpu.memory_space<vmem>>, vector<1x128x128xf32>
    %get3A_219 = vector.shape_cast %get3A_218 : vector<1x128x128xf32> to vector<128x128xf32>
    %dot_general3A_220 = arith.constant dense<0.000000e+00> : vector<2000x128xf32>
    %dot_general3A_221 = tpu.matmul %add3A_29, %get3A_219, %dot_general3A_220 {dimension_numbers = #tpu.dot_dimension_numbers<[1], [0], [0], [1], [0, 0, 1, 1], [], []>, transpose_lhs_hint = false} : vector<2000x128xf32>, vector<128x128xf32>, vector<2000x128xf32> -> vector<2000x128xf32>
    %get3A_222 = arith.constant 8 : index
    %get3A_223 = arith.constant 0 : index
    %get3A_224 = vector.load %arg8[%get3A_222, %get3A_223] : memref<16x128xf32, #tpu.memory_space<vmem>>, vector<1x128xf32>
    %add3A_225 = vector.broadcast %get3A_224 : vector<1x128xf32> to vector<2000x128xf32>
    %add3A_226 = arith.addf %dot_general3A_221, %add3A_225 : vector<2000x128xf32>
    %convert_element_type3A_227 = arith.truncf %add3A_226 : vector<2000x128xf32> to vector<2000x128xbf16>
    %convert_element_type3A_228 = arith.extf %convert_element_type3A_227 : vector<2000x128xbf16> to vector<2000x128xf32>
    %get3A_229 = arith.constant 8 : index
    %get3A_230 = arith.constant 0 : index
    %get3A_231 = arith.constant 0 : index
    %get3A_232 = vector.load %arg9[%get3A_229, %get3A_230, %get3A_231] : memref<16x128x128xf32, #tpu.memory_space<vmem>>, vector<1x128x128xf32>
    %get3A_233 = vector.shape_cast %get3A_232 : vector<1x128x128xf32> to vector<128x128xf32>
    %dot_general3A_234 = arith.constant dense<0.000000e+00> : vector<2000x128xf32>
    %dot_general3A_235 = tpu.matmul %get3A_32, %get3A_233, %dot_general3A_234 {dimension_numbers = #tpu.dot_dimension_numbers<[1], [0], [0], [1], [0, 0, 1, 1], [], []>, transpose_lhs_hint = false} : vector<2000x128xf32>, vector<128x128xf32>, vector<2000x128xf32> -> vector<2000x128xf32>
    %mul3A_236 = arith.mulf %dot_general3A_235, %convert_element_type3A_228 : vector<2000x128xf32>
    %add3A_237 = arith.addf %add3A_214, %mul3A_236 : vector<2000x128xf32>
    %get3A_238 = arith.constant 9 : index
    %get3A_239 = arith.constant 0 : index
    %get3A_240 = arith.constant 0 : index
    %get3A_241 = vector.load %arg7[%get3A_238, %get3A_239, %get3A_240] : memref<16x128x128xf32, #tpu.memory_space<vmem>>, vector<1x128x128xf32>
    %get3A_242 = vector.shape_cast %get3A_241 : vector<1x128x128xf32> to vector<128x128xf32>
    %dot_general3A_243 = arith.constant dense<0.000000e+00> : vector<2000x128xf32>
    %dot_general3A_244 = tpu.matmul %add3A_29, %get3A_242, %dot_general3A_243 {dimension_numbers = #tpu.dot_dimension_numbers<[1], [0], [0], [1], [0, 0, 1, 1], [], []>, transpose_lhs_hint = false} : vector<2000x128xf32>, vector<128x128xf32>, vector<2000x128xf32> -> vector<2000x128xf32>
    %get3A_245 = arith.constant 9 : index
    %get3A_246 = arith.constant 0 : index
    %get3A_247 = vector.load %arg8[%get3A_245, %get3A_246] : memref<16x128xf32, #tpu.memory_space<vmem>>, vector<1x128xf32>
    %add3A_248 = vector.broadcast %get3A_247 : vector<1x128xf32> to vector<2000x128xf32>
    %add3A_249 = arith.addf %dot_general3A_244, %add3A_248 : vector<2000x128xf32>
    %convert_element_type3A_250 = arith.truncf %add3A_249 : vector<2000x128xf32> to vector<2000x128xbf16>
    %convert_element_type3A_251 = arith.extf %convert_element_type3A_250 : vector<2000x128xbf16> to vector<2000x128xf32>
    %get3A_252 = arith.constant 9 : index
    %get3A_253 = arith.constant 0 : index
    %get3A_254 = arith.constant 0 : index
    %get3A_255 = vector.load %arg9[%get3A_252, %get3A_253, %get3A_254] : memref<16x128x128xf32, #tpu.memory_space<vmem>>, vector<1x128x128xf32>
    %get3A_256 = vector.shape_cast %get3A_255 : vector<1x128x128xf32> to vector<128x128xf32>
    %dot_general3A_257 = arith.constant dense<0.000000e+00> : vector<2000x128xf32>
    %dot_general3A_258 = tpu.matmul %get3A_32, %get3A_256, %dot_general3A_257 {dimension_numbers = #tpu.dot_dimension_numbers<[1], [0], [0], [1], [0, 0, 1, 1], [], []>, transpose_lhs_hint = false} : vector<2000x128xf32>, vector<128x128xf32>, vector<2000x128xf32> -> vector<2000x128xf32>
    %mul3A_259 = arith.mulf %dot_general3A_258, %convert_element_type3A_251 : vector<2000x128xf32>
    %add3A_260 = arith.addf %add3A_237, %mul3A_259 : vector<2000x128xf32>
    %get3A_261 = arith.constant 10 : index
    %get3A_262 = arith.constant 0 : index
    %get3A_263 = arith.constant 0 : index
    %get3A_264 = vector.load %arg7[%get3A_261, %get3A_262, %get3A_263] : memref<16x128x128xf32, #tpu.memory_space<vmem>>, vector<1x128x128xf32>
    %get3A_265 = vector.shape_cast %get3A_264 : vector<1x128x128xf32> to vector<128x128xf32>
    %dot_general3A_266 = arith.constant dense<0.000000e+00> : vector<2000x128xf32>
    %dot_general3A_267 = tpu.matmul %add3A_29, %get3A_265, %dot_general3A_266 {dimension_numbers = #tpu.dot_dimension_numbers<[1], [0], [0], [1], [0, 0, 1, 1], [], []>, transpose_lhs_hint = false} : vector<2000x128xf32>, vector<128x128xf32>, vector<2000x128xf32> -> vector<2000x128xf32>
    %get3A_268 = arith.constant 10 : index
    %get3A_269 = arith.constant 0 : index
    %get3A_270 = vector.load %arg8[%get3A_268, %get3A_269] : memref<16x128xf32, #tpu.memory_space<vmem>>, vector<1x128xf32>
    %add3A_271 = vector.broadcast %get3A_270 : vector<1x128xf32> to vector<2000x128xf32>
    %add3A_272 = arith.addf %dot_general3A_267, %add3A_271 : vector<2000x128xf32>
    %convert_element_type3A_273 = arith.truncf %add3A_272 : vector<2000x128xf32> to vector<2000x128xbf16>
    %convert_element_type3A_274 = arith.extf %convert_element_type3A_273 : vector<2000x128xbf16> to vector<2000x128xf32>
    %get3A_275 = arith.constant 10 : index
    %get3A_276 = arith.constant 0 : index
    %get3A_277 = arith.constant 0 : index
    %get3A_278 = vector.load %arg9[%get3A_275, %get3A_276, %get3A_277] : memref<16x128x128xf32, #tpu.memory_space<vmem>>, vector<1x128x128xf32>
    %get3A_279 = vector.shape_cast %get3A_278 : vector<1x128x128xf32> to vector<128x128xf32>
    %dot_general3A_280 = arith.constant dense<0.000000e+00> : vector<2000x128xf32>
    %dot_general3A_281 = tpu.matmul %get3A_32, %get3A_279, %dot_general3A_280 {dimension_numbers = #tpu.dot_dimension_numbers<[1], [0], [0], [1], [0, 0, 1, 1], [], []>, transpose_lhs_hint = false} : vector<2000x128xf32>, vector<128x128xf32>, vector<2000x128xf32> -> vector<2000x128xf32>
    %mul3A_282 = arith.mulf %dot_general3A_281, %convert_element_type3A_274 : vector<2000x128xf32>
    %add3A_283 = arith.addf %add3A_260, %mul3A_282 : vector<2000x128xf32>
    %get3A_284 = arith.constant 11 : index
    %get3A_285 = arith.constant 0 : index
    %get3A_286 = arith.constant 0 : index
    %get3A_287 = vector.load %arg7[%get3A_284, %get3A_285, %get3A_286] : memref<16x128x128xf32, #tpu.memory_space<vmem>>, vector<1x128x128xf32>
    %get3A_288 = vector.shape_cast %get3A_287 : vector<1x128x128xf32> to vector<128x128xf32>
    %dot_general3A_289 = arith.constant dense<0.000000e+00> : vector<2000x128xf32>
    %dot_general3A_290 = tpu.matmul %add3A_29, %get3A_288, %dot_general3A_289 {dimension_numbers = #tpu.dot_dimension_numbers<[1], [0], [0], [1], [0, 0, 1, 1], [], []>, transpose_lhs_hint = false} : vector<2000x128xf32>, vector<128x128xf32>, vector<2000x128xf32> -> vector<2000x128xf32>
    %get3A_291 = arith.constant 11 : index
    %get3A_292 = arith.constant 0 : index
    %get3A_293 = vector.load %arg8[%get3A_291, %get3A_292] : memref<16x128xf32, #tpu.memory_space<vmem>>, vector<1x128xf32>
    %add3A_294 = vector.broadcast %get3A_293 : vector<1x128xf32> to vector<2000x128xf32>
    %add3A_295 = arith.addf %dot_general3A_290, %add3A_294 : vector<2000x128xf32>
    %convert_element_type3A_296 = arith.truncf %add3A_295 : vector<2000x128xf32> to vector<2000x128xbf16>
    %convert_element_type3A_297 = arith.extf %convert_element_type3A_296 : vector<2000x128xbf16> to vector<2000x128xf32>
    %get3A_298 = arith.constant 11 : index
    %get3A_299 = arith.constant 0 : index
    %get3A_300 = arith.constant 0 : index
    %get3A_301 = vector.load %arg9[%get3A_298, %get3A_299, %get3A_300] : memref<16x128x128xf32, #tpu.memory_space<vmem>>, vector<1x128x128xf32>
    %get3A_302 = vector.shape_cast %get3A_301 : vector<1x128x128xf32> to vector<128x128xf32>
    %dot_general3A_303 = arith.constant dense<0.000000e+00> : vector<2000x128xf32>
    %dot_general3A_304 = tpu.matmul %get3A_32, %get3A_302, %dot_general3A_303 {dimension_numbers = #tpu.dot_dimension_numbers<[1], [0], [0], [1], [0, 0, 1, 1], [], []>, transpose_lhs_hint = false} : vector<2000x128xf32>, vector<128x128xf32>, vector<2000x128xf32> -> vector<2000x128xf32>
    %mul3A_305 = arith.mulf %dot_general3A_304, %convert_element_type3A_297 : vector<2000x128xf32>
    %add3A_306 = arith.addf %add3A_283, %mul3A_305 : vector<2000x128xf32>
    %get3A_307 = arith.constant 12 : index
    %get3A_308 = arith.constant 0 : index
    %get3A_309 = arith.constant 0 : index
    %get3A_310 = vector.load %arg7[%get3A_307, %get3A_308, %get3A_309] : memref<16x128x128xf32, #tpu.memory_space<vmem>>, vector<1x128x128xf32>
    %get3A_311 = vector.shape_cast %get3A_310 : vector<1x128x128xf32> to vector<128x128xf32>
    %dot_general3A_312 = arith.constant dense<0.000000e+00> : vector<2000x128xf32>
    %dot_general3A_313 = tpu.matmul %add3A_29, %get3A_311, %dot_general3A_312 {dimension_numbers = #tpu.dot_dimension_numbers<[1], [0], [0], [1], [0, 0, 1, 1], [], []>, transpose_lhs_hint = false} : vector<2000x128xf32>, vector<128x128xf32>, vector<2000x128xf32> -> vector<2000x128xf32>
    %get3A_314 = arith.constant 12 : index
    %get3A_315 = arith.constant 0 : index
    %get3A_316 = vector.load %arg8[%get3A_314, %get3A_315] : memref<16x128xf32, #tpu.memory_space<vmem>>, vector<1x128xf32>
    %add3A_317 = vector.broadcast %get3A_316 : vector<1x128xf32> to vector<2000x128xf32>
    %add3A_318 = arith.addf %dot_general3A_313, %add3A_317 : vector<2000x128xf32>
    %convert_element_type3A_319 = arith.truncf %add3A_318 : vector<2000x128xf32> to vector<2000x128xbf16>
    %convert_element_type3A_320 = arith.extf %convert_element_type3A_319 : vector<2000x128xbf16> to vector<2000x128xf32>
    %get3A_321 = arith.constant 12 : index
    %get3A_322 = arith.constant 0 : index
    %get3A_323 = arith.constant 0 : index
    %get3A_324 = vector.load %arg9[%get3A_321, %get3A_322, %get3A_323] : memref<16x128x128xf32, #tpu.memory_space<vmem>>, vector<1x128x128xf32>
    %get3A_325 = vector.shape_cast %get3A_324 : vector<1x128x128xf32> to vector<128x128xf32>
    %dot_general3A_326 = arith.constant dense<0.000000e+00> : vector<2000x128xf32>
    %dot_general3A_327 = tpu.matmul %get3A_32, %get3A_325, %dot_general3A_326 {dimension_numbers = #tpu.dot_dimension_numbers<[1], [0], [0], [1], [0, 0, 1, 1], [], []>, transpose_lhs_hint = false} : vector<2000x128xf32>, vector<128x128xf32>, vector<2000x128xf32> -> vector<2000x128xf32>
    %mul3A_328 = arith.mulf %dot_general3A_327, %convert_element_type3A_320 : vector<2000x128xf32>
    %add3A_329 = arith.addf %add3A_306, %mul3A_328 : vector<2000x128xf32>
    %get3A_330 = arith.constant 13 : index
    %get3A_331 = arith.constant 0 : index
    %get3A_332 = arith.constant 0 : index
    %get3A_333 = vector.load %arg7[%get3A_330, %get3A_331, %get3A_332] : memref<16x128x128xf32, #tpu.memory_space<vmem>>, vector<1x128x128xf32>
    %get3A_334 = vector.shape_cast %get3A_333 : vector<1x128x128xf32> to vector<128x128xf32>
    %dot_general3A_335 = arith.constant dense<0.000000e+00> : vector<2000x128xf32>
    %dot_general3A_336 = tpu.matmul %add3A_29, %get3A_334, %dot_general3A_335 {dimension_numbers = #tpu.dot_dimension_numbers<[1], [0], [0], [1], [0, 0, 1, 1], [], []>, transpose_lhs_hint = false} : vector<2000x128xf32>, vector<128x128xf32>, vector<2000x128xf32> -> vector<2000x128xf32>
    %get3A_337 = arith.constant 13 : index
    %get3A_338 = arith.constant 0 : index
    %get3A_339 = vector.load %arg8[%get3A_337, %get3A_338] : memref<16x128xf32, #tpu.memory_space<vmem>>, vector<1x128xf32>
    %add3A_340 = vector.broadcast %get3A_339 : vector<1x128xf32> to vector<2000x128xf32>
    %add3A_341 = arith.addf %dot_general3A_336, %add3A_340 : vector<2000x128xf32>
    %convert_element_type3A_342 = arith.truncf %add3A_341 : vector<2000x128xf32> to vector<2000x128xbf16>
    %convert_element_type3A_343 = arith.extf %convert_element_type3A_342 : vector<2000x128xbf16> to vector<2000x128xf32>
    %get3A_344 = arith.constant 13 : index
    %get3A_345 = arith.constant 0 : index
    %get3A_346 = arith.constant 0 : index
    %get3A_347 = vector.load %arg9[%get3A_344, %get3A_345, %get3A_346] : memref<16x128x128xf32, #tpu.memory_space<vmem>>, vector<1x128x128xf32>
    %get3A_348 = vector.shape_cast %get3A_347 : vector<1x128x128xf32> to vector<128x128xf32>
    %dot_general3A_349 = arith.constant dense<0.000000e+00> : vector<2000x128xf32>
    %dot_general3A_350 = tpu.matmul %get3A_32, %get3A_348, %dot_general3A_349 {dimension_numbers = #tpu.dot_dimension_numbers<[1], [0], [0], [1], [0, 0, 1, 1], [], []>, transpose_lhs_hint = false} : vector<2000x128xf32>, vector<128x128xf32>, vector<2000x128xf32> -> vector<2000x128xf32>
    %mul3A_351 = arith.mulf %dot_general3A_350, %convert_element_type3A_343 : vector<2000x128xf32>
    %add3A_352 = arith.addf %add3A_329, %mul3A_351 : vector<2000x128xf32>
    %get3A_353 = arith.constant 14 : index
    %get3A_354 = arith.constant 0 : index
    %get3A_355 = arith.constant 0 : index
    %get3A_356 = vector.load %arg7[%get3A_353, %get3A_354, %get3A_355] : memref<16x128x128xf32, #tpu.memory_space<vmem>>, vector<1x128x128xf32>
    %get3A_357 = vector.shape_cast %get3A_356 : vector<1x128x128xf32> to vector<128x128xf32>
    %dot_general3A_358 = arith.constant dense<0.000000e+00> : vector<2000x128xf32>
    %dot_general3A_359 = tpu.matmul %add3A_29, %get3A_357, %dot_general3A_358 {dimension_numbers = #tpu.dot_dimension_numbers<[1], [0], [0], [1], [0, 0, 1, 1], [], []>, transpose_lhs_hint = false} : vector<2000x128xf32>, vector<128x128xf32>, vector<2000x128xf32> -> vector<2000x128xf32>
    %get3A_360 = arith.constant 14 : index
    %get3A_361 = arith.constant 0 : index
    %get3A_362 = vector.load %arg8[%get3A_360, %get3A_361] : memref<16x128xf32, #tpu.memory_space<vmem>>, vector<1x128xf32>
    %add3A_363 = vector.broadcast %get3A_362 : vector<1x128xf32> to vector<2000x128xf32>
    %add3A_364 = arith.addf %dot_general3A_359, %add3A_363 : vector<2000x128xf32>
    %convert_element_type3A_365 = arith.truncf %add3A_364 : vector<2000x128xf32> to vector<2000x128xbf16>
    %convert_element_type3A_366 = arith.extf %convert_element_type3A_365 : vector<2000x128xbf16> to vector<2000x128xf32>
    %get3A_367 = arith.constant 14 : index
    %get3A_368 = arith.constant 0 : index
    %get3A_369 = arith.constant 0 : index
    %get3A_370 = vector.load %arg9[%get3A_367, %get3A_368, %get3A_369] : memref<16x128x128xf32, #tpu.memory_space<vmem>>, vector<1x128x128xf32>
    %get3A_371 = vector.shape_cast %get3A_370 : vector<1x128x128xf32> to vector<128x128xf32>
    %dot_general3A_372 = arith.constant dense<0.000000e+00> : vector<2000x128xf32>
    %dot_general3A_373 = tpu.matmul %get3A_32, %get3A_371, %dot_general3A_372 {dimension_numbers = #tpu.dot_dimension_numbers<[1], [0], [0], [1], [0, 0, 1, 1], [], []>, transpose_lhs_hint = false} : vector<2000x128xf32>, vector<128x128xf32>, vector<2000x128xf32> -> vector<2000x128xf32>
    %mul3A_374 = arith.mulf %dot_general3A_373, %convert_element_type3A_366 : vector<2000x128xf32>
    %add3A_375 = arith.addf %add3A_352, %mul3A_374 : vector<2000x128xf32>
    %get3A_376 = arith.constant 15 : index
    %get3A_377 = arith.constant 0 : index
    %get3A_378 = arith.constant 0 : index
    %get3A_379 = vector.load %arg7[%get3A_376, %get3A_377, %get3A_378] : memref<16x128x128xf32, #tpu.memory_space<vmem>>, vector<1x128x128xf32>
    %get3A_380 = vector.shape_cast %get3A_379 : vector<1x128x128xf32> to vector<128x128xf32>
    %dot_general3A_381 = arith.constant dense<0.000000e+00> : vector<2000x128xf32>
    %dot_general3A_382 = tpu.matmul %add3A_29, %get3A_380, %dot_general3A_381 {dimension_numbers = #tpu.dot_dimension_numbers<[1], [0], [0], [1], [0, 0, 1, 1], [], []>, transpose_lhs_hint = false} : vector<2000x128xf32>, vector<128x128xf32>, vector<2000x128xf32> -> vector<2000x128xf32>
    %get3A_383 = arith.constant 15 : index
    %get3A_384 = arith.constant 0 : index
    %get3A_385 = vector.load %arg8[%get3A_383, %get3A_384] : memref<16x128xf32, #tpu.memory_space<vmem>>, vector<1x128xf32>
    %add3A_386 = vector.broadcast %get3A_385 : vector<1x128xf32> to vector<2000x128xf32>
    %add3A_387 = arith.addf %dot_general3A_382, %add3A_386 : vector<2000x128xf32>
    %convert_element_type3A_388 = arith.truncf %add3A_387 : vector<2000x128xf32> to vector<2000x128xbf16>
    %convert_element_type3A_389 = arith.extf %convert_element_type3A_388 : vector<2000x128xbf16> to vector<2000x128xf32>
    %get3A_390 = arith.constant 15 : index
    %get3A_391 = arith.constant 0 : index
    %get3A_392 = arith.constant 0 : index
    %get3A_393 = vector.load %arg9[%get3A_390, %get3A_391, %get3A_392] : memref<16x128x128xf32, #tpu.memory_space<vmem>>, vector<1x128x128xf32>
    %get3A_394 = vector.shape_cast %get3A_393 : vector<1x128x128xf32> to vector<128x128xf32>
    %dot_general3A_395 = arith.constant dense<0.000000e+00> : vector<2000x128xf32>
    %dot_general3A_396 = tpu.matmul %get3A_32, %get3A_394, %dot_general3A_395 {dimension_numbers = #tpu.dot_dimension_numbers<[1], [0], [0], [1], [0, 0, 1, 1], [], []>, transpose_lhs_hint = false} : vector<2000x128xf32>, vector<128x128xf32>, vector<2000x128xf32> -> vector<2000x128xf32>
    %mul3A_397 = arith.mulf %dot_general3A_396, %convert_element_type3A_389 : vector<2000x128xf32>
    %add3A_398 = arith.addf %add3A_375, %mul3A_397 : vector<2000x128xf32>
    %swap3A = arith.constant 0 : index
    %swap3A_399 = arith.constant 0 : index
    %swap3A_400 = vector.load %arg10[%swap3A, %swap3A_399] : memref<2000x128xf32, #tpu.memory_space<vmem>>, vector<2000x128xf32>
    tpu.vector_store %arg10[%swap3A, %swap3A_399], %add3A_398 {strides = array<i32>} : memref<2000x128xf32, #tpu.memory_space<vmem>>, vector<2000x128xf32>,
    return
  }
  func.func @transform_0(%arg0: i32) -> (i32, i32) {
    %c0_i32 = arith.constant 0 : i32
    %c0_i32_0 = arith.constant 0 : i32
    return %arg0, %c0_i32 : i32, i32
  }
  func.func @transform_1(%arg0: i32) -> (i32, i32) {
    %c0_i32 = arith.constant 0 : i32
    %c0_i32_0 = arith.constant 0 : i32
    return %arg0, %c0_i32 : i32, i32
  }
  func.func @transform_2(%arg0: i32) -> (i32, i32) {
    %c0_i32 = arith.constant 0 : i32
    %c0_i32_0 = arith.constant 0 : i32
    %c0_i32_1 = arith.constant 0 : i32
    return %c0_i32, %c0_i32_0 : i32, i32
  }
  func.func @transform_3(%arg0: i32) -> (i32, i32) {
    %c0_i32 = arith.constant 0 : i32
    %c0_i32_0 = arith.constant 0 : i32
    %c0_i32_1 = arith.constant 0 : i32
    return %c0_i32, %c0_i32_0 : i32, i32
  }
  func.func @transform_4(%arg0: i32) -> (i32, i32) {
    %c0_i32 = arith.constant 0 : i32
    %c0_i32_0 = arith.constant 0 : i32
    %c0_i32_1 = arith.constant 0 : i32
    return %c0_i32, %c0_i32_0 : i32, i32
  }
  func.func @transform_5(%arg0: i32) -> (i32, i32) {
    %c0_i32 = arith.constant 0 : i32
    %c0_i32_0 = arith.constant 0 : i32
    %c0_i32_1 = arith.constant 0 : i32
    return %c0_i32, %c0_i32_0 : i32, i32
  }
  func.func @transform_6(%arg0: i32) -> (i32, i32, i32) {
    %c0_i32 = arith.constant 0 : i32
    %c0_i32_0 = arith.constant 0 : i32
    %c0_i32_1 = arith.constant 0 : i32
    %c0_i32_2 = arith.constant 0 : i32
    return %c0_i32, %c0_i32_0, %c0_i32_1 : i32, i32, i32
  }
  func.func @transform_7(%arg0: i32) -> (i32, i32) {
    %c0_i32 = arith.constant 0 : i32
    %c0_i32_0 = arith.constant 0 : i32
    %c0_i32_1 = arith.constant 0 : i32
    return %c0_i32, %c0_i32_0 : i32, i32
  }
  func.func @transform_8(%arg0: i32) -> (i32, i32, i32) {
    %c0_i32 = arith.constant 0 : i32
    %c0_i32_0 = arith.constant 0 : i32
    %c0_i32_1 = arith.constant 0 : i32
    %c0_i32_2 = arith.constant 0 : i32
    return %c0_i32, %c0_i32_0, %c0_i32_1 : i32, i32, i32
  }
  func.func @transform_9(%arg0: i32) -> (i32, i32) {
    %c0_i32 = arith.constant 0 : i32
    %c0_i32_0 = arith.constant 0 : i32
    return %arg0, %c0_i32 : i32, i32
  }
}

module attributes {stable_mosaic.version = 14 : i64} {
  func.func @_node_update_mid_body(%arg0: memref<2x10000x16xf32, #tpu.memory_space<vmem>>, %arg1: memref<10000x16xf32, #tpu.memory_space<vmem>>, %arg2: memref<1x16xf32, #tpu.memory_space<vmem>>, %arg3: memref<1x16xf32, #tpu.memory_space<vmem>>, %arg4: memref<16x16xf32, #tpu.memory_space<vmem>>, %arg5: memref<1x16xf32, #tpu.memory_space<vmem>>, %arg6: memref<10000x16xf32, #tpu.memory_space<vmem>>, %arg7: memref<10000x16xf32, #tpu.memory_space<vmem>>, %arg8: memref<10000x16xf32, #tpu.memory_space<vmem>>) attributes {dimension_semantics = [], scalar_prefetch = 0 : i64, scratch_operands = 0 : i64, tpu.core_type = #tpu.core_type<tc>} {
    %get3A = arith.constant 0 : index
    %get3A_0 = arith.constant 0 : index
    %get3A_1 = arith.constant 0 : index
    %get3A_2 = vector.load %arg0[%get3A, %get3A_0, %get3A_1] : memref<2x10000x16xf32, #tpu.memory_space<vmem>>, vector<1x10000x16xf32>
    %get3A_3 = vector.shape_cast %get3A_2 : vector<1x10000x16xf32> to vector<10000x16xf32>
    %get3A_4 = arith.constant 1 : index
    %get3A_5 = arith.constant 0 : index
    %get3A_6 = arith.constant 0 : index
    %get3A_7 = vector.load %arg0[%get3A_4, %get3A_5, %get3A_6] : memref<2x10000x16xf32, #tpu.memory_space<vmem>>, vector<1x10000x16xf32>
    %get3A_8 = vector.shape_cast %get3A_7 : vector<1x10000x16xf32> to vector<10000x16xf32>
    %add3A = arith.addf %get3A_3, %get3A_8 : vector<10000x16xf32>
    %get3A_9 = arith.constant 0 : index
    %get3A_10 = arith.constant 0 : index
    %get3A_11 = vector.load %arg1[%get3A_9, %get3A_10] : memref<10000x16xf32, #tpu.memory_space<vmem>>, vector<10000x16xf32>
    %add3A_12 = arith.addf %add3A, %get3A_11 : vector<10000x16xf32>
    %gt3A = arith.constant 0.000000e+00 : f32
    %gt3A_13 = vector.broadcast %gt3A : f32 to vector<10000x16xf32>
    %gt3A_14 = arith.cmpf ogt, %add3A_12, %gt3A_13 : vector<10000x16xf32>
    %exp3A = math.exp %add3A_12 : vector<10000x16xf32>
    %sub3A = arith.constant 1.000000e+00 : f32
    %sub3A_15 = vector.broadcast %sub3A : f32 to vector<10000x16xf32>
    %sub3A_16 = arith.subf %exp3A, %sub3A_15 : vector<10000x16xf32>
    %select_n3A = arith.select %gt3A_14, %add3A_12, %sub3A_16 : vector<10000x16xi1>, vector<10000x16xf32>
    %swap3A = arith.constant 0 : index
    %swap3A_17 = arith.constant 0 : index
    %swap3A_18 = vector.load %arg6[%swap3A, %swap3A_17] : memref<10000x16xf32, #tpu.memory_space<vmem>>, vector<10000x16xf32>
    tpu.vector_store %arg6[%swap3A, %swap3A_17], %select_n3A {strides = array<i32>} : memref<10000x16xf32, #tpu.memory_space<vmem>>, vector<10000x16xf32>,
    %reduce_sum3A = arith.constant dense<0.000000e+00> : vector<16xf32>
    %reduce_sum3A_19 = vector.multi_reduction <add>, %select_n3A, %reduce_sum3A [0] : vector<10000x16xf32> to vector<16xf32>
    %broadcast_in_dim3A = vector.shape_cast %reduce_sum3A_19 : vector<16xf32> to vector<1x16xf32>
    %div3A = arith.constant 1.000000e+04 : f32
    %div3A_20 = vector.broadcast %div3A : f32 to vector<1x16xf32>
    %div3A_21 = arith.divf %broadcast_in_dim3A, %div3A_20 : vector<1x16xf32>
    %sub3A_22 = vector.broadcast %div3A_21 : vector<1x16xf32> to vector<10000x16xf32>
    %sub3A_23 = arith.subf %select_n3A, %sub3A_22 : vector<10000x16xf32>
    %mul3A = arith.mulf %sub3A_23, %sub3A_23 : vector<10000x16xf32>
    %reduce_sum3A_24 = arith.constant dense<0.000000e+00> : vector<16xf32>
    %reduce_sum3A_25 = vector.multi_reduction <add>, %mul3A, %reduce_sum3A_24 [0] : vector<10000x16xf32> to vector<16xf32>
    %broadcast_in_dim3A_26 = vector.shape_cast %reduce_sum3A_25 : vector<16xf32> to vector<1x16xf32>
    %div3A_27 = arith.constant 1.000000e+04 : f32
    %div3A_28 = vector.broadcast %div3A_27 : f32 to vector<1x16xf32>
    %div3A_29 = arith.divf %broadcast_in_dim3A_26, %div3A_28 : vector<1x16xf32>
    %add3A_30 = arith.constant 9.99999974E-6 : f32
    %add3A_31 = vector.broadcast %add3A_30 : f32 to vector<1x16xf32>
    %add3A_32 = arith.addf %div3A_29, %add3A_31 : vector<1x16xf32>
    %rsqrt3A = math.rsqrt %add3A_32 : vector<1x16xf32>
    %mul3A_33 = vector.broadcast %rsqrt3A : vector<1x16xf32> to vector<10000x16xf32>
    %mul3A_34 = arith.mulf %sub3A_23, %mul3A_33 : vector<10000x16xf32>
    %get3A_35 = arith.constant 0 : index
    %get3A_36 = arith.constant 0 : index
    %get3A_37 = vector.load %arg2[%get3A_35, %get3A_36] : memref<1x16xf32, #tpu.memory_space<vmem>>, vector<1x16xf32>
    %mul3A_38 = vector.broadcast %get3A_37 : vector<1x16xf32> to vector<10000x16xf32>
    %mul3A_39 = arith.mulf %mul3A_34, %mul3A_38 : vector<10000x16xf32>
    %get3A_40 = arith.constant 0 : index
    %get3A_41 = arith.constant 0 : index
    %get3A_42 = vector.load %arg3[%get3A_40, %get3A_41] : memref<1x16xf32, #tpu.memory_space<vmem>>, vector<1x16xf32>
    %add3A_43 = vector.broadcast %get3A_42 : vector<1x16xf32> to vector<10000x16xf32>
    %add3A_44 = arith.addf %mul3A_39, %add3A_43 : vector<10000x16xf32>
    %swap3A_45 = arith.constant 0 : index
    %swap3A_46 = arith.constant 0 : index
    %swap3A_47 = vector.load %arg7[%swap3A_45, %swap3A_46] : memref<10000x16xf32, #tpu.memory_space<vmem>>, vector<10000x16xf32>
    tpu.vector_store %arg7[%swap3A_45, %swap3A_46], %add3A_44 {strides = array<i32>} : memref<10000x16xf32, #tpu.memory_space<vmem>>, vector<10000x16xf32>,
    %get3A_48 = arith.constant 0 : index
    %get3A_49 = arith.constant 0 : index
    %get3A_50 = vector.load %arg4[%get3A_48, %get3A_49] : memref<16x16xf32, #tpu.memory_space<vmem>>, vector<16x16xf32>
    %dot_general3A = arith.constant dense<0.000000e+00> : vector<10000x16xf32>
    %dot_general3A_51 = tpu.matmul %add3A_44, %get3A_50, %dot_general3A {dimension_numbers = #tpu.dot_dimension_numbers<[1], [0], [0], [1], [0, 0, 1, 1], [], []>, transpose_lhs_hint = false} : vector<10000x16xf32>, vector<16x16xf32>, vector<10000x16xf32> -> vector<10000x16xf32>
    %get3A_52 = arith.constant 0 : index
    %get3A_53 = arith.constant 0 : index
    %get3A_54 = vector.load %arg5[%get3A_52, %get3A_53] : memref<1x16xf32, #tpu.memory_space<vmem>>, vector<1x16xf32>
    %add3A_55 = vector.broadcast %get3A_54 : vector<1x16xf32> to vector<10000x16xf32>
    %add3A_56 = arith.addf %dot_general3A_51, %add3A_55 : vector<10000x16xf32>
    %swap3A_57 = arith.constant 0 : index
    %swap3A_58 = arith.constant 0 : index
    %swap3A_59 = vector.load %arg8[%swap3A_57, %swap3A_58] : memref<10000x16xf32, #tpu.memory_space<vmem>>, vector<10000x16xf32>
    tpu.vector_store %arg8[%swap3A_57, %swap3A_58], %add3A_56 {strides = array<i32>} : memref<10000x16xf32, #tpu.memory_space<vmem>>, vector<10000x16xf32>,
    return
  }
}

module attributes {stable_mosaic.version = 14 : i64} {
  func.func @_stats2_body(%arg0: i32, %arg1: memref<2000x128xf32, #tpu.memory_space<vmem>>, %arg2: memref<2000x128xf32, #tpu.memory_space<vmem>>, %arg3: memref<2x128xf32, #tpu.memory_space<vmem>>, %arg4: memref<2x128xf32, #tpu.memory_space<vmem>>) attributes {dimension_semantics = [#tpu.dimension_semantics<arbitrary>], iteration_bounds = array<i64: 10>, scalar_prefetch = 0 : i64, scratch_operands = 0 : i64, tpu.core_type = #tpu.core_type<tc>, window_params = [{transform_indices = @transform_0, window_bounds = array<i64: 2000, 128>}, {transform_indices = @transform_1, window_bounds = array<i64: 2000, 128>}, {pipeline_mode = #tpu.pipeline_mode<synchronous>, transform_indices = @transform_2, window_bounds = array<i64: 2, 128>}, {pipeline_mode = #tpu.pipeline_mode<synchronous>, transform_indices = @transform_3, window_bounds = array<i64: 2, 128>}]} {
    %get3A = arith.constant 0 : index
    %get3A_0 = arith.constant 0 : index
    %get3A_1 = vector.load %arg1[%get3A, %get3A_0] : memref<2000x128xf32, #tpu.memory_space<vmem>>, vector<2000x128xf32>
    %eq3A = arith.constant 0 : i32
    %eq3A_2 = arith.cmpi eq, %arg0, %eq3A : i32
    %convert_element_type3A = arith.extui %eq3A_2 : i1 to i32
    %cond3A = arith.constant 0 : i32
    %cond3A_3 = arith.cmpi ne, %convert_element_type3A, %cond3A : i32
    scf.if %cond3A_3 {
      %broadcast_in_dim3A_49 = arith.constant 0.000000e+00 : f32
      %broadcast_in_dim3A_50 = vector.broadcast %broadcast_in_dim3A_49 : f32 to vector<2x128xf32>
      %swap3A_51 = arith.constant 0 : index
      %swap3A_52 = arith.constant 0 : index
      %swap3A_53 = vector.load %arg3[%swap3A_51, %swap3A_52] : memref<2x128xf32, #tpu.memory_space<vmem>>, vector<2x128xf32>
      tpu.vector_store %arg3[%swap3A_51, %swap3A_52], %broadcast_in_dim3A_50 {strides = array<i32>} : memref<2x128xf32, #tpu.memory_space<vmem>>, vector<2x128xf32>,
    } else {
    }
    %get3A_4 = arith.constant 0 : index
    %get3A_5 = arith.constant 0 : index
    %get3A_6 = vector.load %arg3[%get3A_4, %get3A_5] : memref<2x128xf32, #tpu.memory_space<vmem>>, vector<1x128xf32>
    %reduce_sum3A = arith.constant dense<0.000000e+00> : vector<128xf32>
    %reduce_sum3A_7 = vector.multi_reduction <add>, %get3A_1, %reduce_sum3A [0] : vector<2000x128xf32> to vector<128xf32>
    %broadcast_in_dim3A = vector.shape_cast %reduce_sum3A_7 : vector<128xf32> to vector<1x128xf32>
    %add3A = arith.addf %get3A_6, %broadcast_in_dim3A : vector<1x128xf32>
    %swap3A = arith.constant 0 : index
    %swap3A_8 = arith.constant 0 : index
    %swap3A_9 = vector.load %arg3[%swap3A, %swap3A_8] : memref<2x128xf32, #tpu.memory_space<vmem>>, vector<1x128xf32>
    tpu.vector_store %arg3[%swap3A, %swap3A_8], %add3A {strides = array<i32>} : memref<2x128xf32, #tpu.memory_space<vmem>>, vector<1x128xf32>,
    %get3A_10 = arith.constant 1 : index
    %get3A_11 = arith.constant 0 : index
    %get3A_12 = vector.load %arg3[%get3A_10, %get3A_11] : memref<2x128xf32, #tpu.memory_space<vmem>>, vector<1x128xf32>
    %mul3A = arith.mulf %get3A_1, %get3A_1 : vector<2000x128xf32>
    %reduce_sum3A_13 = arith.constant dense<0.000000e+00> : vector<128xf32>
    %reduce_sum3A_14 = vector.multi_reduction <add>, %mul3A, %reduce_sum3A_13 [0] : vector<2000x128xf32> to vector<128xf32>
    %broadcast_in_dim3A_15 = vector.shape_cast %reduce_sum3A_14 : vector<128xf32> to vector<1x128xf32>
    %add3A_16 = arith.addf %get3A_12, %broadcast_in_dim3A_15 : vector<1x128xf32>
    %swap3A_17 = arith.constant 1 : index
    %swap3A_18 = arith.constant 0 : index
    %swap3A_19 = vector.load %arg3[%swap3A_17, %swap3A_18] : memref<2x128xf32, #tpu.memory_space<vmem>>, vector<1x128xf32>
    tpu.vector_store %arg3[%swap3A_17, %swap3A_18], %add3A_16 {strides = array<i32>} : memref<2x128xf32, #tpu.memory_space<vmem>>, vector<1x128xf32>,
    %get3A_20 = arith.constant 0 : index
    %get3A_21 = arith.constant 0 : index
    %get3A_22 = vector.load %arg2[%get3A_20, %get3A_21] : memref<2000x128xf32, #tpu.memory_space<vmem>>, vector<2000x128xf32>
    %eq3A_23 = arith.constant 0 : i32
    %eq3A_24 = arith.cmpi eq, %arg0, %eq3A_23 : i32
    %convert_element_type3A_25 = arith.extui %eq3A_24 : i1 to i32
    %cond3A_26 = arith.constant 0 : i32
    %cond3A_27 = arith.cmpi ne, %convert_element_type3A_25, %cond3A_26 : i32
    scf.if %cond3A_27 {
      %broadcast_in_dim3A_49 = arith.constant 0.000000e+00 : f32
      %broadcast_in_dim3A_50 = vector.broadcast %broadcast_in_dim3A_49 : f32 to vector<2x128xf32>
      %swap3A_51 = arith.constant 0 : index
      %swap3A_52 = arith.constant 0 : index
      %swap3A_53 = vector.load %arg4[%swap3A_51, %swap3A_52] : memref<2x128xf32, #tpu.memory_space<vmem>>, vector<2x128xf32>
      tpu.vector_store %arg4[%swap3A_51, %swap3A_52], %broadcast_in_dim3A_50 {strides = array<i32>} : memref<2x128xf32, #tpu.memory_space<vmem>>, vector<2x128xf32>,
    } else {
    }
    %get3A_28 = arith.constant 0 : index
    %get3A_29 = arith.constant 0 : index
    %get3A_30 = vector.load %arg4[%get3A_28, %get3A_29] : memref<2x128xf32, #tpu.memory_space<vmem>>, vector<1x128xf32>
    %reduce_sum3A_31 = arith.constant dense<0.000000e+00> : vector<128xf32>
    %reduce_sum3A_32 = vector.multi_reduction <add>, %get3A_22, %reduce_sum3A_31 [0] : vector<2000x128xf32> to vector<128xf32>
    %broadcast_in_dim3A_33 = vector.shape_cast %reduce_sum3A_32 : vector<128xf32> to vector<1x128xf32>
    %add3A_34 = arith.addf %get3A_30, %broadcast_in_dim3A_33 : vector<1x128xf32>
    %swap3A_35 = arith.constant 0 : index
    %swap3A_36 = arith.constant 0 : index
    %swap3A_37 = vector.load %arg4[%swap3A_35, %swap3A_36] : memref<2x128xf32, #tpu.memory_space<vmem>>, vector<1x128xf32>
    tpu.vector_store %arg4[%swap3A_35, %swap3A_36], %add3A_34 {strides = array<i32>} : memref<2x128xf32, #tpu.memory_space<vmem>>, vector<1x128xf32>,
    %get3A_38 = arith.constant 1 : index
    %get3A_39 = arith.constant 0 : index
    %get3A_40 = vector.load %arg4[%get3A_38, %get3A_39] : memref<2x128xf32, #tpu.memory_space<vmem>>, vector<1x128xf32>
    %mul3A_41 = arith.mulf %get3A_22, %get3A_22 : vector<2000x128xf32>
    %reduce_sum3A_42 = arith.constant dense<0.000000e+00> : vector<128xf32>
    %reduce_sum3A_43 = vector.multi_reduction <add>, %mul3A_41, %reduce_sum3A_42 [0] : vector<2000x128xf32> to vector<128xf32>
    %broadcast_in_dim3A_44 = vector.shape_cast %reduce_sum3A_43 : vector<128xf32> to vector<1x128xf32>
    %add3A_45 = arith.addf %get3A_40, %broadcast_in_dim3A_44 : vector<1x128xf32>
    %swap3A_46 = arith.constant 1 : index
    %swap3A_47 = arith.constant 0 : index
    %swap3A_48 = vector.load %arg4[%swap3A_46, %swap3A_47] : memref<2x128xf32, #tpu.memory_space<vmem>>, vector<1x128xf32>
    tpu.vector_store %arg4[%swap3A_46, %swap3A_47], %add3A_45 {strides = array<i32>} : memref<2x128xf32, #tpu.memory_space<vmem>>, vector<1x128xf32>,
    return
  }
  func.func @transform_0(%arg0: i32) -> (i32, i32) {
    %c0_i32 = arith.constant 0 : i32
    %c0_i32_0 = arith.constant 0 : i32
    return %arg0, %c0_i32 : i32, i32
  }
  func.func @transform_1(%arg0: i32) -> (i32, i32) {
    %c0_i32 = arith.constant 0 : i32
    %c0_i32_0 = arith.constant 0 : i32
    return %arg0, %c0_i32 : i32, i32
  }
  func.func @transform_2(%arg0: i32) -> (i32, i32) {
    %c0_i32 = arith.constant 0 : i32
    %c0_i32_0 = arith.constant 0 : i32
    %c0_i32_1 = arith.constant 0 : i32
    return %c0_i32, %c0_i32_0 : i32, i32
  }
  func.func @transform_3(%arg0: i32) -> (i32, i32) {
    %c0_i32 = arith.constant 0 : i32
    %c0_i32_0 = arith.constant 0 : i32
    %c0_i32_1 = arith.constant 0 : i32
    return %c0_i32, %c0_i32_0 : i32, i32
  }
}

module attributes {stable_mosaic.version = 14 : i64} {
  func.func @_stage_el1_body(%arg0: i32, %arg1: memref<2000x128xf32, #tpu.memory_space<vmem>>, %arg2: memref<2000x128xf32, #tpu.memory_space<vmem>>, %arg3: memref<2000x128xf32, #tpu.memory_space<vmem>>, %arg4: memref<2x128xf32, #tpu.memory_space<vmem>>, %arg5: memref<2x128xf32, #tpu.memory_space<vmem>>, %arg6: memref<2x128xf32, #tpu.memory_space<vmem>>, %arg7: memref<128x128xf32, #tpu.memory_space<vmem>>, %arg8: memref<1x128xf32, #tpu.memory_space<vmem>>, %arg9: memref<1x128xf32, #tpu.memory_space<vmem>>, %arg10: memref<1x128xf32, #tpu.memory_space<vmem>>, %arg11: memref<1x128xf32, #tpu.memory_space<vmem>>, %arg12: memref<1x128xf32, #tpu.memory_space<vmem>>, %arg13: memref<1x128xf32, #tpu.memory_space<vmem>>, %arg14: memref<128x128xf32, #tpu.memory_space<vmem>>, %arg15: memref<128x128xf32, #tpu.memory_space<vmem>>, %arg16: memref<128x128xf32, #tpu.memory_space<vmem>>, %arg17: memref<1x128xf32, #tpu.memory_space<vmem>>, %arg18: memref<2000x128xf32, #tpu.memory_space<vmem>>, %arg19: memref<2x128xf32, #tpu.memory_space<vmem>>) attributes {dimension_semantics = [#tpu.dimension_semantics<arbitrary>], iteration_bounds = array<i64: 10>, scalar_prefetch = 0 : i64, scratch_operands = 0 : i64, tpu.core_type = #tpu.core_type<tc>, window_params = [{transform_indices = @transform_0, window_bounds = array<i64: 2000, 128>}, {transform_indices = @transform_1, window_bounds = array<i64: 2000, 128>}, {transform_indices = @transform_2, window_bounds = array<i64: 2000, 128>}, {pipeline_mode = #tpu.pipeline_mode<synchronous>, transform_indices = @transform_3, window_bounds = array<i64: 2, 128>}, {pipeline_mode = #tpu.pipeline_mode<synchronous>, transform_indices = @transform_4, window_bounds = array<i64: 2, 128>}, {pipeline_mode = #tpu.pipeline_mode<synchronous>, transform_indices = @transform_5, window_bounds = array<i64: 2, 128>}, {pipeline_mode = #tpu.pipeline_mode<synchronous>, transform_indices = @transform_6, window_bounds = array<i64: 128, 128>}, {pipeline_mode = #tpu.pipeline_mode<synchronous>, transform_indices = @transform_7, window_bounds = array<i64: 1, 128>}, {pipeline_mode = #tpu.pipeline_mode<synchronous>, transform_indices = @transform_8, window_bounds = array<i64: 1, 128>}, {pipeline_mode = #tpu.pipeline_mode<synchronous>, transform_indices = @transform_9, window_bounds = array<i64: 1, 128>}, {pipeline_mode = #tpu.pipeline_mode<synchronous>, transform_indices = @transform_10, window_bounds = array<i64: 1, 128>}, {pipeline_mode = #tpu.pipeline_mode<synchronous>, transform_indices = @transform_11, window_bounds = array<i64: 1, 128>}, {pipeline_mode = #tpu.pipeline_mode<synchronous>, transform_indices = @transform_12, window_bounds = array<i64: 1, 128>}, {pipeline_mode = #tpu.pipeline_mode<synchronous>, transform_indices = @transform_13, window_bounds = array<i64: 128, 128>}, {pipeline_mode = #tpu.pipeline_mode<synchronous>, transform_indices = @transform_14, window_bounds = array<i64: 128, 128>}, {pipeline_mode = #tpu.pipeline_mode<synchronous>, transform_indices = @transform_15, window_bounds = array<i64: 128, 128>}, {pipeline_mode = #tpu.pipeline_mode<synchronous>, transform_indices = @transform_16, window_bounds = array<i64: 1, 128>}, {transform_indices = @transform_17, window_bounds = array<i64: 2000, 128>}, {pipeline_mode = #tpu.pipeline_mode<synchronous>, transform_indices = @transform_18, window_bounds = array<i64: 2, 128>}]} {
    %get3A = arith.constant 0 : index
    %get3A_0 = arith.constant 0 : index
    %get3A_1 = vector.load %arg7[%get3A, %get3A_0] : memref<128x128xf32, #tpu.memory_space<vmem>>, vector<128x128xf32>
    %get3A_2 = arith.constant 0 : index
    %get3A_3 = arith.constant 0 : index
    %get3A_4 = vector.load %arg1[%get3A_2, %get3A_3] : memref<2000x128xf32, #tpu.memory_space<vmem>>, vector<2000x128xf32>
    %get3A_5 = arith.constant 0 : index
    %get3A_6 = arith.constant 0 : index
    %get3A_7 = vector.load %arg4[%get3A_5, %get3A_6] : memref<2x128xf32, #tpu.memory_space<vmem>>, vector<2x128xf32>
    %get3A_8 = arith.constant 0 : index
    %get3A_9 = arith.constant 0 : index
    %get3A_10 = vector.load %arg8[%get3A_8, %get3A_9] : memref<1x128xf32, #tpu.memory_space<vmem>>, vector<1x128xf32>
    %get3A_11 = arith.constant 0 : index
    %get3A_12 = arith.constant 0 : index
    %get3A_13 = vector.load %arg9[%get3A_11, %get3A_12] : memref<1x128xf32, #tpu.memory_space<vmem>>, vector<1x128xf32>
    %slice3A = vector.extract_strided_slice %get3A_7 {offsets = [0, 0], sizes = [1, 128], strides = [1, 1]} : vector<2x128xf32> to vector<1x128xf32>
    %dot_general3A = arith.constant dense<0.000000e+00> : vector<1x128xf32>
    %dot_general3A_14 = tpu.matmul %slice3A, %get3A_1, %dot_general3A {dimension_numbers = #tpu.dot_dimension_numbers<[1], [0], [0], [1], [0, 0, 1, 1], [], []>, precision = #tpu.contract_precision<fp32>, transpose_lhs_hint = false} : vector<1x128xf32>, vector<128x128xf32>, vector<1x128xf32> -> vector<1x128xf32>
    %slice3A_15 = vector.extract_strided_slice %get3A_7 {offsets = [1, 0], sizes = [1, 128], strides = [1, 1]} : vector<2x128xf32> to vector<1x128xf32>
    %dot_general3A_16 = arith.constant dense<0.000000e+00> : vector<1x128xf32>
    %dot_general3A_17 = tpu.matmul %slice3A_15, %get3A_1, %dot_general3A_16 {dimension_numbers = #tpu.dot_dimension_numbers<[1], [0], [0], [1], [0, 0, 1, 1], [], []>, precision = #tpu.contract_precision<fp32>, transpose_lhs_hint = false} : vector<1x128xf32>, vector<128x128xf32>, vector<1x128xf32> -> vector<1x128xf32>
    %mul3A = arith.mulf %dot_general3A_14, %dot_general3A_14 : vector<1x128xf32>
    %sub3A = arith.subf %dot_general3A_17, %mul3A : vector<1x128xf32>
    %max3A = arith.constant 0.000000e+00 : f32
    %max3A_18 = vector.broadcast %max3A : f32 to vector<1x128xf32>
    %max3A_19 = arith.maximumf %sub3A, %max3A_18 : vector<1x128xf32>
    %add3A = arith.constant 9.99999974E-6 : f32
    %add3A_20 = vector.broadcast %add3A : f32 to vector<1x128xf32>
    %add3A_21 = arith.addf %max3A_19, %add3A_20 : vector<1x128xf32>
    %rsqrt3A = math.rsqrt %add3A_21 : vector<1x128xf32>
    %sub3A_22 = vector.broadcast %dot_general3A_14 : vector<1x128xf32> to vector<2000x128xf32>
    %sub3A_23 = arith.subf %get3A_4, %sub3A_22 : vector<2000x128xf32>
    %mul3A_24 = vector.broadcast %rsqrt3A : vector<1x128xf32> to vector<2000x128xf32>
    %mul3A_25 = arith.mulf %sub3A_23, %mul3A_24 : vector<2000x128xf32>
    %mul3A_26 = vector.broadcast %get3A_10 : vector<1x128xf32> to vector<2000x128xf32>
    %mul3A_27 = arith.mulf %mul3A_25, %mul3A_26 : vector<2000x128xf32>
    %add3A_28 = vector.broadcast %get3A_13 : vector<1x128xf32> to vector<2000x128xf32>
    %add3A_29 = arith.addf %mul3A_27, %add3A_28 : vector<2000x128xf32>
    %get3A_30 = arith.constant 0 : index
    %get3A_31 = arith.constant 0 : index
    %get3A_32 = vector.load %arg14[%get3A_30, %get3A_31] : memref<128x128xf32, #tpu.memory_space<vmem>>, vector<128x128xf32>
    %dot_general3A_33 = arith.constant dense<0.000000e+00> : vector<2000x128xf32>
    %dot_general3A_34 = tpu.matmul %add3A_29, %get3A_32, %dot_general3A_33 {dimension_numbers = #tpu.dot_dimension_numbers<[1], [0], [0], [1], [0, 0, 1, 1], [], []>, transpose_lhs_hint = false} : vector<2000x128xf32>, vector<128x128xf32>, vector<2000x128xf32> -> vector<2000x128xf32>
    %get3A_35 = arith.constant 0 : index
    %get3A_36 = arith.constant 0 : index
    %get3A_37 = vector.load %arg2[%get3A_35, %get3A_36] : memref<2000x128xf32, #tpu.memory_space<vmem>>, vector<2000x128xf32>
    %get3A_38 = arith.constant 0 : index
    %get3A_39 = arith.constant 0 : index
    %get3A_40 = vector.load %arg5[%get3A_38, %get3A_39] : memref<2x128xf32, #tpu.memory_space<vmem>>, vector<2x128xf32>
    %get3A_41 = arith.constant 0 : index
    %get3A_42 = arith.constant 0 : index
    %get3A_43 = vector.load %arg10[%get3A_41, %get3A_42] : memref<1x128xf32, #tpu.memory_space<vmem>>, vector<1x128xf32>
    %get3A_44 = arith.constant 0 : index
    %get3A_45 = arith.constant 0 : index
    %get3A_46 = vector.load %arg11[%get3A_44, %get3A_45] : memref<1x128xf32, #tpu.memory_space<vmem>>, vector<1x128xf32>
    %slice3A_47 = vector.extract_strided_slice %get3A_40 {offsets = [0, 0], sizes = [1, 128], strides = [1, 1]} : vector<2x128xf32> to vector<1x128xf32>
    %dot_general3A_48 = arith.constant dense<0.000000e+00> : vector<1x128xf32>
    %dot_general3A_49 = tpu.matmul %slice3A_47, %get3A_1, %dot_general3A_48 {dimension_numbers = #tpu.dot_dimension_numbers<[1], [0], [0], [1], [0, 0, 1, 1], [], []>, precision = #tpu.contract_precision<fp32>, transpose_lhs_hint = false} : vector<1x128xf32>, vector<128x128xf32>, vector<1x128xf32> -> vector<1x128xf32>
    %slice3A_50 = vector.extract_strided_slice %get3A_40 {offsets = [1, 0], sizes = [1, 128], strides = [1, 1]} : vector<2x128xf32> to vector<1x128xf32>
    %dot_general3A_51 = arith.constant dense<0.000000e+00> : vector<1x128xf32>
    %dot_general3A_52 = tpu.matmul %slice3A_50, %get3A_1, %dot_general3A_51 {dimension_numbers = #tpu.dot_dimension_numbers<[1], [0], [0], [1], [0, 0, 1, 1], [], []>, precision = #tpu.contract_precision<fp32>, transpose_lhs_hint = false} : vector<1x128xf32>, vector<128x128xf32>, vector<1x128xf32> -> vector<1x128xf32>
    %mul3A_53 = arith.mulf %dot_general3A_49, %dot_general3A_49 : vector<1x128xf32>
    %sub3A_54 = arith.subf %dot_general3A_52, %mul3A_53 : vector<1x128xf32>
    %max3A_55 = arith.constant 0.000000e+00 : f32
    %max3A_56 = vector.broadcast %max3A_55 : f32 to vector<1x128xf32>
    %max3A_57 = arith.maximumf %sub3A_54, %max3A_56 : vector<1x128xf32>
    %add3A_58 = arith.constant 9.99999974E-6 : f32
    %add3A_59 = vector.broadcast %add3A_58 : f32 to vector<1x128xf32>
    %add3A_60 = arith.addf %max3A_57, %add3A_59 : vector<1x128xf32>
    %rsqrt3A_61 = math.rsqrt %add3A_60 : vector<1x128xf32>
    %sub3A_62 = vector.broadcast %dot_general3A_49 : vector<1x128xf32> to vector<2000x128xf32>
    %sub3A_63 = arith.subf %get3A_37, %sub3A_62 : vector<2000x128xf32>
    %mul3A_64 = vector.broadcast %rsqrt3A_61 : vector<1x128xf32> to vector<2000x128xf32>
    %mul3A_65 = arith.mulf %sub3A_63, %mul3A_64 : vector<2000x128xf32>
    %mul3A_66 = vector.broadcast %get3A_43 : vector<1x128xf32> to vector<2000x128xf32>
    %mul3A_67 = arith.mulf %mul3A_65, %mul3A_66 : vector<2000x128xf32>
    %add3A_68 = vector.broadcast %get3A_46 : vector<1x128xf32> to vector<2000x128xf32>
    %add3A_69 = arith.addf %mul3A_67, %add3A_68 : vector<2000x128xf32>
    %get3A_70 = arith.constant 0 : index
    %get3A_71 = arith.constant 0 : index
    %get3A_72 = vector.load %arg15[%get3A_70, %get3A_71] : memref<128x128xf32, #tpu.memory_space<vmem>>, vector<128x128xf32>
    %dot_general3A_73 = arith.constant dense<0.000000e+00> : vector<2000x128xf32>
    %dot_general3A_74 = tpu.matmul %add3A_69, %get3A_72, %dot_general3A_73 {dimension_numbers = #tpu.dot_dimension_numbers<[1], [0], [0], [1], [0, 0, 1, 1], [], []>, transpose_lhs_hint = false} : vector<2000x128xf32>, vector<128x128xf32>, vector<2000x128xf32> -> vector<2000x128xf32>
    %add3A_75 = arith.addf %dot_general3A_34, %dot_general3A_74 : vector<2000x128xf32>
    %get3A_76 = arith.constant 0 : index
    %get3A_77 = arith.constant 0 : index
    %get3A_78 = vector.load %arg3[%get3A_76, %get3A_77] : memref<2000x128xf32, #tpu.memory_space<vmem>>, vector<2000x128xf32>
    %get3A_79 = arith.constant 0 : index
    %get3A_80 = arith.constant 0 : index
    %get3A_81 = vector.load %arg6[%get3A_79, %get3A_80] : memref<2x128xf32, #tpu.memory_space<vmem>>, vector<2x128xf32>
    %get3A_82 = arith.constant 0 : index
    %get3A_83 = arith.constant 0 : index
    %get3A_84 = vector.load %arg12[%get3A_82, %get3A_83] : memref<1x128xf32, #tpu.memory_space<vmem>>, vector<1x128xf32>
    %get3A_85 = arith.constant 0 : index
    %get3A_86 = arith.constant 0 : index
    %get3A_87 = vector.load %arg13[%get3A_85, %get3A_86] : memref<1x128xf32, #tpu.memory_space<vmem>>, vector<1x128xf32>
    %slice3A_88 = vector.extract_strided_slice %get3A_81 {offsets = [0, 0], sizes = [1, 128], strides = [1, 1]} : vector<2x128xf32> to vector<1x128xf32>
    %dot_general3A_89 = arith.constant dense<0.000000e+00> : vector<1x128xf32>
    %dot_general3A_90 = tpu.matmul %slice3A_88, %get3A_1, %dot_general3A_89 {dimension_numbers = #tpu.dot_dimension_numbers<[1], [0], [0], [1], [0, 0, 1, 1], [], []>, precision = #tpu.contract_precision<fp32>, transpose_lhs_hint = false} : vector<1x128xf32>, vector<128x128xf32>, vector<1x128xf32> -> vector<1x128xf32>
    %slice3A_91 = vector.extract_strided_slice %get3A_81 {offsets = [1, 0], sizes = [1, 128], strides = [1, 1]} : vector<2x128xf32> to vector<1x128xf32>
    %dot_general3A_92 = arith.constant dense<0.000000e+00> : vector<1x128xf32>
    %dot_general3A_93 = tpu.matmul %slice3A_91, %get3A_1, %dot_general3A_92 {dimension_numbers = #tpu.dot_dimension_numbers<[1], [0], [0], [1], [0, 0, 1, 1], [], []>, precision = #tpu.contract_precision<fp32>, transpose_lhs_hint = false} : vector<1x128xf32>, vector<128x128xf32>, vector<1x128xf32> -> vector<1x128xf32>
    %mul3A_94 = arith.mulf %dot_general3A_90, %dot_general3A_90 : vector<1x128xf32>
    %sub3A_95 = arith.subf %dot_general3A_93, %mul3A_94 : vector<1x128xf32>
    %max3A_96 = arith.constant 0.000000e+00 : f32
    %max3A_97 = vector.broadcast %max3A_96 : f32 to vector<1x128xf32>
    %max3A_98 = arith.maximumf %sub3A_95, %max3A_97 : vector<1x128xf32>
    %add3A_99 = arith.constant 9.99999974E-6 : f32
    %add3A_100 = vector.broadcast %add3A_99 : f32 to vector<1x128xf32>
    %add3A_101 = arith.addf %max3A_98, %add3A_100 : vector<1x128xf32>
    %rsqrt3A_102 = math.rsqrt %add3A_101 : vector<1x128xf32>
    %sub3A_103 = vector.broadcast %dot_general3A_90 : vector<1x128xf32> to vector<2000x128xf32>
    %sub3A_104 = arith.subf %get3A_78, %sub3A_103 : vector<2000x128xf32>
    %mul3A_105 = vector.broadcast %rsqrt3A_102 : vector<1x128xf32> to vector<2000x128xf32>
    %mul3A_106 = arith.mulf %sub3A_104, %mul3A_105 : vector<2000x128xf32>
    %mul3A_107 = vector.broadcast %get3A_84 : vector<1x128xf32> to vector<2000x128xf32>
    %mul3A_108 = arith.mulf %mul3A_106, %mul3A_107 : vector<2000x128xf32>
    %add3A_109 = vector.broadcast %get3A_87 : vector<1x128xf32> to vector<2000x128xf32>
    %add3A_110 = arith.addf %mul3A_108, %add3A_109 : vector<2000x128xf32>
    %get3A_111 = arith.constant 0 : index
    %get3A_112 = arith.constant 0 : index
    %get3A_113 = vector.load %arg16[%get3A_111, %get3A_112] : memref<128x128xf32, #tpu.memory_space<vmem>>, vector<128x128xf32>
    %dot_general3A_114 = arith.constant dense<0.000000e+00> : vector<2000x128xf32>
    %dot_general3A_115 = tpu.matmul %add3A_110, %get3A_113, %dot_general3A_114 {dimension_numbers = #tpu.dot_dimension_numbers<[1], [0], [0], [1], [0, 0, 1, 1], [], []>, transpose_lhs_hint = false} : vector<2000x128xf32>, vector<128x128xf32>, vector<2000x128xf32> -> vector<2000x128xf32>
    %add3A_116 = arith.addf %add3A_75, %dot_general3A_115 : vector<2000x128xf32>
    %get3A_117 = arith.constant 0 : index
    %get3A_118 = arith.constant 0 : index
    %get3A_119 = vector.load %arg17[%get3A_117, %get3A_118] : memref<1x128xf32, #tpu.memory_space<vmem>>, vector<1x128xf32>
    %add3A_120 = vector.broadcast %get3A_119 : vector<1x128xf32> to vector<2000x128xf32>
    %add3A_121 = arith.addf %add3A_116, %add3A_120 : vector<2000x128xf32>
    %gt3A = arith.constant 0.000000e+00 : f32
    %gt3A_122 = vector.broadcast %gt3A : f32 to vector<2000x128xf32>
    %gt3A_123 = arith.cmpf ogt, %add3A_121, %gt3A_122 : vector<2000x128xf32>
    %exp3A = math.exp %add3A_121 : vector<2000x128xf32>
    %sub3A_124 = arith.constant 1.000000e+00 : f32
    %sub3A_125 = vector.broadcast %sub3A_124 : f32 to vector<2000x128xf32>
    %sub3A_126 = arith.subf %exp3A, %sub3A_125 : vector<2000x128xf32>
    %select_n3A = arith.select %gt3A_123, %add3A_121, %sub3A_126 : vector<2000x128xi1>, vector<2000x128xf32>
    %swap3A = arith.constant 0 : index
    %swap3A_127 = arith.constant 0 : index
    %swap3A_128 = vector.load %arg18[%swap3A, %swap3A_127] : memref<2000x128xf32, #tpu.memory_space<vmem>>, vector<2000x128xf32>
    tpu.vector_store %arg18[%swap3A, %swap3A_127], %select_n3A {strides = array<i32>} : memref<2000x128xf32, #tpu.memory_space<vmem>>, vector<2000x128xf32>,
    %eq3A = arith.constant 0 : i32
    %eq3A_129 = arith.cmpi eq, %arg0, %eq3A : i32
    %convert_element_type3A = arith.extui %eq3A_129 : i1 to i32
    %cond3A = arith.constant 0 : i32
    %cond3A_130 = arith.cmpi ne, %convert_element_type3A, %cond3A : i32
    scf.if %cond3A_130 {
      %broadcast_in_dim3A_150 = arith.constant 0.000000e+00 : f32
      %broadcast_in_dim3A_151 = vector.broadcast %broadcast_in_dim3A_150 : f32 to vector<2x128xf32>
      %swap3A_152 = arith.constant 0 : index
      %swap3A_153 = arith.constant 0 : index
      %swap3A_154 = vector.load %arg19[%swap3A_152, %swap3A_153] : memref<2x128xf32, #tpu.memory_space<vmem>>, vector<2x128xf32>
      tpu.vector_store %arg19[%swap3A_152, %swap3A_153], %broadcast_in_dim3A_151 {strides = array<i32>} : memref<2x128xf32, #tpu.memory_space<vmem>>, vector<2x128xf32>,
    } else {
    }
    %get3A_131 = arith.constant 0 : index
    %get3A_132 = arith.constant 0 : index
    %get3A_133 = vector.load %arg19[%get3A_131, %get3A_132] : memref<2x128xf32, #tpu.memory_space<vmem>>, vector<1x128xf32>
    %reduce_sum3A = arith.constant dense<0.000000e+00> : vector<128xf32>
    %reduce_sum3A_134 = vector.multi_reduction <add>, %select_n3A, %reduce_sum3A [0] : vector<2000x128xf32> to vector<128xf32>
    %broadcast_in_dim3A = vector.shape_cast %reduce_sum3A_134 : vector<128xf32> to vector<1x128xf32>
    %add3A_135 = arith.addf %get3A_133, %broadcast_in_dim3A : vector<1x128xf32>
    %swap3A_136 = arith.constant 0 : index
    %swap3A_137 = arith.constant 0 : index
    %swap3A_138 = vector.load %arg19[%swap3A_136, %swap3A_137] : memref<2x128xf32, #tpu.memory_space<vmem>>, vector<1x128xf32>
    tpu.vector_store %arg19[%swap3A_136, %swap3A_137], %add3A_135 {strides = array<i32>} : memref<2x128xf32, #tpu.memory_space<vmem>>, vector<1x128xf32>,
    %get3A_139 = arith.constant 1 : index
    %get3A_140 = arith.constant 0 : index
    %get3A_141 = vector.load %arg19[%get3A_139, %get3A_140] : memref<2x128xf32, #tpu.memory_space<vmem>>, vector<1x128xf32>
    %mul3A_142 = arith.mulf %select_n3A, %select_n3A : vector<2000x128xf32>
    %reduce_sum3A_143 = arith.constant dense<0.000000e+00> : vector<128xf32>
    %reduce_sum3A_144 = vector.multi_reduction <add>, %mul3A_142, %reduce_sum3A_143 [0] : vector<2000x128xf32> to vector<128xf32>
    %broadcast_in_dim3A_145 = vector.shape_cast %reduce_sum3A_144 : vector<128xf32> to vector<1x128xf32>
    %add3A_146 = arith.addf %get3A_141, %broadcast_in_dim3A_145 : vector<1x128xf32>
    %swap3A_147 = arith.constant 1 : index
    %swap3A_148 = arith.constant 0 : index
    %swap3A_149 = vector.load %arg19[%swap3A_147, %swap3A_148] : memref<2x128xf32, #tpu.memory_space<vmem>>, vector<1x128xf32>
    tpu.vector_store %arg19[%swap3A_147, %swap3A_148], %add3A_146 {strides = array<i32>} : memref<2x128xf32, #tpu.memory_space<vmem>>, vector<1x128xf32>,
    return
  }
  func.func @transform_0(%arg0: i32) -> (i32, i32) {
    %c0_i32 = arith.constant 0 : i32
    %c0_i32_0 = arith.constant 0 : i32
    return %arg0, %c0_i32 : i32, i32
  }
  func.func @transform_1(%arg0: i32) -> (i32, i32) {
    %c0_i32 = arith.constant 0 : i32
    %c0_i32_0 = arith.constant 0 : i32
    return %arg0, %c0_i32 : i32, i32
  }
  func.func @transform_2(%arg0: i32) -> (i32, i32) {
    %c0_i32 = arith.constant 0 : i32
    %c0_i32_0 = arith.constant 0 : i32
    return %arg0, %c0_i32 : i32, i32
  }
  func.func @transform_3(%arg0: i32) -> (i32, i32) {
    %c0_i32 = arith.constant 0 : i32
    %c0_i32_0 = arith.constant 0 : i32
    %c0_i32_1 = arith.constant 0 : i32
    return %c0_i32, %c0_i32_0 : i32, i32
  }
  func.func @transform_4(%arg0: i32) -> (i32, i32) {
    %c0_i32 = arith.constant 0 : i32
    %c0_i32_0 = arith.constant 0 : i32
    %c0_i32_1 = arith.constant 0 : i32
    return %c0_i32, %c0_i32_0 : i32, i32
  }
  func.func @transform_5(%arg0: i32) -> (i32, i32) {
    %c0_i32 = arith.constant 0 : i32
    %c0_i32_0 = arith.constant 0 : i32
    %c0_i32_1 = arith.constant 0 : i32
    return %c0_i32, %c0_i32_0 : i32, i32
  }
  func.func @transform_6(%arg0: i32) -> (i32, i32) {
    %c0_i32 = arith.constant 0 : i32
    %c0_i32_0 = arith.constant 0 : i32
    %c0_i32_1 = arith.constant 0 : i32
    return %c0_i32, %c0_i32_0 : i32, i32
  }
  func.func @transform_7(%arg0: i32) -> (i32, i32) {
    %c0_i32 = arith.constant 0 : i32
    %c0_i32_0 = arith.constant 0 : i32
    %c0_i32_1 = arith.constant 0 : i32
    return %c0_i32, %c0_i32_0 : i32, i32
  }
  func.func @transform_8(%arg0: i32) -> (i32, i32) {
    %c0_i32 = arith.constant 0 : i32
    %c0_i32_0 = arith.constant 0 : i32
    %c0_i32_1 = arith.constant 0 : i32
    return %c0_i32, %c0_i32_0 : i32, i32
  }
  func.func @transform_9(%arg0: i32) -> (i32, i32) {
    %c0_i32 = arith.constant 0 : i32
    %c0_i32_0 = arith.constant 0 : i32
    %c0_i32_1 = arith.constant 0 : i32
    return %c0_i32, %c0_i32_0 : i32, i32
  }
  func.func @transform_10(%arg0: i32) -> (i32, i32) {
    %c0_i32 = arith.constant 0 : i32
    %c0_i32_0 = arith.constant 0 : i32
    %c0_i32_1 = arith.constant 0 : i32
    return %c0_i32, %c0_i32_0 : i32, i32
  }
  func.func @transform_11(%arg0: i32) -> (i32, i32) {
    %c0_i32 = arith.constant 0 : i32
    %c0_i32_0 = arith.constant 0 : i32
    %c0_i32_1 = arith.constant 0 : i32
    return %c0_i32, %c0_i32_0 : i32, i32
  }
  func.func @transform_12(%arg0: i32) -> (i32, i32) {
    %c0_i32 = arith.constant 0 : i32
    %c0_i32_0 = arith.constant 0 : i32
    %c0_i32_1 = arith.constant 0 : i32
    return %c0_i32, %c0_i32_0 : i32, i32
  }
  func.func @transform_13(%arg0: i32) -> (i32, i32) {
    %c0_i32 = arith.constant 0 : i32
    %c0_i32_0 = arith.constant 0 : i32
    %c0_i32_1 = arith.constant 0 : i32
    return %c0_i32, %c0_i32_0 : i32, i32
  }
  func.func @transform_14(%arg0: i32) -> (i32, i32) {
    %c0_i32 = arith.constant 0 : i32
    %c0_i32_0 = arith.constant 0 : i32
    %c0_i32_1 = arith.constant 0 : i32
    return %c0_i32, %c0_i32_0 : i32, i32
  }
  func.func @transform_15(%arg0: i32) -> (i32, i32) {
    %c0_i32 = arith.constant 0 : i32
    %c0_i32_0 = arith.constant 0 : i32
    %c0_i32_1 = arith.constant 0 : i32
    return %c0_i32, %c0_i32_0 : i32, i32
  }
  func.func @transform_16(%arg0: i32) -> (i32, i32) {
    %c0_i32 = arith.constant 0 : i32
    %c0_i32_0 = arith.constant 0 : i32
    %c0_i32_1 = arith.constant 0 : i32
    return %c0_i32, %c0_i32_0 : i32, i32
  }
  func.func @transform_17(%arg0: i32) -> (i32, i32) {
    %c0_i32 = arith.constant 0 : i32
    %c0_i32_0 = arith.constant 0 : i32
    return %arg0, %c0_i32 : i32, i32
  }
  func.func @transform_18(%arg0: i32) -> (i32, i32) {
    %c0_i32 = arith.constant 0 : i32
    %c0_i32_0 = arith.constant 0 : i32
    %c0_i32_1 = arith.constant 0 : i32
    return %c0_i32, %c0_i32_0 : i32, i32
  }
}

module attributes {stable_mosaic.version = 14 : i64} {
  func.func @_stage_el3_body(%arg0: i32, %arg1: memref<2000x128xf32, #tpu.memory_space<vmem>>, %arg2: memref<2x128xf32, #tpu.memory_space<vmem>>, %arg3: memref<128x128xf32, #tpu.memory_space<vmem>>, %arg4: memref<1x128xf32, #tpu.memory_space<vmem>>, %arg5: memref<1x128xf32, #tpu.memory_space<vmem>>, %arg6: memref<128x128xf32, #tpu.memory_space<vmem>>, %arg7: memref<1x128xf32, #tpu.memory_space<vmem>>, %arg8: memref<2000x128xf32, #tpu.memory_space<vmem>>, %arg9: memref<2x128xf32, #tpu.memory_space<vmem>>) attributes {dimension_semantics = [#tpu.dimension_semantics<arbitrary>], iteration_bounds = array<i64: 10>, scalar_prefetch = 0 : i64, scratch_operands = 0 : i64, tpu.core_type = #tpu.core_type<tc>, window_params = [{transform_indices = @transform_0, window_bounds = array<i64: 2000, 128>}, {pipeline_mode = #tpu.pipeline_mode<synchronous>, transform_indices = @transform_1, window_bounds = array<i64: 2, 128>}, {pipeline_mode = #tpu.pipeline_mode<synchronous>, transform_indices = @transform_2, window_bounds = array<i64: 128, 128>}, {pipeline_mode = #tpu.pipeline_mode<synchronous>, transform_indices = @transform_3, window_bounds = array<i64: 1, 128>}, {pipeline_mode = #tpu.pipeline_mode<synchronous>, transform_indices = @transform_4, window_bounds = array<i64: 1, 128>}, {pipeline_mode = #tpu.pipeline_mode<synchronous>, transform_indices = @transform_5, window_bounds = array<i64: 128, 128>}, {pipeline_mode = #tpu.pipeline_mode<synchronous>, transform_indices = @transform_6, window_bounds = array<i64: 1, 128>}, {transform_indices = @transform_7, window_bounds = array<i64: 2000, 128>}, {pipeline_mode = #tpu.pipeline_mode<synchronous>, transform_indices = @transform_8, window_bounds = array<i64: 2, 128>}]} {
    %get3A = arith.constant 0 : index
    %get3A_0 = arith.constant 0 : index
    %get3A_1 = vector.load %arg1[%get3A, %get3A_0] : memref<2000x128xf32, #tpu.memory_space<vmem>>, vector<2000x128xf32>
    %get3A_2 = arith.constant 0 : index
    %get3A_3 = arith.constant 0 : index
    %get3A_4 = vector.load %arg2[%get3A_2, %get3A_3] : memref<2x128xf32, #tpu.memory_space<vmem>>, vector<2x128xf32>
    %get3A_5 = arith.constant 0 : index
    %get3A_6 = arith.constant 0 : index
    %get3A_7 = vector.load %arg3[%get3A_5, %get3A_6] : memref<128x128xf32, #tpu.memory_space<vmem>>, vector<128x128xf32>
    %get3A_8 = arith.constant 0 : index
    %get3A_9 = arith.constant 0 : index
    %get3A_10 = vector.load %arg4[%get3A_8, %get3A_9] : memref<1x128xf32, #tpu.memory_space<vmem>>, vector<1x128xf32>
    %get3A_11 = arith.constant 0 : index
    %get3A_12 = arith.constant 0 : index
    %get3A_13 = vector.load %arg5[%get3A_11, %get3A_12] : memref<1x128xf32, #tpu.memory_space<vmem>>, vector<1x128xf32>
    %slice3A = vector.extract_strided_slice %get3A_4 {offsets = [0, 0], sizes = [1, 128], strides = [1, 1]} : vector<2x128xf32> to vector<1x128xf32>
    %dot_general3A = arith.constant dense<0.000000e+00> : vector<1x128xf32>
    %dot_general3A_14 = tpu.matmul %slice3A, %get3A_7, %dot_general3A {dimension_numbers = #tpu.dot_dimension_numbers<[1], [0], [0], [1], [0, 0, 1, 1], [], []>, precision = #tpu.contract_precision<fp32>, transpose_lhs_hint = false} : vector<1x128xf32>, vector<128x128xf32>, vector<1x128xf32> -> vector<1x128xf32>
    %slice3A_15 = vector.extract_strided_slice %get3A_4 {offsets = [1, 0], sizes = [1, 128], strides = [1, 1]} : vector<2x128xf32> to vector<1x128xf32>
    %dot_general3A_16 = arith.constant dense<0.000000e+00> : vector<1x128xf32>
    %dot_general3A_17 = tpu.matmul %slice3A_15, %get3A_7, %dot_general3A_16 {dimension_numbers = #tpu.dot_dimension_numbers<[1], [0], [0], [1], [0, 0, 1, 1], [], []>, precision = #tpu.contract_precision<fp32>, transpose_lhs_hint = false} : vector<1x128xf32>, vector<128x128xf32>, vector<1x128xf32> -> vector<1x128xf32>
    %mul3A = arith.mulf %dot_general3A_14, %dot_general3A_14 : vector<1x128xf32>
    %sub3A = arith.subf %dot_general3A_17, %mul3A : vector<1x128xf32>
    %max3A = arith.constant 0.000000e+00 : f32
    %max3A_18 = vector.broadcast %max3A : f32 to vector<1x128xf32>
    %max3A_19 = arith.maximumf %sub3A, %max3A_18 : vector<1x128xf32>
    %add3A = arith.constant 9.99999974E-6 : f32
    %add3A_20 = vector.broadcast %add3A : f32 to vector<1x128xf32>
    %add3A_21 = arith.addf %max3A_19, %add3A_20 : vector<1x128xf32>
    %rsqrt3A = math.rsqrt %add3A_21 : vector<1x128xf32>
    %sub3A_22 = vector.broadcast %dot_general3A_14 : vector<1x128xf32> to vector<2000x128xf32>
    %sub3A_23 = arith.subf %get3A_1, %sub3A_22 : vector<2000x128xf32>
    %mul3A_24 = vector.broadcast %rsqrt3A : vector<1x128xf32> to vector<2000x128xf32>
    %mul3A_25 = arith.mulf %sub3A_23, %mul3A_24 : vector<2000x128xf32>
    %mul3A_26 = vector.broadcast %get3A_10 : vector<1x128xf32> to vector<2000x128xf32>
    %mul3A_27 = arith.mulf %mul3A_25, %mul3A_26 : vector<2000x128xf32>
    %add3A_28 = vector.broadcast %get3A_13 : vector<1x128xf32> to vector<2000x128xf32>
    %add3A_29 = arith.addf %mul3A_27, %add3A_28 : vector<2000x128xf32>
    %get3A_30 = arith.constant 0 : index
    %get3A_31 = arith.constant 0 : index
    %get3A_32 = vector.load %arg6[%get3A_30, %get3A_31] : memref<128x128xf32, #tpu.memory_space<vmem>>, vector<128x128xf32>
    %dot_general3A_33 = arith.constant dense<0.000000e+00> : vector<2000x128xf32>
    %dot_general3A_34 = tpu.matmul %add3A_29, %get3A_32, %dot_general3A_33 {dimension_numbers = #tpu.dot_dimension_numbers<[1], [0], [0], [1], [0, 0, 1, 1], [], []>, transpose_lhs_hint = false} : vector<2000x128xf32>, vector<128x128xf32>, vector<2000x128xf32> -> vector<2000x128xf32>
    %get3A_35 = arith.constant 0 : index
    %get3A_36 = arith.constant 0 : index
    %get3A_37 = vector.load %arg7[%get3A_35, %get3A_36] : memref<1x128xf32, #tpu.memory_space<vmem>>, vector<1x128xf32>
    %add3A_38 = vector.broadcast %get3A_37 : vector<1x128xf32> to vector<2000x128xf32>
    %add3A_39 = arith.addf %dot_general3A_34, %add3A_38 : vector<2000x128xf32>
    %swap3A = arith.constant 0 : index
    %swap3A_40 = arith.constant 0 : index
    %swap3A_41 = vector.load %arg8[%swap3A, %swap3A_40] : memref<2000x128xf32, #tpu.memory_space<vmem>>, vector<2000x128xf32>
    tpu.vector_store %arg8[%swap3A, %swap3A_40], %add3A_39 {strides = array<i32>} : memref<2000x128xf32, #tpu.memory_space<vmem>>, vector<2000x128xf32>,
    %eq3A = arith.constant 0 : i32
    %eq3A_42 = arith.cmpi eq, %arg0, %eq3A : i32
    %convert_element_type3A = arith.extui %eq3A_42 : i1 to i32
    %cond3A = arith.constant 0 : i32
    %cond3A_43 = arith.cmpi ne, %convert_element_type3A, %cond3A : i32
    scf.if %cond3A_43 {
      %broadcast_in_dim3A_63 = arith.constant 0.000000e+00 : f32
      %broadcast_in_dim3A_64 = vector.broadcast %broadcast_in_dim3A_63 : f32 to vector<2x128xf32>
      %swap3A_65 = arith.constant 0 : index
      %swap3A_66 = arith.constant 0 : index
      %swap3A_67 = vector.load %arg9[%swap3A_65, %swap3A_66] : memref<2x128xf32, #tpu.memory_space<vmem>>, vector<2x128xf32>
      tpu.vector_store %arg9[%swap3A_65, %swap3A_66], %broadcast_in_dim3A_64 {strides = array<i32>} : memref<2x128xf32, #tpu.memory_space<vmem>>, vector<2x128xf32>,
    } else {
    }
    %get3A_44 = arith.constant 0 : index
    %get3A_45 = arith.constant 0 : index
    %get3A_46 = vector.load %arg9[%get3A_44, %get3A_45] : memref<2x128xf32, #tpu.memory_space<vmem>>, vector<1x128xf32>
    %reduce_sum3A = arith.constant dense<0.000000e+00> : vector<128xf32>
    %reduce_sum3A_47 = vector.multi_reduction <add>, %add3A_39, %reduce_sum3A [0] : vector<2000x128xf32> to vector<128xf32>
    %broadcast_in_dim3A = vector.shape_cast %reduce_sum3A_47 : vector<128xf32> to vector<1x128xf32>
    %add3A_48 = arith.addf %get3A_46, %broadcast_in_dim3A : vector<1x128xf32>
    %swap3A_49 = arith.constant 0 : index
    %swap3A_50 = arith.constant 0 : index
    %swap3A_51 = vector.load %arg9[%swap3A_49, %swap3A_50] : memref<2x128xf32, #tpu.memory_space<vmem>>, vector<1x128xf32>
    tpu.vector_store %arg9[%swap3A_49, %swap3A_50], %add3A_48 {strides = array<i32>} : memref<2x128xf32, #tpu.memory_space<vmem>>, vector<1x128xf32>,
    %get3A_52 = arith.constant 1 : index
    %get3A_53 = arith.constant 0 : index
    %get3A_54 = vector.load %arg9[%get3A_52, %get3A_53] : memref<2x128xf32, #tpu.memory_space<vmem>>, vector<1x128xf32>
    %mul3A_55 = arith.mulf %add3A_39, %add3A_39 : vector<2000x128xf32>
    %reduce_sum3A_56 = arith.constant dense<0.000000e+00> : vector<128xf32>
    %reduce_sum3A_57 = vector.multi_reduction <add>, %mul3A_55, %reduce_sum3A_56 [0] : vector<2000x128xf32> to vector<128xf32>
    %broadcast_in_dim3A_58 = vector.shape_cast %reduce_sum3A_57 : vector<128xf32> to vector<1x128xf32>
    %add3A_59 = arith.addf %get3A_54, %broadcast_in_dim3A_58 : vector<1x128xf32>
    %swap3A_60 = arith.constant 1 : index
    %swap3A_61 = arith.constant 0 : index
    %swap3A_62 = vector.load %arg9[%swap3A_60, %swap3A_61] : memref<2x128xf32, #tpu.memory_space<vmem>>, vector<1x128xf32>
    tpu.vector_store %arg9[%swap3A_60, %swap3A_61], %add3A_59 {strides = array<i32>} : memref<2x128xf32, #tpu.memory_space<vmem>>, vector<1x128xf32>,
    return
  }
  func.func @transform_0(%arg0: i32) -> (i32, i32) {
    %c0_i32 = arith.constant 0 : i32
    %c0_i32_0 = arith.constant 0 : i32
    return %arg0, %c0_i32 : i32, i32
  }
  func.func @transform_1(%arg0: i32) -> (i32, i32) {
    %c0_i32 = arith.constant 0 : i32
    %c0_i32_0 = arith.constant 0 : i32
    %c0_i32_1 = arith.constant 0 : i32
    return %c0_i32, %c0_i32_0 : i32, i32
  }
  func.func @transform_2(%arg0: i32) -> (i32, i32) {
    %c0_i32 = arith.constant 0 : i32
    %c0_i32_0 = arith.constant 0 : i32
    %c0_i32_1 = arith.constant 0 : i32
    return %c0_i32, %c0_i32_0 : i32, i32
  }
  func.func @transform_3(%arg0: i32) -> (i32, i32) {
    %c0_i32 = arith.constant 0 : i32
    %c0_i32_0 = arith.constant 0 : i32
    %c0_i32_1 = arith.constant 0 : i32
    return %c0_i32, %c0_i32_0 : i32, i32
  }
  func.func @transform_4(%arg0: i32) -> (i32, i32) {
    %c0_i32 = arith.constant 0 : i32
    %c0_i32_0 = arith.constant 0 : i32
    %c0_i32_1 = arith.constant 0 : i32
    return %c0_i32, %c0_i32_0 : i32, i32
  }
  func.func @transform_5(%arg0: i32) -> (i32, i32) {
    %c0_i32 = arith.constant 0 : i32
    %c0_i32_0 = arith.constant 0 : i32
    %c0_i32_1 = arith.constant 0 : i32
    return %c0_i32, %c0_i32_0 : i32, i32
  }
  func.func @transform_6(%arg0: i32) -> (i32, i32) {
    %c0_i32 = arith.constant 0 : i32
    %c0_i32_0 = arith.constant 0 : i32
    %c0_i32_1 = arith.constant 0 : i32
    return %c0_i32, %c0_i32_0 : i32, i32
  }
  func.func @transform_7(%arg0: i32) -> (i32, i32) {
    %c0_i32 = arith.constant 0 : i32
    %c0_i32_0 = arith.constant 0 : i32
    return %arg0, %c0_i32 : i32, i32
  }
  func.func @transform_8(%arg0: i32) -> (i32, i32) {
    %c0_i32 = arith.constant 0 : i32
    %c0_i32_0 = arith.constant 0 : i32
    %c0_i32_1 = arith.constant 0 : i32
    return %c0_i32, %c0_i32_0 : i32, i32
  }
}

module attributes {stable_mosaic.version = 14 : i64} {
  func.func @_node_update_last_body(%arg0: memref<2x10000x16xf32, #tpu.memory_space<vmem>>, %arg1: memref<10000x16xf32, #tpu.memory_space<vmem>>, %arg2: memref<16x2xf32, #tpu.memory_space<vmem>>, %arg3: memref<1x2xf32, #tpu.memory_space<vmem>>, %arg4: memref<10000x16xf32, #tpu.memory_space<vmem>>, %arg5: memref<10000x2xf32, #tpu.memory_space<vmem>>) attributes {dimension_semantics = [], scalar_prefetch = 0 : i64, scratch_operands = 0 : i64, tpu.core_type = #tpu.core_type<tc>} {
    %get3A = arith.constant 0 : index
    %get3A_0 = arith.constant 0 : index
    %get3A_1 = arith.constant 0 : index
    %get3A_2 = vector.load %arg0[%get3A, %get3A_0, %get3A_1] : memref<2x10000x16xf32, #tpu.memory_space<vmem>>, vector<1x10000x16xf32>
    %get3A_3 = vector.shape_cast %get3A_2 : vector<1x10000x16xf32> to vector<10000x16xf32>
    %get3A_4 = arith.constant 1 : index
    %get3A_5 = arith.constant 0 : index
    %get3A_6 = arith.constant 0 : index
    %get3A_7 = vector.load %arg0[%get3A_4, %get3A_5, %get3A_6] : memref<2x10000x16xf32, #tpu.memory_space<vmem>>, vector<1x10000x16xf32>
    %get3A_8 = vector.shape_cast %get3A_7 : vector<1x10000x16xf32> to vector<10000x16xf32>
    %add3A = arith.addf %get3A_3, %get3A_8 : vector<10000x16xf32>
    %get3A_9 = arith.constant 0 : index
    %get3A_10 = arith.constant 0 : index
    %get3A_11 = vector.load %arg1[%get3A_9, %get3A_10] : memref<10000x16xf32, #tpu.memory_space<vmem>>, vector<10000x16xf32>
    %add3A_12 = arith.addf %add3A, %get3A_11 : vector<10000x16xf32>
    %gt3A = arith.constant 0.000000e+00 : f32
    %gt3A_13 = vector.broadcast %gt3A : f32 to vector<10000x16xf32>
    %gt3A_14 = arith.cmpf ogt, %add3A_12, %gt3A_13 : vector<10000x16xf32>
    %exp3A = math.exp %add3A_12 : vector<10000x16xf32>
    %sub3A = arith.constant 1.000000e+00 : f32
    %sub3A_15 = vector.broadcast %sub3A : f32 to vector<10000x16xf32>
    %sub3A_16 = arith.subf %exp3A, %sub3A_15 : vector<10000x16xf32>
    %select_n3A = arith.select %gt3A_14, %add3A_12, %sub3A_16 : vector<10000x16xi1>, vector<10000x16xf32>
    %swap3A = arith.constant 0 : index
    %swap3A_17 = arith.constant 0 : index
    %swap3A_18 = vector.load %arg4[%swap3A, %swap3A_17] : memref<10000x16xf32, #tpu.memory_space<vmem>>, vector<10000x16xf32>
    tpu.vector_store %arg4[%swap3A, %swap3A_17], %select_n3A {strides = array<i32>} : memref<10000x16xf32, #tpu.memory_space<vmem>>, vector<10000x16xf32>,
    %get3A_19 = arith.constant 0 : index
    %get3A_20 = arith.constant 0 : index
    %get3A_21 = vector.load %arg2[%get3A_19, %get3A_20] : memref<16x2xf32, #tpu.memory_space<vmem>>, vector<16x2xf32>
    %dot_general3A = arith.constant dense<0.000000e+00> : vector<10000x2xf32>
    %dot_general3A_22 = tpu.matmul %select_n3A, %get3A_21, %dot_general3A {dimension_numbers = #tpu.dot_dimension_numbers<[1], [0], [0], [1], [0, 0, 1, 1], [], []>, transpose_lhs_hint = false} : vector<10000x16xf32>, vector<16x2xf32>, vector<10000x2xf32> -> vector<10000x2xf32>
    %get3A_23 = arith.constant 0 : index
    %get3A_24 = arith.constant 0 : index
    %get3A_25 = vector.load %arg3[%get3A_23, %get3A_24] : memref<1x2xf32, #tpu.memory_space<vmem>>, vector<1x2xf32>
    %add3A_26 = vector.broadcast %get3A_25 : vector<1x2xf32> to vector<10000x2xf32>
    %add3A_27 = arith.addf %dot_general3A_22, %add3A_26 : vector<10000x2xf32>
    %swap3A_28 = arith.constant 0 : index
    %swap3A_29 = arith.constant 0 : index
    %swap3A_30 = vector.load %arg5[%swap3A_28, %swap3A_29] : memref<10000x2xf32, #tpu.memory_space<vmem>>, vector<10000x2xf32>
    tpu.vector_store %arg5[%swap3A_28, %swap3A_29], %add3A_27 {strides = array<i32>} : memref<10000x2xf32, #tpu.memory_space<vmem>>, vector<10000x2xf32>,
    return
  }
}

module attributes {stable_mosaic.version = 14 : i64} {
  func.func @_stage_el3_last_body(%arg0: i32, %arg1: memref<2000x128xf32, #tpu.memory_space<vmem>>, %arg2: memref<2x128xf32, #tpu.memory_space<vmem>>, %arg3: memref<128x128xf32, #tpu.memory_space<vmem>>, %arg4: memref<1x128xf32, #tpu.memory_space<vmem>>, %arg5: memref<1x128xf32, #tpu.memory_space<vmem>>, %arg6: memref<128x128xf32, #tpu.memory_space<vmem>>, %arg7: memref<1x128xf32, #tpu.memory_space<vmem>>, %arg8: memref<128x16xf32, #tpu.memory_space<vmem>>, %arg9: memref<1x16xf32, #tpu.memory_space<vmem>>, %arg10: memref<2000x128xf32, #tpu.memory_space<vmem>>, %arg11: memref<2000x16xf32, #tpu.memory_space<vmem>>) attributes {dimension_semantics = [#tpu.dimension_semantics<arbitrary>], iteration_bounds = array<i64: 10>, scalar_prefetch = 0 : i64, scratch_operands = 0 : i64, tpu.core_type = #tpu.core_type<tc>, window_params = [{transform_indices = @transform_0, window_bounds = array<i64: 2000, 128>}, {pipeline_mode = #tpu.pipeline_mode<synchronous>, transform_indices = @transform_1, window_bounds = array<i64: 2, 128>}, {pipeline_mode = #tpu.pipeline_mode<synchronous>, transform_indices = @transform_2, window_bounds = array<i64: 128, 128>}, {pipeline_mode = #tpu.pipeline_mode<synchronous>, transform_indices = @transform_3, window_bounds = array<i64: 1, 128>}, {pipeline_mode = #tpu.pipeline_mode<synchronous>, transform_indices = @transform_4, window_bounds = array<i64: 1, 128>}, {pipeline_mode = #tpu.pipeline_mode<synchronous>, transform_indices = @transform_5, window_bounds = array<i64: 128, 128>}, {pipeline_mode = #tpu.pipeline_mode<synchronous>, transform_indices = @transform_6, window_bounds = array<i64: 1, 128>}, {pipeline_mode = #tpu.pipeline_mode<synchronous>, transform_indices = @transform_7, window_bounds = array<i64: 128, 16>}, {pipeline_mode = #tpu.pipeline_mode<synchronous>, transform_indices = @transform_8, window_bounds = array<i64: 1, 16>}, {transform_indices = @transform_9, window_bounds = array<i64: 2000, 128>}, {transform_indices = @transform_10, window_bounds = array<i64: 2000, 16>}]} {
    %get3A = arith.constant 0 : index
    %get3A_0 = arith.constant 0 : index
    %get3A_1 = vector.load %arg1[%get3A, %get3A_0] : memref<2000x128xf32, #tpu.memory_space<vmem>>, vector<2000x128xf32>
    %get3A_2 = arith.constant 0 : index
    %get3A_3 = arith.constant 0 : index
    %get3A_4 = vector.load %arg2[%get3A_2, %get3A_3] : memref<2x128xf32, #tpu.memory_space<vmem>>, vector<2x128xf32>
    %get3A_5 = arith.constant 0 : index
    %get3A_6 = arith.constant 0 : index
    %get3A_7 = vector.load %arg3[%get3A_5, %get3A_6] : memref<128x128xf32, #tpu.memory_space<vmem>>, vector<128x128xf32>
    %get3A_8 = arith.constant 0 : index
    %get3A_9 = arith.constant 0 : index
    %get3A_10 = vector.load %arg4[%get3A_8, %get3A_9] : memref<1x128xf32, #tpu.memory_space<vmem>>, vector<1x128xf32>
    %get3A_11 = arith.constant 0 : index
    %get3A_12 = arith.constant 0 : index
    %get3A_13 = vector.load %arg5[%get3A_11, %get3A_12] : memref<1x128xf32, #tpu.memory_space<vmem>>, vector<1x128xf32>
    %slice3A = vector.extract_strided_slice %get3A_4 {offsets = [0, 0], sizes = [1, 128], strides = [1, 1]} : vector<2x128xf32> to vector<1x128xf32>
    %dot_general3A = arith.constant dense<0.000000e+00> : vector<1x128xf32>
    %dot_general3A_14 = tpu.matmul %slice3A, %get3A_7, %dot_general3A {dimension_numbers = #tpu.dot_dimension_numbers<[1], [0], [0], [1], [0, 0, 1, 1], [], []>, precision = #tpu.contract_precision<fp32>, transpose_lhs_hint = false} : vector<1x128xf32>, vector<128x128xf32>, vector<1x128xf32> -> vector<1x128xf32>
    %slice3A_15 = vector.extract_strided_slice %get3A_4 {offsets = [1, 0], sizes = [1, 128], strides = [1, 1]} : vector<2x128xf32> to vector<1x128xf32>
    %dot_general3A_16 = arith.constant dense<0.000000e+00> : vector<1x128xf32>
    %dot_general3A_17 = tpu.matmul %slice3A_15, %get3A_7, %dot_general3A_16 {dimension_numbers = #tpu.dot_dimension_numbers<[1], [0], [0], [1], [0, 0, 1, 1], [], []>, precision = #tpu.contract_precision<fp32>, transpose_lhs_hint = false} : vector<1x128xf32>, vector<128x128xf32>, vector<1x128xf32> -> vector<1x128xf32>
    %mul3A = arith.mulf %dot_general3A_14, %dot_general3A_14 : vector<1x128xf32>
    %sub3A = arith.subf %dot_general3A_17, %mul3A : vector<1x128xf32>
    %max3A = arith.constant 0.000000e+00 : f32
    %max3A_18 = vector.broadcast %max3A : f32 to vector<1x128xf32>
    %max3A_19 = arith.maximumf %sub3A, %max3A_18 : vector<1x128xf32>
    %add3A = arith.constant 9.99999974E-6 : f32
    %add3A_20 = vector.broadcast %add3A : f32 to vector<1x128xf32>
    %add3A_21 = arith.addf %max3A_19, %add3A_20 : vector<1x128xf32>
    %rsqrt3A = math.rsqrt %add3A_21 : vector<1x128xf32>
    %sub3A_22 = vector.broadcast %dot_general3A_14 : vector<1x128xf32> to vector<2000x128xf32>
    %sub3A_23 = arith.subf %get3A_1, %sub3A_22 : vector<2000x128xf32>
    %mul3A_24 = vector.broadcast %rsqrt3A : vector<1x128xf32> to vector<2000x128xf32>
    %mul3A_25 = arith.mulf %sub3A_23, %mul3A_24 : vector<2000x128xf32>
    %mul3A_26 = vector.broadcast %get3A_10 : vector<1x128xf32> to vector<2000x128xf32>
    %mul3A_27 = arith.mulf %mul3A_25, %mul3A_26 : vector<2000x128xf32>
    %add3A_28 = vector.broadcast %get3A_13 : vector<1x128xf32> to vector<2000x128xf32>
    %add3A_29 = arith.addf %mul3A_27, %add3A_28 : vector<2000x128xf32>
    %get3A_30 = arith.constant 0 : index
    %get3A_31 = arith.constant 0 : index
    %get3A_32 = vector.load %arg6[%get3A_30, %get3A_31] : memref<128x128xf32, #tpu.memory_space<vmem>>, vector<128x128xf32>
    %dot_general3A_33 = arith.constant dense<0.000000e+00> : vector<2000x128xf32>
    %dot_general3A_34 = tpu.matmul %add3A_29, %get3A_32, %dot_general3A_33 {dimension_numbers = #tpu.dot_dimension_numbers<[1], [0], [0], [1], [0, 0, 1, 1], [], []>, transpose_lhs_hint = false} : vector<2000x128xf32>, vector<128x128xf32>, vector<2000x128xf32> -> vector<2000x128xf32>
    %get3A_35 = arith.constant 0 : index
    %get3A_36 = arith.constant 0 : index
    %get3A_37 = vector.load %arg7[%get3A_35, %get3A_36] : memref<1x128xf32, #tpu.memory_space<vmem>>, vector<1x128xf32>
    %add3A_38 = vector.broadcast %get3A_37 : vector<1x128xf32> to vector<2000x128xf32>
    %add3A_39 = arith.addf %dot_general3A_34, %add3A_38 : vector<2000x128xf32>
    %swap3A = arith.constant 0 : index
    %swap3A_40 = arith.constant 0 : index
    %swap3A_41 = vector.load %arg10[%swap3A, %swap3A_40] : memref<2000x128xf32, #tpu.memory_space<vmem>>, vector<2000x128xf32>
    tpu.vector_store %arg10[%swap3A, %swap3A_40], %add3A_39 {strides = array<i32>} : memref<2000x128xf32, #tpu.memory_space<vmem>>, vector<2000x128xf32>,
    %get3A_42 = arith.constant 0 : index
    %get3A_43 = arith.constant 0 : index
    %get3A_44 = vector.load %arg8[%get3A_42, %get3A_43] : memref<128x16xf32, #tpu.memory_space<vmem>>, vector<128x16xf32>
    %dot_general3A_45 = arith.constant dense<0.000000e+00> : vector<2000x16xf32>
    %dot_general3A_46 = tpu.matmul %add3A_39, %get3A_44, %dot_general3A_45 {dimension_numbers = #tpu.dot_dimension_numbers<[1], [0], [0], [1], [0, 0, 1, 1], [], []>, transpose_lhs_hint = false} : vector<2000x128xf32>, vector<128x16xf32>, vector<2000x16xf32> -> vector<2000x16xf32>
    %get3A_47 = arith.constant 0 : index
    %get3A_48 = arith.constant 0 : index
    %get3A_49 = vector.load %arg9[%get3A_47, %get3A_48] : memref<1x16xf32, #tpu.memory_space<vmem>>, vector<1x16xf32>
    %add3A_50 = vector.broadcast %get3A_49 : vector<1x16xf32> to vector<2000x16xf32>
    %add3A_51 = arith.addf %dot_general3A_46, %add3A_50 : vector<2000x16xf32>
    %swap3A_52 = arith.constant 0 : index
    %swap3A_53 = arith.constant 0 : index
    %swap3A_54 = vector.load %arg11[%swap3A_52, %swap3A_53] : memref<2000x16xf32, #tpu.memory_space<vmem>>, vector<2000x16xf32>
    tpu.vector_store %arg11[%swap3A_52, %swap3A_53], %add3A_51 {strides = array<i32>} : memref<2000x16xf32, #tpu.memory_space<vmem>>, vector<2000x16xf32>,
    return
  }
  func.func @transform_0(%arg0: i32) -> (i32, i32) {
    %c0_i32 = arith.constant 0 : i32
    %c0_i32_0 = arith.constant 0 : i32
    return %arg0, %c0_i32 : i32, i32
  }
  func.func @transform_1(%arg0: i32) -> (i32, i32) {
    %c0_i32 = arith.constant 0 : i32
    %c0_i32_0 = arith.constant 0 : i32
    %c0_i32_1 = arith.constant 0 : i32
    return %c0_i32, %c0_i32_0 : i32, i32
  }
  func.func @transform_2(%arg0: i32) -> (i32, i32) {
    %c0_i32 = arith.constant 0 : i32
    %c0_i32_0 = arith.constant 0 : i32
    %c0_i32_1 = arith.constant 0 : i32
    return %c0_i32, %c0_i32_0 : i32, i32
  }
  func.func @transform_3(%arg0: i32) -> (i32, i32) {
    %c0_i32 = arith.constant 0 : i32
    %c0_i32_0 = arith.constant 0 : i32
    %c0_i32_1 = arith.constant 0 : i32
    return %c0_i32, %c0_i32_0 : i32, i32
  }
  func.func @transform_4(%arg0: i32) -> (i32, i32) {
    %c0_i32 = arith.constant 0 : i32
    %c0_i32_0 = arith.constant 0 : i32
    %c0_i32_1 = arith.constant 0 : i32
    return %c0_i32, %c0_i32_0 : i32, i32
  }
  func.func @transform_5(%arg0: i32) -> (i32, i32) {
    %c0_i32 = arith.constant 0 : i32
    %c0_i32_0 = arith.constant 0 : i32
    %c0_i32_1 = arith.constant 0 : i32
    return %c0_i32, %c0_i32_0 : i32, i32
  }
  func.func @transform_6(%arg0: i32) -> (i32, i32) {
    %c0_i32 = arith.constant 0 : i32
    %c0_i32_0 = arith.constant 0 : i32
    %c0_i32_1 = arith.constant 0 : i32
    return %c0_i32, %c0_i32_0 : i32, i32
  }
  func.func @transform_7(%arg0: i32) -> (i32, i32) {
    %c0_i32 = arith.constant 0 : i32
    %c0_i32_0 = arith.constant 0 : i32
    %c0_i32_1 = arith.constant 0 : i32
    return %c0_i32, %c0_i32_0 : i32, i32
  }
  func.func @transform_8(%arg0: i32) -> (i32, i32) {
    %c0_i32 = arith.constant 0 : i32
    %c0_i32_0 = arith.constant 0 : i32
    %c0_i32_1 = arith.constant 0 : i32
    return %c0_i32, %c0_i32_0 : i32, i32
  }
  func.func @transform_9(%arg0: i32) -> (i32, i32) {
    %c0_i32 = arith.constant 0 : i32
    %c0_i32_0 = arith.constant 0 : i32
    return %arg0, %c0_i32 : i32, i32
  }
  func.func @transform_10(%arg0: i32) -> (i32, i32) {
    %c0_i32 = arith.constant 0 : i32
    %c0_i32_0 = arith.constant 0 : i32
    return %arg0, %c0_i32 : i32, i32
  }
}

</mosaic_0001>

<sc_bundles>
// kernel: kernel.37.cloned.1.call-start
scs
__scs_entry_jumppad:
0x0: {  	(pc) =	sbr.rel $0x88, $3  }
0x1: {  	(tag) =	ssettag $0x0;
	lr =	simm.s32 $0x1  }
0x2: {  	[smem:$0x3F46] =	sst lr;
	_ =	strace $0xD0000000  }
0x3: {  	_ = 	snop  }
0x4: {  	_ = 	snop  }
0x5: {  	_ = 	snop  }
0x6: {  	_ = 	snop  }
0x7: {  	_ = 	snop  }
__scs_overlays_trampoline_lowered:
0x8: {  	[smem:$0x3F55] =	sst s0  }
0x9: {  	[smem:$0x3F56] =	sst s1  }
0xa: {  	[smem:$0x3F57] =	sst s2  }
0xb: {  	[smem:$0x3F58] =	sst s3  }
0xc: {  	[smem:$0x3F59] =	sst s4  }
0xd: {  	[smem:$0x3F5A] =	sst s5  }
0xe: {  	[smem:$0x3F5B] =	sst s6  }
0xf: {  	[smem:$0x3F5C] =	sst s7  }
0x10: {  	[smem:$0x3F5D] =	sst s8  }
0x11: {  	[smem:$0x3F5E] =	sst s9;
	s0 =	simm.s32 @!p0 $0x0  }
0x12: {  	s1 =	sld [smem:$0x3F44];
	s0 =	simm.s32 @p0 $0x1  }
0x13: {  	[smem:$0x3F5F] =	sst s0;
	s0 =	simm.s32 @!p1 $0x0  }
0x14: {  	s2 =	sld [smem:$0x3F43];
	s0 =	simm.s32 @p1 $0x1  }
0x15: {  	[smem:$0x3F60] =	sst s0;
	s0 =	simm.s32 @!p2 $0x0  }
0x16: {  	s3 =	sld [smem:$0x3FDB];
	s0 =	simm.s32 @p2 $0x1  }
0x17: {  	s4 =	simm.s32 $0x1BF5;
	[smem:$0x3F62] =	sst s0  }
0x18: {  	s0 =	sld [smem:$0x3F45];
	_ =	swait.ge [sflag:s4], $0x0  }
0x19: {  	s7 =	sld [smem:$0x3F46]  }
0x1a: {  	s8 =	sadd.s32 $0xFFFFE003, lr  }
0x1b: {  	s9 =	sadd.s32 $0xFFFFFEF7, lr;
	s5 =	simm.s32 $0xFFFFFFFF;
	p2 =	slt.u32 s8, $0xFFFFF086  }
0x1c: {  	p1 =	slt.u32 s9, $0xF7A;
	s5 =	simm.s32 @!p2 $0x0  }
0x1d: {  	s5 =	simm.s32 @p1 $0x1;
	p0 =	seq.s32 s7, s2  }
0x1e: {  	s7 =	smul.u32 @!p0 $0xF7A, s2;
	p2 =	seq.s32 @!p0 s5, $0x0  }
0x1f: {  	s9 =	smul.u32 $0xF7A, s1;
	s8 =	simm.s32 @!p0 $0x1BF5;
	p2 =	por !p2, p0  }
0x20: {  	[sflag:s8] =	ssyncset.s32 @!p0 $0xFFFFF086;
	s6 =	sadd.s32 @!p0 s3, s7;
	s7 =	simm.s32 @!p0 $0x108  }
0x21: {  	s3 =	sadd.s32 s3, s9;
	s6 =	sadd.s32 @!p0 $0x88, s6;
	s7 =	simm.s32 @p2 $0x1082  }
0x22: {  	[simem:s7], [sflag:s8] =	dma.local @!p0 [hbm:s6], $0xF7A  }
0x23: {  	s9 =	sor.u32 $0xD0000000, s2;
	s6 =	simm.s32 $0x108;
	_ =	swait.ge @!p0 [sflag:s8], $0x0  }
0x24: {  	s3 =	sadd.s32 $0x88, s3;
	s6 =	simm.s32 @!p1 $0x1082;
	[sflag:s4] =	ssyncset.s32 $0xFFFFF086  }
0x25: {  	[simem:s6], [sflag:s4] =	dma.local [hbm:s3], $0xF7A  }
0x26: {  	[smem:$0x3F46] =	sst s1;
	(tag) =	ssettag s2;
	_ =	strace s9  }
0x27: {  	s1 =	sld [smem:$0x3F56]  }
0x28: {  	s2 =	sld [smem:$0x3F57]  }
0x29: {  	s4 =	sld [smem:$0x3F59]  }
0x2a: {  	p0 =	seq.s32 s5, $0x0;
	s5 =	sld [smem:$0x3F5A]  }
0x2b: {  	s6 =	sld [smem:$0x3F5B]  }
0x2c: {  	s7 =	sld [smem:$0x3F5C]  }
0x2d: {  	s3 =	simm.s32 $0x108;
	s8 =	sld [smem:$0x3F5D]  }
0x2e: {  	s3 =	simm.s32 @!p0 $0x1082;
	s9 =	sld [smem:$0x3F5E]  }
0x2f: {  	lr =	sadd.s32 s0, s3;
	s0 =	sld [smem:$0x3F55]  }
0x30: {  	s3 =	sld [smem:$0x3F58]  }
0x31: {  	[smem:$0x3F61] =	sst s10  }
0x32: {  	s10 =	sld [smem:$0x3F5F];
	_ =	sdelay $0x3  }
0x33: {  	p0 =	seq.s32 s10, $0x1;
	s10 =	sld [smem:$0x3F61];
	_ =	sdelay $0x3  }
0x34: {  	[smem:$0x3F61] =	sst s10  }
0x35: {  	s10 =	sld [smem:$0x3F60];
	_ =	sdelay $0x3  }
0x36: {  	p1 =	seq.s32 s10, $0x1;
	s10 =	sld [smem:$0x3F61];
	_ =	sdelay $0x3  }
0x37: {  	[smem:$0x3F61] =	sst s10  }
0x38: {  	s10 =	sld [smem:$0x3F62]  }
0x39: {  	_ = 	snop;
	(pc) =	sbr.ind lr, $3  }
0x3a: {  	_ = 	snop  }
0x3b: {  	_ = 	snop  }
0x3c: {  	p2 =	seq.s32 s10, $0x1;
	s10 =	sld [smem:$0x3F61]  }
0x3d: {  	_ =	shalt  }
0x3e: {  	_ =	shalt  }
0x3f: {  	_ =	shalt  }
0x40: {  	_ =	shalt  }
0x41: {  	_ =	shalt  }
0x42: {  	_ =	shalt  }
0x43: {  	_ =	shalt  }
0x44: {  	_ =	shalt  }
0x45: {  	_ =	shalt  }
0x46: {  	_ =	shalt  }
0x47: {  	_ =	shalt  }
0x48: {  	_ =	shalt  }
0x49: {  	_ =	shalt  }
0x4a: {  	_ =	shalt  }
0x4b: {  	_ =	shalt  }
0x4c: {  	_ =	shalt  }
0x4d: {  	_ =	shalt  }
0x4e: {  	_ =	shalt  }
0x4f: {  	_ =	shalt  }
0x50: {  	_ =	shalt  }
0x51: {  	_ =	shalt  }
0x52: {  	_ =	shalt  }
0x53: {  	_ =	shalt  }
0x54: {  	_ =	shalt  }
0x55: {  	_ =	shalt  }
0x56: {  	_ =	shalt  }
0x57: {  	_ =	shalt  }
0x58: {  	_ =	shalt  }
0x59: {  	_ =	shalt  }
0x5a: {  	_ =	shalt  }
0x5b: {  	_ =	shalt  }
0x5c: {  	_ =	shalt  }
0x5d: {  	_ =	shalt  }
0x5e: {  	_ =	shalt  }
0x5f: {  	_ =	shalt  }
0x60: {  	_ =	shalt  }
0x61: {  	_ =	shalt  }
0x62: {  	_ =	shalt  }
0x63: {  	_ =	shalt  }
0x64: {  	_ =	shalt  }
0x65: {  	_ =	shalt  }
0x66: {  	_ =	shalt  }
0x67: {  	_ =	shalt  }
0x68: {  	_ =	shalt  }
0x69: {  	_ =	shalt  }
0x6a: {  	_ =	shalt  }
0x6b: {  	_ =	shalt  }
0x6c: {  	_ =	shalt  }
0x6d: {  	_ =	shalt  }
0x6e: {  	_ =	shalt  }
0x6f: {  	_ =	shalt  }
0x70: {  	_ =	shalt  }
0x71: {  	_ =	shalt  }
0x72: {  	_ =	shalt  }
0x73: {  	_ =	shalt  }
0x74: {  	_ =	shalt  }
0x75: {  	_ =	shalt  }
0x76: {  	_ =	shalt  }
0x77: {  	_ =	shalt  }
0x78: {  	_ =	shalt  }
0x79: {  	_ =	shalt  }
0x7a: {  	_ =	shalt  }
0x7b: {  	_ =	shalt  }
0x7c: {  	_ =	shalt  }
0x7d: {  	_ =	shalt  }
0x7e: {  	_ =	shalt  }
0x7f: {  	_ =	shalt  }
0x80: {  	_ =	shalt  }
0x81: {  	_ =	shalt  }
0x82: {  	_ =	shalt  }
0x83: {  	_ =	shalt  }
0x84: {  	_ =	shalt  }
0x85: {  	_ =	shalt  }
0x86: {  	_ =	shalt  }
0x87: {  	_ =	shalt  }
.Lfunc_end0:
.L_simem_size_0:
called_computation_lowered:
.L_overlay_start_0:
0x88: {  	s2 =	sld [smem:$0x3FD9]  }
0x89: {  	s3 =	sld [smem:$0x3FFE];
	_ =	sdelay $0x1  }
0x8a: {  	s1 =	srdreg.scid  }
0x8b: {  	s0 =	sand.u32 $0x1, s1  }
0x8c: {  	s14 =	sshll.u32 s0, $0xA;
	s2 =	sadd.s32 s3, s2  }
0x8d: {  	s2 =	sadd.s32 s2, s14  }
0x8e: {  	[smem:$0x3F6D] =	sst s2  }
0x8f: {  	_ = 	snop  }
0x90: {  	s2 =	sld [smem:$0x3FD0];
	_ =	sdelay $0x2  }
0x91: {  	s15 =	simm.s32 $0xB;
	s4 =	simm.s32 $0x10  }
0x92: {  	[smem:s4], [sflag:s15] =	dma.local [hbm:s2], $0x1  }
0x93: {  	_ =	swait.eq [sflag:s15], $0x1  }
0x94: {  	[sflag:s15] =	ssyncset.done $0x0  }
0x95: {  	[sflag:s15] =	ssyncadd.s32 $0xFFFFFFFF  }
0x96: {  	s16 =	sld [smem:$0x12];
	(tm) =	ssettm $0x1  }
0x97: {  	s17 =	sld [smem:$0x3FFB];
	_ =	sdelay $0x3  }
0x98: {  	_ =	strace s17  }
0x99: {  	s3 =	sld [smem:$0x3FFC];
	_ =	sdelay $0x3  }
0x9a: {  	_ =	strace s3  }
0x9b: {  	s3 =	sld [smem:$0x3FFD];
	_ =	sdelay $0x3  }
0x9c: {  	_ =	strace s3  }
0x9d: {  	_ =	strace $0x8FFFFFFF  }
0x9e: {  	s18 =	sld [smem:$0x3FDB];
	_ =	sdelay $0x1  }
0x9f: {  	s19 =	simm.s32 $_scs_section_size  }
0xa0: {  	s5 =	simm.s32 $_size__tile_overlayer_lowered;
	s6 =	simm.s32 $_tile_overlayer_lowered  }
0xa1: {  	s22 =	simm.s32 $0x1BFF;
	s21 =	sshll.u32 s6, $0x1;
	s3 =	sadd.s32 s19, s18  }
0xa2: {  	s7 =	simm.s32 $0x0;
	s20 =	sshll.u32 s5, $0x1;
	s5 =	sadd.s32 s21, s3  }
0xa3: {  	[timem:s7], [sflag:s22] =	dma.local [hbm:s5], s20  }
0xa4: {  	_ =	swait.ge [sflag:s22], s20  }
0xa5: {  	s4 =	ssub.s32 $0x0, s20;
	[sflag:s22] =	ssyncset.done $0x0  }
0xa6: {  	[sflag:s22] =	ssyncadd.s32 s4;
	_ =	sdelay $0x1  }
0xa7: {  	s23 =	simm.s32 $0x1B8B  }
0xa8: {  	_ =	swait.ge [sflag:s23], $0x1  }
0xa9: {  	[sflag:s23] =	ssyncset.done $0x0  }
0xaa: {  	s25 =	simm.s32 $0x1B8E;
	s24 =	sld [smem:$0x3FFE];
	[sflag:s23] =	ssyncadd.s32 $0xFFFFFFFF  }
0xab: {  	s26 =	simm.s32 $execute0_lowered;
	[smem:$0x3FD2] =	sst s25  }
0xac: {  	s5 =	sshll.u32 s26, $0x1;
	_ =	strace $0x80000046;
	[dreg:$0x1] =	wrdreg $0xFFFFFFFF  }
0xad: {  	s28 =	simm.s32 $_size_execute0_lowered;
	s3 =	sadd.s32 s3, s5;
	[dreg:$0x0] =	wrdreg $0x0  }
0xae: {  	s5 =	sshll.u32 s28, $0x1;
	[dreg:$0x2] =	wrdreg s3  }
0xaf: {  	[dreg:$0x3] =	wrdreg s5  }
0xb0: {  	[dreg:$0x4] =	wrdreg $0xC0  }
0xb1: {  	_ =	task [dreg:s7], $0x5FFFF  }
0xb2: {  	[dreg:$0x1] =	wrdreg $0xFFFFFFFF  }
0xb3: {  	[dreg:$0x0] =	wrdreg $0x60  }
0xb4: {  	[dreg:$0x2] =	wrdreg s16  }
0xb5: {  	[dreg:$0x3] =	wrdreg s24  }
0xb6: {  	[dreg:$0x4] =	wrdreg $0x9  }
0xb7: {  	_ =	task.clear_ibuf [dreg:s7], $0x5FFFF;
	_ =	strace $0x90000046  }
0xb8: {  	s29 =	simm.s32 $0x9;
	_ =	strace $0x80000048  }
0xb9: {  	_ =	swait.ge [sflag:s29], $0x1  }
0xba: {  	[sflag:s29] =	ssyncadd.s32 $0xFFFFFFFF  }
0xbb: {  	_ =	strace $0x90000048  }
0xbc: {  	_ =	sfence  }
0xbd: {  	s30 =	sld [smem:$0x0];
	_ =	sdelay $0x2  }
0xbe: {  	s31 =	sshll.u32 s1, $0xD;
	s1 =	sshrl.u32 s1, $0x2  }
0xbf: {  	s3 =	sand.u32 $0x4000, s31;
	s1 =	sadd.s32 s1, s30  }
0xc0: {  	s0 =	sor.u32 s3, s0;
	s1 =	sshll.u32 s1, $0x11  }
0xc1: {  	s0 =	sor.u32 s1, s0  }
0xc2: {  	s0 =	sadd.s32 $0x8F2B, s0  }
0xc3: {  	[sflag:s0] =	ssyncadd.remote.s32 $0x1  }
0xc4: {  	_ =	sfence.sel $0xFFFF  }
0xc5: {  	[dreg:$0x0] =	wrdreg $0xFFFFFFFF;
	(pc) =	sbr.abs _section_cstart, $3  }
0xc6: {  	[dreg:$0x1] =	wrdreg $0xFFFFFFFF  }
0xc7: {  	_ =	task.clear_ibuf [dreg:s7], $0x2FFFF;
	_ =	strace $0x9FFFFFFF  }
0xc8: {  	(tm) =	ssettm $0x7FFFFFFF  }
0xc9: {  	_ =	shalt  }
tec
execute0_lowered:
.L_overlay_start_1:
0x0: {  	(tag) =	ssettag $0x1  }
0x1: {  	s0 =	srdreg.scid;
	s2 =	rddreg [dreg:$0x0]  }
0x2: {  	s5 =	rddreg [dreg:$0x1];
	s3 =	simm.s32 $0x0;
	s4 =	sand.u32 $0x1, s0  }
0x3: {  	s8 =	simm.s32 $0x28;
	s0 =	stileid.u32;
	s1 =	sshll.u32 s4, $0x4  }
0x4: {  	s9 =	simm.s32 $0x1;
	s10 =	simm.s32 $0x1388;
	s6 =	sor.u32 s0, s1  }
0x5: {  	s11 =	simm.s32 $0x0;
	[smem:$0x7FF] =	sst s3;
	s7 =	smul.u32 $0x271, s6  }
0x6: {  	s4 =	ssub.s32 $0x2, s4;
	s1 =	rddreg [dreg:$0x2];
	s6 =	smul.u32 $0x2710, s6  }
0x7: {  	_ =	strace $0x80000047;
	s31 =	sshrl.u32 s4, $0x1;
	s7 =	sadd.s32 s7, s5  }
0x8: {  	s5 =	sadd.s32 s6, s5;
	s6 =	ssub.s32 s4, s31;
	s4 =	sadd.s32 $0x4C400, s7  }
0x9: {  	s5 =	sadd.s32 $0x51400, s5;
	s6 =	smax.u32 s6, $0x1;
	s7 =	simm.s32 $0x2  }
.LBB2_1:
0xa: {  	[tilespmem:s3], [sflag:$0x2] =	stream.linear.gather [hbm4b:s4+s3], $0x1388, $0x38;
	[tilespmem:$0x14C08] =	vst v63  }
0xb: {  	_ =	swait.ge [sflag:s7], $0x1388  }
0xc: {  	s12 =	simm.s32 $0xA0;
	s15 =	simm.s32 $0x0;
	[sflag:s7] =	ssyncset.done $0x0  }
0xd: {  	s13 =	simm.s32 $0x1608;
	s14 =	simm.s32 $0x1388;
	[sflag:s7] =	ssyncadd.s32 $0xFFFFEC78  }
.LBB2_2:
0xe: {  	[tilespmem:s14], [sflag:$0x1] =	stream.indirect.gather [hbm4b:s2+s8], $0x10, s15, s8, $0xb8;
	[tilespmem:$0x14C08] =	vst v63  }
0xf: {  	s15 =	smov.u32 s12;
	s14 =	smov.u32 s13;
	p0 =	sne.s32 s12, $0x4D80  }
.Ltmp0:
0x10: {  	s12 =	sadd.s32 $0xA0, s12;
	(pc) =	sbr.rel @p0 .LBB2_2-.Ltmp0, $2  }
0x11: {  	_ =	sdelay $0x2  }
0x12: {  	s13 =	sadd.s32 $0x280, s13;
	s15 =	sshra.s32 s15, $0x2  }
0x13: {  	[tilespmem:s14], [sflag:$0x1] =	stream.indirect.gather [hbm4b:s2+s8], $0x10, s15, s8, $0xb8;
	[tilespmem:$0x14C08] =	vst v63  }
0x14: {  	s11 =	sadd.s32 $0x1, s11;
	_ =	swait.ge [sflag:s9], $0x13880  }
0x15: {  	p0 =	sne.s32 s11, s6;
	[sflag:s9] =	ssyncset.done $0x0  }
.Ltmp1:
0x16: {  	[sflag:s9] =	ssyncadd.s32 $0xFFFEC780;
	(pc) =	sbr.rel @p0 .LBB2_1-.Ltmp1, $4  }
0x17: {  	[hbm4b:s5+s3] =	stream.linear.scatter [tilespmem:s10], [sflag:$0x2], $0x13880, $0x38;
	[tilespmem:$0x14C08] =	vst v63  }
0x18: {  	_ =	swait.ge [sflag:s7], $0x13880  }
0x19: {  	[sflag:s7] =	ssyncset.done $0x0  }
0x1a: {  	[sflag:s7] =	ssyncadd.s32 $0xFFFEC780  }
0x1b: {  	_ =	sfence.sel $0x180000  }
0x1c: {  	[bflag:$0x0] =	sbarrier.arrive $0xFFFF  }
0x1d: {  	p0 =	sne.s32 s0, $0x0;
	_ =	strace $0x90000047  }
0x1e: {  	s0 =	sadd.s32 @!p0 $0x100000, s1;
	[bflag:$0x2] =	sbarrier.arrive $0xFFFF  }
0x1f: {  	[sflag:s0] =	ssyncadd.tile.s32 @!p0 $0x1;
	_ =	shalt  }
.Lfunc_end2:
_tile_overlayer_lowered:
.L_overlay_start_2:
0x20: {  	(tag) =	ssettag $0x2  }
0x21: {  	s0 =	rddreg [dreg:$0x0];
	s2 =	stileid.u32  }
0x22: {  	s1 =	rddreg [dreg:$0x1];
	p0 =	sne.s32 s2, $0x0  }
0x23: {  	s3 =	rddreg [dreg:$0x2];
	[bflag:$0x3] =	sbarrier.arrive $0xFFFF;
	s2 =	simm.s32 @!p0 $0x1C02  }
0x24: {  	[timem:s3], [sflag:s2] =	dma.local @!p0 [hbm:s0], s1  }
0x25: {  	s0 =	simm.s32 @!p0 $0x2  }
0x26: {  	_ =	swait.ge @!p0 [sflag:s0], s1  }
0x27: {  	s1 =	ssub.s32 @!p0 $0x0, s1;
	[sflag:s0] =	ssyncset.done @!p0 $0x0  }
0x28: {  	[sflag:s0] =	ssyncadd.s32 @!p0 s1  }
0x29: {  	[bflag:$0x3] =	sbarrier.arrive $0xFFFF  }
0x2a: {  	_ =	shalt  }

// kernel: kernel.40.cloned.1.call-start
scs
__scs_entry_jumppad:
0x0: {  	(pc) =	sbr.rel $0x88, $3  }
0x1: {  	(tag) =	ssettag $0x0;
	lr =	simm.s32 $0x1  }
0x2: {  	[smem:$0x3F46] =	sst lr;
	_ =	strace $0xD0000000  }
0x3: {  	_ = 	snop  }
0x4: {  	_ = 	snop  }
0x5: {  	_ = 	snop  }
0x6: {  	_ = 	snop  }
0x7: {  	_ = 	snop  }
__scs_overlays_trampoline_lowered:
0x8: {  	[smem:$0x3F55] =	sst s0  }
0x9: {  	[smem:$0x3F56] =	sst s1  }
0xa: {  	[smem:$0x3F57] =	sst s2  }
0xb: {  	[smem:$0x3F58] =	sst s3  }
0xc: {  	[smem:$0x3F59] =	sst s4  }
0xd: {  	[smem:$0x3F5A] =	sst s5  }
0xe: {  	[smem:$0x3F5B] =	sst s6  }
0xf: {  	[smem:$0x3F5C] =	sst s7  }
0x10: {  	[smem:$0x3F5D] =	sst s8  }
0x11: {  	[smem:$0x3F5E] =	sst s9;
	s0 =	simm.s32 @!p0 $0x0  }
0x12: {  	s1 =	sld [smem:$0x3F44];
	s0 =	simm.s32 @p0 $0x1  }
0x13: {  	[smem:$0x3F5F] =	sst s0;
	s0 =	simm.s32 @!p1 $0x0  }
0x14: {  	s2 =	sld [smem:$0x3F43];
	s0 =	simm.s32 @p1 $0x1  }
0x15: {  	[smem:$0x3F60] =	sst s0;
	s0 =	simm.s32 @!p2 $0x0  }
0x16: {  	s3 =	sld [smem:$0x3FDB];
	s0 =	simm.s32 @p2 $0x1  }
0x17: {  	s4 =	simm.s32 $0x1BF5;
	[smem:$0x3F62] =	sst s0  }
0x18: {  	s0 =	sld [smem:$0x3F45];
	_ =	swait.ge [sflag:s4], $0x0  }
0x19: {  	s7 =	sld [smem:$0x3F46]  }
0x1a: {  	s8 =	sadd.s32 $0xFFFFE003, lr  }
0x1b: {  	s9 =	sadd.s32 $0xFFFFFEF7, lr;
	s5 =	simm.s32 $0xFFFFFFFF;
	p2 =	slt.u32 s8, $0xFFFFF086  }
0x1c: {  	p1 =	slt.u32 s9, $0xF7A;
	s5 =	simm.s32 @!p2 $0x0  }
0x1d: {  	s5 =	simm.s32 @p1 $0x1;
	p0 =	seq.s32 s7, s2  }
0x1e: {  	s7 =	smul.u32 @!p0 $0xF7A, s2;
	p2 =	seq.s32 @!p0 s5, $0x0  }
0x1f: {  	s9 =	smul.u32 $0xF7A, s1;
	s8 =	simm.s32 @!p0 $0x1BF5;
	p2 =	por !p2, p0  }
0x20: {  	[sflag:s8] =	ssyncset.s32 @!p0 $0xFFFFF086;
	s6 =	sadd.s32 @!p0 s3, s7;
	s7 =	simm.s32 @!p0 $0x108  }
0x21: {  	s3 =	sadd.s32 s3, s9;
	s6 =	sadd.s32 @!p0 $0x88, s6;
	s7 =	simm.s32 @p2 $0x1082  }
0x22: {  	[simem:s7], [sflag:s8] =	dma.local @!p0 [hbm:s6], $0xF7A  }
0x23: {  	s9 =	sor.u32 $0xD0000000, s2;
	s6 =	simm.s32 $0x108;
	_ =	swait.ge @!p0 [sflag:s8], $0x0  }
0x24: {  	s3 =	sadd.s32 $0x88, s3;
	s6 =	simm.s32 @!p1 $0x1082;
	[sflag:s4] =	ssyncset.s32 $0xFFFFF086  }
0x25: {  	[simem:s6], [sflag:s4] =	dma.local [hbm:s3], $0xF7A  }
0x26: {  	[smem:$0x3F46] =	sst s1;
	(tag) =	ssettag s2;
	_ =	strace s9  }
0x27: {  	s1 =	sld [smem:$0x3F56]  }
0x28: {  	s2 =	sld [smem:$0x3F57]  }
0x29: {  	s4 =	sld [smem:$0x3F59]  }
0x2a: {  	p0 =	seq.s32 s5, $0x0;
	s5 =	sld [smem:$0x3F5A]  }
0x2b: {  	s6 =	sld [smem:$0x3F5B]  }
0x2c: {  	s7 =	sld [smem:$0x3F5C]  }
0x2d: {  	s3 =	simm.s32 $0x108;
	s8 =	sld [smem:$0x3F5D]  }
0x2e: {  	s3 =	simm.s32 @!p0 $0x1082;
	s9 =	sld [smem:$0x3F5E]  }
0x2f: {  	lr =	sadd.s32 s0, s3;
	s0 =	sld [smem:$0x3F55]  }
0x30: {  	s3 =	sld [smem:$0x3F58]  }
0x31: {  	[smem:$0x3F61] =	sst s10  }
0x32: {  	s10 =	sld [smem:$0x3F5F];
	_ =	sdelay $0x3  }
0x33: {  	p0 =	seq.s32 s10, $0x1;
	s10 =	sld [smem:$0x3F61];
	_ =	sdelay $0x3  }
0x34: {  	[smem:$0x3F61] =	sst s10  }
0x35: {  	s10 =	sld [smem:$0x3F60];
	_ =	sdelay $0x3  }
0x36: {  	p1 =	seq.s32 s10, $0x1;
	s10 =	sld [smem:$0x3F61];
	_ =	sdelay $0x3  }
0x37: {  	[smem:$0x3F61] =	sst s10  }
0x38: {  	s10 =	sld [smem:$0x3F62]  }
0x39: {  	_ = 	snop;
	(pc) =	sbr.ind lr, $3  }
0x3a: {  	_ = 	snop  }
0x3b: {  	_ = 	snop  }
0x3c: {  	p2 =	seq.s32 s10, $0x1;
	s10 =	sld [smem:$0x3F61]  }
0x3d: {  	_ =	shalt  }
0x3e: {  	_ =	shalt  }
0x3f: {  	_ =	shalt  }
0x40: {  	_ =	shalt  }
0x41: {  	_ =	shalt  }
0x42: {  	_ =	shalt  }
0x43: {  	_ =	shalt  }
0x44: {  	_ =	shalt  }
0x45: {  	_ =	shalt  }
0x46: {  	_ =	shalt  }
0x47: {  	_ =	shalt  }
0x48: {  	_ =	shalt  }
0x49: {  	_ =	shalt  }
0x4a: {  	_ =	shalt  }
0x4b: {  	_ =	shalt  }
0x4c: {  	_ =	shalt  }
0x4d: {  	_ =	shalt  }
0x4e: {  	_ =	shalt  }
0x4f: {  	_ =	shalt  }
0x50: {  	_ =	shalt  }
0x51: {  	_ =	shalt  }
0x52: {  	_ =	shalt  }
0x53: {  	_ =	shalt  }
0x54: {  	_ =	shalt  }
0x55: {  	_ =	shalt  }
0x56: {  	_ =	shalt  }
0x57: {  	_ =	shalt  }
0x58: {  	_ =	shalt  }
0x59: {  	_ =	shalt  }
0x5a: {  	_ =	shalt  }
0x5b: {  	_ =	shalt  }
0x5c: {  	_ =	shalt  }
0x5d: {  	_ =	shalt  }
0x5e: {  	_ =	shalt  }
0x5f: {  	_ =	shalt  }
0x60: {  	_ =	shalt  }
0x61: {  	_ =	shalt  }
0x62: {  	_ =	shalt  }
0x63: {  	_ =	shalt  }
0x64: {  	_ =	shalt  }
0x65: {  	_ =	shalt  }
0x66: {  	_ =	shalt  }
0x67: {  	_ =	shalt  }
0x68: {  	_ =	shalt  }
0x69: {  	_ =	shalt  }
0x6a: {  	_ =	shalt  }
0x6b: {  	_ =	shalt  }
0x6c: {  	_ =	shalt  }
0x6d: {  	_ =	shalt  }
0x6e: {  	_ =	shalt  }
0x6f: {  	_ =	shalt  }
0x70: {  	_ =	shalt  }
0x71: {  	_ =	shalt  }
0x72: {  	_ =	shalt  }
0x73: {  	_ =	shalt  }
0x74: {  	_ =	shalt  }
0x75: {  	_ =	shalt  }
0x76: {  	_ =	shalt  }
0x77: {  	_ =	shalt  }
0x78: {  	_ =	shalt  }
0x79: {  	_ =	shalt  }
0x7a: {  	_ =	shalt  }
0x7b: {  	_ =	shalt  }
0x7c: {  	_ =	shalt  }
0x7d: {  	_ =	shalt  }
0x7e: {  	_ =	shalt  }
0x7f: {  	_ =	shalt  }
0x80: {  	_ =	shalt  }
0x81: {  	_ =	shalt  }
0x82: {  	_ =	shalt  }
0x83: {  	_ =	shalt  }
0x84: {  	_ =	shalt  }
0x85: {  	_ =	shalt  }
0x86: {  	_ =	shalt  }
0x87: {  	_ =	shalt  }
.Lfunc_end0:
.L_simem_size_0:
called_computation.1_lowered:
.L_overlay_start_0:
0x88: {  	s2 =	sld [smem:$0x3FD9]  }
0x89: {  	s3 =	sld [smem:$0x3FFE];
	_ =	sdelay $0x1  }
0x8a: {  	s1 =	srdreg.scid  }
0x8b: {  	s0 =	sand.u32 $0x1, s1  }
0x8c: {  	s14 =	sshll.u32 s0, $0xA;
	s2 =	sadd.s32 s3, s2  }
0x8d: {  	s2 =	sadd.s32 s2, s14  }
0x8e: {  	[smem:$0x3F6D] =	sst s2  }
0x8f: {  	_ = 	snop  }
0x90: {  	s2 =	sld [smem:$0x3FD0];
	_ =	sdelay $0x2  }
0x91: {  	s15 =	simm.s32 $0xB;
	s4 =	simm.s32 $0x10  }
0x92: {  	[smem:s4], [sflag:s15] =	dma.local [hbm:s2], $0x1  }
0x93: {  	_ =	swait.eq [sflag:s15], $0x1  }
0x94: {  	[sflag:s15] =	ssyncset.done $0x0  }
0x95: {  	s16 =	sld [smem:$0x12];
	[sflag:s15] =	ssyncadd.s32 $0xFFFFFFFF  }
0x96: {  	s17 =	sld [smem:$0x13];
	(tm) =	ssettm $0x1  }
0x97: {  	s18 =	sld [smem:$0x3FFB];
	_ =	sdelay $0x3  }
0x98: {  	_ =	strace s18  }
0x99: {  	s4 =	sld [smem:$0x3FFC];
	_ =	sdelay $0x3  }
0x9a: {  	_ =	strace s4  }
0x9b: {  	s4 =	sld [smem:$0x3FFD];
	_ =	sdelay $0x3  }
0x9c: {  	_ =	strace s4  }
0x9d: {  	_ =	strace $0x8FFFFFFF  }
0x9e: {  	s19 =	sld [smem:$0x3FDB];
	_ =	sdelay $0x1  }
0x9f: {  	s5 =	simm.s32 $_scs_section_size  }
0xa0: {  	s6 =	simm.s32 $_size__tile_overlayer_lowered;
	s7 =	simm.s32 $_tile_overlayer_lowered  }
0xa1: {  	s22 =	simm.s32 $0x1BFF;
	s21 =	sshll.u32 s7, $0x1;
	s4 =	sadd.s32 s5, s19  }
0xa2: {  	s8 =	simm.s32 $0x0;
	s20 =	sshll.u32 s6, $0x1;
	s6 =	sadd.s32 s21, s4  }
0xa3: {  	[timem:s8], [sflag:s22] =	dma.local [hbm:s6], s20  }
0xa4: {  	_ =	swait.ge [sflag:s22], s20  }
0xa5: {  	s5 =	ssub.s32 $0x0, s20;
	[sflag:s22] =	ssyncset.done $0x0  }
0xa6: {  	[sflag:s22] =	ssyncadd.s32 s5;
	_ =	sdelay $0x1  }
0xa7: {  	s23 =	simm.s32 $0x1B8B  }
0xa8: {  	_ =	swait.ge [sflag:s23], $0x1  }
0xa9: {  	[sflag:s23] =	ssyncset.done $0x0  }
0xaa: {  	s25 =	simm.s32 $0x1B8E;
	s24 =	sld [smem:$0x3FFE];
	[sflag:s23] =	ssyncadd.s32 $0xFFFFFFFF  }
0xab: {  	s26 =	simm.s32 $execute0_lowered;
	[smem:$0x3FD2] =	sst s25  }
0xac: {  	s6 =	sshll.u32 s26, $0x1;
	_ =	strace $0x80000049;
	[dreg:$0x1] =	wrdreg $0xFFFFFFFF  }
0xad: {  	s28 =	simm.s32 $_size_execute0_lowered;
	s4 =	sadd.s32 s4, s6;
	[dreg:$0x0] =	wrdreg $0x0  }
0xae: {  	s6 =	sshll.u32 s28, $0x1;
	[dreg:$0x2] =	wrdreg s4  }
0xaf: {  	[dreg:$0x3] =	wrdreg s6  }
0xb0: {  	[dreg:$0x4] =	wrdreg $0xC0  }
0xb1: {  	_ =	task [dreg:s8], $0x5FFFF  }
0xb2: {  	[dreg:$0x1] =	wrdreg $0xFFFFFFFF  }
0xb3: {  	[dreg:$0x0] =	wrdreg $0x60  }
0xb4: {  	[dreg:$0x2] =	wrdreg s17  }
0xb5: {  	[dreg:$0x3] =	wrdreg s24  }
0xb6: {  	[dreg:$0x4] =	wrdreg s16  }
0xb7: {  	[dreg:$0x5] =	wrdreg $0x14C080  }
0xb8: {  	[dreg:$0x6] =	wrdreg $0x9  }
0xb9: {  	_ =	task.clear_ibuf [dreg:s8], $0x7FFFF;
	_ =	strace $0x90000049  }
0xba: {  	s29 =	simm.s32 $0x9;
	_ =	strace $0x8000004B  }
0xbb: {  	_ =	swait.ge [sflag:s29], $0x1  }
0xbc: {  	[sflag:s29] =	ssyncadd.s32 $0xFFFFFFFF  }
0xbd: {  	_ =	strace $0x9000004B  }
0xbe: {  	_ =	sfence  }
0xbf: {  	s30 =	sld [smem:$0x0];
	_ =	sdelay $0x2  }
0xc0: {  	s31 =	sshll.u32 s1, $0xD;
	s1 =	sshrl.u32 s1, $0x2  }
0xc1: {  	s3 =	sand.u32 $0x4000, s31;
	s1 =	sadd.s32 s1, s30  }
0xc2: {  	s0 =	sor.u32 s3, s0;
	s1 =	sshll.u32 s1, $0x11  }
0xc3: {  	s0 =	sor.u32 s1, s0  }
0xc4: {  	s0 =	sadd.s32 $0x8F2B, s0  }
0xc5: {  	[sflag:s0] =	ssyncadd.remote.s32 $0x1  }
0xc6: {  	_ =	sfence.sel $0xFFFF  }
0xc7: {  	[dreg:$0x0] =	wrdreg $0xFFFFFFFF;
	(pc) =	sbr.abs _section_cstart, $3  }
0xc8: {  	[dreg:$0x1] =	wrdreg $0xFFFFFFFF  }
0xc9: {  	_ =	task.clear_ibuf [dreg:s8], $0x2FFFF;
	_ =	strace $0x9FFFFFFF  }
0xca: {  	(tm) =	ssettm $0x7FFFFFFF  }
0xcb: {  	_ =	shalt  }
tec
execute0_lowered:
.L_overlay_start_1:
0x0: {  	(tag) =	ssettag $0x1  }
0x1: {  	s7 =	rddreg [dreg:$0x0]  }
0x2: {  	s4 =	rddreg [dreg:$0x1]  }
0x3: {  	s5 =	rddreg [dreg:$0x2]  }
0x4: {  	s2 =	rddreg [dreg:$0x3];
	s3 =	srdreg.scid  }
0x5: {  	s1 =	stileid.u32;
	s0 =	rddreg [dreg:$0x4];
	s14 =	simm.s32 $0x0  }
0x6: {  	s6 =	sand.u32 $0x1, s3;
	s8 =	smul.u32 $0x2710, s1;
	s3 =	simm.s32 $0x0  }
0x7: {  	s31 =	sshll.u32 s1, $0x6;
	s9 =	sshll.u32 s6, $0x4;
	s10 =	smul.u32 $0x27100, s6  }
0x8: {  	[smem:$0x7FF] =	sst s3;
	s6 =	ssub.s32 $0x2, s6;
	s9 =	sor.u32 s1, s9  }
0x9: {  	_ =	strace $0x8000004A;
	s12 =	sshrl.u32 s6, $0x1;
	s30 =	sshrl.u32 s8, $0x3  }
0xa: {  	s13 =	sadd.s32 s8, s2;
	s11 =	smul.u32 $0x271, s9;
	s10 =	sadd.s32 s8, s10  }
0xb: {  	s12 =	ssub.s32 s6, s12;
	s9 =	smul.u32 $0x2710, s9;
	s10 =	sshrl.u32 s10, $0x3  }
0xc: {  	s11 =	sadd.s32 s11, s4;
	s10 =	sadd.s32 s10, s4;
	s4 =	sadd.s32 s5, s30  }
0xd: {  	s5 =	sor.u32 $0x1C02, s31;
	s7 =	sadd.s32 s7, s9;
	s9 =	smax.u32 s12, $0x1  }
0xe: {  	s12 =	simm.s32 $0x28;
	s6 =	sadd.s32 $0x47400, s11;
	s8 =	sadd.s32 $0x51400, s10  }
0xf: {  	s10 =	sshrl.u32 s13, $0x3;
	s11 =	simm.s32 $0x2;
	s13 =	simm.s32 $0x1  }
.LBB2_1:
0x10: {  	[spmem:s10], [sflag:s5] =	dma.local [hbm:s4], $0x4E2  }
0x11: {  	_ =	swait.ge [sflag:s11], $0x4E2  }
0x12: {  	[sflag:s11] =	ssyncset.done $0x0  }
0x13: {  	[sflag:s11] =	ssyncadd.s32 $0xFFFFFB1E  }
0x14: {  	[bflag:$0x0] =	sbarrier.arrive $0xFFFF  }
0x15: {  	[tilespmem:s3], [sflag:$0x2] =	stream.linear.gather [hbm4b:s6+s3], $0x1388, $0x38;
	[tilespmem:$0x17318] =	vst v63  }
0x16: {  	_ =	swait.ge [sflag:s11], $0x1388  }
0x17: {  	[sflag:s11] =	ssyncset.done $0x0  }
0x18: {  	s15 =	simm.s32 $0x1388;
	[sflag:s11] =	ssyncadd.s32 $0xFFFFEC78  }
0x19: {  	[tilespmem:s15], [sflag:$0x2] =	stream.linear.gather [hbm4b:s7+s3], $0x13880, $0x38;
	[tilespmem:$0x17318] =	vst v63  }
0x1a: {  	_ =	swait.ge [sflag:s11], $0x13880  }
0x1b: {  	s16 =	simm.s32 $0xA0;
	[sflag:s11] =	ssyncset.done $0x0  }
0x1c: {  	s18 =	simm.s32 $0x0;
	s17 =	simm.s32 $0x1608;
	[sflag:s11] =	ssyncadd.s32 $0xFFFEC780  }
.LBB2_2:
0x1d: {  	[spmem:s2] =	stream.indirect.scatter.add.f32 [tilespmem:s15], [sflag:$0x1], $0x10, s18, s12, $0xb8;
	[tilespmem:$0x17318] =	vst v63  }
0x1e: {  	s18 =	smov.u32 s16;
	s15 =	smov.u32 s17;
	p0 =	sne.s32 s16, $0x4D80  }
.Ltmp0:
0x1f: {  	s16 =	sadd.s32 $0xA0, s16;
	(pc) =	sbr.rel @p0 .LBB2_2-.Ltmp0, $2  }
0x20: {  	_ =	sdelay $0x2  }
0x21: {  	s17 =	sadd.s32 $0x280, s17;
	s18 =	sshra.s32 s18, $0x2  }
0x22: {  	[spmem:s2] =	stream.indirect.scatter.add.f32 [tilespmem:s15], [sflag:$0x1], $0x10, s18, s12, $0xb8;
	[tilespmem:$0x17318] =	vst v63  }
0x23: {  	_ =	swait.ge [sflag:s13], $0x13880  }
0x24: {  	s14 =	sadd.s32 $0x1, s14;
	[sflag:s13] =	ssyncset.done $0x0  }
0x25: {  	p0 =	sne.s32 s14, s9;
	[sflag:s13] =	ssyncadd.s32 $0xFFFEC780  }
.Ltmp1:
0x26: {  	[bflag:$0x0] =	sbarrier.arrive $0xFFFF;
	(pc) =	sbr.rel @p0 .LBB2_1-.Ltmp1, $4  }
0x27: {  	[hbm:s8], [sflag:s5] =	dma.local [spmem:s10], $0x4E2  }
0x28: {  	_ =	swait.ge [sflag:s11], $0x4E2  }
0x29: {  	[sflag:s11] =	ssyncset.done $0x0  }
0x2a: {  	[sflag:s11] =	ssyncadd.s32 $0xFFFFFB1E  }
0x2b: {  	_ =	sfence.sel $0x180000  }
0x2c: {  	[bflag:$0x0] =	sbarrier.arrive $0xFFFF  }
0x2d: {  	p0 =	sne.s32 s1, $0x0;
	_ =	strace $0x9000004A  }
0x2e: {  	s0 =	sadd.s32 @!p0 $0x100000, s0;
	[bflag:$0x2] =	sbarrier.arrive $0xFFFF  }
0x2f: {  	[sflag:s0] =	ssyncadd.tile.s32 @!p0 $0x1;
	_ =	shalt  }
.Lfunc_end2:
_tile_overlayer_lowered:
.L_overlay_start_2:
0x30: {  	(tag) =	ssettag $0x2  }
0x31: {  	s0 =	rddreg [dreg:$0x0];
	s2 =	stileid.u32  }
0x32: {  	s1 =	rddreg [dreg:$0x1];
	p0 =	sne.s32 s2, $0x0  }
0x33: {  	s3 =	rddreg [dreg:$0x2];
	[bflag:$0x3] =	sbarrier.arrive $0xFFFF;
	s2 =	simm.s32 @!p0 $0x1C02  }
0x34: {  	[timem:s3], [sflag:s2] =	dma.local @!p0 [hbm:s0], s1  }
0x35: {  	s0 =	simm.s32 @!p0 $0x2  }
0x36: {  	_ =	swait.ge @!p0 [sflag:s0], s1  }
0x37: {  	s1 =	ssub.s32 @!p0 $0x0, s1;
	[sflag:s0] =	ssyncset.done @!p0 $0x0  }
0x38: {  	[sflag:s0] =	ssyncadd.s32 @!p0 s1  }
0x39: {  	[bflag:$0x3] =	sbarrier.arrive $0xFFFF  }
0x3a: {  	_ =	shalt  }

// kernel: kernel.43.cloned.1.call-start
scs
__scs_entry_jumppad:
0x0: {  	(pc) =	sbr.rel $0x88, $3  }
0x1: {  	(tag) =	ssettag $0x0;
	lr =	simm.s32 $0x1  }
0x2: {  	[smem:$0x3F46] =	sst lr;
	_ =	strace $0xD0000000  }
0x3: {  	_ = 	snop  }
0x4: {  	_ = 	snop  }
0x5: {  	_ = 	snop  }
0x6: {  	_ = 	snop  }
0x7: {  	_ = 	snop  }
__scs_overlays_trampoline_lowered:
0x8: {  	[smem:$0x3F55] =	sst s0  }
0x9: {  	[smem:$0x3F56] =	sst s1  }
0xa: {  	[smem:$0x3F57] =	sst s2  }
0xb: {  	[smem:$0x3F58] =	sst s3  }
0xc: {  	[smem:$0x3F59] =	sst s4  }
0xd: {  	[smem:$0x3F5A] =	sst s5  }
0xe: {  	[smem:$0x3F5B] =	sst s6  }
0xf: {  	[smem:$0x3F5C] =	sst s7  }
0x10: {  	[smem:$0x3F5D] =	sst s8  }
0x11: {  	[smem:$0x3F5E] =	sst s9;
	s0 =	simm.s32 @!p0 $0x0  }
0x12: {  	s1 =	sld [smem:$0x3F44];
	s0 =	simm.s32 @p0 $0x1  }
0x13: {  	[smem:$0x3F5F] =	sst s0;
	s0 =	simm.s32 @!p1 $0x0  }
0x14: {  	s2 =	sld [smem:$0x3F43];
	s0 =	simm.s32 @p1 $0x1  }
0x15: {  	[smem:$0x3F60] =	sst s0;
	s0 =	simm.s32 @!p2 $0x0  }
0x16: {  	s3 =	sld [smem:$0x3FDB];
	s0 =	simm.s32 @p2 $0x1  }
0x17: {  	s4 =	simm.s32 $0x1BF5;
	[smem:$0x3F62] =	sst s0  }
0x18: {  	s0 =	sld [smem:$0x3F45];
	_ =	swait.ge [sflag:s4], $0x0  }
0x19: {  	s7 =	sld [smem:$0x3F46]  }
0x1a: {  	s8 =	sadd.s32 $0xFFFFE003, lr  }
0x1b: {  	s9 =	sadd.s32 $0xFFFFFEF7, lr;
	s5 =	simm.s32 $0xFFFFFFFF;
	p2 =	slt.u32 s8, $0xFFFFF086  }
0x1c: {  	p1 =	slt.u32 s9, $0xF7A;
	s5 =	simm.s32 @!p2 $0x0  }
0x1d: {  	s5 =	simm.s32 @p1 $0x1;
	p0 =	seq.s32 s7, s2  }
0x1e: {  	s7 =	smul.u32 @!p0 $0xF7A, s2;
	p2 =	seq.s32 @!p0 s5, $0x0  }
0x1f: {  	s9 =	smul.u32 $0xF7A, s1;
	s8 =	simm.s32 @!p0 $0x1BF5;
	p2 =	por !p2, p0  }
0x20: {  	[sflag:s8] =	ssyncset.s32 @!p0 $0xFFFFF086;
	s6 =	sadd.s32 @!p0 s3, s7;
	s7 =	simm.s32 @!p0 $0x108  }
0x21: {  	s3 =	sadd.s32 s3, s9;
	s6 =	sadd.s32 @!p0 $0x88, s6;
	s7 =	simm.s32 @p2 $0x1082  }
0x22: {  	[simem:s7], [sflag:s8] =	dma.local @!p0 [hbm:s6], $0xF7A  }
0x23: {  	s9 =	sor.u32 $0xD0000000, s2;
	s6 =	simm.s32 $0x108;
	_ =	swait.ge @!p0 [sflag:s8], $0x0  }
0x24: {  	s3 =	sadd.s32 $0x88, s3;
	s6 =	simm.s32 @!p1 $0x1082;
	[sflag:s4] =	ssyncset.s32 $0xFFFFF086  }
0x25: {  	[simem:s6], [sflag:s4] =	dma.local [hbm:s3], $0xF7A  }
0x26: {  	[smem:$0x3F46] =	sst s1;
	(tag) =	ssettag s2;
	_ =	strace s9  }
0x27: {  	s1 =	sld [smem:$0x3F56]  }
0x28: {  	s2 =	sld [smem:$0x3F57]  }
0x29: {  	s4 =	sld [smem:$0x3F59]  }
0x2a: {  	p0 =	seq.s32 s5, $0x0;
	s5 =	sld [smem:$0x3F5A]  }
0x2b: {  	s6 =	sld [smem:$0x3F5B]  }
0x2c: {  	s7 =	sld [smem:$0x3F5C]  }
0x2d: {  	s3 =	simm.s32 $0x108;
	s8 =	sld [smem:$0x3F5D]  }
0x2e: {  	s3 =	simm.s32 @!p0 $0x1082;
	s9 =	sld [smem:$0x3F5E]  }
0x2f: {  	lr =	sadd.s32 s0, s3;
	s0 =	sld [smem:$0x3F55]  }
0x30: {  	s3 =	sld [smem:$0x3F58]  }
0x31: {  	[smem:$0x3F61] =	sst s10  }
0x32: {  	s10 =	sld [smem:$0x3F5F];
	_ =	sdelay $0x3  }
0x33: {  	p0 =	seq.s32 s10, $0x1;
	s10 =	sld [smem:$0x3F61];
	_ =	sdelay $0x3  }
0x34: {  	[smem:$0x3F61] =	sst s10  }
0x35: {  	s10 =	sld [smem:$0x3F60];
	_ =	sdelay $0x3  }
0x36: {  	p1 =	seq.s32 s10, $0x1;
	s10 =	sld [smem:$0x3F61];
	_ =	sdelay $0x3  }
0x37: {  	[smem:$0x3F61] =	sst s10  }
0x38: {  	s10 =	sld [smem:$0x3F62]  }
0x39: {  	_ = 	snop;
	(pc) =	sbr.ind lr, $3  }
0x3a: {  	_ = 	snop  }
0x3b: {  	_ = 	snop  }
0x3c: {  	p2 =	seq.s32 s10, $0x1;
	s10 =	sld [smem:$0x3F61]  }
0x3d: {  	_ =	shalt  }
0x3e: {  	_ =	shalt  }
0x3f: {  	_ =	shalt  }
0x40: {  	_ =	shalt  }
0x41: {  	_ =	shalt  }
0x42: {  	_ =	shalt  }
0x43: {  	_ =	shalt  }
0x44: {  	_ =	shalt  }
0x45: {  	_ =	shalt  }
0x46: {  	_ =	shalt  }
0x47: {  	_ =	shalt  }
0x48: {  	_ =	shalt  }
0x49: {  	_ =	shalt  }
0x4a: {  	_ =	shalt  }
0x4b: {  	_ =	shalt  }
0x4c: {  	_ =	shalt  }
0x4d: {  	_ =	shalt  }
0x4e: {  	_ =	shalt  }
0x4f: {  	_ =	shalt  }
0x50: {  	_ =	shalt  }
0x51: {  	_ =	shalt  }
0x52: {  	_ =	shalt  }
0x53: {  	_ =	shalt  }
0x54: {  	_ =	shalt  }
0x55: {  	_ =	shalt  }
0x56: {  	_ =	shalt  }
0x57: {  	_ =	shalt  }
0x58: {  	_ =	shalt  }
0x59: {  	_ =	shalt  }
0x5a: {  	_ =	shalt  }
0x5b: {  	_ =	shalt  }
0x5c: {  	_ =	shalt  }
0x5d: {  	_ =	shalt  }
0x5e: {  	_ =	shalt  }
0x5f: {  	_ =	shalt  }
0x60: {  	_ =	shalt  }
0x61: {  	_ =	shalt  }
0x62: {  	_ =	shalt  }
0x63: {  	_ =	shalt  }
0x64: {  	_ =	shalt  }
0x65: {  	_ =	shalt  }
0x66: {  	_ =	shalt  }
0x67: {  	_ =	shalt  }
0x68: {  	_ =	shalt  }
0x69: {  	_ =	shalt  }
0x6a: {  	_ =	shalt  }
0x6b: {  	_ =	shalt  }
0x6c: {  	_ =	shalt  }
0x6d: {  	_ =	shalt  }
0x6e: {  	_ =	shalt  }
0x6f: {  	_ =	shalt  }
0x70: {  	_ =	shalt  }
0x71: {  	_ =	shalt  }
0x72: {  	_ =	shalt  }
0x73: {  	_ =	shalt  }
0x74: {  	_ =	shalt  }
0x75: {  	_ =	shalt  }
0x76: {  	_ =	shalt  }
0x77: {  	_ =	shalt  }
0x78: {  	_ =	shalt  }
0x79: {  	_ =	shalt  }
0x7a: {  	_ =	shalt  }
0x7b: {  	_ =	shalt  }
0x7c: {  	_ =	shalt  }
0x7d: {  	_ =	shalt  }
0x7e: {  	_ =	shalt  }
0x7f: {  	_ =	shalt  }
0x80: {  	_ =	shalt  }
0x81: {  	_ =	shalt  }
0x82: {  	_ =	shalt  }
0x83: {  	_ =	shalt  }
0x84: {  	_ =	shalt  }
0x85: {  	_ =	shalt  }
0x86: {  	_ =	shalt  }
0x87: {  	_ =	shalt  }
.Lfunc_end0:
.L_simem_size_0:
called_computation.2_lowered:
.L_overlay_start_0:
0x88: {  	s2 =	sld [smem:$0x3FD9]  }
0x89: {  	s3 =	sld [smem:$0x3FFE];
	_ =	sdelay $0x1  }
0x8a: {  	s1 =	srdreg.scid  }
0x8b: {  	s0 =	sand.u32 $0x1, s1  }
0x8c: {  	s14 =	sshll.u32 s0, $0xA;
	s2 =	sadd.s32 s3, s2  }
0x8d: {  	s2 =	sadd.s32 s2, s14  }
0x8e: {  	[smem:$0x3F6D] =	sst s2  }
0x8f: {  	_ = 	snop  }
0x90: {  	s2 =	sld [smem:$0x3FD0];
	_ =	sdelay $0x2  }
0x91: {  	s15 =	simm.s32 $0xB;
	s4 =	simm.s32 $0x10  }
0x92: {  	[smem:s4], [sflag:s15] =	dma.local [hbm:s2], $0x1  }
0x93: {  	_ =	swait.eq [sflag:s15], $0x1  }
0x94: {  	[sflag:s15] =	ssyncset.done $0x0  }
0x95: {  	[sflag:s15] =	ssyncadd.s32 $0xFFFFFFFF  }
0x96: {  	s16 =	sld [smem:$0x13];
	(tm) =	ssettm $0x1  }
0x97: {  	s17 =	sld [smem:$0x3FFB];
	_ =	sdelay $0x3  }
0x98: {  	_ =	strace s17  }
0x99: {  	s3 =	sld [smem:$0x3FFC];
	_ =	sdelay $0x3  }
0x9a: {  	_ =	strace s3  }
0x9b: {  	s3 =	sld [smem:$0x3FFD];
	_ =	sdelay $0x3  }
0x9c: {  	_ =	strace s3  }
0x9d: {  	_ =	strace $0x8FFFFFFF  }
0x9e: {  	s18 =	sld [smem:$0x3FDB];
	_ =	sdelay $0x1  }
0x9f: {  	s19 =	simm.s32 $_scs_section_size  }
0xa0: {  	s5 =	simm.s32 $_size__tile_overlayer_lowered;
	s6 =	simm.s32 $_tile_overlayer_lowered  }
0xa1: {  	s22 =	simm.s32 $0x1BFF;
	s21 =	sshll.u32 s6, $0x1;
	s3 =	sadd.s32 s19, s18  }
0xa2: {  	s7 =	simm.s32 $0x0;
	s20 =	sshll.u32 s5, $0x1;
	s5 =	sadd.s32 s21, s3  }
0xa3: {  	[timem:s7], [sflag:s22] =	dma.local [hbm:s5], s20  }
0xa4: {  	_ =	swait.ge [sflag:s22], s20  }
0xa5: {  	s4 =	ssub.s32 $0x0, s20;
	[sflag:s22] =	ssyncset.done $0x0  }
0xa6: {  	[sflag:s22] =	ssyncadd.s32 s4;
	_ =	sdelay $0x1  }
0xa7: {  	s23 =	simm.s32 $0x1B8B  }
0xa8: {  	_ =	swait.ge [sflag:s23], $0x1  }
0xa9: {  	[sflag:s23] =	ssyncset.done $0x0  }
0xaa: {  	s25 =	simm.s32 $0x1B8E;
	s24 =	sld [smem:$0x3FFE];
	[sflag:s23] =	ssyncadd.s32 $0xFFFFFFFF  }
0xab: {  	s26 =	simm.s32 $execute0_lowered;
	[smem:$0x3FD2] =	sst s25  }
0xac: {  	s5 =	sshll.u32 s26, $0x1;
	_ =	strace $0x8000004C;
	[dreg:$0x1] =	wrdreg $0xFFFFFFFF  }
0xad: {  	s28 =	simm.s32 $_size_execute0_lowered;
	s3 =	sadd.s32 s3, s5;
	[dreg:$0x0] =	wrdreg $0x0  }
0xae: {  	s5 =	sshll.u32 s28, $0x1;
	[dreg:$0x2] =	wrdreg s3  }
0xaf: {  	[dreg:$0x3] =	wrdreg s5  }
0xb0: {  	[dreg:$0x4] =	wrdreg $0xC0  }
0xb1: {  	_ =	task [dreg:s7], $0x5FFFF  }
0xb2: {  	[dreg:$0x1] =	wrdreg $0xFFFFFFFF  }
0xb3: {  	[dreg:$0x0] =	wrdreg $0x60  }
0xb4: {  	[dreg:$0x2] =	wrdreg s24  }
0xb5: {  	[dreg:$0x3] =	wrdreg s16  }
0xb6: {  	[dreg:$0x4] =	wrdreg $0x9  }
0xb7: {  	_ =	task.clear_ibuf [dreg:s7], $0x5FFFF;
	_ =	strace $0x9000004C  }
0xb8: {  	s29 =	simm.s32 $0x9;
	_ =	strace $0x8000004E  }
0xb9: {  	_ =	swait.ge [sflag:s29], $0x1  }
0xba: {  	[sflag:s29] =	ssyncadd.s32 $0xFFFFFFFF  }
0xbb: {  	_ =	strace $0x9000004E  }
0xbc: {  	_ =	sfence  }
0xbd: {  	s30 =	sld [smem:$0x0];
	_ =	sdelay $0x2  }
0xbe: {  	s31 =	sshll.u32 s1, $0xD;
	s1 =	sshrl.u32 s1, $0x2  }
0xbf: {  	s3 =	sand.u32 $0x4000, s31;
	s1 =	sadd.s32 s1, s30  }
0xc0: {  	s0 =	sor.u32 s3, s0;
	s1 =	sshll.u32 s1, $0x11  }
0xc1: {  	s0 =	sor.u32 s1, s0  }
0xc2: {  	s0 =	sadd.s32 $0x8F2B, s0  }
0xc3: {  	[sflag:s0] =	ssyncadd.remote.s32 $0x1  }
0xc4: {  	_ =	sfence.sel $0xFFFF  }
0xc5: {  	[dreg:$0x0] =	wrdreg $0xFFFFFFFF;
	(pc) =	sbr.abs _section_cstart, $3  }
0xc6: {  	[dreg:$0x1] =	wrdreg $0xFFFFFFFF  }
0xc7: {  	_ =	task.clear_ibuf [dreg:s7], $0x2FFFF;
	_ =	strace $0x9FFFFFFF  }
0xc8: {  	(tm) =	ssettm $0x7FFFFFFF  }
0xc9: {  	_ =	shalt  }
tec
execute0_lowered:
.L_overlay_start_1:
0x0: {  	(tag) =	ssettag $0x1  }
0x1: {  	s0 =	srdreg.scid;
	s4 =	rddreg [dreg:$0x0]  }
0x2: {  	s5 =	rddreg [dreg:$0x1];
	s1 =	stileid.u32;
	s2 =	simm.s32 $0x0  }
0x3: {  	s11 =	simm.s32 $0x1;
	s12 =	simm.s32 $0x1388;
	s3 =	sand.u32 $0x1, s0  }
0x4: {  	s13 =	simm.s32 $0x0;
	s0 =	rddreg [dreg:$0x2];
	s6 =	sshll.u32 s3, $0x4  }
0x5: {  	[smem:$0x7FF] =	sst s2;
	s8 =	ssub.s32 $0x2, s3;
	s6 =	sor.u32 s1, s6  }
0x6: {  	_ =	strace $0x8000004D;
	s9 =	sshrl.u32 s8, $0x1;
	s7 =	smul.u32 $0x271, s6  }
0x7: {  	s3 =	sadd.s32 $0x51400, s4;
	s6 =	smul.u32 $0x2710, s6;
	s8 =	ssub.s32 s8, s9  }
0x8: {  	s9 =	simm.s32 $0x2;
	s8 =	smax.u32 s8, $0x1;
	s7 =	sadd.s32 s7, s4  }
0x9: {  	s10 =	sadd.s32 s6, s4;
	s5 =	sadd.s32 s5, s6;
	s4 =	sadd.s32 $0x4C400, s7  }
0xa: {  	s6 =	sadd.s32 $0x47400, s7;
	s7 =	sadd.s32 $0x179000, s10;
	s10 =	simm.s32 $0x28  }
.LBB2_1:
0xb: {  	[tilespmem:s2], [sflag:$0x2] =	stream.linear.gather [hbm4b:s4+s2], $0x1388, $0x38;
	[tilespmem:$0x14C08] =	vst v63  }
0xc: {  	_ =	swait.ge [sflag:s9], $0x1388  }
0xd: {  	s14 =	simm.s32 $0xA0;
	s17 =	simm.s32 $0x0;
	[sflag:s9] =	ssyncset.done $0x0  }
0xe: {  	s15 =	simm.s32 $0x1608;
	s16 =	simm.s32 $0x1388;
	[sflag:s9] =	ssyncadd.s32 $0xFFFFEC78  }
.LBB2_2:
0xf: {  	[tilespmem:s16], [sflag:$0x1] =	stream.indirect.gather [hbm4b:s3+s10], $0x10, s17, s10, $0xb8;
	[tilespmem:$0x14C08] =	vst v63  }
0x10: {  	s17 =	smov.u32 s14;
	s16 =	smov.u32 s15;
	p0 =	sne.s32 s14, $0x4D80  }
.Ltmp0:
0x11: {  	s14 =	sadd.s32 $0xA0, s14;
	(pc) =	sbr.rel @p0 .LBB2_2-.Ltmp0, $2  }
0x12: {  	_ =	sdelay $0x2  }
0x13: {  	s15 =	sadd.s32 $0x280, s15;
	s17 =	sshra.s32 s17, $0x2  }
0x14: {  	[tilespmem:s16], [sflag:$0x1] =	stream.indirect.gather [hbm4b:s3+s10], $0x10, s17, s10, $0xb8;
	[tilespmem:$0x14C08] =	vst v63  }
0x15: {  	_ =	swait.ge [sflag:s11], $0x13880  }
0x16: {  	[sflag:s11] =	ssyncset.done $0x0  }
0x17: {  	s15 =	simm.s32 $0x0;
	s14 =	simm.s32 $0x1388;
	[sflag:s11] =	ssyncadd.s32 $0xFFFEC780  }
0x18: {  	[hbm4b:s5+s15] =	stream.linear.scatter [tilespmem:s14], [sflag:$0x2], $0x13880, $0x38;
	[tilespmem:$0x14C08] =	vst v63  }
0x19: {  	_ =	swait.ge [sflag:s9], $0x13880  }
0x1a: {  	[sflag:s9] =	ssyncset.done $0x0  }
0x1b: {  	[sflag:s9] =	ssyncadd.s32 $0xFFFEC780  }
0x1c: {  	[tilespmem:s15], [sflag:$0x2] =	stream.linear.gather [hbm4b:s6+s15], $0x1388, $0x38;
	[tilespmem:$0x14C08] =	vst v63  }
0x1d: {  	_ =	swait.ge [sflag:s9], $0x1388  }
0x1e: {  	s17 =	simm.s32 $0x0;
	[sflag:s9] =	ssyncset.done $0x0  }
0x1f: {  	s16 =	simm.s32 $0x1608;
	s15 =	simm.s32 $0xA0;
	[sflag:s9] =	ssyncadd.s32 $0xFFFFEC78  }
.LBB2_4:
0x20: {  	[tilespmem:s14], [sflag:$0x1] =	stream.indirect.gather [hbm4b:s3+s10], $0x10, s17, s10, $0xb8;
	[tilespmem:$0x14C08] =	vst v63  }
0x21: {  	s17 =	smov.u32 s15;
	s14 =	smov.u32 s16;
	p0 =	sne.s32 s15, $0x4D80  }
.Ltmp1:
0x22: {  	s15 =	sadd.s32 $0xA0, s15;
	(pc) =	sbr.rel @p0 .LBB2_4-.Ltmp1, $2  }
0x23: {  	_ =	sdelay $0x2  }
0x24: {  	s16 =	sadd.s32 $0x280, s16;
	s17 =	sshra.s32 s17, $0x2  }
0x25: {  	[tilespmem:s14], [sflag:$0x1] =	stream.indirect.gather [hbm4b:s3+s10], $0x10, s17, s10, $0xb8;
	[tilespmem:$0x14C08] =	vst v63  }
0x26: {  	s13 =	sadd.s32 $0x1, s13;
	_ =	swait.ge [sflag:s11], $0x13880  }
0x27: {  	p0 =	sne.s32 s13, s8;
	[sflag:s11] =	ssyncset.done $0x0  }
.Ltmp2:
0x28: {  	[sflag:s11] =	ssyncadd.s32 $0xFFFEC780;
	(pc) =	sbr.rel @p0 .LBB2_1-.Ltmp2, $4  }
0x29: {  	[hbm4b:s7+s2] =	stream.linear.scatter [tilespmem:s12], [sflag:$0x2], $0x13880, $0x38;
	[tilespmem:$0x14C08] =	vst v63  }
0x2a: {  	_ =	swait.ge [sflag:s9], $0x13880  }
0x2b: {  	[sflag:s9] =	ssyncset.done $0x0  }
0x2c: {  	[sflag:s9] =	ssyncadd.s32 $0xFFFEC780  }
0x2d: {  	_ =	sfence.sel $0x180000  }
0x2e: {  	[bflag:$0x0] =	sbarrier.arrive $0xFFFF  }
0x2f: {  	p0 =	sne.s32 s1, $0x0;
	_ =	strace $0x9000004D  }
0x30: {  	s0 =	sadd.s32 @!p0 $0x100000, s0;
	[bflag:$0x2] =	sbarrier.arrive $0xFFFF  }
0x31: {  	[sflag:s0] =	ssyncadd.tile.s32 @!p0 $0x1;
	_ =	shalt  }
.Lfunc_end2:
_tile_overlayer_lowered:
.L_overlay_start_2:
0x32: {  	(tag) =	ssettag $0x2  }
0x33: {  	s0 =	rddreg [dreg:$0x0];
	s2 =	stileid.u32  }
0x34: {  	s1 =	rddreg [dreg:$0x1];
	p0 =	sne.s32 s2, $0x0  }
0x35: {  	s3 =	rddreg [dreg:$0x2];
	[bflag:$0x3] =	sbarrier.arrive $0xFFFF;
	s2 =	simm.s32 @!p0 $0x1C02  }
0x36: {  	[timem:s3], [sflag:s2] =	dma.local @!p0 [hbm:s0], s1  }
0x37: {  	s0 =	simm.s32 @!p0 $0x2  }
0x38: {  	_ =	swait.ge @!p0 [sflag:s0], s1  }
0x39: {  	s1 =	ssub.s32 @!p0 $0x0, s1;
	[sflag:s0] =	ssyncset.done @!p0 $0x0  }
0x3a: {  	[sflag:s0] =	ssyncadd.s32 @!p0 s1  }
0x3b: {  	[bflag:$0x3] =	sbarrier.arrive $0xFFFF  }
0x3c: {  	_ =	shalt  }

// kernel: kernel.46.cloned.1.call-start
scs
__scs_entry_jumppad:
0x0: {  	(pc) =	sbr.rel $0x88, $3  }
0x1: {  	(tag) =	ssettag $0x0;
	lr =	simm.s32 $0x1  }
0x2: {  	[smem:$0x3F46] =	sst lr;
	_ =	strace $0xD0000000  }
0x3: {  	_ = 	snop  }
0x4: {  	_ = 	snop  }
0x5: {  	_ = 	snop  }
0x6: {  	_ = 	snop  }
0x7: {  	_ = 	snop  }
__scs_overlays_trampoline_lowered:
0x8: {  	[smem:$0x3F55] =	sst s0  }
0x9: {  	[smem:$0x3F56] =	sst s1  }
0xa: {  	[smem:$0x3F57] =	sst s2  }
0xb: {  	[smem:$0x3F58] =	sst s3  }
0xc: {  	[smem:$0x3F59] =	sst s4  }
0xd: {  	[smem:$0x3F5A] =	sst s5  }
0xe: {  	[smem:$0x3F5B] =	sst s6  }
0xf: {  	[smem:$0x3F5C] =	sst s7  }
0x10: {  	[smem:$0x3F5D] =	sst s8  }
0x11: {  	[smem:$0x3F5E] =	sst s9;
	s0 =	simm.s32 @!p0 $0x0  }
0x12: {  	s1 =	sld [smem:$0x3F44];
	s0 =	simm.s32 @p0 $0x1  }
0x13: {  	[smem:$0x3F5F] =	sst s0;
	s0 =	simm.s32 @!p1 $0x0  }
0x14: {  	s2 =	sld [smem:$0x3F43];
	s0 =	simm.s32 @p1 $0x1  }
0x15: {  	[smem:$0x3F60] =	sst s0;
	s0 =	simm.s32 @!p2 $0x0  }
0x16: {  	s3 =	sld [smem:$0x3FDB];
	s0 =	simm.s32 @p2 $0x1  }
0x17: {  	s4 =	simm.s32 $0x1BF5;
	[smem:$0x3F62] =	sst s0  }
0x18: {  	s0 =	sld [smem:$0x3F45];
	_ =	swait.ge [sflag:s4], $0x0  }
0x19: {  	s7 =	sld [smem:$0x3F46]  }
0x1a: {  	s8 =	sadd.s32 $0xFFFFE003, lr  }
0x1b: {  	s9 =	sadd.s32 $0xFFFFFEF7, lr;
	s5 =	simm.s32 $0xFFFFFFFF;
	p2 =	slt.u32 s8, $0xFFFFF086  }
0x1c: {  	p1 =	slt.u32 s9, $0xF7A;
	s5 =	simm.s32 @!p2 $0x0  }
0x1d: {  	s5 =	simm.s32 @p1 $0x1;
	p0 =	seq.s32 s7, s2  }
0x1e: {  	s7 =	smul.u32 @!p0 $0xF7A, s2;
	p2 =	seq.s32 @!p0 s5, $0x0  }
0x1f: {  	s9 =	smul.u32 $0xF7A, s1;
	s8 =	simm.s32 @!p0 $0x1BF5;
	p2 =	por !p2, p0  }
0x20: {  	[sflag:s8] =	ssyncset.s32 @!p0 $0xFFFFF086;
	s6 =	sadd.s32 @!p0 s3, s7;
	s7 =	simm.s32 @!p0 $0x108  }
0x21: {  	s3 =	sadd.s32 s3, s9;
	s6 =	sadd.s32 @!p0 $0x88, s6;
	s7 =	simm.s32 @p2 $0x1082  }
0x22: {  	[simem:s7], [sflag:s8] =	dma.local @!p0 [hbm:s6], $0xF7A  }
0x23: {  	s9 =	sor.u32 $0xD0000000, s2;
	s6 =	simm.s32 $0x108;
	_ =	swait.ge @!p0 [sflag:s8], $0x0  }
0x24: {  	s3 =	sadd.s32 $0x88, s3;
	s6 =	simm.s32 @!p1 $0x1082;
	[sflag:s4] =	ssyncset.s32 $0xFFFFF086  }
0x25: {  	[simem:s6], [sflag:s4] =	dma.local [hbm:s3], $0xF7A  }
0x26: {  	[smem:$0x3F46] =	sst s1;
	(tag) =	ssettag s2;
	_ =	strace s9  }
0x27: {  	s1 =	sld [smem:$0x3F56]  }
0x28: {  	s2 =	sld [smem:$0x3F57]  }
0x29: {  	s4 =	sld [smem:$0x3F59]  }
0x2a: {  	p0 =	seq.s32 s5, $0x0;
	s5 =	sld [smem:$0x3F5A]  }
0x2b: {  	s6 =	sld [smem:$0x3F5B]  }
0x2c: {  	s7 =	sld [smem:$0x3F5C]  }
0x2d: {  	s3 =	simm.s32 $0x108;
	s8 =	sld [smem:$0x3F5D]  }
0x2e: {  	s3 =	simm.s32 @!p0 $0x1082;
	s9 =	sld [smem:$0x3F5E]  }
0x2f: {  	lr =	sadd.s32 s0, s3;
	s0 =	sld [smem:$0x3F55]  }
0x30: {  	s3 =	sld [smem:$0x3F58]  }
0x31: {  	[smem:$0x3F61] =	sst s10  }
0x32: {  	s10 =	sld [smem:$0x3F5F];
	_ =	sdelay $0x3  }
0x33: {  	p0 =	seq.s32 s10, $0x1;
	s10 =	sld [smem:$0x3F61];
	_ =	sdelay $0x3  }
0x34: {  	[smem:$0x3F61] =	sst s10  }
0x35: {  	s10 =	sld [smem:$0x3F60];
	_ =	sdelay $0x3  }
0x36: {  	p1 =	seq.s32 s10, $0x1;
	s10 =	sld [smem:$0x3F61];
	_ =	sdelay $0x3  }
0x37: {  	[smem:$0x3F61] =	sst s10  }
0x38: {  	s10 =	sld [smem:$0x3F62]  }
0x39: {  	_ = 	snop;
	(pc) =	sbr.ind lr, $3  }
0x3a: {  	_ = 	snop  }
0x3b: {  	_ = 	snop  }
0x3c: {  	p2 =	seq.s32 s10, $0x1;
	s10 =	sld [smem:$0x3F61]  }
0x3d: {  	_ =	shalt  }
0x3e: {  	_ =	shalt  }
0x3f: {  	_ =	shalt  }
0x40: {  	_ =	shalt  }
0x41: {  	_ =	shalt  }
0x42: {  	_ =	shalt  }
0x43: {  	_ =	shalt  }
0x44: {  	_ =	shalt  }
0x45: {  	_ =	shalt  }
0x46: {  	_ =	shalt  }
0x47: {  	_ =	shalt  }
0x48: {  	_ =	shalt  }
0x49: {  	_ =	shalt  }
0x4a: {  	_ =	shalt  }
0x4b: {  	_ =	shalt  }
0x4c: {  	_ =	shalt  }
0x4d: {  	_ =	shalt  }
0x4e: {  	_ =	shalt  }
0x4f: {  	_ =	shalt  }
0x50: {  	_ =	shalt  }
0x51: {  	_ =	shalt  }
0x52: {  	_ =	shalt  }
0x53: {  	_ =	shalt  }
0x54: {  	_ =	shalt  }
0x55: {  	_ =	shalt  }
0x56: {  	_ =	shalt  }
0x57: {  	_ =	shalt  }
0x58: {  	_ =	shalt  }
0x59: {  	_ =	shalt  }
0x5a: {  	_ =	shalt  }
0x5b: {  	_ =	shalt  }
0x5c: {  	_ =	shalt  }
0x5d: {  	_ =	shalt  }
0x5e: {  	_ =	shalt  }
0x5f: {  	_ =	shalt  }
0x60: {  	_ =	shalt  }
0x61: {  	_ =	shalt  }
0x62: {  	_ =	shalt  }
0x63: {  	_ =	shalt  }
0x64: {  	_ =	shalt  }
0x65: {  	_ =	shalt  }
0x66: {  	_ =	shalt  }
0x67: {  	_ =	shalt  }
0x68: {  	_ =	shalt  }
0x69: {  	_ =	shalt  }
0x6a: {  	_ =	shalt  }
0x6b: {  	_ =	shalt  }
0x6c: {  	_ =	shalt  }
0x6d: {  	_ =	shalt  }
0x6e: {  	_ =	shalt  }
0x6f: {  	_ =	shalt  }
0x70: {  	_ =	shalt  }
0x71: {  	_ =	shalt  }
0x72: {  	_ =	shalt  }
0x73: {  	_ =	shalt  }
0x74: {  	_ =	shalt  }
0x75: {  	_ =	shalt  }
0x76: {  	_ =	shalt  }
0x77: {  	_ =	shalt  }
0x78: {  	_ =	shalt  }
0x79: {  	_ =	shalt  }
0x7a: {  	_ =	shalt  }
0x7b: {  	_ =	shalt  }
0x7c: {  	_ =	shalt  }
0x7d: {  	_ =	shalt  }
0x7e: {  	_ =	shalt  }
0x7f: {  	_ =	shalt  }
0x80: {  	_ =	shalt  }
0x81: {  	_ =	shalt  }
0x82: {  	_ =	shalt  }
0x83: {  	_ =	shalt  }
0x84: {  	_ =	shalt  }
0x85: {  	_ =	shalt  }
0x86: {  	_ =	shalt  }
0x87: {  	_ =	shalt  }
.Lfunc_end0:
.L_simem_size_0:
called_computation.3_lowered:
.L_overlay_start_0:
0x88: {  	s2 =	sld [smem:$0x3FD9]  }
0x89: {  	s3 =	sld [smem:$0x3FFE];
	_ =	sdelay $0x1  }
0x8a: {  	s1 =	srdreg.scid  }
0x8b: {  	s0 =	sand.u32 $0x1, s1  }
0x8c: {  	s17 =	sshll.u32 s0, $0xA;
	s2 =	sadd.s32 s3, s2  }
0x8d: {  	s2 =	sadd.s32 s2, s17  }
0x8e: {  	[smem:$0x3F6D] =	sst s2  }
0x8f: {  	_ = 	snop  }
0x90: {  	(tm) =	ssettm $0x1  }
0x91: {  	s18 =	sld [smem:$0x3FFB];
	_ =	sdelay $0x3  }
0x92: {  	_ =	strace s18  }
0x93: {  	s2 =	sld [smem:$0x3FFC];
	_ =	sdelay $0x3  }
0x94: {  	_ =	strace s2  }
0x95: {  	s2 =	sld [smem:$0x3FFD];
	_ =	sdelay $0x3  }
0x96: {  	_ =	strace s2  }
0x97: {  	_ =	strace $0x8FFFFFFF  }
0x98: {  	s19 =	sld [smem:$0x3FDB];
	_ =	sdelay $0x1  }
0x99: {  	s20 =	simm.s32 $_scs_section_size  }
0x9a: {  	s4 =	simm.s32 $_size__tile_overlayer_lowered;
	s5 =	simm.s32 $_tile_overlayer_lowered  }
0x9b: {  	s6 =	simm.s32 $0x1BFF;
	s21 =	sshll.u32 s5, $0x1;
	s3 =	sadd.s32 s20, s19  }
0x9c: {  	s22 =	simm.s32 $0x0;
	s4 =	sshll.u32 s4, $0x1;
	s5 =	sadd.s32 s21, s3  }
0x9d: {  	[timem:s22], [sflag:s6] =	dma.local [hbm:s5], s4  }
0x9e: {  	_ =	swait.ge [sflag:s6], s4  }
0x9f: {  	s4 =	ssub.s32 $0x0, s4;
	[sflag:s6] =	ssyncset.done $0x0  }
0xa0: {  	[sflag:s6] =	ssyncadd.s32 s4;
	_ =	sdelay $0x1  }
0xa1: {  	s23 =	simm.s32 $0x1B8B  }
0xa2: {  	_ =	swait.ge [sflag:s23], $0x1  }
0xa3: {  	[sflag:s23] =	ssyncset.done $0x0  }
0xa4: {  	[sflag:s23] =	ssyncadd.s32 $0xFFFFFFFF  }
0xa5: {  	s4 =	sld [smem:$0x0]  }
0xa6: {  	s5 =	sand.u32 $0xFFFFFFFE, s1  }
0xa7: {  	p0 =	sne.s32 s1, s5  }
0xa8: {  	s5 =	sshll.u32 @p0 s5, $0xE  }
0xa9: {  	s5 =	sadd.s32 @p0 $0x11B8D, s5;
	s6 =	sshll.u32 @p0 s4, $0x11  }
0xaa: {  	s5 =	sor.u32 @p0 s6, s5  }
0xab: {  	[sflag:s5] =	ssyncadd.remote.s32 @p0 $0x1;
	_ =	sdelay $0x1  }
0xac: {  	s5 =	simm.s32 @p0 $0x1B8D  }
0xad: {  	_ =	swait.eq @p0 [sflag:s5], $0x1  }
0xae: {  	[sflag:s5] =	ssyncadd.s32 @p0 $0xFFFFFFFF  }
0xaf: {  	s6 =	sshll.u32 @!p0 s1, $0xE  }
0xb0: {  	s6 =	sor.u32 @!p0 $0x4000, s6;
	s5 =	simm.s32 @!p0 $0x1B8D  }
0xb1: {  	s4 =	sshll.u32 @!p0 s4, $0x11;
	s6 =	sadd.s32 @!p0 $0x11B8D, s6;
	_ =	swait.eq @!p0 [sflag:s5], $0x1  }
0xb2: {  	s4 =	sor.u32 @!p0 s4, s6;
	[sflag:s5] =	ssyncadd.s32 @!p0 $0xFFFFFFFF  }
0xb3: {  	s25 =	simm.s32 $0x1B8E;
	s24 =	sld [smem:$0x3FFE];
	[sflag:s4] =	ssyncadd.remote.s32 @!p0 $0x1  }
0xb4: {  	s26 =	simm.s32 $execute0_lowered;
	[smem:$0x3FD2] =	sst s25  }
0xb5: {  	s5 =	sshll.u32 s26, $0x1;
	_ =	strace $0x8000004F;
	[dreg:$0x1] =	wrdreg $0xFFFFFFFF  }
0xb6: {  	s28 =	simm.s32 $_size_execute0_lowered;
	s3 =	sadd.s32 s3, s5;
	[dreg:$0x0] =	wrdreg $0x0  }
0xb7: {  	s5 =	sshll.u32 s28, $0x1;
	[dreg:$0x2] =	wrdreg s3  }
0xb8: {  	[dreg:$0x3] =	wrdreg s5  }
0xb9: {  	[dreg:$0x4] =	wrdreg $0xC0  }
0xba: {  	_ =	task [dreg:s22], $0x5FFFF  }
0xbb: {  	[dreg:$0x1] =	wrdreg $0xFFFFFFFF  }
0xbc: {  	[dreg:$0x0] =	wrdreg $0x60  }
0xbd: {  	[dreg:$0x2] =	wrdreg s24  }
0xbe: {  	[dreg:$0x3] =	wrdreg $0xA  }
0xbf: {  	_ =	task.clear_ibuf [dreg:s22], $0x4FFFF;
	_ =	strace $0x9000004F  }
0xc0: {  	s29 =	simm.s32 $0xA;
	_ =	strace $0x80000051  }
0xc1: {  	_ =	swait.ge [sflag:s29], $0x1  }
0xc2: {  	[sflag:s29] =	ssyncadd.s32 $0xFFFFFFFF  }
0xc3: {  	_ =	strace $0x90000051  }
0xc4: {  	_ =	sfence  }
0xc5: {  	s30 =	sld [smem:$0x0];
	_ =	sdelay $0x2  }
0xc6: {  	s31 =	sshll.u32 s1, $0xD;
	s1 =	sshrl.u32 s1, $0x2  }
0xc7: {  	s4 =	sand.u32 $0x4000, s31;
	s1 =	sadd.s32 s1, s30  }
0xc8: {  	s0 =	sor.u32 s4, s0;
	s1 =	sshll.u32 s1, $0x11  }
0xc9: {  	s0 =	sor.u32 s1, s0  }
0xca: {  	s0 =	sadd.s32 $0x8F2B, s0  }
0xcb: {  	[sflag:s0] =	ssyncadd.remote.s32 $0x1  }
0xcc: {  	_ =	sfence.sel $0xFFFF  }
0xcd: {  	[dreg:$0x0] =	wrdreg $0xFFFFFFFF;
	(pc) =	sbr.abs _section_cstart, $3  }
0xce: {  	[dreg:$0x1] =	wrdreg $0xFFFFFFFF  }
0xcf: {  	_ =	task.clear_ibuf [dreg:s22], $0x2FFFF;
	_ =	strace $0x9FFFFFFF  }
0xd0: {  	(tm) =	ssettm $0x7FFFFFFF  }
0xd1: {  	_ =	shalt  }
tec
execute0_lowered:
.L_overlay_start_1:
0x0: {  	(tag) =	ssettag $0x1  }
0x1: {  	s0 =	srdreg.scid;
	s5 =	rddreg [dreg:$0x0]  }
0x2: {  	s2 =	simm.s32 $0x0;
	s8 =	simm.s32 $0x28;
	s4 =	sand.u32 $0x1, s0  }
0x3: {  	s9 =	simm.s32 $0x1;
	s0 =	stileid.u32;
	s1 =	sshll.u32 s4, $0x4  }
0x4: {  	s10 =	simm.s32 $0x1388;
	s11 =	simm.s32 $0x0;
	s3 =	sor.u32 s0, s1  }
0x5: {  	[smem:$0x7FF] =	sst s2;
	s4 =	ssub.s32 $0x2, s4;
	s6 =	smul.u32 $0x271, s3  }
0x6: {  	s1 =	rddreg [dreg:$0x1];
	_ =	strace $0x80000050;
	s7 =	smul.u32 $0x2710, s3  }
0x7: {  	s31 =	sshrl.u32 s4, $0x1;
	s3 =	sadd.s32 $0x56400, s5;
	s6 =	sadd.s32 s6, s5  }
0x8: {  	s5 =	sadd.s32 s7, s5;
	s7 =	ssub.s32 s4, s31;
	s4 =	sadd.s32 $0x4C400, s6  }
0x9: {  	s5 =	sadd.s32 $0x1C7200, s5;
	s6 =	smax.u32 s7, $0x1;
	s7 =	simm.s32 $0x2  }
.LBB2_1:
0xa: {  	[tilespmem:s2], [sflag:$0x2] =	stream.linear.gather [hbm4b:s4+s2], $0x1388, $0x38;
	[tilespmem:$0x14C08] =	vst v63  }
0xb: {  	_ =	swait.ge [sflag:s7], $0x1388  }
0xc: {  	s12 =	simm.s32 $0xA0;
	s15 =	simm.s32 $0x0;
	[sflag:s7] =	ssyncset.done $0x0  }
0xd: {  	s13 =	simm.s32 $0x1608;
	s14 =	simm.s32 $0x1388;
	[sflag:s7] =	ssyncadd.s32 $0xFFFFEC78  }
.LBB2_2:
0xe: {  	[tilespmem:s14], [sflag:$0x1] =	stream.indirect.gather [hbm4b:s3+s8], $0x10, s15, s8, $0xb8;
	[tilespmem:$0x14C08] =	vst v63  }
0xf: {  	s15 =	smov.u32 s12;
	s14 =	smov.u32 s13;
	p0 =	sne.s32 s12, $0x4D80  }
.Ltmp0:
0x10: {  	s12 =	sadd.s32 $0xA0, s12;
	(pc) =	sbr.rel @p0 .LBB2_2-.Ltmp0, $2  }
0x11: {  	_ =	sdelay $0x2  }
0x12: {  	s13 =	sadd.s32 $0x280, s13;
	s15 =	sshra.s32 s15, $0x2  }
0x13: {  	[tilespmem:s14], [sflag:$0x1] =	stream.indirect.gather [hbm4b:s3+s8], $0x10, s15, s8, $0xb8;
	[tilespmem:$0x14C08] =	vst v63  }
0x14: {  	s11 =	sadd.s32 $0x1, s11;
	_ =	swait.ge [sflag:s9], $0x13880  }
0x15: {  	p0 =	sne.s32 s11, s6;
	[sflag:s9] =	ssyncset.done $0x0  }
.Ltmp1:
0x16: {  	[sflag:s9] =	ssyncadd.s32 $0xFFFEC780;
	(pc) =	sbr.rel @p0 .LBB2_1-.Ltmp1, $4  }
0x17: {  	[hbm4b:s5+s2] =	stream.linear.scatter [tilespmem:s10], [sflag:$0x2], $0x13880, $0x38;
	[tilespmem:$0x14C08] =	vst v63  }
0x18: {  	_ =	swait.ge [sflag:s7], $0x13880  }
0x19: {  	[sflag:s7] =	ssyncset.done $0x0  }
0x1a: {  	[sflag:s7] =	ssyncadd.s32 $0xFFFEC780  }
0x1b: {  	_ =	sfence.sel $0x180000  }
0x1c: {  	[bflag:$0x0] =	sbarrier.arrive $0xFFFF  }
0x1d: {  	p0 =	sne.s32 s0, $0x0;
	_ =	strace $0x90000050  }
0x1e: {  	s0 =	sadd.s32 @!p0 $0x100000, s1;
	[bflag:$0x2] =	sbarrier.arrive $0xFFFF  }
0x1f: {  	[sflag:s0] =	ssyncadd.tile.s32 @!p0 $0x1;
	_ =	shalt  }
.Lfunc_end2:
_tile_overlayer_lowered:
.L_overlay_start_2:
0x20: {  	(tag) =	ssettag $0x2  }
0x21: {  	s0 =	rddreg [dreg:$0x0];
	s2 =	stileid.u32  }
0x22: {  	s1 =	rddreg [dreg:$0x1];
	p0 =	sne.s32 s2, $0x0  }
0x23: {  	s3 =	rddreg [dreg:$0x2];
	[bflag:$0x3] =	sbarrier.arrive $0xFFFF;
	s2 =	simm.s32 @!p0 $0x1C02  }
0x24: {  	[timem:s3], [sflag:s2] =	dma.local @!p0 [hbm:s0], s1  }
0x25: {  	s0 =	simm.s32 @!p0 $0x2  }
0x26: {  	_ =	swait.ge @!p0 [sflag:s0], s1  }
0x27: {  	s1 =	ssub.s32 @!p0 $0x0, s1;
	[sflag:s0] =	ssyncset.done @!p0 $0x0  }
0x28: {  	[sflag:s0] =	ssyncadd.s32 @!p0 s1  }
0x29: {  	[bflag:$0x3] =	sbarrier.arrive $0xFFFF  }
0x2a: {  	_ =	shalt  }

// kernel: kernel.49.cloned.1.call-start
scs
__scs_entry_jumppad:
0x0: {  	(pc) =	sbr.rel $0x88, $3  }
0x1: {  	(tag) =	ssettag $0x0;
	lr =	simm.s32 $0x1  }
0x2: {  	[smem:$0x3F46] =	sst lr;
	_ =	strace $0xD0000000  }
0x3: {  	_ = 	snop  }
0x4: {  	_ = 	snop  }
0x5: {  	_ = 	snop  }
0x6: {  	_ = 	snop  }
0x7: {  	_ = 	snop  }
__scs_overlays_trampoline_lowered:
0x8: {  	[smem:$0x3F55] =	sst s0  }
0x9: {  	[smem:$0x3F56] =	sst s1  }
0xa: {  	[smem:$0x3F57] =	sst s2  }
0xb: {  	[smem:$0x3F58] =	sst s3  }
0xc: {  	[smem:$0x3F59] =	sst s4  }
0xd: {  	[smem:$0x3F5A] =	sst s5  }
0xe: {  	[smem:$0x3F5B] =	sst s6  }
0xf: {  	[smem:$0x3F5C] =	sst s7  }
0x10: {  	[smem:$0x3F5D] =	sst s8  }
0x11: {  	[smem:$0x3F5E] =	sst s9;
	s0 =	simm.s32 @!p0 $0x0  }
0x12: {  	s1 =	sld [smem:$0x3F44];
	s0 =	simm.s32 @p0 $0x1  }
0x13: {  	[smem:$0x3F5F] =	sst s0;
	s0 =	simm.s32 @!p1 $0x0  }
0x14: {  	s2 =	sld [smem:$0x3F43];
	s0 =	simm.s32 @p1 $0x1  }
0x15: {  	[smem:$0x3F60] =	sst s0;
	s0 =	simm.s32 @!p2 $0x0  }
0x16: {  	s3 =	sld [smem:$0x3FDB];
	s0 =	simm.s32 @p2 $0x1  }
0x17: {  	s4 =	simm.s32 $0x1BF5;
	[smem:$0x3F62] =	sst s0  }
0x18: {  	s0 =	sld [smem:$0x3F45];
	_ =	swait.ge [sflag:s4], $0x0  }
0x19: {  	s7 =	sld [smem:$0x3F46]  }
0x1a: {  	s8 =	sadd.s32 $0xFFFFE003, lr  }
0x1b: {  	s9 =	sadd.s32 $0xFFFFFEF7, lr;
	s5 =	simm.s32 $0xFFFFFFFF;
	p2 =	slt.u32 s8, $0xFFFFF086  }
0x1c: {  	p1 =	slt.u32 s9, $0xF7A;
	s5 =	simm.s32 @!p2 $0x0  }
0x1d: {  	s5 =	simm.s32 @p1 $0x1;
	p0 =	seq.s32 s7, s2  }
0x1e: {  	s7 =	smul.u32 @!p0 $0xF7A, s2;
	p2 =	seq.s32 @!p0 s5, $0x0  }
0x1f: {  	s9 =	smul.u32 $0xF7A, s1;
	s8 =	simm.s32 @!p0 $0x1BF5;
	p2 =	por !p2, p0  }
0x20: {  	[sflag:s8] =	ssyncset.s32 @!p0 $0xFFFFF086;
	s6 =	sadd.s32 @!p0 s3, s7;
	s7 =	simm.s32 @!p0 $0x108  }
0x21: {  	s3 =	sadd.s32 s3, s9;
	s6 =	sadd.s32 @!p0 $0x88, s6;
	s7 =	simm.s32 @p2 $0x1082  }
0x22: {  	[simem:s7], [sflag:s8] =	dma.local @!p0 [hbm:s6], $0xF7A  }
0x23: {  	s9 =	sor.u32 $0xD0000000, s2;
	s6 =	simm.s32 $0x108;
	_ =	swait.ge @!p0 [sflag:s8], $0x0  }
0x24: {  	s3 =	sadd.s32 $0x88, s3;
	s6 =	simm.s32 @!p1 $0x1082;
	[sflag:s4] =	ssyncset.s32 $0xFFFFF086  }
0x25: {  	[simem:s6], [sflag:s4] =	dma.local [hbm:s3], $0xF7A  }
0x26: {  	[smem:$0x3F46] =	sst s1;
	(tag) =	ssettag s2;
	_ =	strace s9  }
0x27: {  	s1 =	sld [smem:$0x3F56]  }
0x28: {  	s2 =	sld [smem:$0x3F57]  }
0x29: {  	s4 =	sld [smem:$0x3F59]  }
0x2a: {  	p0 =	seq.s32 s5, $0x0;
	s5 =	sld [smem:$0x3F5A]  }
0x2b: {  	s6 =	sld [smem:$0x3F5B]  }
0x2c: {  	s7 =	sld [smem:$0x3F5C]  }
0x2d: {  	s3 =	simm.s32 $0x108;
	s8 =	sld [smem:$0x3F5D]  }
0x2e: {  	s3 =	simm.s32 @!p0 $0x1082;
	s9 =	sld [smem:$0x3F5E]  }
0x2f: {  	lr =	sadd.s32 s0, s3;
	s0 =	sld [smem:$0x3F55]  }
0x30: {  	s3 =	sld [smem:$0x3F58]  }
0x31: {  	[smem:$0x3F61] =	sst s10  }
0x32: {  	s10 =	sld [smem:$0x3F5F];
	_ =	sdelay $0x3  }
0x33: {  	p0 =	seq.s32 s10, $0x1;
	s10 =	sld [smem:$0x3F61];
	_ =	sdelay $0x3  }
0x34: {  	[smem:$0x3F61] =	sst s10  }
0x35: {  	s10 =	sld [smem:$0x3F60];
	_ =	sdelay $0x3  }
0x36: {  	p1 =	seq.s32 s10, $0x1;
	s10 =	sld [smem:$0x3F61];
	_ =	sdelay $0x3  }
0x37: {  	[smem:$0x3F61] =	sst s10  }
0x38: {  	s10 =	sld [smem:$0x3F62]  }
0x39: {  	_ = 	snop;
	(pc) =	sbr.ind lr, $3  }
0x3a: {  	_ = 	snop  }
0x3b: {  	_ = 	snop  }
0x3c: {  	p2 =	seq.s32 s10, $0x1;
	s10 =	sld [smem:$0x3F61]  }
0x3d: {  	_ =	shalt  }
0x3e: {  	_ =	shalt  }
0x3f: {  	_ =	shalt  }
0x40: {  	_ =	shalt  }
0x41: {  	_ =	shalt  }
0x42: {  	_ =	shalt  }
0x43: {  	_ =	shalt  }
0x44: {  	_ =	shalt  }
0x45: {  	_ =	shalt  }
0x46: {  	_ =	shalt  }
0x47: {  	_ =	shalt  }
0x48: {  	_ =	shalt  }
0x49: {  	_ =	shalt  }
0x4a: {  	_ =	shalt  }
0x4b: {  	_ =	shalt  }
0x4c: {  	_ =	shalt  }
0x4d: {  	_ =	shalt  }
0x4e: {  	_ =	shalt  }
0x4f: {  	_ =	shalt  }
0x50: {  	_ =	shalt  }
0x51: {  	_ =	shalt  }
0x52: {  	_ =	shalt  }
0x53: {  	_ =	shalt  }
0x54: {  	_ =	shalt  }
0x55: {  	_ =	shalt  }
0x56: {  	_ =	shalt  }
0x57: {  	_ =	shalt  }
0x58: {  	_ =	shalt  }
0x59: {  	_ =	shalt  }
0x5a: {  	_ =	shalt  }
0x5b: {  	_ =	shalt  }
0x5c: {  	_ =	shalt  }
0x5d: {  	_ =	shalt  }
0x5e: {  	_ =	shalt  }
0x5f: {  	_ =	shalt  }
0x60: {  	_ =	shalt  }
0x61: {  	_ =	shalt  }
0x62: {  	_ =	shalt  }
0x63: {  	_ =	shalt  }
0x64: {  	_ =	shalt  }
0x65: {  	_ =	shalt  }
0x66: {  	_ =	shalt  }
0x67: {  	_ =	shalt  }
0x68: {  	_ =	shalt  }
0x69: {  	_ =	shalt  }
0x6a: {  	_ =	shalt  }
0x6b: {  	_ =	shalt  }
0x6c: {  	_ =	shalt  }
0x6d: {  	_ =	shalt  }
0x6e: {  	_ =	shalt  }
0x6f: {  	_ =	shalt  }
0x70: {  	_ =	shalt  }
0x71: {  	_ =	shalt  }
0x72: {  	_ =	shalt  }
0x73: {  	_ =	shalt  }
0x74: {  	_ =	shalt  }
0x75: {  	_ =	shalt  }
0x76: {  	_ =	shalt  }
0x77: {  	_ =	shalt  }
0x78: {  	_ =	shalt  }
0x79: {  	_ =	shalt  }
0x7a: {  	_ =	shalt  }
0x7b: {  	_ =	shalt  }
0x7c: {  	_ =	shalt  }
0x7d: {  	_ =	shalt  }
0x7e: {  	_ =	shalt  }
0x7f: {  	_ =	shalt  }
0x80: {  	_ =	shalt  }
0x81: {  	_ =	shalt  }
0x82: {  	_ =	shalt  }
0x83: {  	_ =	shalt  }
0x84: {  	_ =	shalt  }
0x85: {  	_ =	shalt  }
0x86: {  	_ =	shalt  }
0x87: {  	_ =	shalt  }
.Lfunc_end0:
.L_simem_size_0:
called_computation.4_lowered:
.L_overlay_start_0:
0x88: {  	s2 =	sld [smem:$0x3FD9]  }
0x89: {  	s3 =	sld [smem:$0x3FFE];
	_ =	sdelay $0x1  }
0x8a: {  	s1 =	srdreg.scid  }
0x8b: {  	s0 =	sand.u32 $0x1, s1  }
0x8c: {  	s14 =	sshll.u32 s0, $0xA;
	s2 =	sadd.s32 s3, s2  }
0x8d: {  	s2 =	sadd.s32 s2, s14  }
0x8e: {  	[smem:$0x3F6D] =	sst s2  }
0x8f: {  	_ = 	snop  }
0x90: {  	s2 =	sld [smem:$0x3FD0];
	_ =	sdelay $0x2  }
0x91: {  	s15 =	simm.s32 $0xB;
	s4 =	simm.s32 $0x10  }
0x92: {  	[smem:s4], [sflag:s15] =	dma.local [hbm:s2], $0x1  }
0x93: {  	_ =	swait.eq [sflag:s15], $0x1  }
0x94: {  	[sflag:s15] =	ssyncset.done $0x0  }
0x95: {  	s16 =	sld [smem:$0x12];
	[sflag:s15] =	ssyncadd.s32 $0xFFFFFFFF  }
0x96: {  	s17 =	sld [smem:$0x13];
	(tm) =	ssettm $0x1  }
0x97: {  	s18 =	sld [smem:$0x3FFB];
	_ =	sdelay $0x3  }
0x98: {  	_ =	strace s18  }
0x99: {  	s4 =	sld [smem:$0x3FFC];
	_ =	sdelay $0x3  }
0x9a: {  	_ =	strace s4  }
0x9b: {  	s4 =	sld [smem:$0x3FFD];
	_ =	sdelay $0x3  }
0x9c: {  	_ =	strace s4  }
0x9d: {  	_ =	strace $0x8FFFFFFF  }
0x9e: {  	s19 =	sld [smem:$0x3FDB];
	_ =	sdelay $0x1  }
0x9f: {  	s5 =	simm.s32 $_scs_section_size  }
0xa0: {  	s6 =	simm.s32 $_size__tile_overlayer_lowered;
	s7 =	simm.s32 $_tile_overlayer_lowered  }
0xa1: {  	s22 =	simm.s32 $0x1BFF;
	s21 =	sshll.u32 s7, $0x1;
	s4 =	sadd.s32 s5, s19  }
0xa2: {  	s8 =	simm.s32 $0x0;
	s20 =	sshll.u32 s6, $0x1;
	s6 =	sadd.s32 s21, s4  }
0xa3: {  	[timem:s8], [sflag:s22] =	dma.local [hbm:s6], s20  }
0xa4: {  	_ =	swait.ge [sflag:s22], s20  }
0xa5: {  	s5 =	ssub.s32 $0x0, s20;
	[sflag:s22] =	ssyncset.done $0x0  }
0xa6: {  	[sflag:s22] =	ssyncadd.s32 s5;
	_ =	sdelay $0x1  }
0xa7: {  	s23 =	simm.s32 $0x1B8B  }
0xa8: {  	_ =	swait.ge [sflag:s23], $0x1  }
0xa9: {  	[sflag:s23] =	ssyncset.done $0x0  }
0xaa: {  	s25 =	simm.s32 $0x1B8E;
	s24 =	sld [smem:$0x3FFE];
	[sflag:s23] =	ssyncadd.s32 $0xFFFFFFFF  }
0xab: {  	s26 =	simm.s32 $execute0_lowered;
	[smem:$0x3FD2] =	sst s25  }
0xac: {  	s6 =	sshll.u32 s26, $0x1;
	_ =	strace $0x80000052;
	[dreg:$0x1] =	wrdreg $0xFFFFFFFF  }
0xad: {  	s28 =	simm.s32 $_size_execute0_lowered;
	s4 =	sadd.s32 s4, s6;
	[dreg:$0x0] =	wrdreg $0x0  }
0xae: {  	s6 =	sshll.u32 s28, $0x1;
	[dreg:$0x2] =	wrdreg s4  }
0xaf: {  	[dreg:$0x3] =	wrdreg s6  }
0xb0: {  	[dreg:$0x4] =	wrdreg $0xC0  }
0xb1: {  	_ =	task [dreg:s8], $0x5FFFF  }
0xb2: {  	[dreg:$0x1] =	wrdreg $0xFFFFFFFF  }
0xb3: {  	[dreg:$0x0] =	wrdreg $0x60  }
0xb4: {  	[dreg:$0x2] =	wrdreg s17  }
0xb5: {  	[dreg:$0x3] =	wrdreg s24  }
0xb6: {  	[dreg:$0x4] =	wrdreg s16  }
0xb7: {  	[dreg:$0x5] =	wrdreg $0x14C080  }
0xb8: {  	[dreg:$0x6] =	wrdreg $0x9  }
0xb9: {  	_ =	task.clear_ibuf [dreg:s8], $0x7FFFF;
	_ =	strace $0x90000052  }
0xba: {  	s29 =	simm.s32 $0x9;
	_ =	strace $0x80000054  }
0xbb: {  	_ =	swait.ge [sflag:s29], $0x1  }
0xbc: {  	[sflag:s29] =	ssyncadd.s32 $0xFFFFFFFF  }
0xbd: {  	_ =	strace $0x90000054  }
0xbe: {  	_ =	sfence  }
0xbf: {  	s30 =	sld [smem:$0x0];
	_ =	sdelay $0x2  }
0xc0: {  	s31 =	sshll.u32 s1, $0xD;
	s1 =	sshrl.u32 s1, $0x2  }
0xc1: {  	s3 =	sand.u32 $0x4000, s31;
	s1 =	sadd.s32 s1, s30  }
0xc2: {  	s0 =	sor.u32 s3, s0;
	s1 =	sshll.u32 s1, $0x11  }
0xc3: {  	s0 =	sor.u32 s1, s0  }
0xc4: {  	s0 =	sadd.s32 $0x8F2B, s0  }
0xc5: {  	[sflag:s0] =	ssyncadd.remote.s32 $0x1  }
0xc6: {  	_ =	sfence.sel $0xFFFF  }
0xc7: {  	[dreg:$0x0] =	wrdreg $0xFFFFFFFF;
	(pc) =	sbr.abs _section_cstart, $3  }
0xc8: {  	[dreg:$0x1] =	wrdreg $0xFFFFFFFF  }
0xc9: {  	_ =	task.clear_ibuf [dreg:s8], $0x2FFFF;
	_ =	strace $0x9FFFFFFF  }
0xca: {  	(tm) =	ssettm $0x7FFFFFFF  }
0xcb: {  	_ =	shalt  }
tec
execute0_lowered:
.L_overlay_start_1:
0x0: {  	(tag) =	ssettag $0x1  }
0x1: {  	s7 =	rddreg [dreg:$0x0]  }
0x2: {  	s4 =	rddreg [dreg:$0x1]  }
0x3: {  	s5 =	rddreg [dreg:$0x2]  }
0x4: {  	s2 =	rddreg [dreg:$0x3];
	s3 =	srdreg.scid  }
0x5: {  	s1 =	stileid.u32;
	s0 =	rddreg [dreg:$0x4];
	s14 =	simm.s32 $0x0  }
0x6: {  	s6 =	sand.u32 $0x1, s3;
	s8 =	smul.u32 $0x2710, s1;
	s3 =	simm.s32 $0x0  }
0x7: {  	s31 =	sshll.u32 s1, $0x6;
	s9 =	sshll.u32 s6, $0x4;
	s10 =	smul.u32 $0x27100, s6  }
0x8: {  	[smem:$0x7FF] =	sst s3;
	s6 =	ssub.s32 $0x2, s6;
	s9 =	sor.u32 s1, s9  }
0x9: {  	_ =	strace $0x80000053;
	s12 =	sshrl.u32 s6, $0x1;
	s30 =	sshrl.u32 s8, $0x3  }
0xa: {  	s13 =	sadd.s32 s8, s2;
	s11 =	smul.u32 $0x271, s9;
	s10 =	sadd.s32 s8, s10  }
0xb: {  	s12 =	ssub.s32 s6, s12;
	s9 =	smul.u32 $0x2710, s9;
	s10 =	sshrl.u32 s10, $0x3  }
0xc: {  	s11 =	sadd.s32 s11, s4;
	s10 =	sadd.s32 s10, s4;
	s4 =	sadd.s32 s5, s30  }
0xd: {  	s5 =	sor.u32 $0x1C02, s31;
	s7 =	sadd.s32 s7, s9;
	s9 =	smax.u32 s12, $0x1  }
0xe: {  	s12 =	simm.s32 $0x28;
	s6 =	sadd.s32 $0x47400, s11;
	s8 =	sadd.s32 $0x15A600, s10  }
0xf: {  	s10 =	sshrl.u32 s13, $0x3;
	s11 =	simm.s32 $0x2;
	s13 =	simm.s32 $0x1  }
.LBB2_1:
0x10: {  	[spmem:s10], [sflag:s5] =	dma.local [hbm:s4], $0x4E2  }
0x11: {  	_ =	swait.ge [sflag:s11], $0x4E2  }
0x12: {  	[sflag:s11] =	ssyncset.done $0x0  }
0x13: {  	[sflag:s11] =	ssyncadd.s32 $0xFFFFFB1E  }
0x14: {  	[bflag:$0x0] =	sbarrier.arrive $0xFFFF  }
0x15: {  	[tilespmem:s3], [sflag:$0x2] =	stream.linear.gather [hbm4b:s6+s3], $0x1388, $0x38;
	[tilespmem:$0x17318] =	vst v63  }
0x16: {  	_ =	swait.ge [sflag:s11], $0x1388  }
0x17: {  	[sflag:s11] =	ssyncset.done $0x0  }
0x18: {  	s15 =	simm.s32 $0x1388;
	[sflag:s11] =	ssyncadd.s32 $0xFFFFEC78  }
0x19: {  	[tilespmem:s15], [sflag:$0x2] =	stream.linear.gather [hbm4b:s7+s3], $0x13880, $0x38;
	[tilespmem:$0x17318] =	vst v63  }
0x1a: {  	_ =	swait.ge [sflag:s11], $0x13880  }
0x1b: {  	s16 =	simm.s32 $0xA0;
	[sflag:s11] =	ssyncset.done $0x0  }
0x1c: {  	s18 =	simm.s32 $0x0;
	s17 =	simm.s32 $0x1608;
	[sflag:s11] =	ssyncadd.s32 $0xFFFEC780  }
.LBB2_2:
0x1d: {  	[spmem:s2] =	stream.indirect.scatter.add.f32 [tilespmem:s15], [sflag:$0x1], $0x10, s18, s12, $0xb8;
	[tilespmem:$0x17318] =	vst v63  }
0x1e: {  	s18 =	smov.u32 s16;
	s15 =	smov.u32 s17;
	p0 =	sne.s32 s16, $0x4D80  }
.Ltmp0:
0x1f: {  	s16 =	sadd.s32 $0xA0, s16;
	(pc) =	sbr.rel @p0 .LBB2_2-.Ltmp0, $2  }
0x20: {  	_ =	sdelay $0x2  }
0x21: {  	s17 =	sadd.s32 $0x280, s17;
	s18 =	sshra.s32 s18, $0x2  }
0x22: {  	[spmem:s2] =	stream.indirect.scatter.add.f32 [tilespmem:s15], [sflag:$0x1], $0x10, s18, s12, $0xb8;
	[tilespmem:$0x17318] =	vst v63  }
0x23: {  	_ =	swait.ge [sflag:s13], $0x13880  }
0x24: {  	s14 =	sadd.s32 $0x1, s14;
	[sflag:s13] =	ssyncset.done $0x0  }
0x25: {  	p0 =	sne.s32 s14, s9;
	[sflag:s13] =	ssyncadd.s32 $0xFFFEC780  }
.Ltmp1:
0x26: {  	[bflag:$0x0] =	sbarrier.arrive $0xFFFF;
	(pc) =	sbr.rel @p0 .LBB2_1-.Ltmp1, $4  }
0x27: {  	[hbm:s8], [sflag:s5] =	dma.local [spmem:s10], $0x4E2  }
0x28: {  	_ =	swait.ge [sflag:s11], $0x4E2  }
0x29: {  	[sflag:s11] =	ssyncset.done $0x0  }
0x2a: {  	[sflag:s11] =	ssyncadd.s32 $0xFFFFFB1E  }
0x2b: {  	_ =	sfence.sel $0x180000  }
0x2c: {  	[bflag:$0x0] =	sbarrier.arrive $0xFFFF  }
0x2d: {  	p0 =	sne.s32 s1, $0x0;
	_ =	strace $0x90000053  }
0x2e: {  	s0 =	sadd.s32 @!p0 $0x100000, s0;
	[bflag:$0x2] =	sbarrier.arrive $0xFFFF  }
0x2f: {  	[sflag:s0] =	ssyncadd.tile.s32 @!p0 $0x1;
	_ =	shalt  }
.Lfunc_end2:
_tile_overlayer_lowered:
.L_overlay_start_2:
0x30: {  	(tag) =	ssettag $0x2  }
0x31: {  	s0 =	rddreg [dreg:$0x0];
	s2 =	stileid.u32  }
0x32: {  	s1 =	rddreg [dreg:$0x1];
	p0 =	sne.s32 s2, $0x0  }
0x33: {  	s3 =	rddreg [dreg:$0x2];
	[bflag:$0x3] =	sbarrier.arrive $0xFFFF;
	s2 =	simm.s32 @!p0 $0x1C02  }
0x34: {  	[timem:s3], [sflag:s2] =	dma.local @!p0 [hbm:s0], s1  }
0x35: {  	s0 =	simm.s32 @!p0 $0x2  }
0x36: {  	_ =	swait.ge @!p0 [sflag:s0], s1  }
0x37: {  	s1 =	ssub.s32 @!p0 $0x0, s1;
	[sflag:s0] =	ssyncset.done @!p0 $0x0  }
0x38: {  	[sflag:s0] =	ssyncadd.s32 @!p0 s1  }
0x39: {  	[bflag:$0x3] =	sbarrier.arrive $0xFFFF  }
0x3a: {  	_ =	shalt  }

// kernel: kernel.52.cloned.1.call-start
scs
__scs_entry_jumppad:
0x0: {  	(pc) =	sbr.rel $0x88, $3  }
0x1: {  	(tag) =	ssettag $0x0;
	lr =	simm.s32 $0x1  }
0x2: {  	[smem:$0x3F46] =	sst lr;
	_ =	strace $0xD0000000  }
0x3: {  	_ = 	snop  }
0x4: {  	_ = 	snop  }
0x5: {  	_ = 	snop  }
0x6: {  	_ = 	snop  }
0x7: {  	_ = 	snop  }
__scs_overlays_trampoline_lowered:
0x8: {  	[smem:$0x3F55] =	sst s0  }
0x9: {  	[smem:$0x3F56] =	sst s1  }
0xa: {  	[smem:$0x3F57] =	sst s2  }
0xb: {  	[smem:$0x3F58] =	sst s3  }
0xc: {  	[smem:$0x3F59] =	sst s4  }
0xd: {  	[smem:$0x3F5A] =	sst s5  }
0xe: {  	[smem:$0x3F5B] =	sst s6  }
0xf: {  	[smem:$0x3F5C] =	sst s7  }
0x10: {  	[smem:$0x3F5D] =	sst s8  }
0x11: {  	[smem:$0x3F5E] =	sst s9;
	s0 =	simm.s32 @!p0 $0x0  }
0x12: {  	s1 =	sld [smem:$0x3F44];
	s0 =	simm.s32 @p0 $0x1  }
0x13: {  	[smem:$0x3F5F] =	sst s0;
	s0 =	simm.s32 @!p1 $0x0  }
0x14: {  	s2 =	sld [smem:$0x3F43];
	s0 =	simm.s32 @p1 $0x1  }
0x15: {  	[smem:$0x3F60] =	sst s0;
	s0 =	simm.s32 @!p2 $0x0  }
0x16: {  	s3 =	sld [smem:$0x3FDB];
	s0 =	simm.s32 @p2 $0x1  }
0x17: {  	s4 =	simm.s32 $0x1BF5;
	[smem:$0x3F62] =	sst s0  }
0x18: {  	s0 =	sld [smem:$0x3F45];
	_ =	swait.ge [sflag:s4], $0x0  }
0x19: {  	s7 =	sld [smem:$0x3F46]  }
0x1a: {  	s8 =	sadd.s32 $0xFFFFE003, lr  }
0x1b: {  	s9 =	sadd.s32 $0xFFFFFEF7, lr;
	s5 =	simm.s32 $0xFFFFFFFF;
	p2 =	slt.u32 s8, $0xFFFFF086  }
0x1c: {  	p1 =	slt.u32 s9, $0xF7A;
	s5 =	simm.s32 @!p2 $0x0  }
0x1d: {  	s5 =	simm.s32 @p1 $0x1;
	p0 =	seq.s32 s7, s2  }
0x1e: {  	s7 =	smul.u32 @!p0 $0xF7A, s2;
	p2 =	seq.s32 @!p0 s5, $0x0  }
0x1f: {  	s9 =	smul.u32 $0xF7A, s1;
	s8 =	simm.s32 @!p0 $0x1BF5;
	p2 =	por !p2, p0  }
0x20: {  	[sflag:s8] =	ssyncset.s32 @!p0 $0xFFFFF086;
	s6 =	sadd.s32 @!p0 s3, s7;
	s7 =	simm.s32 @!p0 $0x108  }
0x21: {  	s3 =	sadd.s32 s3, s9;
	s6 =	sadd.s32 @!p0 $0x88, s6;
	s7 =	simm.s32 @p2 $0x1082  }
0x22: {  	[simem:s7], [sflag:s8] =	dma.local @!p0 [hbm:s6], $0xF7A  }
0x23: {  	s9 =	sor.u32 $0xD0000000, s2;
	s6 =	simm.s32 $0x108;
	_ =	swait.ge @!p0 [sflag:s8], $0x0  }
0x24: {  	s3 =	sadd.s32 $0x88, s3;
	s6 =	simm.s32 @!p1 $0x1082;
	[sflag:s4] =	ssyncset.s32 $0xFFFFF086  }
0x25: {  	[simem:s6], [sflag:s4] =	dma.local [hbm:s3], $0xF7A  }
0x26: {  	[smem:$0x3F46] =	sst s1;
	(tag) =	ssettag s2;
	_ =	strace s9  }
0x27: {  	s1 =	sld [smem:$0x3F56]  }
0x28: {  	s2 =	sld [smem:$0x3F57]  }
0x29: {  	s4 =	sld [smem:$0x3F59]  }
0x2a: {  	p0 =	seq.s32 s5, $0x0;
	s5 =	sld [smem:$0x3F5A]  }
0x2b: {  	s6 =	sld [smem:$0x3F5B]  }
0x2c: {  	s7 =	sld [smem:$0x3F5C]  }
0x2d: {  	s3 =	simm.s32 $0x108;
	s8 =	sld [smem:$0x3F5D]  }
0x2e: {  	s3 =	simm.s32 @!p0 $0x1082;
	s9 =	sld [smem:$0x3F5E]  }
0x2f: {  	lr =	sadd.s32 s0, s3;
	s0 =	sld [smem:$0x3F55]  }
0x30: {  	s3 =	sld [smem:$0x3F58]  }
0x31: {  	[smem:$0x3F61] =	sst s10  }
0x32: {  	s10 =	sld [smem:$0x3F5F];
	_ =	sdelay $0x3  }
0x33: {  	p0 =	seq.s32 s10, $0x1;
	s10 =	sld [smem:$0x3F61];
	_ =	sdelay $0x3  }
0x34: {  	[smem:$0x3F61] =	sst s10  }
0x35: {  	s10 =	sld [smem:$0x3F60];
	_ =	sdelay $0x3  }
0x36: {  	p1 =	seq.s32 s10, $0x1;
	s10 =	sld [smem:$0x3F61];
	_ =	sdelay $0x3  }
0x37: {  	[smem:$0x3F61] =	sst s10  }
0x38: {  	s10 =	sld [smem:$0x3F62]  }
0x39: {  	_ = 	snop;
	(pc) =	sbr.ind lr, $3  }
0x3a: {  	_ = 	snop  }
0x3b: {  	_ = 	snop  }
0x3c: {  	p2 =	seq.s32 s10, $0x1;
	s10 =	sld [smem:$0x3F61]  }
0x3d: {  	_ =	shalt  }
0x3e: {  	_ =	shalt  }
0x3f: {  	_ =	shalt  }
0x40: {  	_ =	shalt  }
0x41: {  	_ =	shalt  }
0x42: {  	_ =	shalt  }
0x43: {  	_ =	shalt  }
0x44: {  	_ =	shalt  }
0x45: {  	_ =	shalt  }
0x46: {  	_ =	shalt  }
0x47: {  	_ =	shalt  }
0x48: {  	_ =	shalt  }
0x49: {  	_ =	shalt  }
0x4a: {  	_ =	shalt  }
0x4b: {  	_ =	shalt  }
0x4c: {  	_ =	shalt  }
0x4d: {  	_ =	shalt  }
0x4e: {  	_ =	shalt  }
0x4f: {  	_ =	shalt  }
0x50: {  	_ =	shalt  }
0x51: {  	_ =	shalt  }
0x52: {  	_ =	shalt  }
0x53: {  	_ =	shalt  }
0x54: {  	_ =	shalt  }
0x55: {  	_ =	shalt  }
0x56: {  	_ =	shalt  }
0x57: {  	_ =	shalt  }
0x58: {  	_ =	shalt  }
0x59: {  	_ =	shalt  }
0x5a: {  	_ =	shalt  }
0x5b: {  	_ =	shalt  }
0x5c: {  	_ =	shalt  }
0x5d: {  	_ =	shalt  }
0x5e: {  	_ =	shalt  }
0x5f: {  	_ =	shalt  }
0x60: {  	_ =	shalt  }
0x61: {  	_ =	shalt  }
0x62: {  	_ =	shalt  }
0x63: {  	_ =	shalt  }
0x64: {  	_ =	shalt  }
0x65: {  	_ =	shalt  }
0x66: {  	_ =	shalt  }
0x67: {  	_ =	shalt  }
0x68: {  	_ =	shalt  }
0x69: {  	_ =	shalt  }
0x6a: {  	_ =	shalt  }
0x6b: {  	_ =	shalt  }
0x6c: {  	_ =	shalt  }
0x6d: {  	_ =	shalt  }
0x6e: {  	_ =	shalt  }
0x6f: {  	_ =	shalt  }
0x70: {  	_ =	shalt  }
0x71: {  	_ =	shalt  }
0x72: {  	_ =	shalt  }
0x73: {  	_ =	shalt  }
0x74: {  	_ =	shalt  }
0x75: {  	_ =	shalt  }
0x76: {  	_ =	shalt  }
0x77: {  	_ =	shalt  }
0x78: {  	_ =	shalt  }
0x79: {  	_ =	shalt  }
0x7a: {  	_ =	shalt  }
0x7b: {  	_ =	shalt  }
0x7c: {  	_ =	shalt  }
0x7d: {  	_ =	shalt  }
0x7e: {  	_ =	shalt  }
0x7f: {  	_ =	shalt  }
0x80: {  	_ =	shalt  }
0x81: {  	_ =	shalt  }
0x82: {  	_ =	shalt  }
0x83: {  	_ =	shalt  }
0x84: {  	_ =	shalt  }
0x85: {  	_ =	shalt  }
0x86: {  	_ =	shalt  }
0x87: {  	_ =	shalt  }
.Lfunc_end0:
.L_simem_size_0:
called_computation.5_lowered:
.L_overlay_start_0:
0x88: {  	s2 =	sld [smem:$0x3FD9]  }
0x89: {  	s3 =	sld [smem:$0x3FFE];
	_ =	sdelay $0x1  }
0x8a: {  	s1 =	srdreg.scid  }
0x8b: {  	s0 =	sand.u32 $0x1, s1  }
0x8c: {  	s14 =	sshll.u32 s0, $0xA;
	s2 =	sadd.s32 s3, s2  }
0x8d: {  	s2 =	sadd.s32 s2, s14  }
0x8e: {  	[smem:$0x3F6D] =	sst s2  }
0x8f: {  	_ = 	snop  }
0x90: {  	s2 =	sld [smem:$0x3FD0];
	_ =	sdelay $0x2  }
0x91: {  	s15 =	simm.s32 $0xB;
	s4 =	simm.s32 $0x10  }
0x92: {  	[smem:s4], [sflag:s15] =	dma.local [hbm:s2], $0x1  }
0x93: {  	_ =	swait.eq [sflag:s15], $0x1  }
0x94: {  	[sflag:s15] =	ssyncset.done $0x0  }
0x95: {  	[sflag:s15] =	ssyncadd.s32 $0xFFFFFFFF  }
0x96: {  	s16 =	sld [smem:$0x13];
	(tm) =	ssettm $0x1  }
0x97: {  	s17 =	sld [smem:$0x3FFB];
	_ =	sdelay $0x3  }
0x98: {  	_ =	strace s17  }
0x99: {  	s3 =	sld [smem:$0x3FFC];
	_ =	sdelay $0x3  }
0x9a: {  	_ =	strace s3  }
0x9b: {  	s3 =	sld [smem:$0x3FFD];
	_ =	sdelay $0x3  }
0x9c: {  	_ =	strace s3  }
0x9d: {  	_ =	strace $0x8FFFFFFF  }
0x9e: {  	s18 =	sld [smem:$0x3FDB];
	_ =	sdelay $0x1  }
0x9f: {  	s19 =	simm.s32 $_scs_section_size  }
0xa0: {  	s5 =	simm.s32 $_size__tile_overlayer_lowered;
	s6 =	simm.s32 $_tile_overlayer_lowered  }
0xa1: {  	s22 =	simm.s32 $0x1BFF;
	s21 =	sshll.u32 s6, $0x1;
	s3 =	sadd.s32 s19, s18  }
0xa2: {  	s7 =	simm.s32 $0x0;
	s20 =	sshll.u32 s5, $0x1;
	s5 =	sadd.s32 s21, s3  }
0xa3: {  	[timem:s7], [sflag:s22] =	dma.local [hbm:s5], s20  }
0xa4: {  	_ =	swait.ge [sflag:s22], s20  }
0xa5: {  	s4 =	ssub.s32 $0x0, s20;
	[sflag:s22] =	ssyncset.done $0x0  }
0xa6: {  	[sflag:s22] =	ssyncadd.s32 s4;
	_ =	sdelay $0x1  }
0xa7: {  	s23 =	simm.s32 $0x1B8B  }
0xa8: {  	_ =	swait.ge [sflag:s23], $0x1  }
0xa9: {  	[sflag:s23] =	ssyncset.done $0x0  }
0xaa: {  	s25 =	simm.s32 $0x1B8E;
	s24 =	sld [smem:$0x3FFE];
	[sflag:s23] =	ssyncadd.s32 $0xFFFFFFFF  }
0xab: {  	s26 =	simm.s32 $execute0_lowered;
	[smem:$0x3FD2] =	sst s25  }
0xac: {  	s5 =	sshll.u32 s26, $0x1;
	_ =	strace $0x80000055;
	[dreg:$0x1] =	wrdreg $0xFFFFFFFF  }
0xad: {  	s28 =	simm.s32 $_size_execute0_lowered;
	s3 =	sadd.s32 s3, s5;
	[dreg:$0x0] =	wrdreg $0x0  }
0xae: {  	s5 =	sshll.u32 s28, $0x1;
	[dreg:$0x2] =	wrdreg s3  }
0xaf: {  	[dreg:$0x3] =	wrdreg s5  }
0xb0: {  	[dreg:$0x4] =	wrdreg $0xC0  }
0xb1: {  	_ =	task [dreg:s7], $0x5FFFF  }
0xb2: {  	[dreg:$0x1] =	wrdreg $0xFFFFFFFF  }
0xb3: {  	[dreg:$0x0] =	wrdreg $0x60  }
0xb4: {  	[dreg:$0x2] =	wrdreg s24  }
0xb5: {  	[dreg:$0x3] =	wrdreg s16  }
0xb6: {  	[dreg:$0x4] =	wrdreg $0x9  }
0xb7: {  	_ =	task.clear_ibuf [dreg:s7], $0x5FFFF;
	_ =	strace $0x90000055  }
0xb8: {  	s29 =	simm.s32 $0x9;
	_ =	strace $0x80000057  }
0xb9: {  	_ =	swait.ge [sflag:s29], $0x1  }
0xba: {  	[sflag:s29] =	ssyncadd.s32 $0xFFFFFFFF  }
0xbb: {  	_ =	strace $0x90000057  }
0xbc: {  	_ =	sfence  }
0xbd: {  	s30 =	sld [smem:$0x0];
	_ =	sdelay $0x2  }
0xbe: {  	s31 =	sshll.u32 s1, $0xD;
	s1 =	sshrl.u32 s1, $0x2  }
0xbf: {  	s3 =	sand.u32 $0x4000, s31;
	s1 =	sadd.s32 s1, s30  }
0xc0: {  	s0 =	sor.u32 s3, s0;
	s1 =	sshll.u32 s1, $0x11  }
0xc1: {  	s0 =	sor.u32 s1, s0  }
0xc2: {  	s0 =	sadd.s32 $0x8F2B, s0  }
0xc3: {  	[sflag:s0] =	ssyncadd.remote.s32 $0x1  }
0xc4: {  	_ =	sfence.sel $0xFFFF  }
0xc5: {  	[dreg:$0x0] =	wrdreg $0xFFFFFFFF;
	(pc) =	sbr.abs _section_cstart, $3  }
0xc6: {  	[dreg:$0x1] =	wrdreg $0xFFFFFFFF  }
0xc7: {  	_ =	task.clear_ibuf [dreg:s7], $0x2FFFF;
	_ =	strace $0x9FFFFFFF  }
0xc8: {  	(tm) =	ssettm $0x7FFFFFFF  }
0xc9: {  	_ =	shalt  }
tec
execute0_lowered:
.L_overlay_start_1:
0x0: {  	(tag) =	ssettag $0x1  }
0x1: {  	s0 =	srdreg.scid;
	s4 =	rddreg [dreg:$0x0]  }
0x2: {  	s5 =	rddreg [dreg:$0x1];
	s1 =	stileid.u32;
	s2 =	simm.s32 $0x0  }
0x3: {  	s11 =	simm.s32 $0x1;
	s12 =	simm.s32 $0x1388;
	s3 =	sand.u32 $0x1, s0  }
0x4: {  	s13 =	simm.s32 $0x0;
	s0 =	rddreg [dreg:$0x2];
	s6 =	sshll.u32 s3, $0x4  }
0x5: {  	[smem:$0x7FF] =	sst s2;
	s8 =	ssub.s32 $0x2, s3;
	s6 =	sor.u32 s1, s6  }
0x6: {  	_ =	strace $0x80000056;
	s9 =	sshrl.u32 s8, $0x1;
	s7 =	smul.u32 $0x271, s6  }
0x7: {  	s3 =	sadd.s32 $0x15A600, s4;
	s6 =	smul.u32 $0x2710, s6;
	s8 =	ssub.s32 s8, s9  }
0x8: {  	s9 =	simm.s32 $0x2;
	s8 =	smax.u32 s8, $0x1;
	s7 =	sadd.s32 s7, s4  }
0x9: {  	s10 =	sadd.s32 s6, s4;
	s5 =	sadd.s32 s5, s6;
	s4 =	sadd.s32 $0x4C400, s7  }
0xa: {  	s6 =	sadd.s32 $0x47400, s7;
	s7 =	sadd.s32 $0x51400, s10;
	s10 =	simm.s32 $0x28  }
.LBB2_1:
0xb: {  	[tilespmem:s2], [sflag:$0x2] =	stream.linear.gather [hbm4b:s4+s2], $0x1388, $0x38;
	[tilespmem:$0x14C08] =	vst v63  }
0xc: {  	_ =	swait.ge [sflag:s9], $0x1388  }
0xd: {  	s14 =	simm.s32 $0xA0;
	s17 =	simm.s32 $0x0;
	[sflag:s9] =	ssyncset.done $0x0  }
0xe: {  	s15 =	simm.s32 $0x1608;
	s16 =	simm.s32 $0x1388;
	[sflag:s9] =	ssyncadd.s32 $0xFFFFEC78  }
.LBB2_2:
0xf: {  	[tilespmem:s16], [sflag:$0x1] =	stream.indirect.gather [hbm4b:s3+s10], $0x10, s17, s10, $0xb8;
	[tilespmem:$0x14C08] =	vst v63  }
0x10: {  	s17 =	smov.u32 s14;
	s16 =	smov.u32 s15;
	p0 =	sne.s32 s14, $0x4D80  }
.Ltmp0:
0x11: {  	s14 =	sadd.s32 $0xA0, s14;
	(pc) =	sbr.rel @p0 .LBB2_2-.Ltmp0, $2  }
0x12: {  	_ =	sdelay $0x2  }
0x13: {  	s15 =	sadd.s32 $0x280, s15;
	s17 =	sshra.s32 s17, $0x2  }
0x14: {  	[tilespmem:s16], [sflag:$0x1] =	stream.indirect.gather [hbm4b:s3+s10], $0x10, s17, s10, $0xb8;
	[tilespmem:$0x14C08] =	vst v63  }
0x15: {  	_ =	swait.ge [sflag:s11], $0x13880  }
0x16: {  	[sflag:s11] =	ssyncset.done $0x0  }
0x17: {  	s15 =	simm.s32 $0x0;
	s14 =	simm.s32 $0x1388;
	[sflag:s11] =	ssyncadd.s32 $0xFFFEC780  }
0x18: {  	[hbm4b:s5+s15] =	stream.linear.scatter [tilespmem:s14], [sflag:$0x2], $0x13880, $0x38;
	[tilespmem:$0x14C08] =	vst v63  }
0x19: {  	_ =	swait.ge [sflag:s9], $0x13880  }
0x1a: {  	[sflag:s9] =	ssyncset.done $0x0  }
0x1b: {  	[sflag:s9] =	ssyncadd.s32 $0xFFFEC780  }
0x1c: {  	[tilespmem:s15], [sflag:$0x2] =	stream.linear.gather [hbm4b:s6+s15], $0x1388, $0x38;
	[tilespmem:$0x14C08] =	vst v63  }
0x1d: {  	_ =	swait.ge [sflag:s9], $0x1388  }
0x1e: {  	s17 =	simm.s32 $0x0;
	[sflag:s9] =	ssyncset.done $0x0  }
0x1f: {  	s16 =	simm.s32 $0x1608;
	s15 =	simm.s32 $0xA0;
	[sflag:s9] =	ssyncadd.s32 $0xFFFFEC78  }
.LBB2_4:
0x20: {  	[tilespmem:s14], [sflag:$0x1] =	stream.indirect.gather [hbm4b:s3+s10], $0x10, s17, s10, $0xb8;
	[tilespmem:$0x14C08] =	vst v63  }
0x21: {  	s17 =	smov.u32 s15;
	s14 =	smov.u32 s16;
	p0 =	sne.s32 s15, $0x4D80  }
.Ltmp1:
0x22: {  	s15 =	sadd.s32 $0xA0, s15;
	(pc) =	sbr.rel @p0 .LBB2_4-.Ltmp1, $2  }
0x23: {  	_ =	sdelay $0x2  }
0x24: {  	s16 =	sadd.s32 $0x280, s16;
	s17 =	sshra.s32 s17, $0x2  }
0x25: {  	[tilespmem:s14], [sflag:$0x1] =	stream.indirect.gather [hbm4b:s3+s10], $0x10, s17, s10, $0xb8;
	[tilespmem:$0x14C08] =	vst v63  }
0x26: {  	s13 =	sadd.s32 $0x1, s13;
	_ =	swait.ge [sflag:s11], $0x13880  }
0x27: {  	p0 =	sne.s32 s13, s8;
	[sflag:s11] =	ssyncset.done $0x0  }
.Ltmp2:
0x28: {  	[sflag:s11] =	ssyncadd.s32 $0xFFFEC780;
	(pc) =	sbr.rel @p0 .LBB2_1-.Ltmp2, $4  }
0x29: {  	[hbm4b:s7+s2] =	stream.linear.scatter [tilespmem:s12], [sflag:$0x2], $0x13880, $0x38;
	[tilespmem:$0x14C08] =	vst v63  }
0x2a: {  	_ =	swait.ge [sflag:s9], $0x13880  }
0x2b: {  	[sflag:s9] =	ssyncset.done $0x0  }
0x2c: {  	[sflag:s9] =	ssyncadd.s32 $0xFFFEC780  }
0x2d: {  	_ =	sfence.sel $0x180000  }
0x2e: {  	[bflag:$0x0] =	sbarrier.arrive $0xFFFF  }
0x2f: {  	p0 =	sne.s32 s1, $0x0;
	_ =	strace $0x90000056  }
0x30: {  	s0 =	sadd.s32 @!p0 $0x100000, s0;
	[bflag:$0x2] =	sbarrier.arrive $0xFFFF  }
0x31: {  	[sflag:s0] =	ssyncadd.tile.s32 @!p0 $0x1;
	_ =	shalt  }
.Lfunc_end2:
_tile_overlayer_lowered:
.L_overlay_start_2:
0x32: {  	(tag) =	ssettag $0x2  }
0x33: {  	s0 =	rddreg [dreg:$0x0];
	s2 =	stileid.u32  }
0x34: {  	s1 =	rddreg [dreg:$0x1];
	p0 =	sne.s32 s2, $0x0  }
0x35: {  	s3 =	rddreg [dreg:$0x2];
	[bflag:$0x3] =	sbarrier.arrive $0xFFFF;
	s2 =	simm.s32 @!p0 $0x1C02  }
0x36: {  	[timem:s3], [sflag:s2] =	dma.local @!p0 [hbm:s0], s1  }
0x37: {  	s0 =	simm.s32 @!p0 $0x2  }
0x38: {  	_ =	swait.ge @!p0 [sflag:s0], s1  }
0x39: {  	s1 =	ssub.s32 @!p0 $0x0, s1;
	[sflag:s0] =	ssyncset.done @!p0 $0x0  }
0x3a: {  	[sflag:s0] =	ssyncadd.s32 @!p0 s1  }
0x3b: {  	[bflag:$0x3] =	sbarrier.arrive $0xFFFF  }
0x3c: {  	_ =	shalt  }

// kernel: kernel.55.cloned.1.call-start
scs
__scs_entry_jumppad:
0x0: {  	(pc) =	sbr.rel $0x88, $3  }
0x1: {  	(tag) =	ssettag $0x0;
	lr =	simm.s32 $0x1  }
0x2: {  	[smem:$0x3F46] =	sst lr;
	_ =	strace $0xD0000000  }
0x3: {  	_ = 	snop  }
0x4: {  	_ = 	snop  }
0x5: {  	_ = 	snop  }
0x6: {  	_ = 	snop  }
0x7: {  	_ = 	snop  }
__scs_overlays_trampoline_lowered:
0x8: {  	[smem:$0x3F55] =	sst s0  }
0x9: {  	[smem:$0x3F56] =	sst s1  }
0xa: {  	[smem:$0x3F57] =	sst s2  }
0xb: {  	[smem:$0x3F58] =	sst s3  }
0xc: {  	[smem:$0x3F59] =	sst s4  }
0xd: {  	[smem:$0x3F5A] =	sst s5  }
0xe: {  	[smem:$0x3F5B] =	sst s6  }
0xf: {  	[smem:$0x3F5C] =	sst s7  }
0x10: {  	[smem:$0x3F5D] =	sst s8  }
0x11: {  	[smem:$0x3F5E] =	sst s9;
	s0 =	simm.s32 @!p0 $0x0  }
0x12: {  	s1 =	sld [smem:$0x3F44];
	s0 =	simm.s32 @p0 $0x1  }
0x13: {  	[smem:$0x3F5F] =	sst s0;
	s0 =	simm.s32 @!p1 $0x0  }
0x14: {  	s2 =	sld [smem:$0x3F43];
	s0 =	simm.s32 @p1 $0x1  }
0x15: {  	[smem:$0x3F60] =	sst s0;
	s0 =	simm.s32 @!p2 $0x0  }
0x16: {  	s3 =	sld [smem:$0x3FDB];
	s0 =	simm.s32 @p2 $0x1  }
0x17: {  	s4 =	simm.s32 $0x1BF5;
	[smem:$0x3F62] =	sst s0  }
0x18: {  	s0 =	sld [smem:$0x3F45];
	_ =	swait.ge [sflag:s4], $0x0  }
0x19: {  	s7 =	sld [smem:$0x3F46]  }
0x1a: {  	s8 =	sadd.s32 $0xFFFFE003, lr  }
0x1b: {  	s9 =	sadd.s32 $0xFFFFFEF7, lr;
	s5 =	simm.s32 $0xFFFFFFFF;
	p2 =	slt.u32 s8, $0xFFFFF086  }
0x1c: {  	p1 =	slt.u32 s9, $0xF7A;
	s5 =	simm.s32 @!p2 $0x0  }
0x1d: {  	s5 =	simm.s32 @p1 $0x1;
	p0 =	seq.s32 s7, s2  }
0x1e: {  	s7 =	smul.u32 @!p0 $0xF7A, s2;
	p2 =	seq.s32 @!p0 s5, $0x0  }
0x1f: {  	s9 =	smul.u32 $0xF7A, s1;
	s8 =	simm.s32 @!p0 $0x1BF5;
	p2 =	por !p2, p0  }
0x20: {  	[sflag:s8] =	ssyncset.s32 @!p0 $0xFFFFF086;
	s6 =	sadd.s32 @!p0 s3, s7;
	s7 =	simm.s32 @!p0 $0x108  }
0x21: {  	s3 =	sadd.s32 s3, s9;
	s6 =	sadd.s32 @!p0 $0x88, s6;
	s7 =	simm.s32 @p2 $0x1082  }
0x22: {  	[simem:s7], [sflag:s8] =	dma.local @!p0 [hbm:s6], $0xF7A  }
0x23: {  	s9 =	sor.u32 $0xD0000000, s2;
	s6 =	simm.s32 $0x108;
	_ =	swait.ge @!p0 [sflag:s8], $0x0  }
0x24: {  	s3 =	sadd.s32 $0x88, s3;
	s6 =	simm.s32 @!p1 $0x1082;
	[sflag:s4] =	ssyncset.s32 $0xFFFFF086  }
0x25: {  	[simem:s6], [sflag:s4] =	dma.local [hbm:s3], $0xF7A  }
0x26: {  	[smem:$0x3F46] =	sst s1;
	(tag) =	ssettag s2;
	_ =	strace s9  }
0x27: {  	s1 =	sld [smem:$0x3F56]  }
0x28: {  	s2 =	sld [smem:$0x3F57]  }
0x29: {  	s4 =	sld [smem:$0x3F59]  }
0x2a: {  	p0 =	seq.s32 s5, $0x0;
	s5 =	sld [smem:$0x3F5A]  }
0x2b: {  	s6 =	sld [smem:$0x3F5B]  }
0x2c: {  	s7 =	sld [smem:$0x3F5C]  }
0x2d: {  	s3 =	simm.s32 $0x108;
	s8 =	sld [smem:$0x3F5D]  }
0x2e: {  	s3 =	simm.s32 @!p0 $0x1082;
	s9 =	sld [smem:$0x3F5E]  }
0x2f: {  	lr =	sadd.s32 s0, s3;
	s0 =	sld [smem:$0x3F55]  }
0x30: {  	s3 =	sld [smem:$0x3F58]  }
0x31: {  	[smem:$0x3F61] =	sst s10  }
0x32: {  	s10 =	sld [smem:$0x3F5F];
	_ =	sdelay $0x3  }
0x33: {  	p0 =	seq.s32 s10, $0x1;
	s10 =	sld [smem:$0x3F61];
	_ =	sdelay $0x3  }
0x34: {  	[smem:$0x3F61] =	sst s10  }
0x35: {  	s10 =	sld [smem:$0x3F60];
	_ =	sdelay $0x3  }
0x36: {  	p1 =	seq.s32 s10, $0x1;
	s10 =	sld [smem:$0x3F61];
	_ =	sdelay $0x3  }
0x37: {  	[smem:$0x3F61] =	sst s10  }
0x38: {  	s10 =	sld [smem:$0x3F62]  }
0x39: {  	_ = 	snop;
	(pc) =	sbr.ind lr, $3  }
0x3a: {  	_ = 	snop  }
0x3b: {  	_ = 	snop  }
0x3c: {  	p2 =	seq.s32 s10, $0x1;
	s10 =	sld [smem:$0x3F61]  }
0x3d: {  	_ =	shalt  }
0x3e: {  	_ =	shalt  }
0x3f: {  	_ =	shalt  }
0x40: {  	_ =	shalt  }
0x41: {  	_ =	shalt  }
0x42: {  	_ =	shalt  }
0x43: {  	_ =	shalt  }
0x44: {  	_ =	shalt  }
0x45: {  	_ =	shalt  }
0x46: {  	_ =	shalt  }
0x47: {  	_ =	shalt  }
0x48: {  	_ =	shalt  }
0x49: {  	_ =	shalt  }
0x4a: {  	_ =	shalt  }
0x4b: {  	_ =	shalt  }
0x4c: {  	_ =	shalt  }
0x4d: {  	_ =	shalt  }
0x4e: {  	_ =	shalt  }
0x4f: {  	_ =	shalt  }
0x50: {  	_ =	shalt  }
0x51: {  	_ =	shalt  }
0x52: {  	_ =	shalt  }
0x53: {  	_ =	shalt  }
0x54: {  	_ =	shalt  }
0x55: {  	_ =	shalt  }
0x56: {  	_ =	shalt  }
0x57: {  	_ =	shalt  }
0x58: {  	_ =	shalt  }
0x59: {  	_ =	shalt  }
0x5a: {  	_ =	shalt  }
0x5b: {  	_ =	shalt  }
0x5c: {  	_ =	shalt  }
0x5d: {  	_ =	shalt  }
0x5e: {  	_ =	shalt  }
0x5f: {  	_ =	shalt  }
0x60: {  	_ =	shalt  }
0x61: {  	_ =	shalt  }
0x62: {  	_ =	shalt  }
0x63: {  	_ =	shalt  }
0x64: {  	_ =	shalt  }
0x65: {  	_ =	shalt  }
0x66: {  	_ =	shalt  }
0x67: {  	_ =	shalt  }
0x68: {  	_ =	shalt  }
0x69: {  	_ =	shalt  }
0x6a: {  	_ =	shalt  }
0x6b: {  	_ =	shalt  }
0x6c: {  	_ =	shalt  }
0x6d: {  	_ =	shalt  }
0x6e: {  	_ =	shalt  }
0x6f: {  	_ =	shalt  }
0x70: {  	_ =	shalt  }
0x71: {  	_ =	shalt  }
0x72: {  	_ =	shalt  }
0x73: {  	_ =	shalt  }
0x74: {  	_ =	shalt  }
0x75: {  	_ =	shalt  }
0x76: {  	_ =	shalt  }
0x77: {  	_ =	shalt  }
0x78: {  	_ =	shalt  }
0x79: {  	_ =	shalt  }
0x7a: {  	_ =	shalt  }
0x7b: {  	_ =	shalt  }
0x7c: {  	_ =	shalt  }
0x7d: {  	_ =	shalt  }
0x7e: {  	_ =	shalt  }
0x7f: {  	_ =	shalt  }
0x80: {  	_ =	shalt  }
0x81: {  	_ =	shalt  }
0x82: {  	_ =	shalt  }
0x83: {  	_ =	shalt  }
0x84: {  	_ =	shalt  }
0x85: {  	_ =	shalt  }
0x86: {  	_ =	shalt  }
0x87: {  	_ =	shalt  }
.Lfunc_end0:
.L_simem_size_0:
called_computation.6_lowered:
.L_overlay_start_0:
0x88: {  	s2 =	sld [smem:$0x3FD9]  }
0x89: {  	s3 =	sld [smem:$0x3FFE];
	_ =	sdelay $0x1  }
0x8a: {  	s1 =	srdreg.scid  }
0x8b: {  	s0 =	sand.u32 $0x1, s1  }
0x8c: {  	s17 =	sshll.u32 s0, $0xA;
	s2 =	sadd.s32 s3, s2  }
0x8d: {  	s2 =	sadd.s32 s2, s17  }
0x8e: {  	[smem:$0x3F6D] =	sst s2  }
0x8f: {  	_ = 	snop  }
0x90: {  	(tm) =	ssettm $0x1  }
0x91: {  	s18 =	sld [smem:$0x3FFB];
	_ =	sdelay $0x3  }
0x92: {  	_ =	strace s18  }
0x93: {  	s2 =	sld [smem:$0x3FFC];
	_ =	sdelay $0x3  }
0x94: {  	_ =	strace s2  }
0x95: {  	s2 =	sld [smem:$0x3FFD];
	_ =	sdelay $0x3  }
0x96: {  	_ =	strace s2  }
0x97: {  	_ =	strace $0x8FFFFFFF  }
0x98: {  	s19 =	sld [smem:$0x3FDB];
	_ =	sdelay $0x1  }
0x99: {  	s20 =	simm.s32 $_scs_section_size  }
0x9a: {  	s4 =	simm.s32 $_size__tile_overlayer_lowered;
	s5 =	simm.s32 $_tile_overlayer_lowered  }
0x9b: {  	s6 =	simm.s32 $0x1BFF;
	s21 =	sshll.u32 s5, $0x1;
	s3 =	sadd.s32 s20, s19  }
0x9c: {  	s22 =	simm.s32 $0x0;
	s4 =	sshll.u32 s4, $0x1;
	s5 =	sadd.s32 s21, s3  }
0x9d: {  	[timem:s22], [sflag:s6] =	dma.local [hbm:s5], s4  }
0x9e: {  	_ =	swait.ge [sflag:s6], s4  }
0x9f: {  	s4 =	ssub.s32 $0x0, s4;
	[sflag:s6] =	ssyncset.done $0x0  }
0xa0: {  	[sflag:s6] =	ssyncadd.s32 s4;
	_ =	sdelay $0x1  }
0xa1: {  	s23 =	simm.s32 $0x1B8B  }
0xa2: {  	_ =	swait.ge [sflag:s23], $0x1  }
0xa3: {  	[sflag:s23] =	ssyncset.done $0x0  }
0xa4: {  	[sflag:s23] =	ssyncadd.s32 $0xFFFFFFFF  }
0xa5: {  	s4 =	sld [smem:$0x0]  }
0xa6: {  	s5 =	sand.u32 $0xFFFFFFFE, s1  }
0xa7: {  	p0 =	sne.s32 s1, s5  }
0xa8: {  	s5 =	sshll.u32 @p0 s5, $0xE  }
0xa9: {  	s5 =	sadd.s32 @p0 $0x11B8D, s5;
	s6 =	sshll.u32 @p0 s4, $0x11  }
0xaa: {  	s5 =	sor.u32 @p0 s6, s5  }
0xab: {  	[sflag:s5] =	ssyncadd.remote.s32 @p0 $0x1;
	_ =	sdelay $0x1  }
0xac: {  	s5 =	simm.s32 @p0 $0x1B8D  }
0xad: {  	_ =	swait.eq @p0 [sflag:s5], $0x1  }
0xae: {  	[sflag:s5] =	ssyncadd.s32 @p0 $0xFFFFFFFF  }
0xaf: {  	s6 =	sshll.u32 @!p0 s1, $0xE  }
0xb0: {  	s6 =	sor.u32 @!p0 $0x4000, s6;
	s5 =	simm.s32 @!p0 $0x1B8D  }
0xb1: {  	s4 =	sshll.u32 @!p0 s4, $0x11;
	s6 =	sadd.s32 @!p0 $0x11B8D, s6;
	_ =	swait.eq @!p0 [sflag:s5], $0x1  }
0xb2: {  	s4 =	sor.u32 @!p0 s4, s6;
	[sflag:s5] =	ssyncadd.s32 @!p0 $0xFFFFFFFF  }
0xb3: {  	s25 =	simm.s32 $0x1B8E;
	s24 =	sld [smem:$0x3FFE];
	[sflag:s4] =	ssyncadd.remote.s32 @!p0 $0x1  }
0xb4: {  	s26 =	simm.s32 $execute0_lowered;
	[smem:$0x3FD2] =	sst s25  }
0xb5: {  	s5 =	sshll.u32 s26, $0x1;
	_ =	strace $0x80000058;
	[dreg:$0x1] =	wrdreg $0xFFFFFFFF  }
0xb6: {  	s28 =	simm.s32 $_size_execute0_lowered;
	s3 =	sadd.s32 s3, s5;
	[dreg:$0x0] =	wrdreg $0x0  }
0xb7: {  	s5 =	sshll.u32 s28, $0x1;
	[dreg:$0x2] =	wrdreg s3  }
0xb8: {  	[dreg:$0x3] =	wrdreg s5  }
0xb9: {  	[dreg:$0x4] =	wrdreg $0xC0  }
0xba: {  	_ =	task [dreg:s22], $0x5FFFF  }
0xbb: {  	[dreg:$0x1] =	wrdreg $0xFFFFFFFF  }
0xbc: {  	[dreg:$0x0] =	wrdreg $0x60  }
0xbd: {  	[dreg:$0x2] =	wrdreg s24  }
0xbe: {  	[dreg:$0x3] =	wrdreg $0xA  }
0xbf: {  	_ =	task.clear_ibuf [dreg:s22], $0x4FFFF;
	_ =	strace $0x90000058  }
0xc0: {  	s29 =	simm.s32 $0xA;
	_ =	strace $0x8000005A  }
0xc1: {  	_ =	swait.ge [sflag:s29], $0x1  }
0xc2: {  	[sflag:s29] =	ssyncadd.s32 $0xFFFFFFFF  }
0xc3: {  	_ =	strace $0x9000005A  }
0xc4: {  	_ =	sfence  }
0xc5: {  	s30 =	sld [smem:$0x0];
	_ =	sdelay $0x2  }
0xc6: {  	s31 =	sshll.u32 s1, $0xD;
	s1 =	sshrl.u32 s1, $0x2  }
0xc7: {  	s4 =	sand.u32 $0x4000, s31;
	s1 =	sadd.s32 s1, s30  }
0xc8: {  	s0 =	sor.u32 s4, s0;
	s1 =	sshll.u32 s1, $0x11  }
0xc9: {  	s0 =	sor.u32 s1, s0  }
0xca: {  	s0 =	sadd.s32 $0x8F2B, s0  }
0xcb: {  	[sflag:s0] =	ssyncadd.remote.s32 $0x1  }
0xcc: {  	_ =	sfence.sel $0xFFFF  }
0xcd: {  	[dreg:$0x0] =	wrdreg $0xFFFFFFFF;
	(pc) =	sbr.abs _section_cstart, $3  }
0xce: {  	[dreg:$0x1] =	wrdreg $0xFFFFFFFF  }
0xcf: {  	_ =	task.clear_ibuf [dreg:s22], $0x2FFFF;
	_ =	strace $0x9FFFFFFF  }
0xd0: {  	(tm) =	ssettm $0x7FFFFFFF  }
0xd1: {  	_ =	shalt  }
tec
execute0_lowered:
.L_overlay_start_1:
0x0: {  	(tag) =	ssettag $0x1  }
0x1: {  	s0 =	srdreg.scid;
	s5 =	rddreg [dreg:$0x0]  }
0x2: {  	s2 =	simm.s32 $0x0;
	s8 =	simm.s32 $0x28;
	s4 =	sand.u32 $0x1, s0  }
0x3: {  	s9 =	simm.s32 $0x1;
	s0 =	stileid.u32;
	s1 =	sshll.u32 s4, $0x4  }
0x4: {  	s10 =	simm.s32 $0x1388;
	s11 =	simm.s32 $0x0;
	s3 =	sor.u32 s0, s1  }
0x5: {  	[smem:$0x7FF] =	sst s2;
	s4 =	ssub.s32 $0x2, s4;
	s6 =	smul.u32 $0x271, s3  }
0x6: {  	s1 =	rddreg [dreg:$0x1];
	_ =	strace $0x80000059;
	s7 =	smul.u32 $0x2710, s3  }
0x7: {  	s31 =	sshrl.u32 s4, $0x1;
	s3 =	sadd.s32 $0x15F600, s5;
	s6 =	sadd.s32 s6, s5  }
0x8: {  	s5 =	sadd.s32 s7, s5;
	s7 =	ssub.s32 s4, s31;
	s4 =	sadd.s32 $0x4C400, s6  }
0x9: {  	s5 =	sadd.s32 $0x9F600, s5;
	s6 =	smax.u32 s7, $0x1;
	s7 =	simm.s32 $0x2  }
.LBB2_1:
0xa: {  	[tilespmem:s2], [sflag:$0x2] =	stream.linear.gather [hbm4b:s4+s2], $0x1388, $0x38;
	[tilespmem:$0x14C08] =	vst v63  }
0xb: {  	_ =	swait.ge [sflag:s7], $0x1388  }
0xc: {  	s12 =	simm.s32 $0xA0;
	s15 =	simm.s32 $0x0;
	[sflag:s7] =	ssyncset.done $0x0  }
0xd: {  	s13 =	simm.s32 $0x1608;
	s14 =	simm.s32 $0x1388;
	[sflag:s7] =	ssyncadd.s32 $0xFFFFEC78  }
.LBB2_2:
0xe: {  	[tilespmem:s14], [sflag:$0x1] =	stream.indirect.gather [hbm4b:s3+s8], $0x10, s15, s8, $0xb8;
	[tilespmem:$0x14C08] =	vst v63  }
0xf: {  	s15 =	smov.u32 s12;
	s14 =	smov.u32 s13;
	p0 =	sne.s32 s12, $0x4D80  }
.Ltmp0:
0x10: {  	s12 =	sadd.s32 $0xA0, s12;
	(pc) =	sbr.rel @p0 .LBB2_2-.Ltmp0, $2  }
0x11: {  	_ =	sdelay $0x2  }
0x12: {  	s13 =	sadd.s32 $0x280, s13;
	s15 =	sshra.s32 s15, $0x2  }
0x13: {  	[tilespmem:s14], [sflag:$0x1] =	stream.indirect.gather [hbm4b:s3+s8], $0x10, s15, s8, $0xb8;
	[tilespmem:$0x14C08] =	vst v63  }
0x14: {  	s11 =	sadd.s32 $0x1, s11;
	_ =	swait.ge [sflag:s9], $0x13880  }
0x15: {  	p0 =	sne.s32 s11, s6;
	[sflag:s9] =	ssyncset.done $0x0  }
.Ltmp1:
0x16: {  	[sflag:s9] =	ssyncadd.s32 $0xFFFEC780;
	(pc) =	sbr.rel @p0 .LBB2_1-.Ltmp1, $4  }
0x17: {  	[hbm4b:s5+s2] =	stream.linear.scatter [tilespmem:s10], [sflag:$0x2], $0x13880, $0x38;
	[tilespmem:$0x14C08] =	vst v63  }
0x18: {  	_ =	swait.ge [sflag:s7], $0x13880  }
0x19: {  	[sflag:s7] =	ssyncset.done $0x0  }
0x1a: {  	[sflag:s7] =	ssyncadd.s32 $0xFFFEC780  }
0x1b: {  	_ =	sfence.sel $0x180000  }
0x1c: {  	[bflag:$0x0] =	sbarrier.arrive $0xFFFF  }
0x1d: {  	p0 =	sne.s32 s0, $0x0;
	_ =	strace $0x90000059  }
0x1e: {  	s0 =	sadd.s32 @!p0 $0x100000, s1;
	[bflag:$0x2] =	sbarrier.arrive $0xFFFF  }
0x1f: {  	[sflag:s0] =	ssyncadd.tile.s32 @!p0 $0x1;
	_ =	shalt  }
.Lfunc_end2:
_tile_overlayer_lowered:
.L_overlay_start_2:
0x20: {  	(tag) =	ssettag $0x2  }
0x21: {  	s0 =	rddreg [dreg:$0x0];
	s2 =	stileid.u32  }
0x22: {  	s1 =	rddreg [dreg:$0x1];
	p0 =	sne.s32 s2, $0x0  }
0x23: {  	s3 =	rddreg [dreg:$0x2];
	[bflag:$0x3] =	sbarrier.arrive $0xFFFF;
	s2 =	simm.s32 @!p0 $0x1C02  }
0x24: {  	[timem:s3], [sflag:s2] =	dma.local @!p0 [hbm:s0], s1  }
0x25: {  	s0 =	simm.s32 @!p0 $0x2  }
0x26: {  	_ =	swait.ge @!p0 [sflag:s0], s1  }
0x27: {  	s1 =	ssub.s32 @!p0 $0x0, s1;
	[sflag:s0] =	ssyncset.done @!p0 $0x0  }
0x28: {  	[sflag:s0] =	ssyncadd.s32 @!p0 s1  }
0x29: {  	[bflag:$0x3] =	sbarrier.arrive $0xFFFF  }
0x2a: {  	_ =	shalt  }

// kernel: kernel.58.cloned.1.call-start
scs
__scs_entry_jumppad:
0x0: {  	(pc) =	sbr.rel $0x88, $3  }
0x1: {  	(tag) =	ssettag $0x0;
	lr =	simm.s32 $0x1  }
0x2: {  	[smem:$0x3F46] =	sst lr;
	_ =	strace $0xD0000000  }
0x3: {  	_ = 	snop  }
0x4: {  	_ = 	snop  }
0x5: {  	_ = 	snop  }
0x6: {  	_ = 	snop  }
0x7: {  	_ = 	snop  }
__scs_overlays_trampoline_lowered:
0x8: {  	[smem:$0x3F55] =	sst s0  }
0x9: {  	[smem:$0x3F56] =	sst s1  }
0xa: {  	[smem:$0x3F57] =	sst s2  }
0xb: {  	[smem:$0x3F58] =	sst s3  }
0xc: {  	[smem:$0x3F59] =	sst s4  }
0xd: {  	[smem:$0x3F5A] =	sst s5  }
0xe: {  	[smem:$0x3F5B] =	sst s6  }
0xf: {  	[smem:$0x3F5C] =	sst s7  }
0x10: {  	[smem:$0x3F5D] =	sst s8  }
0x11: {  	[smem:$0x3F5E] =	sst s9;
	s0 =	simm.s32 @!p0 $0x0  }
0x12: {  	s1 =	sld [smem:$0x3F44];
	s0 =	simm.s32 @p0 $0x1  }
0x13: {  	[smem:$0x3F5F] =	sst s0;
	s0 =	simm.s32 @!p1 $0x0  }
0x14: {  	s2 =	sld [smem:$0x3F43];
	s0 =	simm.s32 @p1 $0x1  }
0x15: {  	[smem:$0x3F60] =	sst s0;
	s0 =	simm.s32 @!p2 $0x0  }
0x16: {  	s3 =	sld [smem:$0x3FDB];
	s0 =	simm.s32 @p2 $0x1  }
0x17: {  	s4 =	simm.s32 $0x1BF5;
	[smem:$0x3F62] =	sst s0  }
0x18: {  	s0 =	sld [smem:$0x3F45];
	_ =	swait.ge [sflag:s4], $0x0  }
0x19: {  	s7 =	sld [smem:$0x3F46]  }
0x1a: {  	s8 =	sadd.s32 $0xFFFFE003, lr  }
0x1b: {  	s9 =	sadd.s32 $0xFFFFFEF7, lr;
	s5 =	simm.s32 $0xFFFFFFFF;
	p2 =	slt.u32 s8, $0xFFFFF086  }
0x1c: {  	p1 =	slt.u32 s9, $0xF7A;
	s5 =	simm.s32 @!p2 $0x0  }
0x1d: {  	s5 =	simm.s32 @p1 $0x1;
	p0 =	seq.s32 s7, s2  }
0x1e: {  	s7 =	smul.u32 @!p0 $0xF7A, s2;
	p2 =	seq.s32 @!p0 s5, $0x0  }
0x1f: {  	s9 =	smul.u32 $0xF7A, s1;
	s8 =	simm.s32 @!p0 $0x1BF5;
	p2 =	por !p2, p0  }
0x20: {  	[sflag:s8] =	ssyncset.s32 @!p0 $0xFFFFF086;
	s6 =	sadd.s32 @!p0 s3, s7;
	s7 =	simm.s32 @!p0 $0x108  }
0x21: {  	s3 =	sadd.s32 s3, s9;
	s6 =	sadd.s32 @!p0 $0x88, s6;
	s7 =	simm.s32 @p2 $0x1082  }
0x22: {  	[simem:s7], [sflag:s8] =	dma.local @!p0 [hbm:s6], $0xF7A  }
0x23: {  	s9 =	sor.u32 $0xD0000000, s2;
	s6 =	simm.s32 $0x108;
	_ =	swait.ge @!p0 [sflag:s8], $0x0  }
0x24: {  	s3 =	sadd.s32 $0x88, s3;
	s6 =	simm.s32 @!p1 $0x1082;
	[sflag:s4] =	ssyncset.s32 $0xFFFFF086  }
0x25: {  	[simem:s6], [sflag:s4] =	dma.local [hbm:s3], $0xF7A  }
0x26: {  	[smem:$0x3F46] =	sst s1;
	(tag) =	ssettag s2;
	_ =	strace s9  }
0x27: {  	s1 =	sld [smem:$0x3F56]  }
0x28: {  	s2 =	sld [smem:$0x3F57]  }
0x29: {  	s4 =	sld [smem:$0x3F59]  }
0x2a: {  	p0 =	seq.s32 s5, $0x0;
	s5 =	sld [smem:$0x3F5A]  }
0x2b: {  	s6 =	sld [smem:$0x3F5B]  }
0x2c: {  	s7 =	sld [smem:$0x3F5C]  }
0x2d: {  	s3 =	simm.s32 $0x108;
	s8 =	sld [smem:$0x3F5D]  }
0x2e: {  	s3 =	simm.s32 @!p0 $0x1082;
	s9 =	sld [smem:$0x3F5E]  }
0x2f: {  	lr =	sadd.s32 s0, s3;
	s0 =	sld [smem:$0x3F55]  }
0x30: {  	s3 =	sld [smem:$0x3F58]  }
0x31: {  	[smem:$0x3F61] =	sst s10  }
0x32: {  	s10 =	sld [smem:$0x3F5F];
	_ =	sdelay $0x3  }
0x33: {  	p0 =	seq.s32 s10, $0x1;
	s10 =	sld [smem:$0x3F61];
	_ =	sdelay $0x3  }
0x34: {  	[smem:$0x3F61] =	sst s10  }
0x35: {  	s10 =	sld [smem:$0x3F60];
	_ =	sdelay $0x3  }
0x36: {  	p1 =	seq.s32 s10, $0x1;
	s10 =	sld [smem:$0x3F61];
	_ =	sdelay $0x3  }
0x37: {  	[smem:$0x3F61] =	sst s10  }
0x38: {  	s10 =	sld [smem:$0x3F62]  }
0x39: {  	_ = 	snop;
	(pc) =	sbr.ind lr, $3  }
0x3a: {  	_ = 	snop  }
0x3b: {  	_ = 	snop  }
0x3c: {  	p2 =	seq.s32 s10, $0x1;
	s10 =	sld [smem:$0x3F61]  }
0x3d: {  	_ =	shalt  }
0x3e: {  	_ =	shalt  }
0x3f: {  	_ =	shalt  }
0x40: {  	_ =	shalt  }
0x41: {  	_ =	shalt  }
0x42: {  	_ =	shalt  }
0x43: {  	_ =	shalt  }
0x44: {  	_ =	shalt  }
0x45: {  	_ =	shalt  }
0x46: {  	_ =	shalt  }
0x47: {  	_ =	shalt  }
0x48: {  	_ =	shalt  }
0x49: {  	_ =	shalt  }
0x4a: {  	_ =	shalt  }
0x4b: {  	_ =	shalt  }
0x4c: {  	_ =	shalt  }
0x4d: {  	_ =	shalt  }
0x4e: {  	_ =	shalt  }
0x4f: {  	_ =	shalt  }
0x50: {  	_ =	shalt  }
0x51: {  	_ =	shalt  }
0x52: {  	_ =	shalt  }
0x53: {  	_ =	shalt  }
0x54: {  	_ =	shalt  }
0x55: {  	_ =	shalt  }
0x56: {  	_ =	shalt  }
0x57: {  	_ =	shalt  }
0x58: {  	_ =	shalt  }
0x59: {  	_ =	shalt  }
0x5a: {  	_ =	shalt  }
0x5b: {  	_ =	shalt  }
0x5c: {  	_ =	shalt  }
0x5d: {  	_ =	shalt  }
0x5e: {  	_ =	shalt  }
0x5f: {  	_ =	shalt  }
0x60: {  	_ =	shalt  }
0x61: {  	_ =	shalt  }
0x62: {  	_ =	shalt  }
0x63: {  	_ =	shalt  }
0x64: {  	_ =	shalt  }
0x65: {  	_ =	shalt  }
0x66: {  	_ =	shalt  }
0x67: {  	_ =	shalt  }
0x68: {  	_ =	shalt  }
0x69: {  	_ =	shalt  }
0x6a: {  	_ =	shalt  }
0x6b: {  	_ =	shalt  }
0x6c: {  	_ =	shalt  }
0x6d: {  	_ =	shalt  }
0x6e: {  	_ =	shalt  }
0x6f: {  	_ =	shalt  }
0x70: {  	_ =	shalt  }
0x71: {  	_ =	shalt  }
0x72: {  	_ =	shalt  }
0x73: {  	_ =	shalt  }
0x74: {  	_ =	shalt  }
0x75: {  	_ =	shalt  }
0x76: {  	_ =	shalt  }
0x77: {  	_ =	shalt  }
0x78: {  	_ =	shalt  }
0x79: {  	_ =	shalt  }
0x7a: {  	_ =	shalt  }
0x7b: {  	_ =	shalt  }
0x7c: {  	_ =	shalt  }
0x7d: {  	_ =	shalt  }
0x7e: {  	_ =	shalt  }
0x7f: {  	_ =	shalt  }
0x80: {  	_ =	shalt  }
0x81: {  	_ =	shalt  }
0x82: {  	_ =	shalt  }
0x83: {  	_ =	shalt  }
0x84: {  	_ =	shalt  }
0x85: {  	_ =	shalt  }
0x86: {  	_ =	shalt  }
0x87: {  	_ =	shalt  }
.Lfunc_end0:
.L_simem_size_0:
called_computation.7_lowered:
.L_overlay_start_0:
0x88: {  	s2 =	sld [smem:$0x3FD9]  }
0x89: {  	s3 =	sld [smem:$0x3FFE];
	_ =	sdelay $0x1  }
0x8a: {  	s1 =	srdreg.scid  }
0x8b: {  	s0 =	sand.u32 $0x1, s1  }
0x8c: {  	s14 =	sshll.u32 s0, $0xA;
	s2 =	sadd.s32 s3, s2  }
0x8d: {  	s2 =	sadd.s32 s2, s14  }
0x8e: {  	[smem:$0x3F6D] =	sst s2  }
0x8f: {  	_ = 	snop  }
0x90: {  	s2 =	sld [smem:$0x3FD0];
	_ =	sdelay $0x2  }
0x91: {  	s15 =	simm.s32 $0xB;
	s4 =	simm.s32 $0x10  }
0x92: {  	[smem:s4], [sflag:s15] =	dma.local [hbm:s2], $0x1  }
0x93: {  	_ =	swait.eq [sflag:s15], $0x1  }
0x94: {  	[sflag:s15] =	ssyncset.done $0x0  }
0x95: {  	s16 =	sld [smem:$0x12];
	[sflag:s15] =	ssyncadd.s32 $0xFFFFFFFF  }
0x96: {  	s17 =	sld [smem:$0x13];
	(tm) =	ssettm $0x1  }
0x97: {  	s18 =	sld [smem:$0x3FFB];
	_ =	sdelay $0x3  }
0x98: {  	_ =	strace s18  }
0x99: {  	s4 =	sld [smem:$0x3FFC];
	_ =	sdelay $0x3  }
0x9a: {  	_ =	strace s4  }
0x9b: {  	s4 =	sld [smem:$0x3FFD];
	_ =	sdelay $0x3  }
0x9c: {  	_ =	strace s4  }
0x9d: {  	_ =	strace $0x8FFFFFFF  }
0x9e: {  	s19 =	sld [smem:$0x3FDB];
	_ =	sdelay $0x1  }
0x9f: {  	s5 =	simm.s32 $_scs_section_size  }
0xa0: {  	s6 =	simm.s32 $_size__tile_overlayer_lowered;
	s7 =	simm.s32 $_tile_overlayer_lowered  }
0xa1: {  	s22 =	simm.s32 $0x1BFF;
	s21 =	sshll.u32 s7, $0x1;
	s4 =	sadd.s32 s5, s19  }
0xa2: {  	s8 =	simm.s32 $0x0;
	s20 =	sshll.u32 s6, $0x1;
	s6 =	sadd.s32 s21, s4  }
0xa3: {  	[timem:s8], [sflag:s22] =	dma.local [hbm:s6], s20  }
0xa4: {  	_ =	swait.ge [sflag:s22], s20  }
0xa5: {  	s5 =	ssub.s32 $0x0, s20;
	[sflag:s22] =	ssyncset.done $0x0  }
0xa6: {  	[sflag:s22] =	ssyncadd.s32 s5;
	_ =	sdelay $0x1  }
0xa7: {  	s23 =	simm.s32 $0x1B8B  }
0xa8: {  	_ =	swait.ge [sflag:s23], $0x1  }
0xa9: {  	[sflag:s23] =	ssyncset.done $0x0  }
0xaa: {  	s25 =	simm.s32 $0x1B8E;
	s24 =	sld [smem:$0x3FFE];
	[sflag:s23] =	ssyncadd.s32 $0xFFFFFFFF  }
0xab: {  	s26 =	simm.s32 $execute0_lowered;
	[smem:$0x3FD2] =	sst s25  }
0xac: {  	s6 =	sshll.u32 s26, $0x1;
	_ =	strace $0x8000005B;
	[dreg:$0x1] =	wrdreg $0xFFFFFFFF  }
0xad: {  	s28 =	simm.s32 $_size_execute0_lowered;
	s4 =	sadd.s32 s4, s6;
	[dreg:$0x0] =	wrdreg $0x0  }
0xae: {  	s6 =	sshll.u32 s28, $0x1;
	[dreg:$0x2] =	wrdreg s4  }
0xaf: {  	[dreg:$0x3] =	wrdreg s6  }
0xb0: {  	[dreg:$0x4] =	wrdreg $0xC0  }
0xb1: {  	_ =	task [dreg:s8], $0x5FFFF  }
0xb2: {  	[dreg:$0x1] =	wrdreg $0xFFFFFFFF  }
0xb3: {  	[dreg:$0x0] =	wrdreg $0x60  }
0xb4: {  	[dreg:$0x2] =	wrdreg s17  }
0xb5: {  	[dreg:$0x3] =	wrdreg s24  }
0xb6: {  	[dreg:$0x4] =	wrdreg s16  }
0xb7: {  	[dreg:$0x5] =	wrdreg $0x14C080  }
0xb8: {  	[dreg:$0x6] =	wrdreg $0x9  }
0xb9: {  	_ =	task.clear_ibuf [dreg:s8], $0x7FFFF;
	_ =	strace $0x9000005B  }
0xba: {  	s29 =	simm.s32 $0x9;
	_ =	strace $0x8000005D  }
0xbb: {  	_ =	swait.ge [sflag:s29], $0x1  }
0xbc: {  	[sflag:s29] =	ssyncadd.s32 $0xFFFFFFFF  }
0xbd: {  	_ =	strace $0x9000005D  }
0xbe: {  	_ =	sfence  }
0xbf: {  	s30 =	sld [smem:$0x0];
	_ =	sdelay $0x2  }
0xc0: {  	s31 =	sshll.u32 s1, $0xD;
	s1 =	sshrl.u32 s1, $0x2  }
0xc1: {  	s3 =	sand.u32 $0x4000, s31;
	s1 =	sadd.s32 s1, s30  }
0xc2: {  	s0 =	sor.u32 s3, s0;
	s1 =	sshll.u32 s1, $0x11  }
0xc3: {  	s0 =	sor.u32 s1, s0  }
0xc4: {  	s0 =	sadd.s32 $0x8F2B, s0  }
0xc5: {  	[sflag:s0] =	ssyncadd.remote.s32 $0x1  }
0xc6: {  	_ =	sfence.sel $0xFFFF  }
0xc7: {  	[dreg:$0x0] =	wrdreg $0xFFFFFFFF;
	(pc) =	sbr.abs _section_cstart, $3  }
0xc8: {  	[dreg:$0x1] =	wrdreg $0xFFFFFFFF  }
0xc9: {  	_ =	task.clear_ibuf [dreg:s8], $0x2FFFF;
	_ =	strace $0x9FFFFFFF  }
0xca: {  	(tm) =	ssettm $0x7FFFFFFF  }
0xcb: {  	_ =	shalt  }
tec
execute0_lowered:
.L_overlay_start_1:
0x0: {  	(tag) =	ssettag $0x1  }
0x1: {  	s7 =	rddreg [dreg:$0x0]  }
0x2: {  	s4 =	rddreg [dreg:$0x1]  }
0x3: {  	s5 =	rddreg [dreg:$0x2]  }
0x4: {  	s2 =	rddreg [dreg:$0x3];
	s3 =	srdreg.scid  }
0x5: {  	s1 =	stileid.u32;
	s0 =	rddreg [dreg:$0x4];
	s14 =	simm.s32 $0x0  }
0x6: {  	s6 =	sand.u32 $0x1, s3;
	s8 =	smul.u32 $0x2710, s1;
	s3 =	simm.s32 $0x0  }
0x7: {  	s31 =	sshll.u32 s1, $0x6;
	s9 =	sshll.u32 s6, $0x4;
	s10 =	smul.u32 $0x27100, s6  }
0x8: {  	[smem:$0x7FF] =	sst s3;
	s6 =	ssub.s32 $0x2, s6;
	s9 =	sor.u32 s1, s9  }
0x9: {  	_ =	strace $0x8000005C;
	s12 =	sshrl.u32 s6, $0x1;
	s30 =	sshrl.u32 s8, $0x3  }
0xa: {  	s13 =	sadd.s32 s8, s2;
	s11 =	smul.u32 $0x271, s9;
	s10 =	sadd.s32 s8, s10  }
0xb: {  	s12 =	ssub.s32 s6, s12;
	s9 =	smul.u32 $0x2710, s9;
	s10 =	sshrl.u32 s10, $0x3  }
0xc: {  	s11 =	sadd.s32 s11, s4;
	s10 =	sadd.s32 s10, s4;
	s4 =	sadd.s32 s5, s30  }
0xd: {  	s5 =	sor.u32 $0x1C02, s31;
	s7 =	sadd.s32 s7, s9;
	s9 =	smax.u32 s12, $0x1  }
0xe: {  	s12 =	simm.s32 $0x28;
	s6 =	sadd.s32 $0x47400, s11;
	s8 =	sadd.s32 $0x9F600, s10  }
0xf: {  	s10 =	sshrl.u32 s13, $0x3;
	s11 =	simm.s32 $0x2;
	s13 =	simm.s32 $0x1  }
.LBB2_1:
0x10: {  	[spmem:s10], [sflag:s5] =	dma.local [hbm:s4], $0x4E2  }
0x11: {  	_ =	swait.ge [sflag:s11], $0x4E2  }
0x12: {  	[sflag:s11] =	ssyncset.done $0x0  }
0x13: {  	[sflag:s11] =	ssyncadd.s32 $0xFFFFFB1E  }
0x14: {  	[bflag:$0x0] =	sbarrier.arrive $0xFFFF  }
0x15: {  	[tilespmem:s3], [sflag:$0x2] =	stream.linear.gather [hbm4b:s6+s3], $0x1388, $0x38;
	[tilespmem:$0x17318] =	vst v63  }
0x16: {  	_ =	swait.ge [sflag:s11], $0x1388  }
0x17: {  	[sflag:s11] =	ssyncset.done $0x0  }
0x18: {  	s15 =	simm.s32 $0x1388;
	[sflag:s11] =	ssyncadd.s32 $0xFFFFEC78  }
0x19: {  	[tilespmem:s15], [sflag:$0x2] =	stream.linear.gather [hbm4b:s7+s3], $0x13880, $0x38;
	[tilespmem:$0x17318] =	vst v63  }
0x1a: {  	_ =	swait.ge [sflag:s11], $0x13880  }
0x1b: {  	s16 =	simm.s32 $0xA0;
	[sflag:s11] =	ssyncset.done $0x0  }
0x1c: {  	s18 =	simm.s32 $0x0;
	s17 =	simm.s32 $0x1608;
	[sflag:s11] =	ssyncadd.s32 $0xFFFEC780  }
.LBB2_2:
0x1d: {  	[spmem:s2] =	stream.indirect.scatter.add.f32 [tilespmem:s15], [sflag:$0x1], $0x10, s18, s12, $0xb8;
	[tilespmem:$0x17318] =	vst v63  }
0x1e: {  	s18 =	smov.u32 s16;
	s15 =	smov.u32 s17;
	p0 =	sne.s32 s16, $0x4D80  }
.Ltmp0:
0x1f: {  	s16 =	sadd.s32 $0xA0, s16;
	(pc) =	sbr.rel @p0 .LBB2_2-.Ltmp0, $2  }
0x20: {  	_ =	sdelay $0x2  }
0x21: {  	s17 =	sadd.s32 $0x280, s17;
	s18 =	sshra.s32 s18, $0x2  }
0x22: {  	[spmem:s2] =	stream.indirect.scatter.add.f32 [tilespmem:s15], [sflag:$0x1], $0x10, s18, s12, $0xb8;
	[tilespmem:$0x17318] =	vst v63  }
0x23: {  	_ =	swait.ge [sflag:s13], $0x13880  }
0x24: {  	s14 =	sadd.s32 $0x1, s14;
	[sflag:s13] =	ssyncset.done $0x0  }
0x25: {  	p0 =	sne.s32 s14, s9;
	[sflag:s13] =	ssyncadd.s32 $0xFFFEC780  }
.Ltmp1:
0x26: {  	[bflag:$0x0] =	sbarrier.arrive $0xFFFF;
	(pc) =	sbr.rel @p0 .LBB2_1-.Ltmp1, $4  }
0x27: {  	[hbm:s8], [sflag:s5] =	dma.local [spmem:s10], $0x4E2  }
0x28: {  	_ =	swait.ge [sflag:s11], $0x4E2  }
0x29: {  	[sflag:s11] =	ssyncset.done $0x0  }
0x2a: {  	[sflag:s11] =	ssyncadd.s32 $0xFFFFFB1E  }
0x2b: {  	_ =	sfence.sel $0x180000  }
0x2c: {  	[bflag:$0x0] =	sbarrier.arrive $0xFFFF  }
0x2d: {  	p0 =	sne.s32 s1, $0x0;
	_ =	strace $0x9000005C  }
0x2e: {  	s0 =	sadd.s32 @!p0 $0x100000, s0;
	[bflag:$0x2] =	sbarrier.arrive $0xFFFF  }
0x2f: {  	[sflag:s0] =	ssyncadd.tile.s32 @!p0 $0x1;
	_ =	shalt  }
.Lfunc_end2:
_tile_overlayer_lowered:
.L_overlay_start_2:
0x30: {  	(tag) =	ssettag $0x2  }
0x31: {  	s0 =	rddreg [dreg:$0x0];
	s2 =	stileid.u32  }
0x32: {  	s1 =	rddreg [dreg:$0x1];
	p0 =	sne.s32 s2, $0x0  }
0x33: {  	s3 =	rddreg [dreg:$0x2];
	[bflag:$0x3] =	sbarrier.arrive $0xFFFF;
	s2 =	simm.s32 @!p0 $0x1C02  }
0x34: {  	[timem:s3], [sflag:s2] =	dma.local @!p0 [hbm:s0], s1  }
0x35: {  	s0 =	simm.s32 @!p0 $0x2  }
0x36: {  	_ =	swait.ge @!p0 [sflag:s0], s1  }
0x37: {  	s1 =	ssub.s32 @!p0 $0x0, s1;
	[sflag:s0] =	ssyncset.done @!p0 $0x0  }
0x38: {  	[sflag:s0] =	ssyncadd.s32 @!p0 s1  }
0x39: {  	[bflag:$0x3] =	sbarrier.arrive $0xFFFF  }
0x3a: {  	_ =	shalt  }

// kernel: kernel.61.cloned.1.call-start
scs
__scs_entry_jumppad:
0x0: {  	(pc) =	sbr.rel $0x88, $3  }
0x1: {  	(tag) =	ssettag $0x0;
	lr =	simm.s32 $0x1  }
0x2: {  	[smem:$0x3F46] =	sst lr;
	_ =	strace $0xD0000000  }
0x3: {  	_ = 	snop  }
0x4: {  	_ = 	snop  }
0x5: {  	_ = 	snop  }
0x6: {  	_ = 	snop  }
0x7: {  	_ = 	snop  }
__scs_overlays_trampoline_lowered:
0x8: {  	[smem:$0x3F55] =	sst s0  }
0x9: {  	[smem:$0x3F56] =	sst s1  }
0xa: {  	[smem:$0x3F57] =	sst s2  }
0xb: {  	[smem:$0x3F58] =	sst s3  }
0xc: {  	[smem:$0x3F59] =	sst s4  }
0xd: {  	[smem:$0x3F5A] =	sst s5  }
0xe: {  	[smem:$0x3F5B] =	sst s6  }
0xf: {  	[smem:$0x3F5C] =	sst s7  }
0x10: {  	[smem:$0x3F5D] =	sst s8  }
0x11: {  	[smem:$0x3F5E] =	sst s9;
	s0 =	simm.s32 @!p0 $0x0  }
0x12: {  	s1 =	sld [smem:$0x3F44];
	s0 =	simm.s32 @p0 $0x1  }
0x13: {  	[smem:$0x3F5F] =	sst s0;
	s0 =	simm.s32 @!p1 $0x0  }
0x14: {  	s2 =	sld [smem:$0x3F43];
	s0 =	simm.s32 @p1 $0x1  }
0x15: {  	[smem:$0x3F60] =	sst s0;
	s0 =	simm.s32 @!p2 $0x0  }
0x16: {  	s3 =	sld [smem:$0x3FDB];
	s0 =	simm.s32 @p2 $0x1  }
0x17: {  	s4 =	simm.s32 $0x1BF5;
	[smem:$0x3F62] =	sst s0  }
0x18: {  	s0 =	sld [smem:$0x3F45];
	_ =	swait.ge [sflag:s4], $0x0  }
0x19: {  	s7 =	sld [smem:$0x3F46]  }
0x1a: {  	s8 =	sadd.s32 $0xFFFFE003, lr  }
0x1b: {  	s9 =	sadd.s32 $0xFFFFFEF7, lr;
	s5 =	simm.s32 $0xFFFFFFFF;
	p2 =	slt.u32 s8, $0xFFFFF086  }
0x1c: {  	p1 =	slt.u32 s9, $0xF7A;
	s5 =	simm.s32 @!p2 $0x0  }
0x1d: {  	s5 =	simm.s32 @p1 $0x1;
	p0 =	seq.s32 s7, s2  }
0x1e: {  	s7 =	smul.u32 @!p0 $0xF7A, s2;
	p2 =	seq.s32 @!p0 s5, $0x0  }
0x1f: {  	s9 =	smul.u32 $0xF7A, s1;
	s8 =	simm.s32 @!p0 $0x1BF5;
	p2 =	por !p2, p0  }
0x20: {  	[sflag:s8] =	ssyncset.s32 @!p0 $0xFFFFF086;
	s6 =	sadd.s32 @!p0 s3, s7;
	s7 =	simm.s32 @!p0 $0x108  }
0x21: {  	s3 =	sadd.s32 s3, s9;
	s6 =	sadd.s32 @!p0 $0x88, s6;
	s7 =	simm.s32 @p2 $0x1082  }
0x22: {  	[simem:s7], [sflag:s8] =	dma.local @!p0 [hbm:s6], $0xF7A  }
0x23: {  	s9 =	sor.u32 $0xD0000000, s2;
	s6 =	simm.s32 $0x108;
	_ =	swait.ge @!p0 [sflag:s8], $0x0  }
0x24: {  	s3 =	sadd.s32 $0x88, s3;
	s6 =	simm.s32 @!p1 $0x1082;
	[sflag:s4] =	ssyncset.s32 $0xFFFFF086  }
0x25: {  	[simem:s6], [sflag:s4] =	dma.local [hbm:s3], $0xF7A  }
0x26: {  	[smem:$0x3F46] =	sst s1;
	(tag) =	ssettag s2;
	_ =	strace s9  }
0x27: {  	s1 =	sld [smem:$0x3F56]  }
0x28: {  	s2 =	sld [smem:$0x3F57]  }
0x29: {  	s4 =	sld [smem:$0x3F59]  }
0x2a: {  	p0 =	seq.s32 s5, $0x0;
	s5 =	sld [smem:$0x3F5A]  }
0x2b: {  	s6 =	sld [smem:$0x3F5B]  }
0x2c: {  	s7 =	sld [smem:$0x3F5C]  }
0x2d: {  	s3 =	simm.s32 $0x108;
	s8 =	sld [smem:$0x3F5D]  }
0x2e: {  	s3 =	simm.s32 @!p0 $0x1082;
	s9 =	sld [smem:$0x3F5E]  }
0x2f: {  	lr =	sadd.s32 s0, s3;
	s0 =	sld [smem:$0x3F55]  }
0x30: {  	s3 =	sld [smem:$0x3F58]  }
0x31: {  	[smem:$0x3F61] =	sst s10  }
0x32: {  	s10 =	sld [smem:$0x3F5F];
	_ =	sdelay $0x3  }
0x33: {  	p0 =	seq.s32 s10, $0x1;
	s10 =	sld [smem:$0x3F61];
	_ =	sdelay $0x3  }
0x34: {  	[smem:$0x3F61] =	sst s10  }
0x35: {  	s10 =	sld [smem:$0x3F60];
	_ =	sdelay $0x3  }
0x36: {  	p1 =	seq.s32 s10, $0x1;
	s10 =	sld [smem:$0x3F61];
	_ =	sdelay $0x3  }
0x37: {  	[smem:$0x3F61] =	sst s10  }
0x38: {  	s10 =	sld [smem:$0x3F62]  }
0x39: {  	_ = 	snop;
	(pc) =	sbr.ind lr, $3  }
0x3a: {  	_ = 	snop  }
0x3b: {  	_ = 	snop  }
0x3c: {  	p2 =	seq.s32 s10, $0x1;
	s10 =	sld [smem:$0x3F61]  }
0x3d: {  	_ =	shalt  }
0x3e: {  	_ =	shalt  }
0x3f: {  	_ =	shalt  }
0x40: {  	_ =	shalt  }
0x41: {  	_ =	shalt  }
0x42: {  	_ =	shalt  }
0x43: {  	_ =	shalt  }
0x44: {  	_ =	shalt  }
0x45: {  	_ =	shalt  }
0x46: {  	_ =	shalt  }
0x47: {  	_ =	shalt  }
0x48: {  	_ =	shalt  }
0x49: {  	_ =	shalt  }
0x4a: {  	_ =	shalt  }
0x4b: {  	_ =	shalt  }
0x4c: {  	_ =	shalt  }
0x4d: {  	_ =	shalt  }
0x4e: {  	_ =	shalt  }
0x4f: {  	_ =	shalt  }
0x50: {  	_ =	shalt  }
0x51: {  	_ =	shalt  }
0x52: {  	_ =	shalt  }
0x53: {  	_ =	shalt  }
0x54: {  	_ =	shalt  }
0x55: {  	_ =	shalt  }
0x56: {  	_ =	shalt  }
0x57: {  	_ =	shalt  }
0x58: {  	_ =	shalt  }
0x59: {  	_ =	shalt  }
0x5a: {  	_ =	shalt  }
0x5b: {  	_ =	shalt  }
0x5c: {  	_ =	shalt  }
0x5d: {  	_ =	shalt  }
0x5e: {  	_ =	shalt  }
0x5f: {  	_ =	shalt  }
0x60: {  	_ =	shalt  }
0x61: {  	_ =	shalt  }
0x62: {  	_ =	shalt  }
0x63: {  	_ =	shalt  }
0x64: {  	_ =	shalt  }
0x65: {  	_ =	shalt  }
0x66: {  	_ =	shalt  }
0x67: {  	_ =	shalt  }
0x68: {  	_ =	shalt  }
0x69: {  	_ =	shalt  }
0x6a: {  	_ =	shalt  }
0x6b: {  	_ =	shalt  }
0x6c: {  	_ =	shalt  }
0x6d: {  	_ =	shalt  }
0x6e: {  	_ =	shalt  }
0x6f: {  	_ =	shalt  }
0x70: {  	_ =	shalt  }
0x71: {  	_ =	shalt  }
0x72: {  	_ =	shalt  }
0x73: {  	_ =	shalt  }
0x74: {  	_ =	shalt  }
0x75: {  	_ =	shalt  }
0x76: {  	_ =	shalt  }
0x77: {  	_ =	shalt  }
0x78: {  	_ =	shalt  }
0x79: {  	_ =	shalt  }
0x7a: {  	_ =	shalt  }
0x7b: {  	_ =	shalt  }
0x7c: {  	_ =	shalt  }
0x7d: {  	_ =	shalt  }
0x7e: {  	_ =	shalt  }
0x7f: {  	_ =	shalt  }
0x80: {  	_ =	shalt  }
0x81: {  	_ =	shalt  }
0x82: {  	_ =	shalt  }
0x83: {  	_ =	shalt  }
0x84: {  	_ =	shalt  }
0x85: {  	_ =	shalt  }
0x86: {  	_ =	shalt  }
0x87: {  	_ =	shalt  }
.Lfunc_end0:
.L_simem_size_0:
called_computation.8_lowered:
.L_overlay_start_0:
0x88: {  	s2 =	sld [smem:$0x3FD9]  }
0x89: {  	s3 =	sld [smem:$0x3FFE];
	_ =	sdelay $0x1  }
0x8a: {  	s1 =	srdreg.scid  }
0x8b: {  	s0 =	sand.u32 $0x1, s1  }
0x8c: {  	s14 =	sshll.u32 s0, $0xA;
	s2 =	sadd.s32 s3, s2  }
0x8d: {  	s2 =	sadd.s32 s2, s14  }
0x8e: {  	[smem:$0x3F6D] =	sst s2  }
0x8f: {  	_ = 	snop  }
0x90: {  	s2 =	sld [smem:$0x3FD0];
	_ =	sdelay $0x2  }
0x91: {  	s15 =	simm.s32 $0xB;
	s4 =	simm.s32 $0x10  }
0x92: {  	[smem:s4], [sflag:s15] =	dma.local [hbm:s2], $0x1  }
0x93: {  	_ =	swait.eq [sflag:s15], $0x1  }
0x94: {  	[sflag:s15] =	ssyncset.done $0x0  }
0x95: {  	s16 =	sld [smem:$0x11];
	[sflag:s15] =	ssyncadd.s32 $0xFFFFFFFF  }
0x96: {  	s17 =	sld [smem:$0x13];
	(tm) =	ssettm $0x1  }
0x97: {  	s18 =	sld [smem:$0x3FFB];
	_ =	sdelay $0x3  }
0x98: {  	_ =	strace s18  }
0x99: {  	s4 =	sld [smem:$0x3FFC];
	_ =	sdelay $0x3  }
0x9a: {  	_ =	strace s4  }
0x9b: {  	s4 =	sld [smem:$0x3FFD];
	_ =	sdelay $0x3  }
0x9c: {  	_ =	strace s4  }
0x9d: {  	_ =	strace $0x8FFFFFFF  }
0x9e: {  	s19 =	sld [smem:$0x3FDB];
	_ =	sdelay $0x1  }
0x9f: {  	s5 =	simm.s32 $_scs_section_size  }
0xa0: {  	s6 =	simm.s32 $_size__tile_overlayer_lowered;
	s7 =	simm.s32 $_tile_overlayer_lowered  }
0xa1: {  	s22 =	simm.s32 $0x1BFF;
	s21 =	sshll.u32 s7, $0x1;
	s4 =	sadd.s32 s5, s19  }
0xa2: {  	s8 =	simm.s32 $0x0;
	s20 =	sshll.u32 s6, $0x1;
	s6 =	sadd.s32 s21, s4  }
0xa3: {  	[timem:s8], [sflag:s22] =	dma.local [hbm:s6], s20  }
0xa4: {  	_ =	swait.ge [sflag:s22], s20  }
0xa5: {  	s5 =	ssub.s32 $0x0, s20;
	[sflag:s22] =	ssyncset.done $0x0  }
0xa6: {  	[sflag:s22] =	ssyncadd.s32 s5;
	_ =	sdelay $0x1  }
0xa7: {  	s23 =	simm.s32 $0x1B8B  }
0xa8: {  	_ =	swait.ge [sflag:s23], $0x1  }
0xa9: {  	[sflag:s23] =	ssyncset.done $0x0  }
0xaa: {  	s25 =	simm.s32 $0x1B8E;
	s24 =	sld [smem:$0x3FFE];
	[sflag:s23] =	ssyncadd.s32 $0xFFFFFFFF  }
0xab: {  	s26 =	simm.s32 $execute0_lowered;
	[smem:$0x3FD2] =	sst s25  }
0xac: {  	s6 =	sshll.u32 s26, $0x1;
	_ =	strace $0x8000005E;
	[dreg:$0x1] =	wrdreg $0xFFFFFFFF  }
0xad: {  	s28 =	simm.s32 $_size_execute0_lowered;
	s4 =	sadd.s32 s4, s6;
	[dreg:$0x0] =	wrdreg $0x0  }
0xae: {  	s6 =	sshll.u32 s28, $0x1;
	[dreg:$0x2] =	wrdreg s4  }
0xaf: {  	[dreg:$0x3] =	wrdreg s6  }
0xb0: {  	[dreg:$0x4] =	wrdreg $0xC0  }
0xb1: {  	_ =	task [dreg:s8], $0x5FFFF  }
0xb2: {  	[dreg:$0x1] =	wrdreg $0xFFFFFFFF  }
0xb3: {  	[dreg:$0x0] =	wrdreg $0x60  }
0xb4: {  	[dreg:$0x2] =	wrdreg s16  }
0xb5: {  	[dreg:$0x3] =	wrdreg s24  }
0xb6: {  	[dreg:$0x4] =	wrdreg s17  }
0xb7: {  	[dreg:$0x5] =	wrdreg $0x9  }
0xb8: {  	_ =	task.clear_ibuf [dreg:s8], $0x6FFFF;
	_ =	strace $0x9000005E  }
0xb9: {  	s29 =	simm.s32 $0x9;
	_ =	strace $0x80000060  }
0xba: {  	_ =	swait.ge [sflag:s29], $0x1  }
0xbb: {  	[sflag:s29] =	ssyncadd.s32 $0xFFFFFFFF  }
0xbc: {  	_ =	strace $0x90000060  }
0xbd: {  	_ =	sfence  }
0xbe: {  	s30 =	sld [smem:$0x0];
	_ =	sdelay $0x2  }
0xbf: {  	s31 =	sshll.u32 s1, $0xD;
	s1 =	sshrl.u32 s1, $0x2  }
0xc0: {  	s3 =	sand.u32 $0x4000, s31;
	s1 =	sadd.s32 s1, s30  }
0xc1: {  	s0 =	sor.u32 s3, s0;
	s1 =	sshll.u32 s1, $0x11  }
0xc2: {  	s0 =	sor.u32 s1, s0  }
0xc3: {  	s0 =	sadd.s32 $0x8F2B, s0  }
0xc4: {  	[sflag:s0] =	ssyncadd.remote.s32 $0x1  }
0xc5: {  	_ =	sfence.sel $0xFFFF  }
0xc6: {  	[dreg:$0x0] =	wrdreg $0xFFFFFFFF;
	(pc) =	sbr.abs _section_cstart, $3  }
0xc7: {  	[dreg:$0x1] =	wrdreg $0xFFFFFFFF  }
0xc8: {  	_ =	task.clear_ibuf [dreg:s8], $0x2FFFF;
	_ =	strace $0x9FFFFFFF  }
0xc9: {  	(tm) =	ssettm $0x7FFFFFFF  }
tec
execute0_lowered:
.L_overlay_start_1:
0x0: {  	(tag) =	ssettag $0x1  }
0x1: {  	s1 =	rddreg [dreg:$0x0]  }
0x2: {  	s0 =	srdreg.scid;
	s5 =	rddreg [dreg:$0x1]  }
0x3: {  	s6 =	rddreg [dreg:$0x2];
	s4 =	sand.u32 $0x1, s0  }
0x4: {  	s3 =	simm.s32 $0x0;
	s0 =	stileid.u32;
	s2 =	sshll.u32 s4, $0x4  }
0x5: {  	s11 =	simm.s32 $0x1;
	s12 =	simm.s32 $0x1388;
	s7 =	sor.u32 s0, s2  }
0x6: {  	s13 =	simm.s32 $0x0;
	s4 =	ssub.s32 $0x2, s4;
	s8 =	smul.u32 $0x271, s7  }
0x7: {  	[smem:$0x7FF] =	sst s3;
	s9 =	sshrl.u32 s4, $0x1;
	s7 =	smul.u32 $0x2710, s7  }
0x8: {  	s2 =	rddreg [dreg:$0x3];
	_ =	strace $0x8000005F;
	s9 =	ssub.s32 s4, s9  }
0x9: {  	s8 =	sadd.s32 s8, s5;
	s10 =	sadd.s32 s7, s5;
	s5 =	sadd.s32 s6, s7  }
0xa: {  	s4 =	sadd.s32 $0x4C400, s8;
	s6 =	sadd.s32 $0x47400, s8;
	s7 =	sadd.s32 $0x9F600, s10  }
0xb: {  	s8 =	smax.u32 s9, $0x1;
	s9 =	simm.s32 $0x2;
	s10 =	simm.s32 $0x28  }
.LBB2_1:
0xc: {  	[tilespmem:s3], [sflag:$0x2] =	stream.linear.gather [hbm4b:s4+s3], $0x1388, $0x38;
	[tilespmem:$0x14C08] =	vst v63  }
0xd: {  	_ =	swait.ge [sflag:s9], $0x1388  }
0xe: {  	s14 =	simm.s32 $0xA0;
	s17 =	simm.s32 $0x0;
	[sflag:s9] =	ssyncset.done $0x0  }
0xf: {  	s15 =	simm.s32 $0x1608;
	s16 =	simm.s32 $0x1388;
	[sflag:s9] =	ssyncadd.s32 $0xFFFFEC78  }
.LBB2_2:
0x10: {  	[tilespmem:s16], [sflag:$0x1] =	stream.indirect.gather [hbm4b:s1+s10], $0x10, s17, s10, $0xb8;
	[tilespmem:$0x14C08] =	vst v63  }
0x11: {  	s17 =	smov.u32 s14;
	s16 =	smov.u32 s15;
	p0 =	sne.s32 s14, $0x4D80  }
.Ltmp0:
0x12: {  	s14 =	sadd.s32 $0xA0, s14;
	(pc) =	sbr.rel @p0 .LBB2_2-.Ltmp0, $2  }
0x13: {  	_ =	sdelay $0x2  }
0x14: {  	s15 =	sadd.s32 $0x280, s15;
	s17 =	sshra.s32 s17, $0x2  }
0x15: {  	[tilespmem:s16], [sflag:$0x1] =	stream.indirect.gather [hbm4b:s1+s10], $0x10, s17, s10, $0xb8;
	[tilespmem:$0x14C08] =	vst v63  }
0x16: {  	_ =	swait.ge [sflag:s11], $0x13880  }
0x17: {  	[sflag:s11] =	ssyncset.done $0x0  }
0x18: {  	s15 =	simm.s32 $0x0;
	s14 =	simm.s32 $0x1388;
	[sflag:s11] =	ssyncadd.s32 $0xFFFEC780  }
0x19: {  	[hbm4b:s5+s15] =	stream.linear.scatter [tilespmem:s14], [sflag:$0x2], $0x13880, $0x38;
	[tilespmem:$0x14C08] =	vst v63  }
0x1a: {  	_ =	swait.ge [sflag:s9], $0x13880  }
0x1b: {  	[sflag:s9] =	ssyncset.done $0x0  }
0x1c: {  	[sflag:s9] =	ssyncadd.s32 $0xFFFEC780  }
0x1d: {  	[tilespmem:s15], [sflag:$0x2] =	stream.linear.gather [hbm4b:s6+s15], $0x1388, $0x38;
	[tilespmem:$0x14C08] =	vst v63  }
0x1e: {  	_ =	swait.ge [sflag:s9], $0x1388  }
0x1f: {  	s17 =	simm.s32 $0x0;
	[sflag:s9] =	ssyncset.done $0x0  }
0x20: {  	s16 =	simm.s32 $0x1608;
	s15 =	simm.s32 $0xA0;
	[sflag:s9] =	ssyncadd.s32 $0xFFFFEC78  }
.LBB2_4:
0x21: {  	[tilespmem:s14], [sflag:$0x1] =	stream.indirect.gather [hbm4b:s1+s10], $0x10, s17, s10, $0xb8;
	[tilespmem:$0x14C08] =	vst v63  }
0x22: {  	s17 =	smov.u32 s15;
	s14 =	smov.u32 s16;
	p0 =	sne.s32 s15, $0x4D80  }
.Ltmp1:
0x23: {  	s15 =	sadd.s32 $0xA0, s15;
	(pc) =	sbr.rel @p0 .LBB2_4-.Ltmp1, $2  }
0x24: {  	_ =	sdelay $0x2  }
0x25: {  	s16 =	sadd.s32 $0x280, s16;
	s17 =	sshra.s32 s17, $0x2  }
0x26: {  	[tilespmem:s14], [sflag:$0x1] =	stream.indirect.gather [hbm4b:s1+s10], $0x10, s17, s10, $0xb8;
	[tilespmem:$0x14C08] =	vst v63  }
0x27: {  	s13 =	sadd.s32 $0x1, s13;
	_ =	swait.ge [sflag:s11], $0x13880  }
0x28: {  	p0 =	sne.s32 s13, s8;
	[sflag:s11] =	ssyncset.done $0x0  }
.Ltmp2:
0x29: {  	[sflag:s11] =	ssyncadd.s32 $0xFFFEC780;
	(pc) =	sbr.rel @p0 .LBB2_1-.Ltmp2, $4  }
0x2a: {  	[hbm4b:s7+s3] =	stream.linear.scatter [tilespmem:s12], [sflag:$0x2], $0x13880, $0x38;
	[tilespmem:$0x14C08] =	vst v63  }
0x2b: {  	_ =	swait.ge [sflag:s9], $0x13880  }
0x2c: {  	[sflag:s9] =	ssyncset.done $0x0  }
0x2d: {  	[sflag:s9] =	ssyncadd.s32 $0xFFFEC780  }
0x2e: {  	_ =	sfence.sel $0x180000  }
0x2f: {  	[bflag:$0x0] =	sbarrier.arrive $0xFFFF  }
0x30: {  	p0 =	sne.s32 s0, $0x0;
	_ =	strace $0x9000005F  }
0x31: {  	s0 =	sadd.s32 @!p0 $0x100000, s2;
	[bflag:$0x2] =	sbarrier.arrive $0xFFFF  }
0x32: {  	[sflag:s0] =	ssyncadd.tile.s32 @!p0 $0x1;
	_ =	shalt  }
.Lfunc_end2:
_tile_overlayer_lowered:
.L_overlay_start_2:
0x33: {  	(tag) =	ssettag $0x2  }
0x34: {  	s0 =	rddreg [dreg:$0x0];
	s2 =	stileid.u32  }
0x35: {  	s1 =	rddreg [dreg:$0x1];
	p0 =	sne.s32 s2, $0x0  }
0x36: {  	s3 =	rddreg [dreg:$0x2];
	[bflag:$0x3] =	sbarrier.arrive $0xFFFF;
	s2 =	simm.s32 @!p0 $0x1C02  }
0x37: {  	[timem:s3], [sflag:s2] =	dma.local @!p0 [hbm:s0], s1  }
0x38: {  	s0 =	simm.s32 @!p0 $0x2  }
0x39: {  	_ =	swait.ge @!p0 [sflag:s0], s1  }
0x3a: {  	s1 =	ssub.s32 @!p0 $0x0, s1;
	[sflag:s0] =	ssyncset.done @!p0 $0x0  }
0x3b: {  	[sflag:s0] =	ssyncadd.s32 @!p0 s1  }
0x3c: {  	[bflag:$0x3] =	sbarrier.arrive $0xFFFF  }
0x3d: {  	_ =	shalt  }

</sc_bundles>
